<compile_context>
chip_gen: v7x
topology: tpu7x:2x2x1
jax: 0.10.2.dev20260603
libtpu: 0.0.44.dev20260713+nightly
codegen_flags: <defaults>
</compile_context>

<pallas_src>
import functools

import jax
import jax.numpy as jnp
from jax import lax
from jax.experimental import pallas as pl
from jax.experimental.pallas import tpu as pltpu
from jax.experimental.pallas import tpu_sc as plsc

_BETA = 0.9
_VTH = 1.0
_MB = 128


def _ffn_body(be_ref, bv_ref, xg_ref, wup_ref, wdn_ref, w_ref, out_ref):
    i = pl.program_id(0)

    @pl.when(bv_ref[i] == 1)
    def _():
        wup = wup_ref[0]
        wdn = wdn_ref[0]
        wrow = w_ref[:, 0:1]
        tsteps, mb, dm = xg_ref.shape
        f = wup.shape[0]
        h_all = jax.lax.dot_general(
            xg_ref[...].reshape(tsteps * mb, dm), wup,
            (((1,), (1,)), ((), ())),
            preferred_element_type=jnp.float32)
        v1 = jnp.zeros((mb, f), jnp.float32)
        spikes = []
        for t in range(tsteps):
            v1 = _BETA * v1 + h_all[t * mb:(t + 1) * mb]
            s1 = (v1 >= _VTH).astype(jnp.float32)
            v1 = v1 - s1 * _VTH
            spikes.append(s1)
        s_all = jnp.concatenate(spikes, axis=0)
        o_all = jax.lax.dot_general(
            s_all, wdn, (((1,), (1,)), ((), ())),
            preferred_element_type=jnp.float32)
        v2 = jnp.zeros((mb, dm), jnp.float32)
        for t in range(tsteps):
            v2 = _BETA * v2 + o_all[t * mb:(t + 1) * mb]
            s2 = (v2 >= _VTH).astype(jnp.float32)
            v2 = v2 - s2 * _VTH
            out_ref[t] = s2 * wrow


def _routing(expert_indices, expert_weights, n_experts, mb):
    n, k = expert_indices.shape
    p = n * k
    flat_e = expert_indices.reshape(-1).astype(jnp.int32)
    w_flat = expert_weights.reshape(-1)
    onehot = (flat_e[:, None] == jnp.arange(n_experts, dtype=jnp.int32)[None, :]
              ).astype(jnp.int32)
    csum = jnp.cumsum(onehot, axis=0)
    counts = csum[-1]
    rank = jnp.take_along_axis(csum, flat_e[:, None], axis=1)[:, 0] - 1
    padded = ((counts + mb - 1) // mb) * mb
    ends = jnp.cumsum(padded)
    starts = ends - padded
    r_pad = p + n_experts * mb
    g = r_pad // mb
    q_flat = starts[flat_e] + rank
    row_w = jnp.zeros((r_pad,), jnp.float32).at[q_flat].set(w_flat)
    q = q_flat.reshape(n, k)
    gstart = jnp.arange(g, dtype=jnp.int32) * mb
    block_expert = jnp.minimum(
        jnp.sum((gstart[:, None] >= ends[None, :]).astype(jnp.int32), axis=1),
        n_experts - 1).astype(jnp.int32)
    block_valid = (gstart < ends[-1]).astype(jnp.int32)
    return row_w, q, block_expert, block_valid, r_pad, g


def _sc_scatter_dispatch(x2, idxs, nrows_out, chunk):
    kk, nsrc = idxs.shape
    d = x2.shape[1]
    info = plsc.get_sparse_core_info()
    nc = info.num_cores
    nw = nc * info.num_subcores
    per_w = nsrc // nw
    assert per_w * nw == nsrc and per_w % (2 * chunk) == 0
    nch = per_w // chunk
    mesh = plsc.VectorSubcoreMesh(core_axis_name="c", subcore_axis_name="s")

    @functools.partial(
        pl.kernel, mesh=mesh,
        out_type=jax.ShapeDtypeStruct((nrows_out, d), jnp.float32),
        scratch_types=(
            [pltpu.VMEM((chunk, d), jnp.float32) for _ in range(2)]
            + [pltpu.VMEM((chunk,), jnp.int32) for _ in range(2 * kk)]
            + [pltpu.SemaphoreType.DMA for _ in range(2)]
            + [pltpu.SemaphoreType.DMA for _ in range(2 * kk)]
        ))
    def k(x_hbm, idx_hbm, out_hbm, *scratch):
        rows = scratch[:2]
        ivs = scratch[2:2 + 2 * kk]
        ldsem = scratch[2 + 2 * kk:4 + 2 * kk]
        scsem = scratch[4 + 2 * kk:]
        wid = lax.axis_index("s") * nc + lax.axis_index("c")
        base = wid * per_w

        def load(c, b):
            pltpu.async_copy(x_hbm.at[pl.ds(base + c * chunk, chunk)],
                             rows[b], ldsem[b])

        load(0, 0)

        def body(go, carry):
            for b in range(2):
                c = go * 2 + b
                pltpu.make_async_copy(
                    x_hbm.at[pl.ds(base + c * chunk, chunk)],
                    rows[b], ldsem[b]).wait()
                for j in range(kk):
                    iv = ivs[b * kk + j]
                    pltpu.sync_copy(
                        idx_hbm.at[j, pl.ds(base + c * chunk, chunk)], iv)
                    pltpu.async_copy(rows[b], out_hbm.at[iv],
                                     scsem[b * kk + j])

                @pl.when(c + 1 < nch)
                def _():
                    ob = 1 - b
                    for j in range(kk):
                        @pl.when(c >= 1)
                        def _():
                            pltpu.make_async_copy(
                                rows[ob], out_hbm.at[ivs[ob * kk + j]],
                                scsem[ob * kk + j]).wait()
                    load(c + 1, ob)
            return carry

        lax.fori_loop(0, nch // 2, body, 0)
        lb = (nch - 1) % 2
        for j in range(kk):
            pltpu.make_async_copy(rows[lb], out_hbm.at[ivs[lb * kk + j]],
                                  scsem[lb * kk + j]).wait()

    return k(x2, idxs)


def _sc_combine(table, idxs, chunk):
    kk, nrows = idxs.shape
    d = table.shape[1]
    info = plsc.get_sparse_core_info()
    nc = info.num_cores
    nw = nc * info.num_subcores
    per_w = nrows // nw
    assert per_w * nw == nrows and per_w % (2 * chunk) == 0
    nch = per_w // chunk
    mesh = plsc.VectorSubcoreMesh(core_axis_name="c", subcore_axis_name="s")

    @functools.partial(
        pl.kernel, mesh=mesh,
        out_type=jax.ShapeDtypeStruct((nrows, d), jnp.float32),
        scratch_types=(
            [pltpu.VMEM((chunk,), jnp.int32) for _ in range(2 * kk)]
            + [pltpu.VMEM((chunk, d), jnp.float32) for _ in range(2 * kk)]
            + [pltpu.SemaphoreType.DMA for _ in range(2 * kk)]
        ))
    def k(table_hbm, idx_hbm, out_hbm, *scratch):
        ivs = scratch[:2 * kk]
        rvs = scratch[2 * kk:4 * kk]
        sems = scratch[4 * kk:]
        wid = lax.axis_index("s") * nc + lax.axis_index("c")
        base = wid * per_w

        def issue(c, b):
            for j in range(kk):
                iv = ivs[b * kk + j]
                rv = rvs[b * kk + j]
                sem = sems[b * kk + j]
                pltpu.sync_copy(idx_hbm.at[j, pl.ds(base + c * chunk, chunk)], iv)
                pltpu.async_copy(table_hbm.at[iv], rv, sem)

        issue(0, 0)

        def body(go, carry):
            for b in range(2):
                c = go * 2 + b
                for j in range(kk):
                    pltpu.make_async_copy(
                        table_hbm.at[ivs[b * kk + j]], rvs[b * kk + j],
                        sems[b * kk + j]).wait()

                @pl.when(c + 1 < nch)
                def _():
                    issue(c + 1, 1 - b)

                acc = rvs[b * kk]

                def radd(i, cr):
                    for col in range(d // 16):
                        sl = pl.ds(col * 16, 16)
                        s = acc[i, sl]
                        for j in range(1, kk):
                            s = s + rvs[b * kk + j][i, sl]
                        acc[i, sl] = s
                    return cr

                lax.fori_loop(0, chunk, radd, 0)
                pltpu.sync_copy(acc, out_hbm.at[pl.ds(base + c * chunk, chunk)])
            return carry

        lax.fori_loop(0, nch // 2, body, 0)

    return k(table, idxs)


def kernel(x, expert_indices, expert_weights, W_up, W_down):
    tsteps, n, d = x.shape
    e, f, _ = W_up.shape
    k = expert_indices.shape[1]
    mb = _MB

    row_w, q, block_expert, block_valid, r_pad, g = _routing(
        expert_indices, expert_weights, e, mb)

    c_idx = jnp.stack([
        ((jnp.arange(tsteps, dtype=jnp.int32) * r_pad)[:, None]
         + q[None, :, j]).reshape(-1)
        for j in range(k)])

    x2 = x.reshape(tsteps * n, d)
    xg = _sc_scatter_dispatch(x2, c_idx, tsteps * r_pad, 32
                              ).reshape(tsteps, r_pad, d)

    w_exp = jnp.broadcast_to(row_w[:, None], (r_pad, 128))

    grid_spec = pltpu.PrefetchScalarGridSpec(
        num_scalar_prefetch=2,
        grid=(g,),
        in_specs=[
            pl.BlockSpec((tsteps, mb, d),
                         lambda i, be, bv: (0, jnp.where(bv[i] == 1, i, 0), 0)),
            pl.BlockSpec((1, f, d), lambda i, be, bv: (be[i], 0, 0)),
            pl.BlockSpec((1, d, f), lambda i, be, bv: (be[i], 0, 0)),
            pl.BlockSpec((mb, 128),
                         lambda i, be, bv: (jnp.where(bv[i] == 1, i, 0), 0)),
        ],
        out_specs=pl.BlockSpec(
            (tsteps, mb, d),
            lambda i, be, bv: (0, jnp.where(bv[i] == 1, i, g - 1), 0)),
    )
    og = pl.pallas_call(
        _ffn_body,
        grid_spec=grid_spec,
        out_shape=jax.ShapeDtypeStruct((tsteps, r_pad, d), jnp.float32),
    )(block_expert, block_valid, xg, W_up, W_down, w_exp)

    og2 = og.reshape(tsteps * r_pad, d)
    out2 = _sc_combine(og2, c_idx, 16)
    return out2.reshape(tsteps, n, d)

# --- scband reference (transcript-rebuilt; emitter-appended) ---
"""Pipeline reference for scband-spiking-expert-group-25262997636016 (READ-ONLY COPY).

The authoritative reference and input builder live on the scoring server;
editing this copy changes nothing except your own understanding.
"""

import jax, jax.numpy as jnp
import numpy as np

N_EXPERTS = 8
D_MODEL = 1024
D_FF = 4096
EXPERT_FF = D_FF // N_EXPERTS
TOP_K = 2
T_STEPS = 4
N_TOK = 2048
BETA = 0.9
V_TH = 1.0


def spike_fn(u):
    return (u >= 0.0).astype(u.dtype)


def lif(x):
    # x: (T, ..., dim). LIF dynamics: v <- beta*v + I; spike = H(v - vth); soft reset.
    def step(v, xt):
        v = BETA * v + xt
        s = spike_fn(v - V_TH)
        v = v - s * V_TH
        return v, s
    _, spikes = jax.lax.scan(step, jnp.zeros_like(x[0]), x)
    return spikes


def setup_inputs(seed: int = 0) -> dict:
    key = jax.random.key(seed)
    k1, k2, k3, k4, k5 = jax.random.split(key, 5)
    x = jax.random.normal(k1, (T_STEPS, N_TOK, D_MODEL), dtype=jnp.float32)
    expert_indices = jax.random.randint(k2, (N_TOK, TOP_K), 0, N_EXPERTS)
    expert_weights = jax.random.uniform(k3, (N_TOK, TOP_K), dtype=jnp.float32)
    expert_weights = expert_weights / jnp.sum(expert_weights, axis=-1, keepdims=True)
    # per-expert Linear weights (torch nn.Linear stores (out, in))
    W_up = jax.random.normal(k4, (N_EXPERTS, EXPERT_FF, D_MODEL), dtype=jnp.float32) * 0.02
    W_down = jax.random.normal(k5, (N_EXPERTS, D_MODEL, EXPERT_FF), dtype=jnp.float32) * 0.02
    return {"x": x, "expert_indices": expert_indices, "expert_weights": expert_weights,
            "W_up": W_up, "W_down": W_down}


def reference(x, expert_indices, expert_weights, W_up, W_down):
    T, N, D = x.shape
    E = W_up.shape[0]
    top_k = expert_indices.shape[1]
    output = jnp.zeros_like(x)
    for e in range(E):
        mask = jnp.zeros((N,), dtype=x.dtype)
        for k in range(top_k):
            is_e = (expert_indices[:, k] == e).astype(x.dtype)
            mask = mask + is_e * expert_weights[:, k]
        # dense dispatch: tokens with mask==0 contribute exactly zero, identical math
        h = jnp.einsum('tnd,fd->tnf', x, W_up[e])
        h = lif(h)
        o = jnp.einsum('tnf,df->tnd', h, W_down[e])
        o = lif(o)
        output = output + o * mask[None, :, None]
    return output

if __name__ == "__main__":
    import jax
    _d = setup_inputs()
    print(jax.jit(kernel)(*tuple(_d.values())))

</pallas_src>

<mosaic_0001>
#map = affine_map<(d0, d1) -> (0, 0)>
module attributes {stable_mosaic.version = 14 : i64} {
  func.func @k(%arg0: i32, %arg1: i32, %arg2: memref<8192x1024xf32, #tpu.memory_space<hbm>>, %arg3: memref<2x8192xi32, #tpu.memory_space<hbm>>, %arg4: memref<20480x1024xf32, #tpu.memory_space<hbm>>, %arg5: memref<32x1024xf32, #tpu.memory_space<vmem>>, %arg6: memref<32x1024xf32, #tpu.memory_space<vmem>>, %arg7: memref<32xi32, #tpu.memory_space<vmem>>, %arg8: memref<32xi32, #tpu.memory_space<vmem>>, %arg9: memref<32xi32, #tpu.memory_space<vmem>>, %arg10: memref<32xi32, #tpu.memory_space<vmem>>, %arg11: memref<!tpu.dma_semaphore, #tpu.memory_space<semaphore_mem>>, %arg12: memref<!tpu.dma_semaphore, #tpu.memory_space<semaphore_mem>>, %arg13: memref<!tpu.dma_semaphore, #tpu.memory_space<semaphore_mem>>, %arg14: memref<!tpu.dma_semaphore, #tpu.memory_space<semaphore_mem>>, %arg15: memref<!tpu.dma_semaphore, #tpu.memory_space<semaphore_mem>>, %arg16: memref<!tpu.dma_semaphore, #tpu.memory_space<semaphore_mem>>) attributes {dimension_semantics = [#tpu.dimension_semantics<core_parallel>, #tpu.dimension_semantics<subcore_parallel>], iteration_bounds = array<i64: 2, 16>, scalar_prefetch = 0 : i64, scratch_operands = 12 : i64, tpu.core_type = #tpu.core_type<sc_vector_subcore>, window_params = [{transform_indices = #map}, {transform_indices = #map}, {transform_indices = #map}]} {
    %mul3A = arith.constant 2 : i32
    %mul3A_0 = arith.muli %arg1, %mul3A : i32
    %add3A = arith.addi %mul3A_0, %arg0 : i32
    %mul3A_1 = arith.constant 256 : i32
    %mul3A_2 = arith.muli %add3A, %mul3A_1 : i32
    %add3A_3 = arith.constant 0 : i32
    %add3A_4 = arith.addi %mul3A_2, %add3A_3 : i32
    %dma_start3A = arith.constant 0 : i32
    %dma_start3A_5 = tpu.memref_slice %arg2[%add3A_4, %dma_start3A] : memref<8192x1024xf32, #tpu.memory_space<hbm>> -> memref<32x1024xf32, #tpu.memory_space<hbm>>
    %dma_start3A_6 = arith.constant 0 : i32
    %dma_start3A_7 = tpu.memref_slice %arg2[%add3A_4, %dma_start3A_6] : memref<8192x1024xf32, #tpu.memory_space<hbm>> -> memref<32x1024xf32, #tpu.memory_space<hbm>>
    tpu.enqueue_dma source(%dma_start3A_7 : memref<32x1024xf32, #tpu.memory_space<hbm>>) target(%arg5 : memref<32x1024xf32, #tpu.memory_space<vmem>>) target_semaphore(%arg11 : memref<!tpu.dma_semaphore, #tpu.memory_space<semaphore_mem>>)
    %scan3A = arith.constant 0 : i32
    %scan3A_8 = arith.constant 0 : i32
    %scan3A_9 = arith.constant 4 : i32
    %scan3A_10 = arith.addi %scan3A_8, %scan3A_9 : i32
    %scan3A_11 = arith.constant 1 : i32
    scf.for %scan3A_18 = %scan3A_8 to %scan3A_10 step %scan3A_11  : i32 {
      %mul3A_19 = arith.constant 2 : i32
      %mul3A_20 = arith.muli %scan3A_18, %mul3A_19 : i32
      %add3A_21 = arith.constant 0 : i32
      %add3A_22 = arith.addi %mul3A_20, %add3A_21 : i32
      %mul3A_23 = arith.constant 32 : i32
      %mul3A_24 = arith.muli %add3A_22, %mul3A_23 : i32
      %add3A_25 = arith.addi %mul3A_2, %mul3A_24 : i32
      %dma_wait3A_26 = arith.constant 0 : i32
      %dma_wait3A_27 = tpu.memref_slice %arg2[%add3A_25, %dma_wait3A_26] : memref<8192x1024xf32, #tpu.memory_space<hbm>> -> memref<32x1024xf32, #tpu.memory_space<hbm>>
      %dma_wait3A_28 = arith.constant 0 : i32
      %dma_wait3A_29 = tpu.memref_slice %arg2[%add3A_25, %dma_wait3A_28] : memref<8192x1024xf32, #tpu.memory_space<hbm>> -> memref<32x1024xf32, #tpu.memory_space<hbm>>
      tpu.wait_dma2 semaphore(%arg11 : memref<!tpu.dma_semaphore, #tpu.memory_space<semaphore_mem>>) src(%dma_wait3A_29 : memref<32x1024xf32, #tpu.memory_space<hbm>>) dst(%arg5 : memref<32x1024xf32, #tpu.memory_space<vmem>>)
      %mul3A_30 = arith.constant 32 : i32
      %mul3A_31 = arith.muli %add3A_22, %mul3A_30 : i32
      %add3A_32 = arith.addi %mul3A_2, %mul3A_31 : i32
      %run_scoped3A = arith.constant 0 : i32
      "tpu.region"() ({
        %run_scoped3A_79 = tpu.sem_alloc : memref<!tpu.dma_semaphore, #tpu.memory_space<semaphore_mem>>
        %dma_start3A_80 = tpu.memref_slice %arg3[%run_scoped3A, %add3A_32] : memref<2x8192xi32, #tpu.memory_space<hbm>> -> memref<1x32xi32, #tpu.memory_space<hbm>>
        %dma_start3A_81 = tpu.memref_squeeze %dma_start3A_80 : memref<1x32xi32, #tpu.memory_space<hbm>> -> memref<32xi32, #tpu.memory_space<hbm>>
        %dma_start3A_82 = tpu.memref_slice %arg3[%run_scoped3A, %add3A_32] : memref<2x8192xi32, #tpu.memory_space<hbm>> -> memref<1x32xi32, #tpu.memory_space<hbm>>
        %dma_start3A_83 = tpu.memref_squeeze %dma_start3A_82 : memref<1x32xi32, #tpu.memory_space<hbm>> -> memref<32xi32, #tpu.memory_space<hbm>>
        tpu.enqueue_dma source(%dma_start3A_83 : memref<32xi32, #tpu.memory_space<hbm>>) target(%arg7 : memref<32xi32, #tpu.memory_space<vmem>>) target_semaphore(%run_scoped3A_79 : memref<!tpu.dma_semaphore, #tpu.memory_space<semaphore_mem>>)
        %dma_wait3A_84 = tpu.memref_slice %arg3[%run_scoped3A, %add3A_32] : memref<2x8192xi32, #tpu.memory_space<hbm>> -> memref<1x32xi32, #tpu.memory_space<hbm>>
        %dma_wait3A_85 = tpu.memref_squeeze %dma_wait3A_84 : memref<1x32xi32, #tpu.memory_space<hbm>> -> memref<32xi32, #tpu.memory_space<hbm>>
        %dma_wait3A_86 = tpu.memref_slice %arg3[%run_scoped3A, %add3A_32] : memref<2x8192xi32, #tpu.memory_space<hbm>> -> memref<1x32xi32, #tpu.memory_space<hbm>>
        %dma_wait3A_87 = tpu.memref_squeeze %dma_wait3A_86 : memref<1x32xi32, #tpu.memory_space<hbm>> -> memref<32xi32, #tpu.memory_space<hbm>>
        tpu.wait_dma2 semaphore(%run_scoped3A_79 : memref<!tpu.dma_semaphore, #tpu.memory_space<semaphore_mem>>) src(%dma_wait3A_87 : memref<32xi32, #tpu.memory_space<hbm>>) dst(%arg7 : memref<32xi32, #tpu.memory_space<vmem>>)
        tpu.yield
      }) : () -> ()
      %dma_start3A_33 = arith.constant 0 : i32
      %dma_start3A_34 = arith.constant 0 : i32
      %dma_start3A_35 = tpu.memref_slice %arg4[%dma_start3A_33, %dma_start3A_34] : memref<20480x1024xf32, #tpu.memory_space<hbm>> -> memref<20480x1024xf32, #tpu.memory_space<hbm>>
      tpu.enqueue_indirect_dma source(%arg5 : memref<32x1024xf32, #tpu.memory_space<vmem>>) target(%dma_start3A_35 : memref<20480x1024xf32, #tpu.memory_space<hbm>>) offsets(%arg7 : memref<32xi32, #tpu.memory_space<vmem>>) semaphore(%arg13 : memref<!tpu.dma_semaphore, #tpu.memory_space<semaphore_mem>>)
      %mul3A_36 = arith.constant 32 : i32
      %mul3A_37 = arith.muli %add3A_22, %mul3A_36 : i32
      %add3A_38 = arith.addi %mul3A_2, %mul3A_37 : i32
      %run_scoped3A_39 = arith.constant 1 : i32
      "tpu.region"() ({
        %run_scoped3A_79 = tpu.sem_alloc : memref<!tpu.dma_semaphore, #tpu.memory_space<semaphore_mem>>
        %dma_start3A_80 = tpu.memref_slice %arg3[%run_scoped3A_39, %add3A_38] : memref<2x8192xi32, #tpu.memory_space<hbm>> -> memref<1x32xi32, #tpu.memory_space<hbm>>
        %dma_start3A_81 = tpu.memref_squeeze %dma_start3A_80 : memref<1x32xi32, #tpu.memory_space<hbm>> -> memref<32xi32, #tpu.memory_space<hbm>>
        %dma_start3A_82 = tpu.memref_slice %arg3[%run_scoped3A_39, %add3A_38] : memref<2x8192xi32, #tpu.memory_space<hbm>> -> memref<1x32xi32, #tpu.memory_space<hbm>>
        %dma_start3A_83 = tpu.memref_squeeze %dma_start3A_82 : memref<1x32xi32, #tpu.memory_space<hbm>> -> memref<32xi32, #tpu.memory_space<hbm>>
        tpu.enqueue_dma source(%dma_start3A_83 : memref<32xi32, #tpu.memory_space<hbm>>) target(%arg8 : memref<32xi32, #tpu.memory_space<vmem>>) target_semaphore(%run_scoped3A_79 : memref<!tpu.dma_semaphore, #tpu.memory_space<semaphore_mem>>)
        %dma_wait3A_84 = tpu.memref_slice %arg3[%run_scoped3A_39, %add3A_38] : memref<2x8192xi32, #tpu.memory_space<hbm>> -> memref<1x32xi32, #tpu.memory_space<hbm>>
        %dma_wait3A_85 = tpu.memref_squeeze %dma_wait3A_84 : memref<1x32xi32, #tpu.memory_space<hbm>> -> memref<32xi32, #tpu.memory_space<hbm>>
        %dma_wait3A_86 = tpu.memref_slice %arg3[%run_scoped3A_39, %add3A_38] : memref<2x8192xi32, #tpu.memory_space<hbm>> -> memref<1x32xi32, #tpu.memory_space<hbm>>
        %dma_wait3A_87 = tpu.memref_squeeze %dma_wait3A_86 : memref<1x32xi32, #tpu.memory_space<hbm>> -> memref<32xi32, #tpu.memory_space<hbm>>
        tpu.wait_dma2 semaphore(%run_scoped3A_79 : memref<!tpu.dma_semaphore, #tpu.memory_space<semaphore_mem>>) src(%dma_wait3A_87 : memref<32xi32, #tpu.memory_space<hbm>>) dst(%arg8 : memref<32xi32, #tpu.memory_space<vmem>>)
        tpu.yield
      }) : () -> ()
      %dma_start3A_40 = arith.constant 0 : i32
      %dma_start3A_41 = arith.constant 0 : i32
      %dma_start3A_42 = tpu.memref_slice %arg4[%dma_start3A_40, %dma_start3A_41] : memref<20480x1024xf32, #tpu.memory_space<hbm>> -> memref<20480x1024xf32, #tpu.memory_space<hbm>>
      tpu.enqueue_indirect_dma source(%arg5 : memref<32x1024xf32, #tpu.memory_space<vmem>>) target(%dma_start3A_42 : memref<20480x1024xf32, #tpu.memory_space<hbm>>) offsets(%arg8 : memref<32xi32, #tpu.memory_space<vmem>>) semaphore(%arg14 : memref<!tpu.dma_semaphore, #tpu.memory_space<semaphore_mem>>)
      %add3A_43 = arith.constant 1 : i32
      %add3A_44 = arith.addi %add3A_22, %add3A_43 : i32
      %lt3A = arith.constant 8 : i32
      %lt3A_45 = arith.cmpi slt, %add3A_44, %lt3A : i32
      %convert_element_type3A = arith.extui %lt3A_45 : i1 to i32
      %cond3A = arith.constant 0 : i32
      %cond3A_46 = arith.cmpi ne, %convert_element_type3A, %cond3A : i32
      scf.if %cond3A_46 {
        %ge3A = arith.constant 1 : i32
        %ge3A_79 = arith.cmpi sge, %add3A_22, %ge3A : i32
        %convert_element_type3A_80 = arith.extui %ge3A_79 : i1 to i32
        %cond3A_81 = arith.constant 0 : i32
        %cond3A_82 = arith.cmpi ne, %convert_element_type3A_80, %cond3A_81 : i32
        scf.if %cond3A_82 {
          %dma_wait3A_97 = arith.constant 0 : i32
          %dma_wait3A_98 = arith.constant 0 : i32
          %dma_wait3A_99 = tpu.memref_slice %arg4[%dma_wait3A_97, %dma_wait3A_98] : memref<20480x1024xf32, #tpu.memory_space<hbm>> -> memref<20480x1024xf32, #tpu.memory_space<hbm>>
          tpu.wait_indirect_dma semaphore(%arg15 : memref<!tpu.dma_semaphore, #tpu.memory_space<semaphore_mem>>) src(%arg6 : memref<32x1024xf32, #tpu.memory_space<vmem>>) dst(%dma_wait3A_99 : memref<20480x1024xf32, #tpu.memory_space<hbm>>)
        } else {
        }
        %ge3A_83 = arith.constant 1 : i32
        %ge3A_84 = arith.cmpi sge, %add3A_22, %ge3A_83 : i32
        %convert_element_type3A_85 = arith.extui %ge3A_84 : i1 to i32
        %cond3A_86 = arith.constant 0 : i32
        %cond3A_87 = arith.cmpi ne, %convert_element_type3A_85, %cond3A_86 : i32
        scf.if %cond3A_87 {
          %dma_wait3A_97 = arith.constant 0 : i32
          %dma_wait3A_98 = arith.constant 0 : i32
          %dma_wait3A_99 = tpu.memref_slice %arg4[%dma_wait3A_97, %dma_wait3A_98] : memref<20480x1024xf32, #tpu.memory_space<hbm>> -> memref<20480x1024xf32, #tpu.memory_space<hbm>>
          tpu.wait_indirect_dma semaphore(%arg16 : memref<!tpu.dma_semaphore, #tpu.memory_space<semaphore_mem>>) src(%arg6 : memref<32x1024xf32, #tpu.memory_space<vmem>>) dst(%dma_wait3A_99 : memref<20480x1024xf32, #tpu.memory_space<hbm>>)
        } else {
        }
        %add3A_88 = arith.constant 1 : i32
        %add3A_89 = arith.addi %add3A_22, %add3A_88 : i32
        %mul3A_90 = arith.constant 32 : i32
        %mul3A_91 = arith.muli %add3A_89, %mul3A_90 : i32
        %add3A_92 = arith.addi %mul3A_2, %mul3A_91 : i32
        %dma_start3A_93 = arith.constant 0 : i32
        %dma_start3A_94 = tpu.memref_slice %arg2[%add3A_92, %dma_start3A_93] : memref<8192x1024xf32, #tpu.memory_space<hbm>> -> memref<32x1024xf32, #tpu.memory_space<hbm>>
        %dma_start3A_95 = arith.constant 0 : i32
        %dma_start3A_96 = tpu.memref_slice %arg2[%add3A_92, %dma_start3A_95] : memref<8192x1024xf32, #tpu.memory_space<hbm>> -> memref<32x1024xf32, #tpu.memory_space<hbm>>
        tpu.enqueue_dma source(%dma_start3A_96 : memref<32x1024xf32, #tpu.memory_space<hbm>>) target(%arg6 : memref<32x1024xf32, #tpu.memory_space<vmem>>) target_semaphore(%arg12 : memref<!tpu.dma_semaphore, #tpu.memory_space<semaphore_mem>>)
      } else {
      }
      %mul3A_47 = arith.constant 2 : i32
      %mul3A_48 = arith.muli %scan3A_18, %mul3A_47 : i32
      %add3A_49 = arith.constant 1 : i32
      %add3A_50 = arith.addi %mul3A_48, %add3A_49 : i32
      %mul3A_51 = arith.constant 32 : i32
      %mul3A_52 = arith.muli %add3A_50, %mul3A_51 : i32
      %add3A_53 = arith.addi %mul3A_2, %mul3A_52 : i32
      %dma_wait3A_54 = arith.constant 0 : i32
      %dma_wait3A_55 = tpu.memref_slice %arg2[%add3A_53, %dma_wait3A_54] : memref<8192x1024xf32, #tpu.memory_space<hbm>> -> memref<32x1024xf32, #tpu.memory_space<hbm>>
      %dma_wait3A_56 = arith.constant 0 : i32
      %dma_wait3A_57 = tpu.memref_slice %arg2[%add3A_53, %dma_wait3A_56] : memref<8192x1024xf32, #tpu.memory_space<hbm>> -> memref<32x1024xf32, #tpu.memory_space<hbm>>
      tpu.wait_dma2 semaphore(%arg12 : memref<!tpu.dma_semaphore, #tpu.memory_space<semaphore_mem>>) src(%dma_wait3A_57 : memref<32x1024xf32, #tpu.memory_space<hbm>>) dst(%arg6 : memref<32x1024xf32, #tpu.memory_space<vmem>>)
      %mul3A_58 = arith.constant 32 : i32
      %mul3A_59 = arith.muli %add3A_50, %mul3A_58 : i32
      %add3A_60 = arith.addi %mul3A_2, %mul3A_59 : i32
      %run_scoped3A_61 = arith.constant 0 : i32
      "tpu.region"() ({
        %run_scoped3A_79 = tpu.sem_alloc : memref<!tpu.dma_semaphore, #tpu.memory_space<semaphore_mem>>
        %dma_start3A_80 = tpu.memref_slice %arg3[%run_scoped3A_61, %add3A_60] : memref<2x8192xi32, #tpu.memory_space<hbm>> -> memref<1x32xi32, #tpu.memory_space<hbm>>
        %dma_start3A_81 = tpu.memref_squeeze %dma_start3A_80 : memref<1x32xi32, #tpu.memory_space<hbm>> -> memref<32xi32, #tpu.memory_space<hbm>>
        %dma_start3A_82 = tpu.memref_slice %arg3[%run_scoped3A_61, %add3A_60] : memref<2x8192xi32, #tpu.memory_space<hbm>> -> memref<1x32xi32, #tpu.memory_space<hbm>>
        %dma_start3A_83 = tpu.memref_squeeze %dma_start3A_82 : memref<1x32xi32, #tpu.memory_space<hbm>> -> memref<32xi32, #tpu.memory_space<hbm>>
        tpu.enqueue_dma source(%dma_start3A_83 : memref<32xi32, #tpu.memory_space<hbm>>) target(%arg9 : memref<32xi32, #tpu.memory_space<vmem>>) target_semaphore(%run_scoped3A_79 : memref<!tpu.dma_semaphore, #tpu.memory_space<semaphore_mem>>)
        %dma_wait3A_84 = tpu.memref_slice %arg3[%run_scoped3A_61, %add3A_60] : memref<2x8192xi32, #tpu.memory_space<hbm>> -> memref<1x32xi32, #tpu.memory_space<hbm>>
        %dma_wait3A_85 = tpu.memref_squeeze %dma_wait3A_84 : memref<1x32xi32, #tpu.memory_space<hbm>> -> memref<32xi32, #tpu.memory_space<hbm>>
        %dma_wait3A_86 = tpu.memref_slice %arg3[%run_scoped3A_61, %add3A_60] : memref<2x8192xi32, #tpu.memory_space<hbm>> -> memref<1x32xi32, #tpu.memory_space<hbm>>
        %dma_wait3A_87 = tpu.memref_squeeze %dma_wait3A_86 : memref<1x32xi32, #tpu.memory_space<hbm>> -> memref<32xi32, #tpu.memory_space<hbm>>
        tpu.wait_dma2 semaphore(%run_scoped3A_79 : memref<!tpu.dma_semaphore, #tpu.memory_space<semaphore_mem>>) src(%dma_wait3A_87 : memref<32xi32, #tpu.memory_space<hbm>>) dst(%arg9 : memref<32xi32, #tpu.memory_space<vmem>>)
        tpu.yield
      }) : () -> ()
      %dma_start3A_62 = arith.constant 0 : i32
      %dma_start3A_63 = arith.constant 0 : i32
      %dma_start3A_64 = tpu.memref_slice %arg4[%dma_start3A_62, %dma_start3A_63] : memref<20480x1024xf32, #tpu.memory_space<hbm>> -> memref<20480x1024xf32, #tpu.memory_space<hbm>>
      tpu.enqueue_indirect_dma source(%arg6 : memref<32x1024xf32, #tpu.memory_space<vmem>>) target(%dma_start3A_64 : memref<20480x1024xf32, #tpu.memory_space<hbm>>) offsets(%arg9 : memref<32xi32, #tpu.memory_space<vmem>>) semaphore(%arg15 : memref<!tpu.dma_semaphore, #tpu.memory_space<semaphore_mem>>)
      %mul3A_65 = arith.constant 32 : i32
      %mul3A_66 = arith.muli %add3A_50, %mul3A_65 : i32
      %add3A_67 = arith.addi %mul3A_2, %mul3A_66 : i32
      %run_scoped3A_68 = arith.constant 1 : i32
      "tpu.region"() ({
        %run_scoped3A_79 = tpu.sem_alloc : memref<!tpu.dma_semaphore, #tpu.memory_space<semaphore_mem>>
        %dma_start3A_80 = tpu.memref_slice %arg3[%run_scoped3A_68, %add3A_67] : memref<2x8192xi32, #tpu.memory_space<hbm>> -> memref<1x32xi32, #tpu.memory_space<hbm>>
        %dma_start3A_81 = tpu.memref_squeeze %dma_start3A_80 : memref<1x32xi32, #tpu.memory_space<hbm>> -> memref<32xi32, #tpu.memory_space<hbm>>
        %dma_start3A_82 = tpu.memref_slice %arg3[%run_scoped3A_68, %add3A_67] : memref<2x8192xi32, #tpu.memory_space<hbm>> -> memref<1x32xi32, #tpu.memory_space<hbm>>
        %dma_start3A_83 = tpu.memref_squeeze %dma_start3A_82 : memref<1x32xi32, #tpu.memory_space<hbm>> -> memref<32xi32, #tpu.memory_space<hbm>>
        tpu.enqueue_dma source(%dma_start3A_83 : memref<32xi32, #tpu.memory_space<hbm>>) target(%arg10 : memref<32xi32, #tpu.memory_space<vmem>>) target_semaphore(%run_scoped3A_79 : memref<!tpu.dma_semaphore, #tpu.memory_space<semaphore_mem>>)
        %dma_wait3A_84 = tpu.memref_slice %arg3[%run_scoped3A_68, %add3A_67] : memref<2x8192xi32, #tpu.memory_space<hbm>> -> memref<1x32xi32, #tpu.memory_space<hbm>>
        %dma_wait3A_85 = tpu.memref_squeeze %dma_wait3A_84 : memref<1x32xi32, #tpu.memory_space<hbm>> -> memref<32xi32, #tpu.memory_space<hbm>>
        %dma_wait3A_86 = tpu.memref_slice %arg3[%run_scoped3A_68, %add3A_67] : memref<2x8192xi32, #tpu.memory_space<hbm>> -> memref<1x32xi32, #tpu.memory_space<hbm>>
        %dma_wait3A_87 = tpu.memref_squeeze %dma_wait3A_86 : memref<1x32xi32, #tpu.memory_space<hbm>> -> memref<32xi32, #tpu.memory_space<hbm>>
        tpu.wait_dma2 semaphore(%run_scoped3A_79 : memref<!tpu.dma_semaphore, #tpu.memory_space<semaphore_mem>>) src(%dma_wait3A_87 : memref<32xi32, #tpu.memory_space<hbm>>) dst(%arg10 : memref<32xi32, #tpu.memory_space<vmem>>)
        tpu.yield
      }) : () -> ()
      %dma_start3A_69 = arith.constant 0 : i32
      %dma_start3A_70 = arith.constant 0 : i32
      %dma_start3A_71 = tpu.memref_slice %arg4[%dma_start3A_69, %dma_start3A_70] : memref<20480x1024xf32, #tpu.memory_space<hbm>> -> memref<20480x1024xf32, #tpu.memory_space<hbm>>
      tpu.enqueue_indirect_dma source(%arg6 : memref<32x1024xf32, #tpu.memory_space<vmem>>) target(%dma_start3A_71 : memref<20480x1024xf32, #tpu.memory_space<hbm>>) offsets(%arg10 : memref<32xi32, #tpu.memory_space<vmem>>) semaphore(%arg16 : memref<!tpu.dma_semaphore, #tpu.memory_space<semaphore_mem>>)
      %add3A_72 = arith.constant 1 : i32
      %add3A_73 = arith.addi %add3A_50, %add3A_72 : i32
      %lt3A_74 = arith.constant 8 : i32
      %lt3A_75 = arith.cmpi slt, %add3A_73, %lt3A_74 : i32
      %convert_element_type3A_76 = arith.extui %lt3A_75 : i1 to i32
      %cond3A_77 = arith.constant 0 : i32
      %cond3A_78 = arith.cmpi ne, %convert_element_type3A_76, %cond3A_77 : i32
      scf.if %cond3A_78 {
        %ge3A = arith.constant 1 : i32
        %ge3A_79 = arith.cmpi sge, %add3A_50, %ge3A : i32
        %convert_element_type3A_80 = arith.extui %ge3A_79 : i1 to i32
        %cond3A_81 = arith.constant 0 : i32
        %cond3A_82 = arith.cmpi ne, %convert_element_type3A_80, %cond3A_81 : i32
        scf.if %cond3A_82 {
          %dma_wait3A_97 = arith.constant 0 : i32
          %dma_wait3A_98 = arith.constant 0 : i32
          %dma_wait3A_99 = tpu.memref_slice %arg4[%dma_wait3A_97, %dma_wait3A_98] : memref<20480x1024xf32, #tpu.memory_space<hbm>> -> memref<20480x1024xf32, #tpu.memory_space<hbm>>
          tpu.wait_indirect_dma semaphore(%arg13 : memref<!tpu.dma_semaphore, #tpu.memory_space<semaphore_mem>>) src(%arg5 : memref<32x1024xf32, #tpu.memory_space<vmem>>) dst(%dma_wait3A_99 : memref<20480x1024xf32, #tpu.memory_space<hbm>>)
        } else {
        }
        %ge3A_83 = arith.constant 1 : i32
        %ge3A_84 = arith.cmpi sge, %add3A_50, %ge3A_83 : i32
        %convert_element_type3A_85 = arith.extui %ge3A_84 : i1 to i32
        %cond3A_86 = arith.constant 0 : i32
        %cond3A_87 = arith.cmpi ne, %convert_element_type3A_85, %cond3A_86 : i32
        scf.if %cond3A_87 {
          %dma_wait3A_97 = arith.constant 0 : i32
          %dma_wait3A_98 = arith.constant 0 : i32
          %dma_wait3A_99 = tpu.memref_slice %arg4[%dma_wait3A_97, %dma_wait3A_98] : memref<20480x1024xf32, #tpu.memory_space<hbm>> -> memref<20480x1024xf32, #tpu.memory_space<hbm>>
          tpu.wait_indirect_dma semaphore(%arg14 : memref<!tpu.dma_semaphore, #tpu.memory_space<semaphore_mem>>) src(%arg5 : memref<32x1024xf32, #tpu.memory_space<vmem>>) dst(%dma_wait3A_99 : memref<20480x1024xf32, #tpu.memory_space<hbm>>)
        } else {
        }
        %add3A_88 = arith.constant 1 : i32
        %add3A_89 = arith.addi %add3A_50, %add3A_88 : i32
        %mul3A_90 = arith.constant 32 : i32
        %mul3A_91 = arith.muli %add3A_89, %mul3A_90 : i32
        %add3A_92 = arith.addi %mul3A_2, %mul3A_91 : i32
        %dma_start3A_93 = arith.constant 0 : i32
        %dma_start3A_94 = tpu.memref_slice %arg2[%add3A_92, %dma_start3A_93] : memref<8192x1024xf32, #tpu.memory_space<hbm>> -> memref<32x1024xf32, #tpu.memory_space<hbm>>
        %dma_start3A_95 = arith.constant 0 : i32
        %dma_start3A_96 = tpu.memref_slice %arg2[%add3A_92, %dma_start3A_95] : memref<8192x1024xf32, #tpu.memory_space<hbm>> -> memref<32x1024xf32, #tpu.memory_space<hbm>>
        tpu.enqueue_dma source(%dma_start3A_96 : memref<32x1024xf32, #tpu.memory_space<hbm>>) target(%arg5 : memref<32x1024xf32, #tpu.memory_space<vmem>>) target_semaphore(%arg11 : memref<!tpu.dma_semaphore, #tpu.memory_space<semaphore_mem>>)
      } else {
      }
    }
    %scan3A_12 = arith.constant 4 : i32
    %dma_wait3A = arith.constant 0 : i32
    %dma_wait3A_13 = arith.constant 0 : i32
    %dma_wait3A_14 = tpu.memref_slice %arg4[%dma_wait3A, %dma_wait3A_13] : memref<20480x1024xf32, #tpu.memory_space<hbm>> -> memref<20480x1024xf32, #tpu.memory_space<hbm>>
    tpu.wait_indirect_dma semaphore(%arg15 : memref<!tpu.dma_semaphore, #tpu.memory_space<semaphore_mem>>) src(%arg6 : memref<32x1024xf32, #tpu.memory_space<vmem>>) dst(%dma_wait3A_14 : memref<20480x1024xf32, #tpu.memory_space<hbm>>)
    %dma_wait3A_15 = arith.constant 0 : i32
    %dma_wait3A_16 = arith.constant 0 : i32
    %dma_wait3A_17 = tpu.memref_slice %arg4[%dma_wait3A_15, %dma_wait3A_16] : memref<20480x1024xf32, #tpu.memory_space<hbm>> -> memref<20480x1024xf32, #tpu.memory_space<hbm>>
    tpu.wait_indirect_dma semaphore(%arg16 : memref<!tpu.dma_semaphore, #tpu.memory_space<semaphore_mem>>) src(%arg6 : memref<32x1024xf32, #tpu.memory_space<vmem>>) dst(%dma_wait3A_17 : memref<20480x1024xf32, #tpu.memory_space<hbm>>)
    return
  }
}

#map = affine_map<(d0, d1) -> (0, 0)>
module attributes {stable_mosaic.version = 14 : i64} {
  func.func @k(%arg0: i32, %arg1: i32, %arg2: memref<20480x1024xf32, #tpu.memory_space<hbm>>, %arg3: memref<2x8192xi32, #tpu.memory_space<hbm>>, %arg4: memref<8192x1024xf32, #tpu.memory_space<hbm>>, %arg5: memref<16xi32, #tpu.memory_space<vmem>>, %arg6: memref<16xi32, #tpu.memory_space<vmem>>, %arg7: memref<16xi32, #tpu.memory_space<vmem>>, %arg8: memref<16xi32, #tpu.memory_space<vmem>>, %arg9: memref<16x1024xf32, #tpu.memory_space<vmem>>, %arg10: memref<16x1024xf32, #tpu.memory_space<vmem>>, %arg11: memref<16x1024xf32, #tpu.memory_space<vmem>>, %arg12: memref<16x1024xf32, #tpu.memory_space<vmem>>, %arg13: memref<!tpu.dma_semaphore, #tpu.memory_space<semaphore_mem>>, %arg14: memref<!tpu.dma_semaphore, #tpu.memory_space<semaphore_mem>>, %arg15: memref<!tpu.dma_semaphore, #tpu.memory_space<semaphore_mem>>, %arg16: memref<!tpu.dma_semaphore, #tpu.memory_space<semaphore_mem>>) attributes {dimension_semantics = [#tpu.dimension_semantics<core_parallel>, #tpu.dimension_semantics<subcore_parallel>], iteration_bounds = array<i64: 2, 16>, scalar_prefetch = 0 : i64, scratch_operands = 12 : i64, tpu.core_type = #tpu.core_type<sc_vector_subcore>, window_params = [{transform_indices = #map}, {transform_indices = #map}, {transform_indices = #map}]} {
    %mul3A = arith.constant 2 : i32
    %mul3A_0 = arith.muli %arg1, %mul3A : i32
    %add3A = arith.addi %mul3A_0, %arg0 : i32
    %mul3A_1 = arith.constant 256 : i32
    %mul3A_2 = arith.muli %add3A, %mul3A_1 : i32
    %add3A_3 = arith.constant 0 : i32
    %add3A_4 = arith.addi %mul3A_2, %add3A_3 : i32
    %run_scoped3A = arith.constant 0 : i32
    "tpu.region"() ({
      %run_scoped3A_18 = tpu.sem_alloc : memref<!tpu.dma_semaphore, #tpu.memory_space<semaphore_mem>>
      %dma_start3A_19 = tpu.memref_slice %arg3[%run_scoped3A, %add3A_4] : memref<2x8192xi32, #tpu.memory_space<hbm>> -> memref<1x16xi32, #tpu.memory_space<hbm>>
      %dma_start3A_20 = tpu.memref_squeeze %dma_start3A_19 : memref<1x16xi32, #tpu.memory_space<hbm>> -> memref<16xi32, #tpu.memory_space<hbm>>
      %dma_start3A_21 = tpu.memref_slice %arg3[%run_scoped3A, %add3A_4] : memref<2x8192xi32, #tpu.memory_space<hbm>> -> memref<1x16xi32, #tpu.memory_space<hbm>>
      %dma_start3A_22 = tpu.memref_squeeze %dma_start3A_21 : memref<1x16xi32, #tpu.memory_space<hbm>> -> memref<16xi32, #tpu.memory_space<hbm>>
      tpu.enqueue_dma source(%dma_start3A_22 : memref<16xi32, #tpu.memory_space<hbm>>) target(%arg5 : memref<16xi32, #tpu.memory_space<vmem>>) target_semaphore(%run_scoped3A_18 : memref<!tpu.dma_semaphore, #tpu.memory_space<semaphore_mem>>)
      %dma_wait3A = tpu.memref_slice %arg3[%run_scoped3A, %add3A_4] : memref<2x8192xi32, #tpu.memory_space<hbm>> -> memref<1x16xi32, #tpu.memory_space<hbm>>
      %dma_wait3A_23 = tpu.memref_squeeze %dma_wait3A : memref<1x16xi32, #tpu.memory_space<hbm>> -> memref<16xi32, #tpu.memory_space<hbm>>
      %dma_wait3A_24 = tpu.memref_slice %arg3[%run_scoped3A, %add3A_4] : memref<2x8192xi32, #tpu.memory_space<hbm>> -> memref<1x16xi32, #tpu.memory_space<hbm>>
      %dma_wait3A_25 = tpu.memref_squeeze %dma_wait3A_24 : memref<1x16xi32, #tpu.memory_space<hbm>> -> memref<16xi32, #tpu.memory_space<hbm>>
      tpu.wait_dma2 semaphore(%run_scoped3A_18 : memref<!tpu.dma_semaphore, #tpu.memory_space<semaphore_mem>>) src(%dma_wait3A_25 : memref<16xi32, #tpu.memory_space<hbm>>) dst(%arg5 : memref<16xi32, #tpu.memory_space<vmem>>)
      tpu.yield
    }) : () -> ()
    %dma_start3A = arith.constant 0 : i32
    %dma_start3A_5 = arith.constant 0 : i32
    %dma_start3A_6 = tpu.memref_slice %arg2[%dma_start3A, %dma_start3A_5] : memref<20480x1024xf32, #tpu.memory_space<hbm>> -> memref<20480x1024xf32, #tpu.memory_space<hbm>>
    tpu.enqueue_indirect_dma source(%dma_start3A_6 : memref<20480x1024xf32, #tpu.memory_space<hbm>>) target(%arg9 : memref<16x1024xf32, #tpu.memory_space<vmem>>) offsets(%arg5 : memref<16xi32, #tpu.memory_space<vmem>>) semaphore(%arg13 : memref<!tpu.dma_semaphore, #tpu.memory_space<semaphore_mem>>)
    %add3A_7 = arith.constant 0 : i32
    %add3A_8 = arith.addi %mul3A_2, %add3A_7 : i32
    %run_scoped3A_9 = arith.constant 1 : i32
    "tpu.region"() ({
      %run_scoped3A_18 = tpu.sem_alloc : memref<!tpu.dma_semaphore, #tpu.memory_space<semaphore_mem>>
      %dma_start3A_19 = tpu.memref_slice %arg3[%run_scoped3A_9, %add3A_8] : memref<2x8192xi32, #tpu.memory_space<hbm>> -> memref<1x16xi32, #tpu.memory_space<hbm>>
      %dma_start3A_20 = tpu.memref_squeeze %dma_start3A_19 : memref<1x16xi32, #tpu.memory_space<hbm>> -> memref<16xi32, #tpu.memory_space<hbm>>
      %dma_start3A_21 = tpu.memref_slice %arg3[%run_scoped3A_9, %add3A_8] : memref<2x8192xi32, #tpu.memory_space<hbm>> -> memref<1x16xi32, #tpu.memory_space<hbm>>
      %dma_start3A_22 = tpu.memref_squeeze %dma_start3A_21 : memref<1x16xi32, #tpu.memory_space<hbm>> -> memref<16xi32, #tpu.memory_space<hbm>>
      tpu.enqueue_dma source(%dma_start3A_22 : memref<16xi32, #tpu.memory_space<hbm>>) target(%arg6 : memref<16xi32, #tpu.memory_space<vmem>>) target_semaphore(%run_scoped3A_18 : memref<!tpu.dma_semaphore, #tpu.memory_space<semaphore_mem>>)
      %dma_wait3A = tpu.memref_slice %arg3[%run_scoped3A_9, %add3A_8] : memref<2x8192xi32, #tpu.memory_space<hbm>> -> memref<1x16xi32, #tpu.memory_space<hbm>>
      %dma_wait3A_23 = tpu.memref_squeeze %dma_wait3A : memref<1x16xi32, #tpu.memory_space<hbm>> -> memref<16xi32, #tpu.memory_space<hbm>>
      %dma_wait3A_24 = tpu.memref_slice %arg3[%run_scoped3A_9, %add3A_8] : memref<2x8192xi32, #tpu.memory_space<hbm>> -> memref<1x16xi32, #tpu.memory_space<hbm>>
      %dma_wait3A_25 = tpu.memref_squeeze %dma_wait3A_24 : memref<1x16xi32, #tpu.memory_space<hbm>> -> memref<16xi32, #tpu.memory_space<hbm>>
      tpu.wait_dma2 semaphore(%run_scoped3A_18 : memref<!tpu.dma_semaphore, #tpu.memory_space<semaphore_mem>>) src(%dma_wait3A_25 : memref<16xi32, #tpu.memory_space<hbm>>) dst(%arg6 : memref<16xi32, #tpu.memory_space<vmem>>)
      tpu.yield
    }) : () -> ()
    %dma_start3A_10 = arith.constant 0 : i32
    %dma_start3A_11 = arith.constant 0 : i32
    %dma_start3A_12 = tpu.memref_slice %arg2[%dma_start3A_10, %dma_start3A_11] : memref<20480x1024xf32, #tpu.memory_space<hbm>> -> memref<20480x1024xf32, #tpu.memory_space<hbm>>
    tpu.enqueue_indirect_dma source(%dma_start3A_12 : memref<20480x1024xf32, #tpu.memory_space<hbm>>) target(%arg10 : memref<16x1024xf32, #tpu.memory_space<vmem>>) offsets(%arg6 : memref<16xi32, #tpu.memory_space<vmem>>) semaphore(%arg14 : memref<!tpu.dma_semaphore, #tpu.memory_space<semaphore_mem>>)
    %scan3A = arith.constant 0 : i32
    %scan3A_13 = arith.constant 0 : i32
    %scan3A_14 = arith.constant 8 : i32
    %scan3A_15 = arith.addi %scan3A_13, %scan3A_14 : i32
    %scan3A_16 = arith.constant 1 : i32
    scf.for %scan3A_18 = %scan3A_13 to %scan3A_15 step %scan3A_16  : i32 {
      %mul3A_19 = arith.constant 2 : i32
      %mul3A_20 = arith.muli %scan3A_18, %mul3A_19 : i32
      %add3A_21 = arith.constant 0 : i32
      %add3A_22 = arith.addi %mul3A_20, %add3A_21 : i32
      %dma_wait3A = arith.constant 0 : i32
      %dma_wait3A_23 = arith.constant 0 : i32
      %dma_wait3A_24 = tpu.memref_slice %arg2[%dma_wait3A, %dma_wait3A_23] : memref<20480x1024xf32, #tpu.memory_space<hbm>> -> memref<20480x1024xf32, #tpu.memory_space<hbm>>
      tpu.wait_indirect_dma semaphore(%arg13 : memref<!tpu.dma_semaphore, #tpu.memory_space<semaphore_mem>>) src(%dma_wait3A_24 : memref<20480x1024xf32, #tpu.memory_space<hbm>>) dst(%arg9 : memref<16x1024xf32, #tpu.memory_space<vmem>>)
      %dma_wait3A_25 = arith.constant 0 : i32
      %dma_wait3A_26 = arith.constant 0 : i32
      %dma_wait3A_27 = tpu.memref_slice %arg2[%dma_wait3A_25, %dma_wait3A_26] : memref<20480x1024xf32, #tpu.memory_space<hbm>> -> memref<20480x1024xf32, #tpu.memory_space<hbm>>
      tpu.wait_indirect_dma semaphore(%arg14 : memref<!tpu.dma_semaphore, #tpu.memory_space<semaphore_mem>>) src(%dma_wait3A_27 : memref<20480x1024xf32, #tpu.memory_space<hbm>>) dst(%arg10 : memref<16x1024xf32, #tpu.memory_space<vmem>>)
      %add3A_28 = arith.constant 1 : i32
      %add3A_29 = arith.addi %add3A_22, %add3A_28 : i32
      %lt3A = arith.constant 16 : i32
      %lt3A_30 = arith.cmpi slt, %add3A_29, %lt3A : i32
      %convert_element_type3A = arith.extui %lt3A_30 : i1 to i32
      %cond3A = arith.constant 0 : i32
      %cond3A_31 = arith.cmpi ne, %convert_element_type3A, %cond3A : i32
      scf.if %cond3A_31 {
        %add3A_67 = arith.constant 1 : i32
        %add3A_68 = arith.addi %add3A_22, %add3A_67 : i32
        %mul3A_69 = arith.constant 16 : i32
        %mul3A_70 = arith.muli %add3A_68, %mul3A_69 : i32
        %add3A_71 = arith.addi %mul3A_2, %mul3A_70 : i32
        %run_scoped3A_72 = arith.constant 0 : i32
        "tpu.region"() ({
          %run_scoped3A_83 = tpu.sem_alloc : memref<!tpu.dma_semaphore, #tpu.memory_space<semaphore_mem>>
          %dma_start3A_84 = tpu.memref_slice %arg3[%run_scoped3A_72, %add3A_71] : memref<2x8192xi32, #tpu.memory_space<hbm>> -> memref<1x16xi32, #tpu.memory_space<hbm>>
          %dma_start3A_85 = tpu.memref_squeeze %dma_start3A_84 : memref<1x16xi32, #tpu.memory_space<hbm>> -> memref<16xi32, #tpu.memory_space<hbm>>
          %dma_start3A_86 = tpu.memref_slice %arg3[%run_scoped3A_72, %add3A_71] : memref<2x8192xi32, #tpu.memory_space<hbm>> -> memref<1x16xi32, #tpu.memory_space<hbm>>
          %dma_start3A_87 = tpu.memref_squeeze %dma_start3A_86 : memref<1x16xi32, #tpu.memory_space<hbm>> -> memref<16xi32, #tpu.memory_space<hbm>>
          tpu.enqueue_dma source(%dma_start3A_87 : memref<16xi32, #tpu.memory_space<hbm>>) target(%arg7 : memref<16xi32, #tpu.memory_space<vmem>>) target_semaphore(%run_scoped3A_83 : memref<!tpu.dma_semaphore, #tpu.memory_space<semaphore_mem>>)
          %dma_wait3A_88 = tpu.memref_slice %arg3[%run_scoped3A_72, %add3A_71] : memref<2x8192xi32, #tpu.memory_space<hbm>> -> memref<1x16xi32, #tpu.memory_space<hbm>>
          %dma_wait3A_89 = tpu.memref_squeeze %dma_wait3A_88 : memref<1x16xi32, #tpu.memory_space<hbm>> -> memref<16xi32, #tpu.memory_space<hbm>>
          %dma_wait3A_90 = tpu.memref_slice %arg3[%run_scoped3A_72, %add3A_71] : memref<2x8192xi32, #tpu.memory_space<hbm>> -> memref<1x16xi32, #tpu.memory_space<hbm>>
          %dma_wait3A_91 = tpu.memref_squeeze %dma_wait3A_90 : memref<1x16xi32, #tpu.memory_space<hbm>> -> memref<16xi32, #tpu.memory_space<hbm>>
          tpu.wait_dma2 semaphore(%run_scoped3A_83 : memref<!tpu.dma_semaphore, #tpu.memory_space<semaphore_mem>>) src(%dma_wait3A_91 : memref<16xi32, #tpu.memory_space<hbm>>) dst(%arg7 : memref<16xi32, #tpu.memory_space<vmem>>)
          tpu.yield
        }) : () -> ()
        %dma_start3A_73 = arith.constant 0 : i32
        %dma_start3A_74 = arith.constant 0 : i32
        %dma_start3A_75 = tpu.memref_slice %arg2[%dma_start3A_73, %dma_start3A_74] : memref<20480x1024xf32, #tpu.memory_space<hbm>> -> memref<20480x1024xf32, #tpu.memory_space<hbm>>
        tpu.enqueue_indirect_dma source(%dma_start3A_75 : memref<20480x1024xf32, #tpu.memory_space<hbm>>) target(%arg11 : memref<16x1024xf32, #tpu.memory_space<vmem>>) offsets(%arg7 : memref<16xi32, #tpu.memory_space<vmem>>) semaphore(%arg15 : memref<!tpu.dma_semaphore, #tpu.memory_space<semaphore_mem>>)
        %mul3A_76 = arith.constant 16 : i32
        %mul3A_77 = arith.muli %add3A_68, %mul3A_76 : i32
        %add3A_78 = arith.addi %mul3A_2, %mul3A_77 : i32
        %run_scoped3A_79 = arith.constant 1 : i32
        "tpu.region"() ({
          %run_scoped3A_83 = tpu.sem_alloc : memref<!tpu.dma_semaphore, #tpu.memory_space<semaphore_mem>>
          %dma_start3A_84 = tpu.memref_slice %arg3[%run_scoped3A_79, %add3A_78] : memref<2x8192xi32, #tpu.memory_space<hbm>> -> memref<1x16xi32, #tpu.memory_space<hbm>>
          %dma_start3A_85 = tpu.memref_squeeze %dma_start3A_84 : memref<1x16xi32, #tpu.memory_space<hbm>> -> memref<16xi32, #tpu.memory_space<hbm>>
          %dma_start3A_86 = tpu.memref_slice %arg3[%run_scoped3A_79, %add3A_78] : memref<2x8192xi32, #tpu.memory_space<hbm>> -> memref<1x16xi32, #tpu.memory_space<hbm>>
          %dma_start3A_87 = tpu.memref_squeeze %dma_start3A_86 : memref<1x16xi32, #tpu.memory_space<hbm>> -> memref<16xi32, #tpu.memory_space<hbm>>
          tpu.enqueue_dma source(%dma_start3A_87 : memref<16xi32, #tpu.memory_space<hbm>>) target(%arg8 : memref<16xi32, #tpu.memory_space<vmem>>) target_semaphore(%run_scoped3A_83 : memref<!tpu.dma_semaphore, #tpu.memory_space<semaphore_mem>>)
          %dma_wait3A_88 = tpu.memref_slice %arg3[%run_scoped3A_79, %add3A_78] : memref<2x8192xi32, #tpu.memory_space<hbm>> -> memref<1x16xi32, #tpu.memory_space<hbm>>
          %dma_wait3A_89 = tpu.memref_squeeze %dma_wait3A_88 : memref<1x16xi32, #tpu.memory_space<hbm>> -> memref<16xi32, #tpu.memory_space<hbm>>
          %dma_wait3A_90 = tpu.memref_slice %arg3[%run_scoped3A_79, %add3A_78] : memref<2x8192xi32, #tpu.memory_space<hbm>> -> memref<1x16xi32, #tpu.memory_space<hbm>>
          %dma_wait3A_91 = tpu.memref_squeeze %dma_wait3A_90 : memref<1x16xi32, #tpu.memory_space<hbm>> -> memref<16xi32, #tpu.memory_space<hbm>>
          tpu.wait_dma2 semaphore(%run_scoped3A_83 : memref<!tpu.dma_semaphore, #tpu.memory_space<semaphore_mem>>) src(%dma_wait3A_91 : memref<16xi32, #tpu.memory_space<hbm>>) dst(%arg8 : memref<16xi32, #tpu.memory_space<vmem>>)
          tpu.yield
        }) : () -> ()
        %dma_start3A_80 = arith.constant 0 : i32
        %dma_start3A_81 = arith.constant 0 : i32
        %dma_start3A_82 = tpu.memref_slice %arg2[%dma_start3A_80, %dma_start3A_81] : memref<20480x1024xf32, #tpu.memory_space<hbm>> -> memref<20480x1024xf32, #tpu.memory_space<hbm>>
        tpu.enqueue_indirect_dma source(%dma_start3A_82 : memref<20480x1024xf32, #tpu.memory_space<hbm>>) target(%arg12 : memref<16x1024xf32, #tpu.memory_space<vmem>>) offsets(%arg8 : memref<16xi32, #tpu.memory_space<vmem>>) semaphore(%arg16 : memref<!tpu.dma_semaphore, #tpu.memory_space<semaphore_mem>>)
      } else {
      }
      %scan3A_32 = arith.constant 0 : i32
      %scan3A_33 = arith.constant 0 : i32
      %scan3A_34 = arith.constant 16 : i32
      %scan3A_35 = arith.addi %scan3A_33, %scan3A_34 : i32
      %scan3A_36 = arith.constant 1 : i32
      scf.for %scan3A_67 = %scan3A_33 to %scan3A_35 step %scan3A_36  : i32 {
        %get3A = arith.index_cast %scan3A_67 : i32 to index
        %get3A_68 = arith.constant 0 : index
        %get3A_69 = tpu.vector_load %arg9[%get3A, %get3A_68] {strides = array<i32>} : memref<16x1024xf32, #tpu.memory_space<vmem>>, vector<1x16xf32>,
        %get3A_70 = vector.shape_cast %get3A_69 : vector<1x16xf32> to vector<16xf32>
        %get3A_71 = arith.index_cast %scan3A_67 : i32 to index
        %get3A_72 = arith.constant 0 : index
        %get3A_73 = tpu.vector_load %arg10[%get3A_71, %get3A_72] {strides = array<i32>} : memref<16x1024xf32, #tpu.memory_space<vmem>>, vector<1x16xf32>,
        %get3A_74 = vector.shape_cast %get3A_73 : vector<1x16xf32> to vector<16xf32>
        %add3A_75 = arith.addf %get3A_70, %get3A_74 : vector<16xf32>
        %swap3A = arith.index_cast %scan3A_67 : i32 to index
        %swap3A_76 = arith.constant 0 : index
        %swap3A_77 = tpu.vector_load %arg9[%swap3A, %swap3A_76] {strides = array<i32>} : memref<16x1024xf32, #tpu.memory_space<vmem>>, vector<1x16xf32>,
        %swap3A_78 = vector.shape_cast %swap3A_77 : vector<1x16xf32> to vector<16xf32>
        %swap3A_79 = vector.shape_cast %add3A_75 : vector<16xf32> to vector<1x16xf32>
        tpu.vector_store %arg9[%swap3A, %swap3A_76], %swap3A_79 {strides = array<i32>} : memref<16x1024xf32, #tpu.memory_space<vmem>>, vector<1x16xf32>,
        %get3A_80 = arith.index_cast %scan3A_67 : i32 to index
        %get3A_81 = arith.constant 16 : index
        %get3A_82 = tpu.vector_load %arg9[%get3A_80, %get3A_81] {strides = array<i32>} : memref<16x1024xf32, #tpu.memory_space<vmem>>, vector<1x16xf32>,
        %get3A_83 = vector.shape_cast %get3A_82 : vector<1x16xf32> to vector<16xf32>
        %get3A_84 = arith.index_cast %scan3A_67 : i32 to index
        %get3A_85 = arith.constant 16 : index
        %get3A_86 = tpu.vector_load %arg10[%get3A_84, %get3A_85] {strides = array<i32>} : memref<16x1024xf32, #tpu.memory_space<vmem>>, vector<1x16xf32>,
        %get3A_87 = vector.shape_cast %get3A_86 : vector<1x16xf32> to vector<16xf32>
        %add3A_88 = arith.addf %get3A_83, %get3A_87 : vector<16xf32>
        %swap3A_89 = arith.index_cast %scan3A_67 : i32 to index
        %swap3A_90 = arith.constant 16 : index
        %swap3A_91 = tpu.vector_load %arg9[%swap3A_89, %swap3A_90] {strides = array<i32>} : memref<16x1024xf32, #tpu.memory_space<vmem>>, vector<1x16xf32>,
        %swap3A_92 = vector.shape_cast %swap3A_91 : vector<1x16xf32> to vector<16xf32>
        %swap3A_93 = vector.shape_cast %add3A_88 : vector<16xf32> to vector<1x16xf32>
        tpu.vector_store %arg9[%swap3A_89, %swap3A_90], %swap3A_93 {strides = array<i32>} : memref<16x1024xf32, #tpu.memory_space<vmem>>, vector<1x16xf32>,
        %get3A_94 = arith.index_cast %scan3A_67 : i32 to index
        %get3A_95 = arith.constant 32 : index
        %get3A_96 = tpu.vector_load %arg9[%get3A_94, %get3A_95] {strides = array<i32>} : memref<16x1024xf32, #tpu.memory_space<vmem>>, vector<1x16xf32>,
        %get3A_97 = vector.shape_cast %get3A_96 : vector<1x16xf32> to vector<16xf32>
        %get3A_98 = arith.index_cast %scan3A_67 : i32 to index
        %get3A_99 = arith.constant 32 : index
        %get3A_100 = tpu.vector_load %arg10[%get3A_98, %get3A_99] {strides = array<i32>} : memref<16x1024xf32, #tpu.memory_space<vmem>>, vector<1x16xf32>,
        %get3A_101 = vector.shape_cast %get3A_100 : vector<1x16xf32> to vector<16xf32>
        %add3A_102 = arith.addf %get3A_97, %get3A_101 : vector<16xf32>
        %swap3A_103 = arith.index_cast %scan3A_67 : i32 to index
        %swap3A_104 = arith.constant 32 : index
        %swap3A_105 = tpu.vector_load %arg9[%swap3A_103, %swap3A_104] {strides = array<i32>} : memref<16x1024xf32, #tpu.memory_space<vmem>>, vector<1x16xf32>,
        %swap3A_106 = vector.shape_cast %swap3A_105 : vector<1x16xf32> to vector<16xf32>
        %swap3A_107 = vector.shape_cast %add3A_102 : vector<16xf32> to vector<1x16xf32>
        tpu.vector_store %arg9[%swap3A_103, %swap3A_104], %swap3A_107 {strides = array<i32>} : memref<16x1024xf32, #tpu.memory_space<vmem>>, vector<1x16xf32>,
        %get3A_108 = arith.index_cast %scan3A_67 : i32 to index
        %get3A_109 = arith.constant 48 : index
        %get3A_110 = tpu.vector_load %arg9[%get3A_108, %get3A_109] {strides = array<i32>} : memref<16x1024xf32, #tpu.memory_space<vmem>>, vector<1x16xf32>,
        %get3A_111 = vector.shape_cast %get3A_110 : vector<1x16xf32> to vector<16xf32>
        %get3A_112 = arith.index_cast %scan3A_67 : i32 to index
        %get3A_113 = arith.constant 48 : index
        %get3A_114 = tpu.vector_load %arg10[%get3A_112, %get3A_113] {strides = array<i32>} : memref<16x1024xf32, #tpu.memory_space<vmem>>, vector<1x16xf32>,
        %get3A_115 = vector.shape_cast %get3A_114 : vector<1x16xf32> to vector<16xf32>
        %add3A_116 = arith.addf %get3A_111, %get3A_115 : vector<16xf32>
        %swap3A_117 = arith.index_cast %scan3A_67 : i32 to index
        %swap3A_118 = arith.constant 48 : index
        %swap3A_119 = tpu.vector_load %arg9[%swap3A_117, %swap3A_118] {strides = array<i32>} : memref<16x1024xf32, #tpu.memory_space<vmem>>, vector<1x16xf32>,
        %swap3A_120 = vector.shape_cast %swap3A_119 : vector<1x16xf32> to vector<16xf32>
        %swap3A_121 = vector.shape_cast %add3A_116 : vector<16xf32> to vector<1x16xf32>
        tpu.vector_store %arg9[%swap3A_117, %swap3A_118], %swap3A_121 {strides = array<i32>} : memref<16x1024xf32, #tpu.memory_space<vmem>>, vector<1x16xf32>,
        %get3A_122 = arith.index_cast %scan3A_67 : i32 to index
        %get3A_123 = arith.constant 64 : index
        %get3A_124 = tpu.vector_load %arg9[%get3A_122, %get3A_123] {strides = array<i32>} : memref<16x1024xf32, #tpu.memory_space<vmem>>, vector<1x16xf32>,
        %get3A_125 = vector.shape_cast %get3A_124 : vector<1x16xf32> to vector<16xf32>
        %get3A_126 = arith.index_cast %scan3A_67 : i32 to index
        %get3A_127 = arith.constant 64 : index
        %get3A_128 = tpu.vector_load %arg10[%get3A_126, %get3A_127] {strides = array<i32>} : memref<16x1024xf32, #tpu.memory_space<vmem>>, vector<1x16xf32>,
        %get3A_129 = vector.shape_cast %get3A_128 : vector<1x16xf32> to vector<16xf32>
        %add3A_130 = arith.addf %get3A_125, %get3A_129 : vector<16xf32>
        %swap3A_131 = arith.index_cast %scan3A_67 : i32 to index
        %swap3A_132 = arith.constant 64 : index
        %swap3A_133 = tpu.vector_load %arg9[%swap3A_131, %swap3A_132] {strides = array<i32>} : memref<16x1024xf32, #tpu.memory_space<vmem>>, vector<1x16xf32>,
        %swap3A_134 = vector.shape_cast %swap3A_133 : vector<1x16xf32> to vector<16xf32>
        %swap3A_135 = vector.shape_cast %add3A_130 : vector<16xf32> to vector<1x16xf32>
        tpu.vector_store %arg9[%swap3A_131, %swap3A_132], %swap3A_135 {strides = array<i32>} : memref<16x1024xf32, #tpu.memory_space<vmem>>, vector<1x16xf32>,
        %get3A_136 = arith.index_cast %scan3A_67 : i32 to index
        %get3A_137 = arith.constant 80 : index
        %get3A_138 = tpu.vector_load %arg9[%get3A_136, %get3A_137] {strides = array<i32>} : memref<16x1024xf32, #tpu.memory_space<vmem>>, vector<1x16xf32>,
        %get3A_139 = vector.shape_cast %get3A_138 : vector<1x16xf32> to vector<16xf32>
        %get3A_140 = arith.index_cast %scan3A_67 : i32 to index
        %get3A_141 = arith.constant 80 : index
        %get3A_142 = tpu.vector_load %arg10[%get3A_140, %get3A_141] {strides = array<i32>} : memref<16x1024xf32, #tpu.memory_space<vmem>>, vector<1x16xf32>,
        %get3A_143 = vector.shape_cast %get3A_142 : vector<1x16xf32> to vector<16xf32>
        %add3A_144 = arith.addf %get3A_139, %get3A_143 : vector<16xf32>
        %swap3A_145 = arith.index_cast %scan3A_67 : i32 to index
        %swap3A_146 = arith.constant 80 : index
        %swap3A_147 = tpu.vector_load %arg9[%swap3A_145, %swap3A_146] {strides = array<i32>} : memref<16x1024xf32, #tpu.memory_space<vmem>>, vector<1x16xf32>,
        %swap3A_148 = vector.shape_cast %swap3A_147 : vector<1x16xf32> to vector<16xf32>
        %swap3A_149 = vector.shape_cast %add3A_144 : vector<16xf32> to vector<1x16xf32>
        tpu.vector_store %arg9[%swap3A_145, %swap3A_146], %swap3A_149 {strides = array<i32>} : memref<16x1024xf32, #tpu.memory_space<vmem>>, vector<1x16xf32>,
        %get3A_150 = arith.index_cast %scan3A_67 : i32 to index
        %get3A_151 = arith.constant 96 : index
        %get3A_152 = tpu.vector_load %arg9[%get3A_150, %get3A_151] {strides = array<i32>} : memref<16x1024xf32, #tpu.memory_space<vmem>>, vector<1x16xf32>,
        %get3A_153 = vector.shape_cast %get3A_152 : vector<1x16xf32> to vector<16xf32>
        %get3A_154 = arith.index_cast %scan3A_67 : i32 to index
        %get3A_155 = arith.constant 96 : index
        %get3A_156 = tpu.vector_load %arg10[%get3A_154, %get3A_155] {strides = array<i32>} : memref<16x1024xf32, #tpu.memory_space<vmem>>, vector<1x16xf32>,
        %get3A_157 = vector.shape_cast %get3A_156 : vector<1x16xf32> to vector<16xf32>
        %add3A_158 = arith.addf %get3A_153, %get3A_157 : vector<16xf32>
        %swap3A_159 = arith.index_cast %scan3A_67 : i32 to index
        %swap3A_160 = arith.constant 96 : index
        %swap3A_161 = tpu.vector_load %arg9[%swap3A_159, %swap3A_160] {strides = array<i32>} : memref<16x1024xf32, #tpu.memory_space<vmem>>, vector<1x16xf32>,
        %swap3A_162 = vector.shape_cast %swap3A_161 : vector<1x16xf32> to vector<16xf32>
        %swap3A_163 = vector.shape_cast %add3A_158 : vector<16xf32> to vector<1x16xf32>
        tpu.vector_store %arg9[%swap3A_159, %swap3A_160], %swap3A_163 {strides = array<i32>} : memref<16x1024xf32, #tpu.memory_space<vmem>>, vector<1x16xf32>,
        %get3A_164 = arith.index_cast %scan3A_67 : i32 to index
        %get3A_165 = arith.constant 112 : index
        %get3A_166 = tpu.vector_load %arg9[%get3A_164, %get3A_165] {strides = array<i32>} : memref<16x1024xf32, #tpu.memory_space<vmem>>, vector<1x16xf32>,
        %get3A_167 = vector.shape_cast %get3A_166 : vector<1x16xf32> to vector<16xf32>
        %get3A_168 = arith.index_cast %scan3A_67 : i32 to index
        %get3A_169 = arith.constant 112 : index
        %get3A_170 = tpu.vector_load %arg10[%get3A_168, %get3A_169] {strides = array<i32>} : memref<16x1024xf32, #tpu.memory_space<vmem>>, vector<1x16xf32>,
        %get3A_171 = vector.shape_cast %get3A_170 : vector<1x16xf32> to vector<16xf32>
        %add3A_172 = arith.addf %get3A_167, %get3A_171 : vector<16xf32>
        %swap3A_173 = arith.index_cast %scan3A_67 : i32 to index
        %swap3A_174 = arith.constant 112 : index
        %swap3A_175 = tpu.vector_load %arg9[%swap3A_173, %swap3A_174] {strides = array<i32>} : memref<16x1024xf32, #tpu.memory_space<vmem>>, vector<1x16xf32>,
        %swap3A_176 = vector.shape_cast %swap3A_175 : vector<1x16xf32> to vector<16xf32>
        %swap3A_177 = vector.shape_cast %add3A_172 : vector<16xf32> to vector<1x16xf32>
        tpu.vector_store %arg9[%swap3A_173, %swap3A_174], %swap3A_177 {strides = array<i32>} : memref<16x1024xf32, #tpu.memory_space<vmem>>, vector<1x16xf32>,
        %get3A_178 = arith.index_cast %scan3A_67 : i32 to index
        %get3A_179 = arith.constant 128 : index
        %get3A_180 = tpu.vector_load %arg9[%get3A_178, %get3A_179] {strides = array<i32>} : memref<16x1024xf32, #tpu.memory_space<vmem>>, vector<1x16xf32>,
        %get3A_181 = vector.shape_cast %get3A_180 : vector<1x16xf32> to vector<16xf32>
        %get3A_182 = arith.index_cast %scan3A_67 : i32 to index
        %get3A_183 = arith.constant 128 : index
        %get3A_184 = tpu.vector_load %arg10[%get3A_182, %get3A_183] {strides = array<i32>} : memref<16x1024xf32, #tpu.memory_space<vmem>>, vector<1x16xf32>,
        %get3A_185 = vector.shape_cast %get3A_184 : vector<1x16xf32> to vector<16xf32>
        %add3A_186 = arith.addf %get3A_181, %get3A_185 : vector<16xf32>
        %swap3A_187 = arith.index_cast %scan3A_67 : i32 to index
        %swap3A_188 = arith.constant 128 : index
        %swap3A_189 = tpu.vector_load %arg9[%swap3A_187, %swap3A_188] {strides = array<i32>} : memref<16x1024xf32, #tpu.memory_space<vmem>>, vector<1x16xf32>,
        %swap3A_190 = vector.shape_cast %swap3A_189 : vector<1x16xf32> to vector<16xf32>
        %swap3A_191 = vector.shape_cast %add3A_186 : vector<16xf32> to vector<1x16xf32>
        tpu.vector_store %arg9[%swap3A_187, %swap3A_188], %swap3A_191 {strides = array<i32>} : memref<16x1024xf32, #tpu.memory_space<vmem>>, vector<1x16xf32>,
        %get3A_192 = arith.index_cast %scan3A_67 : i32 to index
        %get3A_193 = arith.constant 144 : index
        %get3A_194 = tpu.vector_load %arg9[%get3A_192, %get3A_193] {strides = array<i32>} : memref<16x1024xf32, #tpu.memory_space<vmem>>, vector<1x16xf32>,
        %get3A_195 = vector.shape_cast %get3A_194 : vector<1x16xf32> to vector<16xf32>
        %get3A_196 = arith.index_cast %scan3A_67 : i32 to index
        %get3A_197 = arith.constant 144 : index
        %get3A_198 = tpu.vector_load %arg10[%get3A_196, %get3A_197] {strides = array<i32>} : memref<16x1024xf32, #tpu.memory_space<vmem>>, vector<1x16xf32>,
        %get3A_199 = vector.shape_cast %get3A_198 : vector<1x16xf32> to vector<16xf32>
        %add3A_200 = arith.addf %get3A_195, %get3A_199 : vector<16xf32>
        %swap3A_201 = arith.index_cast %scan3A_67 : i32 to index
        %swap3A_202 = arith.constant 144 : index
        %swap3A_203 = tpu.vector_load %arg9[%swap3A_201, %swap3A_202] {strides = array<i32>} : memref<16x1024xf32, #tpu.memory_space<vmem>>, vector<1x16xf32>,
        %swap3A_204 = vector.shape_cast %swap3A_203 : vector<1x16xf32> to vector<16xf32>
        %swap3A_205 = vector.shape_cast %add3A_200 : vector<16xf32> to vector<1x16xf32>
        tpu.vector_store %arg9[%swap3A_201, %swap3A_202], %swap3A_205 {strides = array<i32>} : memref<16x1024xf32, #tpu.memory_space<vmem>>, vector<1x16xf32>,
        %get3A_206 = arith.index_cast %scan3A_67 : i32 to index
        %get3A_207 = arith.constant 160 : index
        %get3A_208 = tpu.vector_load %arg9[%get3A_206, %get3A_207] {strides = array<i32>} : memref<16x1024xf32, #tpu.memory_space<vmem>>, vector<1x16xf32>,
        %get3A_209 = vector.shape_cast %get3A_208 : vector<1x16xf32> to vector<16xf32>
        %get3A_210 = arith.index_cast %scan3A_67 : i32 to index
        %get3A_211 = arith.constant 160 : index
        %get3A_212 = tpu.vector_load %arg10[%get3A_210, %get3A_211] {strides = array<i32>} : memref<16x1024xf32, #tpu.memory_space<vmem>>, vector<1x16xf32>,
        %get3A_213 = vector.shape_cast %get3A_212 : vector<1x16xf32> to vector<16xf32>
        %add3A_214 = arith.addf %get3A_209, %get3A_213 : vector<16xf32>
        %swap3A_215 = arith.index_cast %scan3A_67 : i32 to index
        %swap3A_216 = arith.constant 160 : index
        %swap3A_217 = tpu.vector_load %arg9[%swap3A_215, %swap3A_216] {strides = array<i32>} : memref<16x1024xf32, #tpu.memory_space<vmem>>, vector<1x16xf32>,
        %swap3A_218 = vector.shape_cast %swap3A_217 : vector<1x16xf32> to vector<16xf32>
        %swap3A_219 = vector.shape_cast %add3A_214 : vector<16xf32> to vector<1x16xf32>
        tpu.vector_store %arg9[%swap3A_215, %swap3A_216], %swap3A_219 {strides = array<i32>} : memref<16x1024xf32, #tpu.memory_space<vmem>>, vector<1x16xf32>,
        %get3A_220 = arith.index_cast %scan3A_67 : i32 to index
        %get3A_221 = arith.constant 176 : index
        %get3A_222 = tpu.vector_load %arg9[%get3A_220, %get3A_221] {strides = array<i32>} : memref<16x1024xf32, #tpu.memory_space<vmem>>, vector<1x16xf32>,
        %get3A_223 = vector.shape_cast %get3A_222 : vector<1x16xf32> to vector<16xf32>
        %get3A_224 = arith.index_cast %scan3A_67 : i32 to index
        %get3A_225 = arith.constant 176 : index
        %get3A_226 = tpu.vector_load %arg10[%get3A_224, %get3A_225] {strides = array<i32>} : memref<16x1024xf32, #tpu.memory_space<vmem>>, vector<1x16xf32>,
        %get3A_227 = vector.shape_cast %get3A_226 : vector<1x16xf32> to vector<16xf32>
        %add3A_228 = arith.addf %get3A_223, %get3A_227 : vector<16xf32>
        %swap3A_229 = arith.index_cast %scan3A_67 : i32 to index
        %swap3A_230 = arith.constant 176 : index
        %swap3A_231 = tpu.vector_load %arg9[%swap3A_229, %swap3A_230] {strides = array<i32>} : memref<16x1024xf32, #tpu.memory_space<vmem>>, vector<1x16xf32>,
        %swap3A_232 = vector.shape_cast %swap3A_231 : vector<1x16xf32> to vector<16xf32>
        %swap3A_233 = vector.shape_cast %add3A_228 : vector<16xf32> to vector<1x16xf32>
        tpu.vector_store %arg9[%swap3A_229, %swap3A_230], %swap3A_233 {strides = array<i32>} : memref<16x1024xf32, #tpu.memory_space<vmem>>, vector<1x16xf32>,
        %get3A_234 = arith.index_cast %scan3A_67 : i32 to index
        %get3A_235 = arith.constant 192 : index
        %get3A_236 = tpu.vector_load %arg9[%get3A_234, %get3A_235] {strides = array<i32>} : memref<16x1024xf32, #tpu.memory_space<vmem>>, vector<1x16xf32>,
        %get3A_237 = vector.shape_cast %get3A_236 : vector<1x16xf32> to vector<16xf32>
        %get3A_238 = arith.index_cast %scan3A_67 : i32 to index
        %get3A_239 = arith.constant 192 : index
        %get3A_240 = tpu.vector_load %arg10[%get3A_238, %get3A_239] {strides = array<i32>} : memref<16x1024xf32, #tpu.memory_space<vmem>>, vector<1x16xf32>,
        %get3A_241 = vector.shape_cast %get3A_240 : vector<1x16xf32> to vector<16xf32>
        %add3A_242 = arith.addf %get3A_237, %get3A_241 : vector<16xf32>
        %swap3A_243 = arith.index_cast %scan3A_67 : i32 to index
        %swap3A_244 = arith.constant 192 : index
        %swap3A_245 = tpu.vector_load %arg9[%swap3A_243, %swap3A_244] {strides = array<i32>} : memref<16x1024xf32, #tpu.memory_space<vmem>>, vector<1x16xf32>,
        %swap3A_246 = vector.shape_cast %swap3A_245 : vector<1x16xf32> to vector<16xf32>
        %swap3A_247 = vector.shape_cast %add3A_242 : vector<16xf32> to vector<1x16xf32>
        tpu.vector_store %arg9[%swap3A_243, %swap3A_244], %swap3A_247 {strides = array<i32>} : memref<16x1024xf32, #tpu.memory_space<vmem>>, vector<1x16xf32>,
        %get3A_248 = arith.index_cast %scan3A_67 : i32 to index
        %get3A_249 = arith.constant 208 : index
        %get3A_250 = tpu.vector_load %arg9[%get3A_248, %get3A_249] {strides = array<i32>} : memref<16x1024xf32, #tpu.memory_space<vmem>>, vector<1x16xf32>,
        %get3A_251 = vector.shape_cast %get3A_250 : vector<1x16xf32> to vector<16xf32>
        %get3A_252 = arith.index_cast %scan3A_67 : i32 to index
        %get3A_253 = arith.constant 208 : index
        %get3A_254 = tpu.vector_load %arg10[%get3A_252, %get3A_253] {strides = array<i32>} : memref<16x1024xf32, #tpu.memory_space<vmem>>, vector<1x16xf32>,
        %get3A_255 = vector.shape_cast %get3A_254 : vector<1x16xf32> to vector<16xf32>
        %add3A_256 = arith.addf %get3A_251, %get3A_255 : vector<16xf32>
        %swap3A_257 = arith.index_cast %scan3A_67 : i32 to index
        %swap3A_258 = arith.constant 208 : index
        %swap3A_259 = tpu.vector_load %arg9[%swap3A_257, %swap3A_258] {strides = array<i32>} : memref<16x1024xf32, #tpu.memory_space<vmem>>, vector<1x16xf32>,
        %swap3A_260 = vector.shape_cast %swap3A_259 : vector<1x16xf32> to vector<16xf32>
        %swap3A_261 = vector.shape_cast %add3A_256 : vector<16xf32> to vector<1x16xf32>
        tpu.vector_store %arg9[%swap3A_257, %swap3A_258], %swap3A_261 {strides = array<i32>} : memref<16x1024xf32, #tpu.memory_space<vmem>>, vector<1x16xf32>,
        %get3A_262 = arith.index_cast %scan3A_67 : i32 to index
        %get3A_263 = arith.constant 224 : index
        %get3A_264 = tpu.vector_load %arg9[%get3A_262, %get3A_263] {strides = array<i32>} : memref<16x1024xf32, #tpu.memory_space<vmem>>, vector<1x16xf32>,
        %get3A_265 = vector.shape_cast %get3A_264 : vector<1x16xf32> to vector<16xf32>
        %get3A_266 = arith.index_cast %scan3A_67 : i32 to index
        %get3A_267 = arith.constant 224 : index
        %get3A_268 = tpu.vector_load %arg10[%get3A_266, %get3A_267] {strides = array<i32>} : memref<16x1024xf32, #tpu.memory_space<vmem>>, vector<1x16xf32>,
        %get3A_269 = vector.shape_cast %get3A_268 : vector<1x16xf32> to vector<16xf32>
        %add3A_270 = arith.addf %get3A_265, %get3A_269 : vector<16xf32>
        %swap3A_271 = arith.index_cast %scan3A_67 : i32 to index
        %swap3A_272 = arith.constant 224 : index
        %swap3A_273 = tpu.vector_load %arg9[%swap3A_271, %swap3A_272] {strides = array<i32>} : memref<16x1024xf32, #tpu.memory_space<vmem>>, vector<1x16xf32>,
        %swap3A_274 = vector.shape_cast %swap3A_273 : vector<1x16xf32> to vector<16xf32>
        %swap3A_275 = vector.shape_cast %add3A_270 : vector<16xf32> to vector<1x16xf32>
        tpu.vector_store %arg9[%swap3A_271, %swap3A_272], %swap3A_275 {strides = array<i32>} : memref<16x1024xf32, #tpu.memory_space<vmem>>, vector<1x16xf32>,
        %get3A_276 = arith.index_cast %scan3A_67 : i32 to index
        %get3A_277 = arith.constant 240 : index
        %get3A_278 = tpu.vector_load %arg9[%get3A_276, %get3A_277] {strides = array<i32>} : memref<16x1024xf32, #tpu.memory_space<vmem>>, vector<1x16xf32>,
        %get3A_279 = vector.shape_cast %get3A_278 : vector<1x16xf32> to vector<16xf32>
        %get3A_280 = arith.index_cast %scan3A_67 : i32 to index
        %get3A_281 = arith.constant 240 : index
        %get3A_282 = tpu.vector_load %arg10[%get3A_280, %get3A_281] {strides = array<i32>} : memref<16x1024xf32, #tpu.memory_space<vmem>>, vector<1x16xf32>,
        %get3A_283 = vector.shape_cast %get3A_282 : vector<1x16xf32> to vector<16xf32>
        %add3A_284 = arith.addf %get3A_279, %get3A_283 : vector<16xf32>
        %swap3A_285 = arith.index_cast %scan3A_67 : i32 to index
        %swap3A_286 = arith.constant 240 : index
        %swap3A_287 = tpu.vector_load %arg9[%swap3A_285, %swap3A_286] {strides = array<i32>} : memref<16x1024xf32, #tpu.memory_space<vmem>>, vector<1x16xf32>,
        %swap3A_288 = vector.shape_cast %swap3A_287 : vector<1x16xf32> to vector<16xf32>
        %swap3A_289 = vector.shape_cast %add3A_284 : vector<16xf32> to vector<1x16xf32>
        tpu.vector_store %arg9[%swap3A_285, %swap3A_286], %swap3A_289 {strides = array<i32>} : memref<16x1024xf32, #tpu.memory_space<vmem>>, vector<1x16xf32>,
        %get3A_290 = arith.index_cast %scan3A_67 : i32 to index
        %get3A_291 = arith.constant 256 : index
        %get3A_292 = tpu.vector_load %arg9[%get3A_290, %get3A_291] {strides = array<i32>} : memref<16x1024xf32, #tpu.memory_space<vmem>>, vector<1x16xf32>,
        %get3A_293 = vector.shape_cast %get3A_292 : vector<1x16xf32> to vector<16xf32>
        %get3A_294 = arith.index_cast %scan3A_67 : i32 to index
        %get3A_295 = arith.constant 256 : index
        %get3A_296 = tpu.vector_load %arg10[%get3A_294, %get3A_295] {strides = array<i32>} : memref<16x1024xf32, #tpu.memory_space<vmem>>, vector<1x16xf32>,
        %get3A_297 = vector.shape_cast %get3A_296 : vector<1x16xf32> to vector<16xf32>
        %add3A_298 = arith.addf %get3A_293, %get3A_297 : vector<16xf32>
        %swap3A_299 = arith.index_cast %scan3A_67 : i32 to index
        %swap3A_300 = arith.constant 256 : index
        %swap3A_301 = tpu.vector_load %arg9[%swap3A_299, %swap3A_300] {strides = array<i32>} : memref<16x1024xf32, #tpu.memory_space<vmem>>, vector<1x16xf32>,
        %swap3A_302 = vector.shape_cast %swap3A_301 : vector<1x16xf32> to vector<16xf32>
        %swap3A_303 = vector.shape_cast %add3A_298 : vector<16xf32> to vector<1x16xf32>
        tpu.vector_store %arg9[%swap3A_299, %swap3A_300], %swap3A_303 {strides = array<i32>} : memref<16x1024xf32, #tpu.memory_space<vmem>>, vector<1x16xf32>,
        %get3A_304 = arith.index_cast %scan3A_67 : i32 to index
        %get3A_305 = arith.constant 272 : index
        %get3A_306 = tpu.vector_load %arg9[%get3A_304, %get3A_305] {strides = array<i32>} : memref<16x1024xf32, #tpu.memory_space<vmem>>, vector<1x16xf32>,
        %get3A_307 = vector.shape_cast %get3A_306 : vector<1x16xf32> to vector<16xf32>
        %get3A_308 = arith.index_cast %scan3A_67 : i32 to index
        %get3A_309 = arith.constant 272 : index
        %get3A_310 = tpu.vector_load %arg10[%get3A_308, %get3A_309] {strides = array<i32>} : memref<16x1024xf32, #tpu.memory_space<vmem>>, vector<1x16xf32>,
        %get3A_311 = vector.shape_cast %get3A_310 : vector<1x16xf32> to vector<16xf32>
        %add3A_312 = arith.addf %get3A_307, %get3A_311 : vector<16xf32>
        %swap3A_313 = arith.index_cast %scan3A_67 : i32 to index
        %swap3A_314 = arith.constant 272 : index
        %swap3A_315 = tpu.vector_load %arg9[%swap3A_313, %swap3A_314] {strides = array<i32>} : memref<16x1024xf32, #tpu.memory_space<vmem>>, vector<1x16xf32>,
        %swap3A_316 = vector.shape_cast %swap3A_315 : vector<1x16xf32> to vector<16xf32>
        %swap3A_317 = vector.shape_cast %add3A_312 : vector<16xf32> to vector<1x16xf32>
        tpu.vector_store %arg9[%swap3A_313, %swap3A_314], %swap3A_317 {strides = array<i32>} : memref<16x1024xf32, #tpu.memory_space<vmem>>, vector<1x16xf32>,
        %get3A_318 = arith.index_cast %scan3A_67 : i32 to index
        %get3A_319 = arith.constant 288 : index
        %get3A_320 = tpu.vector_load %arg9[%get3A_318, %get3A_319] {strides = array<i32>} : memref<16x1024xf32, #tpu.memory_space<vmem>>, vector<1x16xf32>,
        %get3A_321 = vector.shape_cast %get3A_320 : vector<1x16xf32> to vector<16xf32>
        %get3A_322 = arith.index_cast %scan3A_67 : i32 to index
        %get3A_323 = arith.constant 288 : index
        %get3A_324 = tpu.vector_load %arg10[%get3A_322, %get3A_323] {strides = array<i32>} : memref<16x1024xf32, #tpu.memory_space<vmem>>, vector<1x16xf32>,
        %get3A_325 = vector.shape_cast %get3A_324 : vector<1x16xf32> to vector<16xf32>
        %add3A_326 = arith.addf %get3A_321, %get3A_325 : vector<16xf32>
        %swap3A_327 = arith.index_cast %scan3A_67 : i32 to index
        %swap3A_328 = arith.constant 288 : index
        %swap3A_329 = tpu.vector_load %arg9[%swap3A_327, %swap3A_328] {strides = array<i32>} : memref<16x1024xf32, #tpu.memory_space<vmem>>, vector<1x16xf32>,
        %swap3A_330 = vector.shape_cast %swap3A_329 : vector<1x16xf32> to vector<16xf32>
        %swap3A_331 = vector.shape_cast %add3A_326 : vector<16xf32> to vector<1x16xf32>
        tpu.vector_store %arg9[%swap3A_327, %swap3A_328], %swap3A_331 {strides = array<i32>} : memref<16x1024xf32, #tpu.memory_space<vmem>>, vector<1x16xf32>,
        %get3A_332 = arith.index_cast %scan3A_67 : i32 to index
        %get3A_333 = arith.constant 304 : index
        %get3A_334 = tpu.vector_load %arg9[%get3A_332, %get3A_333] {strides = array<i32>} : memref<16x1024xf32, #tpu.memory_space<vmem>>, vector<1x16xf32>,
        %get3A_335 = vector.shape_cast %get3A_334 : vector<1x16xf32> to vector<16xf32>
        %get3A_336 = arith.index_cast %scan3A_67 : i32 to index
        %get3A_337 = arith.constant 304 : index
        %get3A_338 = tpu.vector_load %arg10[%get3A_336, %get3A_337] {strides = array<i32>} : memref<16x1024xf32, #tpu.memory_space<vmem>>, vector<1x16xf32>,
        %get3A_339 = vector.shape_cast %get3A_338 : vector<1x16xf32> to vector<16xf32>
        %add3A_340 = arith.addf %get3A_335, %get3A_339 : vector<16xf32>
        %swap3A_341 = arith.index_cast %scan3A_67 : i32 to index
        %swap3A_342 = arith.constant 304 : index
        %swap3A_343 = tpu.vector_load %arg9[%swap3A_341, %swap3A_342] {strides = array<i32>} : memref<16x1024xf32, #tpu.memory_space<vmem>>, vector<1x16xf32>,
        %swap3A_344 = vector.shape_cast %swap3A_343 : vector<1x16xf32> to vector<16xf32>
        %swap3A_345 = vector.shape_cast %add3A_340 : vector<16xf32> to vector<1x16xf32>
        tpu.vector_store %arg9[%swap3A_341, %swap3A_342], %swap3A_345 {strides = array<i32>} : memref<16x1024xf32, #tpu.memory_space<vmem>>, vector<1x16xf32>,
        %get3A_346 = arith.index_cast %scan3A_67 : i32 to index
        %get3A_347 = arith.constant 320 : index
        %get3A_348 = tpu.vector_load %arg9[%get3A_346, %get3A_347] {strides = array<i32>} : memref<16x1024xf32, #tpu.memory_space<vmem>>, vector<1x16xf32>,
        %get3A_349 = vector.shape_cast %get3A_348 : vector<1x16xf32> to vector<16xf32>
        %get3A_350 = arith.index_cast %scan3A_67 : i32 to index
        %get3A_351 = arith.constant 320 : index
        %get3A_352 = tpu.vector_load %arg10[%get3A_350, %get3A_351] {strides = array<i32>} : memref<16x1024xf32, #tpu.memory_space<vmem>>, vector<1x16xf32>,
        %get3A_353 = vector.shape_cast %get3A_352 : vector<1x16xf32> to vector<16xf32>
        %add3A_354 = arith.addf %get3A_349, %get3A_353 : vector<16xf32>
        %swap3A_355 = arith.index_cast %scan3A_67 : i32 to index
        %swap3A_356 = arith.constant 320 : index
        %swap3A_357 = tpu.vector_load %arg9[%swap3A_355, %swap3A_356] {strides = array<i32>} : memref<16x1024xf32, #tpu.memory_space<vmem>>, vector<1x16xf32>,
        %swap3A_358 = vector.shape_cast %swap3A_357 : vector<1x16xf32> to vector<16xf32>
        %swap3A_359 = vector.shape_cast %add3A_354 : vector<16xf32> to vector<1x16xf32>
        tpu.vector_store %arg9[%swap3A_355, %swap3A_356], %swap3A_359 {strides = array<i32>} : memref<16x1024xf32, #tpu.memory_space<vmem>>, vector<1x16xf32>,
        %get3A_360 = arith.index_cast %scan3A_67 : i32 to index
        %get3A_361 = arith.constant 336 : index
        %get3A_362 = tpu.vector_load %arg9[%get3A_360, %get3A_361] {strides = array<i32>} : memref<16x1024xf32, #tpu.memory_space<vmem>>, vector<1x16xf32>,
        %get3A_363 = vector.shape_cast %get3A_362 : vector<1x16xf32> to vector<16xf32>
        %get3A_364 = arith.index_cast %scan3A_67 : i32 to index
        %get3A_365 = arith.constant 336 : index
        %get3A_366 = tpu.vector_load %arg10[%get3A_364, %get3A_365] {strides = array<i32>} : memref<16x1024xf32, #tpu.memory_space<vmem>>, vector<1x16xf32>,
        %get3A_367 = vector.shape_cast %get3A_366 : vector<1x16xf32> to vector<16xf32>
        %add3A_368 = arith.addf %get3A_363, %get3A_367 : vector<16xf32>
        %swap3A_369 = arith.index_cast %scan3A_67 : i32 to index
        %swap3A_370 = arith.constant 336 : index
        %swap3A_371 = tpu.vector_load %arg9[%swap3A_369, %swap3A_370] {strides = array<i32>} : memref<16x1024xf32, #tpu.memory_space<vmem>>, vector<1x16xf32>,
        %swap3A_372 = vector.shape_cast %swap3A_371 : vector<1x16xf32> to vector<16xf32>
        %swap3A_373 = vector.shape_cast %add3A_368 : vector<16xf32> to vector<1x16xf32>
        tpu.vector_store %arg9[%swap3A_369, %swap3A_370], %swap3A_373 {strides = array<i32>} : memref<16x1024xf32, #tpu.memory_space<vmem>>, vector<1x16xf32>,
        %get3A_374 = arith.index_cast %scan3A_67 : i32 to index
        %get3A_375 = arith.constant 352 : index
        %get3A_376 = tpu.vector_load %arg9[%get3A_374, %get3A_375] {strides = array<i32>} : memref<16x1024xf32, #tpu.memory_space<vmem>>, vector<1x16xf32>,
        %get3A_377 = vector.shape_cast %get3A_376 : vector<1x16xf32> to vector<16xf32>
        %get3A_378 = arith.index_cast %scan3A_67 : i32 to index
        %get3A_379 = arith.constant 352 : index
        %get3A_380 = tpu.vector_load %arg10[%get3A_378, %get3A_379] {strides = array<i32>} : memref<16x1024xf32, #tpu.memory_space<vmem>>, vector<1x16xf32>,
        %get3A_381 = vector.shape_cast %get3A_380 : vector<1x16xf32> to vector<16xf32>
        %add3A_382 = arith.addf %get3A_377, %get3A_381 : vector<16xf32>
        %swap3A_383 = arith.index_cast %scan3A_67 : i32 to index
        %swap3A_384 = arith.constant 352 : index
        %swap3A_385 = tpu.vector_load %arg9[%swap3A_383, %swap3A_384] {strides = array<i32>} : memref<16x1024xf32, #tpu.memory_space<vmem>>, vector<1x16xf32>,
        %swap3A_386 = vector.shape_cast %swap3A_385 : vector<1x16xf32> to vector<16xf32>
        %swap3A_387 = vector.shape_cast %add3A_382 : vector<16xf32> to vector<1x16xf32>
        tpu.vector_store %arg9[%swap3A_383, %swap3A_384], %swap3A_387 {strides = array<i32>} : memref<16x1024xf32, #tpu.memory_space<vmem>>, vector<1x16xf32>,
        %get3A_388 = arith.index_cast %scan3A_67 : i32 to index
        %get3A_389 = arith.constant 368 : index
        %get3A_390 = tpu.vector_load %arg9[%get3A_388, %get3A_389] {strides = array<i32>} : memref<16x1024xf32, #tpu.memory_space<vmem>>, vector<1x16xf32>,
        %get3A_391 = vector.shape_cast %get3A_390 : vector<1x16xf32> to vector<16xf32>
        %get3A_392 = arith.index_cast %scan3A_67 : i32 to index
        %get3A_393 = arith.constant 368 : index
        %get3A_394 = tpu.vector_load %arg10[%get3A_392, %get3A_393] {strides = array<i32>} : memref<16x1024xf32, #tpu.memory_space<vmem>>, vector<1x16xf32>,
        %get3A_395 = vector.shape_cast %get3A_394 : vector<1x16xf32> to vector<16xf32>
        %add3A_396 = arith.addf %get3A_391, %get3A_395 : vector<16xf32>
        %swap3A_397 = arith.index_cast %scan3A_67 : i32 to index
        %swap3A_398 = arith.constant 368 : index
        %swap3A_399 = tpu.vector_load %arg9[%swap3A_397, %swap3A_398] {strides = array<i32>} : memref<16x1024xf32, #tpu.memory_space<vmem>>, vector<1x16xf32>,
        %swap3A_400 = vector.shape_cast %swap3A_399 : vector<1x16xf32> to vector<16xf32>
        %swap3A_401 = vector.shape_cast %add3A_396 : vector<16xf32> to vector<1x16xf32>
        tpu.vector_store %arg9[%swap3A_397, %swap3A_398], %swap3A_401 {strides = array<i32>} : memref<16x1024xf32, #tpu.memory_space<vmem>>, vector<1x16xf32>,
        %get3A_402 = arith.index_cast %scan3A_67 : i32 to index
        %get3A_403 = arith.constant 384 : index
        %get3A_404 = tpu.vector_load %arg9[%get3A_402, %get3A_403] {strides = array<i32>} : memref<16x1024xf32, #tpu.memory_space<vmem>>, vector<1x16xf32>,
        %get3A_405 = vector.shape_cast %get3A_404 : vector<1x16xf32> to vector<16xf32>
        %get3A_406 = arith.index_cast %scan3A_67 : i32 to index
        %get3A_407 = arith.constant 384 : index
        %get3A_408 = tpu.vector_load %arg10[%get3A_406, %get3A_407] {strides = array<i32>} : memref<16x1024xf32, #tpu.memory_space<vmem>>, vector<1x16xf32>,
        %get3A_409 = vector.shape_cast %get3A_408 : vector<1x16xf32> to vector<16xf32>
        %add3A_410 = arith.addf %get3A_405, %get3A_409 : vector<16xf32>
        %swap3A_411 = arith.index_cast %scan3A_67 : i32 to index
        %swap3A_412 = arith.constant 384 : index
        %swap3A_413 = tpu.vector_load %arg9[%swap3A_411, %swap3A_412] {strides = array<i32>} : memref<16x1024xf32, #tpu.memory_space<vmem>>, vector<1x16xf32>,
        %swap3A_414 = vector.shape_cast %swap3A_413 : vector<1x16xf32> to vector<16xf32>
        %swap3A_415 = vector.shape_cast %add3A_410 : vector<16xf32> to vector<1x16xf32>
        tpu.vector_store %arg9[%swap3A_411, %swap3A_412], %swap3A_415 {strides = array<i32>} : memref<16x1024xf32, #tpu.memory_space<vmem>>, vector<1x16xf32>,
        %get3A_416 = arith.index_cast %scan3A_67 : i32 to index
        %get3A_417 = arith.constant 400 : index
        %get3A_418 = tpu.vector_load %arg9[%get3A_416, %get3A_417] {strides = array<i32>} : memref<16x1024xf32, #tpu.memory_space<vmem>>, vector<1x16xf32>,
        %get3A_419 = vector.shape_cast %get3A_418 : vector<1x16xf32> to vector<16xf32>
        %get3A_420 = arith.index_cast %scan3A_67 : i32 to index
        %get3A_421 = arith.constant 400 : index
        %get3A_422 = tpu.vector_load %arg10[%get3A_420, %get3A_421] {strides = array<i32>} : memref<16x1024xf32, #tpu.memory_space<vmem>>, vector<1x16xf32>,
        %get3A_423 = vector.shape_cast %get3A_422 : vector<1x16xf32> to vector<16xf32>
        %add3A_424 = arith.addf %get3A_419, %get3A_423 : vector<16xf32>
        %swap3A_425 = arith.index_cast %scan3A_67 : i32 to index
        %swap3A_426 = arith.constant 400 : index
        %swap3A_427 = tpu.vector_load %arg9[%swap3A_425, %swap3A_426] {strides = array<i32>} : memref<16x1024xf32, #tpu.memory_space<vmem>>, vector<1x16xf32>,
        %swap3A_428 = vector.shape_cast %swap3A_427 : vector<1x16xf32> to vector<16xf32>
        %swap3A_429 = vector.shape_cast %add3A_424 : vector<16xf32> to vector<1x16xf32>
        tpu.vector_store %arg9[%swap3A_425, %swap3A_426], %swap3A_429 {strides = array<i32>} : memref<16x1024xf32, #tpu.memory_space<vmem>>, vector<1x16xf32>,
        %get3A_430 = arith.index_cast %scan3A_67 : i32 to index
        %get3A_431 = arith.constant 416 : index
        %get3A_432 = tpu.vector_load %arg9[%get3A_430, %get3A_431] {strides = array<i32>} : memref<16x1024xf32, #tpu.memory_space<vmem>>, vector<1x16xf32>,
        %get3A_433 = vector.shape_cast %get3A_432 : vector<1x16xf32> to vector<16xf32>
        %get3A_434 = arith.index_cast %scan3A_67 : i32 to index
        %get3A_435 = arith.constant 416 : index
        %get3A_436 = tpu.vector_load %arg10[%get3A_434, %get3A_435] {strides = array<i32>} : memref<16x1024xf32, #tpu.memory_space<vmem>>, vector<1x16xf32>,
        %get3A_437 = vector.shape_cast %get3A_436 : vector<1x16xf32> to vector<16xf32>
        %add3A_438 = arith.addf %get3A_433, %get3A_437 : vector<16xf32>
        %swap3A_439 = arith.index_cast %scan3A_67 : i32 to index
        %swap3A_440 = arith.constant 416 : index
        %swap3A_441 = tpu.vector_load %arg9[%swap3A_439, %swap3A_440] {strides = array<i32>} : memref<16x1024xf32, #tpu.memory_space<vmem>>, vector<1x16xf32>,
        %swap3A_442 = vector.shape_cast %swap3A_441 : vector<1x16xf32> to vector<16xf32>
        %swap3A_443 = vector.shape_cast %add3A_438 : vector<16xf32> to vector<1x16xf32>
        tpu.vector_store %arg9[%swap3A_439, %swap3A_440], %swap3A_443 {strides = array<i32>} : memref<16x1024xf32, #tpu.memory_space<vmem>>, vector<1x16xf32>,
        %get3A_444 = arith.index_cast %scan3A_67 : i32 to index
        %get3A_445 = arith.constant 432 : index
        %get3A_446 = tpu.vector_load %arg9[%get3A_444, %get3A_445] {strides = array<i32>} : memref<16x1024xf32, #tpu.memory_space<vmem>>, vector<1x16xf32>,
        %get3A_447 = vector.shape_cast %get3A_446 : vector<1x16xf32> to vector<16xf32>
        %get3A_448 = arith.index_cast %scan3A_67 : i32 to index
        %get3A_449 = arith.constant 432 : index
        %get3A_450 = tpu.vector_load %arg10[%get3A_448, %get3A_449] {strides = array<i32>} : memref<16x1024xf32, #tpu.memory_space<vmem>>, vector<1x16xf32>,
        %get3A_451 = vector.shape_cast %get3A_450 : vector<1x16xf32> to vector<16xf32>
        %add3A_452 = arith.addf %get3A_447, %get3A_451 : vector<16xf32>
        %swap3A_453 = arith.index_cast %scan3A_67 : i32 to index
        %swap3A_454 = arith.constant 432 : index
        %swap3A_455 = tpu.vector_load %arg9[%swap3A_453, %swap3A_454] {strides = array<i32>} : memref<16x1024xf32, #tpu.memory_space<vmem>>, vector<1x16xf32>,
        %swap3A_456 = vector.shape_cast %swap3A_455 : vector<1x16xf32> to vector<16xf32>
        %swap3A_457 = vector.shape_cast %add3A_452 : vector<16xf32> to vector<1x16xf32>
        tpu.vector_store %arg9[%swap3A_453, %swap3A_454], %swap3A_457 {strides = array<i32>} : memref<16x1024xf32, #tpu.memory_space<vmem>>, vector<1x16xf32>,
        %get3A_458 = arith.index_cast %scan3A_67 : i32 to index
        %get3A_459 = arith.constant 448 : index
        %get3A_460 = tpu.vector_load %arg9[%get3A_458, %get3A_459] {strides = array<i32>} : memref<16x1024xf32, #tpu.memory_space<vmem>>, vector<1x16xf32>,
        %get3A_461 = vector.shape_cast %get3A_460 : vector<1x16xf32> to vector<16xf32>
        %get3A_462 = arith.index_cast %scan3A_67 : i32 to index
        %get3A_463 = arith.constant 448 : index
        %get3A_464 = tpu.vector_load %arg10[%get3A_462, %get3A_463] {strides = array<i32>} : memref<16x1024xf32, #tpu.memory_space<vmem>>, vector<1x16xf32>,
        %get3A_465 = vector.shape_cast %get3A_464 : vector<1x16xf32> to vector<16xf32>
        %add3A_466 = arith.addf %get3A_461, %get3A_465 : vector<16xf32>
        %swap3A_467 = arith.index_cast %scan3A_67 : i32 to index
        %swap3A_468 = arith.constant 448 : index
        %swap3A_469 = tpu.vector_load %arg9[%swap3A_467, %swap3A_468] {strides = array<i32>} : memref<16x1024xf32, #tpu.memory_space<vmem>>, vector<1x16xf32>,
        %swap3A_470 = vector.shape_cast %swap3A_469 : vector<1x16xf32> to vector<16xf32>
        %swap3A_471 = vector.shape_cast %add3A_466 : vector<16xf32> to vector<1x16xf32>
        tpu.vector_store %arg9[%swap3A_467, %swap3A_468], %swap3A_471 {strides = array<i32>} : memref<16x1024xf32, #tpu.memory_space<vmem>>, vector<1x16xf32>,
        %get3A_472 = arith.index_cast %scan3A_67 : i32 to index
        %get3A_473 = arith.constant 464 : index
        %get3A_474 = tpu.vector_load %arg9[%get3A_472, %get3A_473] {strides = array<i32>} : memref<16x1024xf32, #tpu.memory_space<vmem>>, vector<1x16xf32>,
        %get3A_475 = vector.shape_cast %get3A_474 : vector<1x16xf32> to vector<16xf32>
        %get3A_476 = arith.index_cast %scan3A_67 : i32 to index
        %get3A_477 = arith.constant 464 : index
        %get3A_478 = tpu.vector_load %arg10[%get3A_476, %get3A_477] {strides = array<i32>} : memref<16x1024xf32, #tpu.memory_space<vmem>>, vector<1x16xf32>,
        %get3A_479 = vector.shape_cast %get3A_478 : vector<1x16xf32> to vector<16xf32>
        %add3A_480 = arith.addf %get3A_475, %get3A_479 : vector<16xf32>
        %swap3A_481 = arith.index_cast %scan3A_67 : i32 to index
        %swap3A_482 = arith.constant 464 : index
        %swap3A_483 = tpu.vector_load %arg9[%swap3A_481, %swap3A_482] {strides = array<i32>} : memref<16x1024xf32, #tpu.memory_space<vmem>>, vector<1x16xf32>,
        %swap3A_484 = vector.shape_cast %swap3A_483 : vector<1x16xf32> to vector<16xf32>
        %swap3A_485 = vector.shape_cast %add3A_480 : vector<16xf32> to vector<1x16xf32>
        tpu.vector_store %arg9[%swap3A_481, %swap3A_482], %swap3A_485 {strides = array<i32>} : memref<16x1024xf32, #tpu.memory_space<vmem>>, vector<1x16xf32>,
        %get3A_486 = arith.index_cast %scan3A_67 : i32 to index
        %get3A_487 = arith.constant 480 : index
        %get3A_488 = tpu.vector_load %arg9[%get3A_486, %get3A_487] {strides = array<i32>} : memref<16x1024xf32, #tpu.memory_space<vmem>>, vector<1x16xf32>,
        %get3A_489 = vector.shape_cast %get3A_488 : vector<1x16xf32> to vector<16xf32>
        %get3A_490 = arith.index_cast %scan3A_67 : i32 to index
        %get3A_491 = arith.constant 480 : index
        %get3A_492 = tpu.vector_load %arg10[%get3A_490, %get3A_491] {strides = array<i32>} : memref<16x1024xf32, #tpu.memory_space<vmem>>, vector<1x16xf32>,
        %get3A_493 = vector.shape_cast %get3A_492 : vector<1x16xf32> to vector<16xf32>
        %add3A_494 = arith.addf %get3A_489, %get3A_493 : vector<16xf32>
        %swap3A_495 = arith.index_cast %scan3A_67 : i32 to index
        %swap3A_496 = arith.constant 480 : index
        %swap3A_497 = tpu.vector_load %arg9[%swap3A_495, %swap3A_496] {strides = array<i32>} : memref<16x1024xf32, #tpu.memory_space<vmem>>, vector<1x16xf32>,
        %swap3A_498 = vector.shape_cast %swap3A_497 : vector<1x16xf32> to vector<16xf32>
        %swap3A_499 = vector.shape_cast %add3A_494 : vector<16xf32> to vector<1x16xf32>
        tpu.vector_store %arg9[%swap3A_495, %swap3A_496], %swap3A_499 {strides = array<i32>} : memref<16x1024xf32, #tpu.memory_space<vmem>>, vector<1x16xf32>,
        %get3A_500 = arith.index_cast %scan3A_67 : i32 to index
        %get3A_501 = arith.constant 496 : index
        %get3A_502 = tpu.vector_load %arg9[%get3A_500, %get3A_501] {strides = array<i32>} : memref<16x1024xf32, #tpu.memory_space<vmem>>, vector<1x16xf32>,
        %get3A_503 = vector.shape_cast %get3A_502 : vector<1x16xf32> to vector<16xf32>
        %get3A_504 = arith.index_cast %scan3A_67 : i32 to index
        %get3A_505 = arith.constant 496 : index
        %get3A_506 = tpu.vector_load %arg10[%get3A_504, %get3A_505] {strides = array<i32>} : memref<16x1024xf32, #tpu.memory_space<vmem>>, vector<1x16xf32>,
        %get3A_507 = vector.shape_cast %get3A_506 : vector<1x16xf32> to vector<16xf32>
        %add3A_508 = arith.addf %get3A_503, %get3A_507 : vector<16xf32>
        %swap3A_509 = arith.index_cast %scan3A_67 : i32 to index
        %swap3A_510 = arith.constant 496 : index
        %swap3A_511 = tpu.vector_load %arg9[%swap3A_509, %swap3A_510] {strides = array<i32>} : memref<16x1024xf32, #tpu.memory_space<vmem>>, vector<1x16xf32>,
        %swap3A_512 = vector.shape_cast %swap3A_511 : vector<1x16xf32> to vector<16xf32>
        %swap3A_513 = vector.shape_cast %add3A_508 : vector<16xf32> to vector<1x16xf32>
        tpu.vector_store %arg9[%swap3A_509, %swap3A_510], %swap3A_513 {strides = array<i32>} : memref<16x1024xf32, #tpu.memory_space<vmem>>, vector<1x16xf32>,
        %get3A_514 = arith.index_cast %scan3A_67 : i32 to index
        %get3A_515 = arith.constant 512 : index
        %get3A_516 = tpu.vector_load %arg9[%get3A_514, %get3A_515] {strides = array<i32>} : memref<16x1024xf32, #tpu.memory_space<vmem>>, vector<1x16xf32>,
        %get3A_517 = vector.shape_cast %get3A_516 : vector<1x16xf32> to vector<16xf32>
        %get3A_518 = arith.index_cast %scan3A_67 : i32 to index
        %get3A_519 = arith.constant 512 : index
        %get3A_520 = tpu.vector_load %arg10[%get3A_518, %get3A_519] {strides = array<i32>} : memref<16x1024xf32, #tpu.memory_space<vmem>>, vector<1x16xf32>,
        %get3A_521 = vector.shape_cast %get3A_520 : vector<1x16xf32> to vector<16xf32>
        %add3A_522 = arith.addf %get3A_517, %get3A_521 : vector<16xf32>
        %swap3A_523 = arith.index_cast %scan3A_67 : i32 to index
        %swap3A_524 = arith.constant 512 : index
        %swap3A_525 = tpu.vector_load %arg9[%swap3A_523, %swap3A_524] {strides = array<i32>} : memref<16x1024xf32, #tpu.memory_space<vmem>>, vector<1x16xf32>,
        %swap3A_526 = vector.shape_cast %swap3A_525 : vector<1x16xf32> to vector<16xf32>
        %swap3A_527 = vector.shape_cast %add3A_522 : vector<16xf32> to vector<1x16xf32>
        tpu.vector_store %arg9[%swap3A_523, %swap3A_524], %swap3A_527 {strides = array<i32>} : memref<16x1024xf32, #tpu.memory_space<vmem>>, vector<1x16xf32>,
        %get3A_528 = arith.index_cast %scan3A_67 : i32 to index
        %get3A_529 = arith.constant 528 : index
        %get3A_530 = tpu.vector_load %arg9[%get3A_528, %get3A_529] {strides = array<i32>} : memref<16x1024xf32, #tpu.memory_space<vmem>>, vector<1x16xf32>,
        %get3A_531 = vector.shape_cast %get3A_530 : vector<1x16xf32> to vector<16xf32>
        %get3A_532 = arith.index_cast %scan3A_67 : i32 to index
        %get3A_533 = arith.constant 528 : index
        %get3A_534 = tpu.vector_load %arg10[%get3A_532, %get3A_533] {strides = array<i32>} : memref<16x1024xf32, #tpu.memory_space<vmem>>, vector<1x16xf32>,
        %get3A_535 = vector.shape_cast %get3A_534 : vector<1x16xf32> to vector<16xf32>
        %add3A_536 = arith.addf %get3A_531, %get3A_535 : vector<16xf32>
        %swap3A_537 = arith.index_cast %scan3A_67 : i32 to index
        %swap3A_538 = arith.constant 528 : index
        %swap3A_539 = tpu.vector_load %arg9[%swap3A_537, %swap3A_538] {strides = array<i32>} : memref<16x1024xf32, #tpu.memory_space<vmem>>, vector<1x16xf32>,
        %swap3A_540 = vector.shape_cast %swap3A_539 : vector<1x16xf32> to vector<16xf32>
        %swap3A_541 = vector.shape_cast %add3A_536 : vector<16xf32> to vector<1x16xf32>
        tpu.vector_store %arg9[%swap3A_537, %swap3A_538], %swap3A_541 {strides = array<i32>} : memref<16x1024xf32, #tpu.memory_space<vmem>>, vector<1x16xf32>,
        %get3A_542 = arith.index_cast %scan3A_67 : i32 to index
        %get3A_543 = arith.constant 544 : index
        %get3A_544 = tpu.vector_load %arg9[%get3A_542, %get3A_543] {strides = array<i32>} : memref<16x1024xf32, #tpu.memory_space<vmem>>, vector<1x16xf32>,
        %get3A_545 = vector.shape_cast %get3A_544 : vector<1x16xf32> to vector<16xf32>
        %get3A_546 = arith.index_cast %scan3A_67 : i32 to index
        %get3A_547 = arith.constant 544 : index
        %get3A_548 = tpu.vector_load %arg10[%get3A_546, %get3A_547] {strides = array<i32>} : memref<16x1024xf32, #tpu.memory_space<vmem>>, vector<1x16xf32>,
        %get3A_549 = vector.shape_cast %get3A_548 : vector<1x16xf32> to vector<16xf32>
        %add3A_550 = arith.addf %get3A_545, %get3A_549 : vector<16xf32>
        %swap3A_551 = arith.index_cast %scan3A_67 : i32 to index
        %swap3A_552 = arith.constant 544 : index
        %swap3A_553 = tpu.vector_load %arg9[%swap3A_551, %swap3A_552] {strides = array<i32>} : memref<16x1024xf32, #tpu.memory_space<vmem>>, vector<1x16xf32>,
        %swap3A_554 = vector.shape_cast %swap3A_553 : vector<1x16xf32> to vector<16xf32>
        %swap3A_555 = vector.shape_cast %add3A_550 : vector<16xf32> to vector<1x16xf32>
        tpu.vector_store %arg9[%swap3A_551, %swap3A_552], %swap3A_555 {strides = array<i32>} : memref<16x1024xf32, #tpu.memory_space<vmem>>, vector<1x16xf32>,
        %get3A_556 = arith.index_cast %scan3A_67 : i32 to index
        %get3A_557 = arith.constant 560 : index
        %get3A_558 = tpu.vector_load %arg9[%get3A_556, %get3A_557] {strides = array<i32>} : memref<16x1024xf32, #tpu.memory_space<vmem>>, vector<1x16xf32>,
        %get3A_559 = vector.shape_cast %get3A_558 : vector<1x16xf32> to vector<16xf32>
        %get3A_560 = arith.index_cast %scan3A_67 : i32 to index
        %get3A_561 = arith.constant 560 : index
        %get3A_562 = tpu.vector_load %arg10[%get3A_560, %get3A_561] {strides = array<i32>} : memref<16x1024xf32, #tpu.memory_space<vmem>>, vector<1x16xf32>,
        %get3A_563 = vector.shape_cast %get3A_562 : vector<1x16xf32> to vector<16xf32>
        %add3A_564 = arith.addf %get3A_559, %get3A_563 : vector<16xf32>
        %swap3A_565 = arith.index_cast %scan3A_67 : i32 to index
        %swap3A_566 = arith.constant 560 : index
        %swap3A_567 = tpu.vector_load %arg9[%swap3A_565, %swap3A_566] {strides = array<i32>} : memref<16x1024xf32, #tpu.memory_space<vmem>>, vector<1x16xf32>,
        %swap3A_568 = vector.shape_cast %swap3A_567 : vector<1x16xf32> to vector<16xf32>
        %swap3A_569 = vector.shape_cast %add3A_564 : vector<16xf32> to vector<1x16xf32>
        tpu.vector_store %arg9[%swap3A_565, %swap3A_566], %swap3A_569 {strides = array<i32>} : memref<16x1024xf32, #tpu.memory_space<vmem>>, vector<1x16xf32>,
        %get3A_570 = arith.index_cast %scan3A_67 : i32 to index
        %get3A_571 = arith.constant 576 : index
        %get3A_572 = tpu.vector_load %arg9[%get3A_570, %get3A_571] {strides = array<i32>} : memref<16x1024xf32, #tpu.memory_space<vmem>>, vector<1x16xf32>,
        %get3A_573 = vector.shape_cast %get3A_572 : vector<1x16xf32> to vector<16xf32>
        %get3A_574 = arith.index_cast %scan3A_67 : i32 to index
        %get3A_575 = arith.constant 576 : index
        %get3A_576 = tpu.vector_load %arg10[%get3A_574, %get3A_575] {strides = array<i32>} : memref<16x1024xf32, #tpu.memory_space<vmem>>, vector<1x16xf32>,
        %get3A_577 = vector.shape_cast %get3A_576 : vector<1x16xf32> to vector<16xf32>
        %add3A_578 = arith.addf %get3A_573, %get3A_577 : vector<16xf32>
        %swap3A_579 = arith.index_cast %scan3A_67 : i32 to index
        %swap3A_580 = arith.constant 576 : index
        %swap3A_581 = tpu.vector_load %arg9[%swap3A_579, %swap3A_580] {strides = array<i32>} : memref<16x1024xf32, #tpu.memory_space<vmem>>, vector<1x16xf32>,
        %swap3A_582 = vector.shape_cast %swap3A_581 : vector<1x16xf32> to vector<16xf32>
        %swap3A_583 = vector.shape_cast %add3A_578 : vector<16xf32> to vector<1x16xf32>
        tpu.vector_store %arg9[%swap3A_579, %swap3A_580], %swap3A_583 {strides = array<i32>} : memref<16x1024xf32, #tpu.memory_space<vmem>>, vector<1x16xf32>,
        %get3A_584 = arith.index_cast %scan3A_67 : i32 to index
        %get3A_585 = arith.constant 592 : index
        %get3A_586 = tpu.vector_load %arg9[%get3A_584, %get3A_585] {strides = array<i32>} : memref<16x1024xf32, #tpu.memory_space<vmem>>, vector<1x16xf32>,
        %get3A_587 = vector.shape_cast %get3A_586 : vector<1x16xf32> to vector<16xf32>
        %get3A_588 = arith.index_cast %scan3A_67 : i32 to index
        %get3A_589 = arith.constant 592 : index
        %get3A_590 = tpu.vector_load %arg10[%get3A_588, %get3A_589] {strides = array<i32>} : memref<16x1024xf32, #tpu.memory_space<vmem>>, vector<1x16xf32>,
        %get3A_591 = vector.shape_cast %get3A_590 : vector<1x16xf32> to vector<16xf32>
        %add3A_592 = arith.addf %get3A_587, %get3A_591 : vector<16xf32>
        %swap3A_593 = arith.index_cast %scan3A_67 : i32 to index
        %swap3A_594 = arith.constant 592 : index
        %swap3A_595 = tpu.vector_load %arg9[%swap3A_593, %swap3A_594] {strides = array<i32>} : memref<16x1024xf32, #tpu.memory_space<vmem>>, vector<1x16xf32>,
        %swap3A_596 = vector.shape_cast %swap3A_595 : vector<1x16xf32> to vector<16xf32>
        %swap3A_597 = vector.shape_cast %add3A_592 : vector<16xf32> to vector<1x16xf32>
        tpu.vector_store %arg9[%swap3A_593, %swap3A_594], %swap3A_597 {strides = array<i32>} : memref<16x1024xf32, #tpu.memory_space<vmem>>, vector<1x16xf32>,
        %get3A_598 = arith.index_cast %scan3A_67 : i32 to index
        %get3A_599 = arith.constant 608 : index
        %get3A_600 = tpu.vector_load %arg9[%get3A_598, %get3A_599] {strides = array<i32>} : memref<16x1024xf32, #tpu.memory_space<vmem>>, vector<1x16xf32>,
        %get3A_601 = vector.shape_cast %get3A_600 : vector<1x16xf32> to vector<16xf32>
        %get3A_602 = arith.index_cast %scan3A_67 : i32 to index
        %get3A_603 = arith.constant 608 : index
        %get3A_604 = tpu.vector_load %arg10[%get3A_602, %get3A_603] {strides = array<i32>} : memref<16x1024xf32, #tpu.memory_space<vmem>>, vector<1x16xf32>,
        %get3A_605 = vector.shape_cast %get3A_604 : vector<1x16xf32> to vector<16xf32>
        %add3A_606 = arith.addf %get3A_601, %get3A_605 : vector<16xf32>
        %swap3A_607 = arith.index_cast %scan3A_67 : i32 to index
        %swap3A_608 = arith.constant 608 : index
        %swap3A_609 = tpu.vector_load %arg9[%swap3A_607, %swap3A_608] {strides = array<i32>} : memref<16x1024xf32, #tpu.memory_space<vmem>>, vector<1x16xf32>,
        %swap3A_610 = vector.shape_cast %swap3A_609 : vector<1x16xf32> to vector<16xf32>
        %swap3A_611 = vector.shape_cast %add3A_606 : vector<16xf32> to vector<1x16xf32>
        tpu.vector_store %arg9[%swap3A_607, %swap3A_608], %swap3A_611 {strides = array<i32>} : memref<16x1024xf32, #tpu.memory_space<vmem>>, vector<1x16xf32>,
        %get3A_612 = arith.index_cast %scan3A_67 : i32 to index
        %get3A_613 = arith.constant 624 : index
        %get3A_614 = tpu.vector_load %arg9[%get3A_612, %get3A_613] {strides = array<i32>} : memref<16x1024xf32, #tpu.memory_space<vmem>>, vector<1x16xf32>,
        %get3A_615 = vector.shape_cast %get3A_614 : vector<1x16xf32> to vector<16xf32>
        %get3A_616 = arith.index_cast %scan3A_67 : i32 to index
        %get3A_617 = arith.constant 624 : index
        %get3A_618 = tpu.vector_load %arg10[%get3A_616, %get3A_617] {strides = array<i32>} : memref<16x1024xf32, #tpu.memory_space<vmem>>, vector<1x16xf32>,
        %get3A_619 = vector.shape_cast %get3A_618 : vector<1x16xf32> to vector<16xf32>
        %add3A_620 = arith.addf %get3A_615, %get3A_619 : vector<16xf32>
        %swap3A_621 = arith.index_cast %scan3A_67 : i32 to index
        %swap3A_622 = arith.constant 624 : index
        %swap3A_623 = tpu.vector_load %arg9[%swap3A_621, %swap3A_622] {strides = array<i32>} : memref<16x1024xf32, #tpu.memory_space<vmem>>, vector<1x16xf32>,
        %swap3A_624 = vector.shape_cast %swap3A_623 : vector<1x16xf32> to vector<16xf32>
        %swap3A_625 = vector.shape_cast %add3A_620 : vector<16xf32> to vector<1x16xf32>
        tpu.vector_store %arg9[%swap3A_621, %swap3A_622], %swap3A_625 {strides = array<i32>} : memref<16x1024xf32, #tpu.memory_space<vmem>>, vector<1x16xf32>,
        %get3A_626 = arith.index_cast %scan3A_67 : i32 to index
        %get3A_627 = arith.constant 640 : index
        %get3A_628 = tpu.vector_load %arg9[%get3A_626, %get3A_627] {strides = array<i32>} : memref<16x1024xf32, #tpu.memory_space<vmem>>, vector<1x16xf32>,
        %get3A_629 = vector.shape_cast %get3A_628 : vector<1x16xf32> to vector<16xf32>
        %get3A_630 = arith.index_cast %scan3A_67 : i32 to index
        %get3A_631 = arith.constant 640 : index
        %get3A_632 = tpu.vector_load %arg10[%get3A_630, %get3A_631] {strides = array<i32>} : memref<16x1024xf32, #tpu.memory_space<vmem>>, vector<1x16xf32>,
        %get3A_633 = vector.shape_cast %get3A_632 : vector<1x16xf32> to vector<16xf32>
        %add3A_634 = arith.addf %get3A_629, %get3A_633 : vector<16xf32>
        %swap3A_635 = arith.index_cast %scan3A_67 : i32 to index
        %swap3A_636 = arith.constant 640 : index
        %swap3A_637 = tpu.vector_load %arg9[%swap3A_635, %swap3A_636] {strides = array<i32>} : memref<16x1024xf32, #tpu.memory_space<vmem>>, vector<1x16xf32>,
        %swap3A_638 = vector.shape_cast %swap3A_637 : vector<1x16xf32> to vector<16xf32>
        %swap3A_639 = vector.shape_cast %add3A_634 : vector<16xf32> to vector<1x16xf32>
        tpu.vector_store %arg9[%swap3A_635, %swap3A_636], %swap3A_639 {strides = array<i32>} : memref<16x1024xf32, #tpu.memory_space<vmem>>, vector<1x16xf32>,
        %get3A_640 = arith.index_cast %scan3A_67 : i32 to index
        %get3A_641 = arith.constant 656 : index
        %get3A_642 = tpu.vector_load %arg9[%get3A_640, %get3A_641] {strides = array<i32>} : memref<16x1024xf32, #tpu.memory_space<vmem>>, vector<1x16xf32>,
        %get3A_643 = vector.shape_cast %get3A_642 : vector<1x16xf32> to vector<16xf32>
        %get3A_644 = arith.index_cast %scan3A_67 : i32 to index
        %get3A_645 = arith.constant 656 : index
        %get3A_646 = tpu.vector_load %arg10[%get3A_644, %get3A_645] {strides = array<i32>} : memref<16x1024xf32, #tpu.memory_space<vmem>>, vector<1x16xf32>,
        %get3A_647 = vector.shape_cast %get3A_646 : vector<1x16xf32> to vector<16xf32>
        %add3A_648 = arith.addf %get3A_643, %get3A_647 : vector<16xf32>
        %swap3A_649 = arith.index_cast %scan3A_67 : i32 to index
        %swap3A_650 = arith.constant 656 : index
        %swap3A_651 = tpu.vector_load %arg9[%swap3A_649, %swap3A_650] {strides = array<i32>} : memref<16x1024xf32, #tpu.memory_space<vmem>>, vector<1x16xf32>,
        %swap3A_652 = vector.shape_cast %swap3A_651 : vector<1x16xf32> to vector<16xf32>
        %swap3A_653 = vector.shape_cast %add3A_648 : vector<16xf32> to vector<1x16xf32>
        tpu.vector_store %arg9[%swap3A_649, %swap3A_650], %swap3A_653 {strides = array<i32>} : memref<16x1024xf32, #tpu.memory_space<vmem>>, vector<1x16xf32>,
        %get3A_654 = arith.index_cast %scan3A_67 : i32 to index
        %get3A_655 = arith.constant 672 : index
        %get3A_656 = tpu.vector_load %arg9[%get3A_654, %get3A_655] {strides = array<i32>} : memref<16x1024xf32, #tpu.memory_space<vmem>>, vector<1x16xf32>,
        %get3A_657 = vector.shape_cast %get3A_656 : vector<1x16xf32> to vector<16xf32>
        %get3A_658 = arith.index_cast %scan3A_67 : i32 to index
        %get3A_659 = arith.constant 672 : index
        %get3A_660 = tpu.vector_load %arg10[%get3A_658, %get3A_659] {strides = array<i32>} : memref<16x1024xf32, #tpu.memory_space<vmem>>, vector<1x16xf32>,
        %get3A_661 = vector.shape_cast %get3A_660 : vector<1x16xf32> to vector<16xf32>
        %add3A_662 = arith.addf %get3A_657, %get3A_661 : vector<16xf32>
        %swap3A_663 = arith.index_cast %scan3A_67 : i32 to index
        %swap3A_664 = arith.constant 672 : index
        %swap3A_665 = tpu.vector_load %arg9[%swap3A_663, %swap3A_664] {strides = array<i32>} : memref<16x1024xf32, #tpu.memory_space<vmem>>, vector<1x16xf32>,
        %swap3A_666 = vector.shape_cast %swap3A_665 : vector<1x16xf32> to vector<16xf32>
        %swap3A_667 = vector.shape_cast %add3A_662 : vector<16xf32> to vector<1x16xf32>
        tpu.vector_store %arg9[%swap3A_663, %swap3A_664], %swap3A_667 {strides = array<i32>} : memref<16x1024xf32, #tpu.memory_space<vmem>>, vector<1x16xf32>,
        %get3A_668 = arith.index_cast %scan3A_67 : i32 to index
        %get3A_669 = arith.constant 688 : index
        %get3A_670 = tpu.vector_load %arg9[%get3A_668, %get3A_669] {strides = array<i32>} : memref<16x1024xf32, #tpu.memory_space<vmem>>, vector<1x16xf32>,
        %get3A_671 = vector.shape_cast %get3A_670 : vector<1x16xf32> to vector<16xf32>
        %get3A_672 = arith.index_cast %scan3A_67 : i32 to index
        %get3A_673 = arith.constant 688 : index
        %get3A_674 = tpu.vector_load %arg10[%get3A_672, %get3A_673] {strides = array<i32>} : memref<16x1024xf32, #tpu.memory_space<vmem>>, vector<1x16xf32>,
        %get3A_675 = vector.shape_cast %get3A_674 : vector<1x16xf32> to vector<16xf32>
        %add3A_676 = arith.addf %get3A_671, %get3A_675 : vector<16xf32>
        %swap3A_677 = arith.index_cast %scan3A_67 : i32 to index
        %swap3A_678 = arith.constant 688 : index
        %swap3A_679 = tpu.vector_load %arg9[%swap3A_677, %swap3A_678] {strides = array<i32>} : memref<16x1024xf32, #tpu.memory_space<vmem>>, vector<1x16xf32>,
        %swap3A_680 = vector.shape_cast %swap3A_679 : vector<1x16xf32> to vector<16xf32>
        %swap3A_681 = vector.shape_cast %add3A_676 : vector<16xf32> to vector<1x16xf32>
        tpu.vector_store %arg9[%swap3A_677, %swap3A_678], %swap3A_681 {strides = array<i32>} : memref<16x1024xf32, #tpu.memory_space<vmem>>, vector<1x16xf32>,
        %get3A_682 = arith.index_cast %scan3A_67 : i32 to index
        %get3A_683 = arith.constant 704 : index
        %get3A_684 = tpu.vector_load %arg9[%get3A_682, %get3A_683] {strides = array<i32>} : memref<16x1024xf32, #tpu.memory_space<vmem>>, vector<1x16xf32>,
        %get3A_685 = vector.shape_cast %get3A_684 : vector<1x16xf32> to vector<16xf32>
        %get3A_686 = arith.index_cast %scan3A_67 : i32 to index
        %get3A_687 = arith.constant 704 : index
        %get3A_688 = tpu.vector_load %arg10[%get3A_686, %get3A_687] {strides = array<i32>} : memref<16x1024xf32, #tpu.memory_space<vmem>>, vector<1x16xf32>,
        %get3A_689 = vector.shape_cast %get3A_688 : vector<1x16xf32> to vector<16xf32>
        %add3A_690 = arith.addf %get3A_685, %get3A_689 : vector<16xf32>
        %swap3A_691 = arith.index_cast %scan3A_67 : i32 to index
        %swap3A_692 = arith.constant 704 : index
        %swap3A_693 = tpu.vector_load %arg9[%swap3A_691, %swap3A_692] {strides = array<i32>} : memref<16x1024xf32, #tpu.memory_space<vmem>>, vector<1x16xf32>,
        %swap3A_694 = vector.shape_cast %swap3A_693 : vector<1x16xf32> to vector<16xf32>
        %swap3A_695 = vector.shape_cast %add3A_690 : vector<16xf32> to vector<1x16xf32>
        tpu.vector_store %arg9[%swap3A_691, %swap3A_692], %swap3A_695 {strides = array<i32>} : memref<16x1024xf32, #tpu.memory_space<vmem>>, vector<1x16xf32>,
        %get3A_696 = arith.index_cast %scan3A_67 : i32 to index
        %get3A_697 = arith.constant 720 : index
        %get3A_698 = tpu.vector_load %arg9[%get3A_696, %get3A_697] {strides = array<i32>} : memref<16x1024xf32, #tpu.memory_space<vmem>>, vector<1x16xf32>,
        %get3A_699 = vector.shape_cast %get3A_698 : vector<1x16xf32> to vector<16xf32>
        %get3A_700 = arith.index_cast %scan3A_67 : i32 to index
        %get3A_701 = arith.constant 720 : index
        %get3A_702 = tpu.vector_load %arg10[%get3A_700, %get3A_701] {strides = array<i32>} : memref<16x1024xf32, #tpu.memory_space<vmem>>, vector<1x16xf32>,
        %get3A_703 = vector.shape_cast %get3A_702 : vector<1x16xf32> to vector<16xf32>
        %add3A_704 = arith.addf %get3A_699, %get3A_703 : vector<16xf32>
        %swap3A_705 = arith.index_cast %scan3A_67 : i32 to index
        %swap3A_706 = arith.constant 720 : index
        %swap3A_707 = tpu.vector_load %arg9[%swap3A_705, %swap3A_706] {strides = array<i32>} : memref<16x1024xf32, #tpu.memory_space<vmem>>, vector<1x16xf32>,
        %swap3A_708 = vector.shape_cast %swap3A_707 : vector<1x16xf32> to vector<16xf32>
        %swap3A_709 = vector.shape_cast %add3A_704 : vector<16xf32> to vector<1x16xf32>
        tpu.vector_store %arg9[%swap3A_705, %swap3A_706], %swap3A_709 {strides = array<i32>} : memref<16x1024xf32, #tpu.memory_space<vmem>>, vector<1x16xf32>,
        %get3A_710 = arith.index_cast %scan3A_67 : i32 to index
        %get3A_711 = arith.constant 736 : index
        %get3A_712 = tpu.vector_load %arg9[%get3A_710, %get3A_711] {strides = array<i32>} : memref<16x1024xf32, #tpu.memory_space<vmem>>, vector<1x16xf32>,
        %get3A_713 = vector.shape_cast %get3A_712 : vector<1x16xf32> to vector<16xf32>
        %get3A_714 = arith.index_cast %scan3A_67 : i32 to index
        %get3A_715 = arith.constant 736 : index
        %get3A_716 = tpu.vector_load %arg10[%get3A_714, %get3A_715] {strides = array<i32>} : memref<16x1024xf32, #tpu.memory_space<vmem>>, vector<1x16xf32>,
        %get3A_717 = vector.shape_cast %get3A_716 : vector<1x16xf32> to vector<16xf32>
        %add3A_718 = arith.addf %get3A_713, %get3A_717 : vector<16xf32>
        %swap3A_719 = arith.index_cast %scan3A_67 : i32 to index
        %swap3A_720 = arith.constant 736 : index
        %swap3A_721 = tpu.vector_load %arg9[%swap3A_719, %swap3A_720] {strides = array<i32>} : memref<16x1024xf32, #tpu.memory_space<vmem>>, vector<1x16xf32>,
        %swap3A_722 = vector.shape_cast %swap3A_721 : vector<1x16xf32> to vector<16xf32>
        %swap3A_723 = vector.shape_cast %add3A_718 : vector<16xf32> to vector<1x16xf32>
        tpu.vector_store %arg9[%swap3A_719, %swap3A_720], %swap3A_723 {strides = array<i32>} : memref<16x1024xf32, #tpu.memory_space<vmem>>, vector<1x16xf32>,
        %get3A_724 = arith.index_cast %scan3A_67 : i32 to index
        %get3A_725 = arith.constant 752 : index
        %get3A_726 = tpu.vector_load %arg9[%get3A_724, %get3A_725] {strides = array<i32>} : memref<16x1024xf32, #tpu.memory_space<vmem>>, vector<1x16xf32>,
        %get3A_727 = vector.shape_cast %get3A_726 : vector<1x16xf32> to vector<16xf32>
        %get3A_728 = arith.index_cast %scan3A_67 : i32 to index
        %get3A_729 = arith.constant 752 : index
        %get3A_730 = tpu.vector_load %arg10[%get3A_728, %get3A_729] {strides = array<i32>} : memref<16x1024xf32, #tpu.memory_space<vmem>>, vector<1x16xf32>,
        %get3A_731 = vector.shape_cast %get3A_730 : vector<1x16xf32> to vector<16xf32>
        %add3A_732 = arith.addf %get3A_727, %get3A_731 : vector<16xf32>
        %swap3A_733 = arith.index_cast %scan3A_67 : i32 to index
        %swap3A_734 = arith.constant 752 : index
        %swap3A_735 = tpu.vector_load %arg9[%swap3A_733, %swap3A_734] {strides = array<i32>} : memref<16x1024xf32, #tpu.memory_space<vmem>>, vector<1x16xf32>,
        %swap3A_736 = vector.shape_cast %swap3A_735 : vector<1x16xf32> to vector<16xf32>
        %swap3A_737 = vector.shape_cast %add3A_732 : vector<16xf32> to vector<1x16xf32>
        tpu.vector_store %arg9[%swap3A_733, %swap3A_734], %swap3A_737 {strides = array<i32>} : memref<16x1024xf32, #tpu.memory_space<vmem>>, vector<1x16xf32>,
        %get3A_738 = arith.index_cast %scan3A_67 : i32 to index
        %get3A_739 = arith.constant 768 : index
        %get3A_740 = tpu.vector_load %arg9[%get3A_738, %get3A_739] {strides = array<i32>} : memref<16x1024xf32, #tpu.memory_space<vmem>>, vector<1x16xf32>,
        %get3A_741 = vector.shape_cast %get3A_740 : vector<1x16xf32> to vector<16xf32>
        %get3A_742 = arith.index_cast %scan3A_67 : i32 to index
        %get3A_743 = arith.constant 768 : index
        %get3A_744 = tpu.vector_load %arg10[%get3A_742, %get3A_743] {strides = array<i32>} : memref<16x1024xf32, #tpu.memory_space<vmem>>, vector<1x16xf32>,
        %get3A_745 = vector.shape_cast %get3A_744 : vector<1x16xf32> to vector<16xf32>
        %add3A_746 = arith.addf %get3A_741, %get3A_745 : vector<16xf32>
        %swap3A_747 = arith.index_cast %scan3A_67 : i32 to index
        %swap3A_748 = arith.constant 768 : index
        %swap3A_749 = tpu.vector_load %arg9[%swap3A_747, %swap3A_748] {strides = array<i32>} : memref<16x1024xf32, #tpu.memory_space<vmem>>, vector<1x16xf32>,
        %swap3A_750 = vector.shape_cast %swap3A_749 : vector<1x16xf32> to vector<16xf32>
        %swap3A_751 = vector.shape_cast %add3A_746 : vector<16xf32> to vector<1x16xf32>
        tpu.vector_store %arg9[%swap3A_747, %swap3A_748], %swap3A_751 {strides = array<i32>} : memref<16x1024xf32, #tpu.memory_space<vmem>>, vector<1x16xf32>,
        %get3A_752 = arith.index_cast %scan3A_67 : i32 to index
        %get3A_753 = arith.constant 784 : index
        %get3A_754 = tpu.vector_load %arg9[%get3A_752, %get3A_753] {strides = array<i32>} : memref<16x1024xf32, #tpu.memory_space<vmem>>, vector<1x16xf32>,
        %get3A_755 = vector.shape_cast %get3A_754 : vector<1x16xf32> to vector<16xf32>
        %get3A_756 = arith.index_cast %scan3A_67 : i32 to index
        %get3A_757 = arith.constant 784 : index
        %get3A_758 = tpu.vector_load %arg10[%get3A_756, %get3A_757] {strides = array<i32>} : memref<16x1024xf32, #tpu.memory_space<vmem>>, vector<1x16xf32>,
        %get3A_759 = vector.shape_cast %get3A_758 : vector<1x16xf32> to vector<16xf32>
        %add3A_760 = arith.addf %get3A_755, %get3A_759 : vector<16xf32>
        %swap3A_761 = arith.index_cast %scan3A_67 : i32 to index
        %swap3A_762 = arith.constant 784 : index
        %swap3A_763 = tpu.vector_load %arg9[%swap3A_761, %swap3A_762] {strides = array<i32>} : memref<16x1024xf32, #tpu.memory_space<vmem>>, vector<1x16xf32>,
        %swap3A_764 = vector.shape_cast %swap3A_763 : vector<1x16xf32> to vector<16xf32>
        %swap3A_765 = vector.shape_cast %add3A_760 : vector<16xf32> to vector<1x16xf32>
        tpu.vector_store %arg9[%swap3A_761, %swap3A_762], %swap3A_765 {strides = array<i32>} : memref<16x1024xf32, #tpu.memory_space<vmem>>, vector<1x16xf32>,
        %get3A_766 = arith.index_cast %scan3A_67 : i32 to index
        %get3A_767 = arith.constant 800 : index
        %get3A_768 = tpu.vector_load %arg9[%get3A_766, %get3A_767] {strides = array<i32>} : memref<16x1024xf32, #tpu.memory_space<vmem>>, vector<1x16xf32>,
        %get3A_769 = vector.shape_cast %get3A_768 : vector<1x16xf32> to vector<16xf32>
        %get3A_770 = arith.index_cast %scan3A_67 : i32 to index
        %get3A_771 = arith.constant 800 : index
        %get3A_772 = tpu.vector_load %arg10[%get3A_770, %get3A_771] {strides = array<i32>} : memref<16x1024xf32, #tpu.memory_space<vmem>>, vector<1x16xf32>,
        %get3A_773 = vector.shape_cast %get3A_772 : vector<1x16xf32> to vector<16xf32>
        %add3A_774 = arith.addf %get3A_769, %get3A_773 : vector<16xf32>
        %swap3A_775 = arith.index_cast %scan3A_67 : i32 to index
        %swap3A_776 = arith.constant 800 : index
        %swap3A_777 = tpu.vector_load %arg9[%swap3A_775, %swap3A_776] {strides = array<i32>} : memref<16x1024xf32, #tpu.memory_space<vmem>>, vector<1x16xf32>,
        %swap3A_778 = vector.shape_cast %swap3A_777 : vector<1x16xf32> to vector<16xf32>
        %swap3A_779 = vector.shape_cast %add3A_774 : vector<16xf32> to vector<1x16xf32>
        tpu.vector_store %arg9[%swap3A_775, %swap3A_776], %swap3A_779 {strides = array<i32>} : memref<16x1024xf32, #tpu.memory_space<vmem>>, vector<1x16xf32>,
        %get3A_780 = arith.index_cast %scan3A_67 : i32 to index
        %get3A_781 = arith.constant 816 : index
        %get3A_782 = tpu.vector_load %arg9[%get3A_780, %get3A_781] {strides = array<i32>} : memref<16x1024xf32, #tpu.memory_space<vmem>>, vector<1x16xf32>,
        %get3A_783 = vector.shape_cast %get3A_782 : vector<1x16xf32> to vector<16xf32>
        %get3A_784 = arith.index_cast %scan3A_67 : i32 to index
        %get3A_785 = arith.constant 816 : index
        %get3A_786 = tpu.vector_load %arg10[%get3A_784, %get3A_785] {strides = array<i32>} : memref<16x1024xf32, #tpu.memory_space<vmem>>, vector<1x16xf32>,
        %get3A_787 = vector.shape_cast %get3A_786 : vector<1x16xf32> to vector<16xf32>
        %add3A_788 = arith.addf %get3A_783, %get3A_787 : vector<16xf32>
        %swap3A_789 = arith.index_cast %scan3A_67 : i32 to index
        %swap3A_790 = arith.constant 816 : index
        %swap3A_791 = tpu.vector_load %arg9[%swap3A_789, %swap3A_790] {strides = array<i32>} : memref<16x1024xf32, #tpu.memory_space<vmem>>, vector<1x16xf32>,
        %swap3A_792 = vector.shape_cast %swap3A_791 : vector<1x16xf32> to vector<16xf32>
        %swap3A_793 = vector.shape_cast %add3A_788 : vector<16xf32> to vector<1x16xf32>
        tpu.vector_store %arg9[%swap3A_789, %swap3A_790], %swap3A_793 {strides = array<i32>} : memref<16x1024xf32, #tpu.memory_space<vmem>>, vector<1x16xf32>,
        %get3A_794 = arith.index_cast %scan3A_67 : i32 to index
        %get3A_795 = arith.constant 832 : index
        %get3A_796 = tpu.vector_load %arg9[%get3A_794, %get3A_795] {strides = array<i32>} : memref<16x1024xf32, #tpu.memory_space<vmem>>, vector<1x16xf32>,
        %get3A_797 = vector.shape_cast %get3A_796 : vector<1x16xf32> to vector<16xf32>
        %get3A_798 = arith.index_cast %scan3A_67 : i32 to index
        %get3A_799 = arith.constant 832 : index
        %get3A_800 = tpu.vector_load %arg10[%get3A_798, %get3A_799] {strides = array<i32>} : memref<16x1024xf32, #tpu.memory_space<vmem>>, vector<1x16xf32>,
        %get3A_801 = vector.shape_cast %get3A_800 : vector<1x16xf32> to vector<16xf32>
        %add3A_802 = arith.addf %get3A_797, %get3A_801 : vector<16xf32>
        %swap3A_803 = arith.index_cast %scan3A_67 : i32 to index
        %swap3A_804 = arith.constant 832 : index
        %swap3A_805 = tpu.vector_load %arg9[%swap3A_803, %swap3A_804] {strides = array<i32>} : memref<16x1024xf32, #tpu.memory_space<vmem>>, vector<1x16xf32>,
        %swap3A_806 = vector.shape_cast %swap3A_805 : vector<1x16xf32> to vector<16xf32>
        %swap3A_807 = vector.shape_cast %add3A_802 : vector<16xf32> to vector<1x16xf32>
        tpu.vector_store %arg9[%swap3A_803, %swap3A_804], %swap3A_807 {strides = array<i32>} : memref<16x1024xf32, #tpu.memory_space<vmem>>, vector<1x16xf32>,
        %get3A_808 = arith.index_cast %scan3A_67 : i32 to index
        %get3A_809 = arith.constant 848 : index
        %get3A_810 = tpu.vector_load %arg9[%get3A_808, %get3A_809] {strides = array<i32>} : memref<16x1024xf32, #tpu.memory_space<vmem>>, vector<1x16xf32>,
        %get3A_811 = vector.shape_cast %get3A_810 : vector<1x16xf32> to vector<16xf32>
        %get3A_812 = arith.index_cast %scan3A_67 : i32 to index
        %get3A_813 = arith.constant 848 : index
        %get3A_814 = tpu.vector_load %arg10[%get3A_812, %get3A_813] {strides = array<i32>} : memref<16x1024xf32, #tpu.memory_space<vmem>>, vector<1x16xf32>,
        %get3A_815 = vector.shape_cast %get3A_814 : vector<1x16xf32> to vector<16xf32>
        %add3A_816 = arith.addf %get3A_811, %get3A_815 : vector<16xf32>
        %swap3A_817 = arith.index_cast %scan3A_67 : i32 to index
        %swap3A_818 = arith.constant 848 : index
        %swap3A_819 = tpu.vector_load %arg9[%swap3A_817, %swap3A_818] {strides = array<i32>} : memref<16x1024xf32, #tpu.memory_space<vmem>>, vector<1x16xf32>,
        %swap3A_820 = vector.shape_cast %swap3A_819 : vector<1x16xf32> to vector<16xf32>
        %swap3A_821 = vector.shape_cast %add3A_816 : vector<16xf32> to vector<1x16xf32>
        tpu.vector_store %arg9[%swap3A_817, %swap3A_818], %swap3A_821 {strides = array<i32>} : memref<16x1024xf32, #tpu.memory_space<vmem>>, vector<1x16xf32>,
        %get3A_822 = arith.index_cast %scan3A_67 : i32 to index
        %get3A_823 = arith.constant 864 : index
        %get3A_824 = tpu.vector_load %arg9[%get3A_822, %get3A_823] {strides = array<i32>} : memref<16x1024xf32, #tpu.memory_space<vmem>>, vector<1x16xf32>,
        %get3A_825 = vector.shape_cast %get3A_824 : vector<1x16xf32> to vector<16xf32>
        %get3A_826 = arith.index_cast %scan3A_67 : i32 to index
        %get3A_827 = arith.constant 864 : index
        %get3A_828 = tpu.vector_load %arg10[%get3A_826, %get3A_827] {strides = array<i32>} : memref<16x1024xf32, #tpu.memory_space<vmem>>, vector<1x16xf32>,
        %get3A_829 = vector.shape_cast %get3A_828 : vector<1x16xf32> to vector<16xf32>
        %add3A_830 = arith.addf %get3A_825, %get3A_829 : vector<16xf32>
        %swap3A_831 = arith.index_cast %scan3A_67 : i32 to index
        %swap3A_832 = arith.constant 864 : index
        %swap3A_833 = tpu.vector_load %arg9[%swap3A_831, %swap3A_832] {strides = array<i32>} : memref<16x1024xf32, #tpu.memory_space<vmem>>, vector<1x16xf32>,
        %swap3A_834 = vector.shape_cast %swap3A_833 : vector<1x16xf32> to vector<16xf32>
        %swap3A_835 = vector.shape_cast %add3A_830 : vector<16xf32> to vector<1x16xf32>
        tpu.vector_store %arg9[%swap3A_831, %swap3A_832], %swap3A_835 {strides = array<i32>} : memref<16x1024xf32, #tpu.memory_space<vmem>>, vector<1x16xf32>,
        %get3A_836 = arith.index_cast %scan3A_67 : i32 to index
        %get3A_837 = arith.constant 880 : index
        %get3A_838 = tpu.vector_load %arg9[%get3A_836, %get3A_837] {strides = array<i32>} : memref<16x1024xf32, #tpu.memory_space<vmem>>, vector<1x16xf32>,
        %get3A_839 = vector.shape_cast %get3A_838 : vector<1x16xf32> to vector<16xf32>
        %get3A_840 = arith.index_cast %scan3A_67 : i32 to index
        %get3A_841 = arith.constant 880 : index
        %get3A_842 = tpu.vector_load %arg10[%get3A_840, %get3A_841] {strides = array<i32>} : memref<16x1024xf32, #tpu.memory_space<vmem>>, vector<1x16xf32>,
        %get3A_843 = vector.shape_cast %get3A_842 : vector<1x16xf32> to vector<16xf32>
        %add3A_844 = arith.addf %get3A_839, %get3A_843 : vector<16xf32>
        %swap3A_845 = arith.index_cast %scan3A_67 : i32 to index
        %swap3A_846 = arith.constant 880 : index
        %swap3A_847 = tpu.vector_load %arg9[%swap3A_845, %swap3A_846] {strides = array<i32>} : memref<16x1024xf32, #tpu.memory_space<vmem>>, vector<1x16xf32>,
        %swap3A_848 = vector.shape_cast %swap3A_847 : vector<1x16xf32> to vector<16xf32>
        %swap3A_849 = vector.shape_cast %add3A_844 : vector<16xf32> to vector<1x16xf32>
        tpu.vector_store %arg9[%swap3A_845, %swap3A_846], %swap3A_849 {strides = array<i32>} : memref<16x1024xf32, #tpu.memory_space<vmem>>, vector<1x16xf32>,
        %get3A_850 = arith.index_cast %scan3A_67 : i32 to index
        %get3A_851 = arith.constant 896 : index
        %get3A_852 = tpu.vector_load %arg9[%get3A_850, %get3A_851] {strides = array<i32>} : memref<16x1024xf32, #tpu.memory_space<vmem>>, vector<1x16xf32>,
        %get3A_853 = vector.shape_cast %get3A_852 : vector<1x16xf32> to vector<16xf32>
        %get3A_854 = arith.index_cast %scan3A_67 : i32 to index
        %get3A_855 = arith.constant 896 : index
        %get3A_856 = tpu.vector_load %arg10[%get3A_854, %get3A_855] {strides = array<i32>} : memref<16x1024xf32, #tpu.memory_space<vmem>>, vector<1x16xf32>,
        %get3A_857 = vector.shape_cast %get3A_856 : vector<1x16xf32> to vector<16xf32>
        %add3A_858 = arith.addf %get3A_853, %get3A_857 : vector<16xf32>
        %swap3A_859 = arith.index_cast %scan3A_67 : i32 to index
        %swap3A_860 = arith.constant 896 : index
        %swap3A_861 = tpu.vector_load %arg9[%swap3A_859, %swap3A_860] {strides = array<i32>} : memref<16x1024xf32, #tpu.memory_space<vmem>>, vector<1x16xf32>,
        %swap3A_862 = vector.shape_cast %swap3A_861 : vector<1x16xf32> to vector<16xf32>
        %swap3A_863 = vector.shape_cast %add3A_858 : vector<16xf32> to vector<1x16xf32>
        tpu.vector_store %arg9[%swap3A_859, %swap3A_860], %swap3A_863 {strides = array<i32>} : memref<16x1024xf32, #tpu.memory_space<vmem>>, vector<1x16xf32>,
        %get3A_864 = arith.index_cast %scan3A_67 : i32 to index
        %get3A_865 = arith.constant 912 : index
        %get3A_866 = tpu.vector_load %arg9[%get3A_864, %get3A_865] {strides = array<i32>} : memref<16x1024xf32, #tpu.memory_space<vmem>>, vector<1x16xf32>,
        %get3A_867 = vector.shape_cast %get3A_866 : vector<1x16xf32> to vector<16xf32>
        %get3A_868 = arith.index_cast %scan3A_67 : i32 to index
        %get3A_869 = arith.constant 912 : index
        %get3A_870 = tpu.vector_load %arg10[%get3A_868, %get3A_869] {strides = array<i32>} : memref<16x1024xf32, #tpu.memory_space<vmem>>, vector<1x16xf32>,
        %get3A_871 = vector.shape_cast %get3A_870 : vector<1x16xf32> to vector<16xf32>
        %add3A_872 = arith.addf %get3A_867, %get3A_871 : vector<16xf32>
        %swap3A_873 = arith.index_cast %scan3A_67 : i32 to index
        %swap3A_874 = arith.constant 912 : index
        %swap3A_875 = tpu.vector_load %arg9[%swap3A_873, %swap3A_874] {strides = array<i32>} : memref<16x1024xf32, #tpu.memory_space<vmem>>, vector<1x16xf32>,
        %swap3A_876 = vector.shape_cast %swap3A_875 : vector<1x16xf32> to vector<16xf32>
        %swap3A_877 = vector.shape_cast %add3A_872 : vector<16xf32> to vector<1x16xf32>
        tpu.vector_store %arg9[%swap3A_873, %swap3A_874], %swap3A_877 {strides = array<i32>} : memref<16x1024xf32, #tpu.memory_space<vmem>>, vector<1x16xf32>,
        %get3A_878 = arith.index_cast %scan3A_67 : i32 to index
        %get3A_879 = arith.constant 928 : index
        %get3A_880 = tpu.vector_load %arg9[%get3A_878, %get3A_879] {strides = array<i32>} : memref<16x1024xf32, #tpu.memory_space<vmem>>, vector<1x16xf32>,
        %get3A_881 = vector.shape_cast %get3A_880 : vector<1x16xf32> to vector<16xf32>
        %get3A_882 = arith.index_cast %scan3A_67 : i32 to index
        %get3A_883 = arith.constant 928 : index
        %get3A_884 = tpu.vector_load %arg10[%get3A_882, %get3A_883] {strides = array<i32>} : memref<16x1024xf32, #tpu.memory_space<vmem>>, vector<1x16xf32>,
        %get3A_885 = vector.shape_cast %get3A_884 : vector<1x16xf32> to vector<16xf32>
        %add3A_886 = arith.addf %get3A_881, %get3A_885 : vector<16xf32>
        %swap3A_887 = arith.index_cast %scan3A_67 : i32 to index
        %swap3A_888 = arith.constant 928 : index
        %swap3A_889 = tpu.vector_load %arg9[%swap3A_887, %swap3A_888] {strides = array<i32>} : memref<16x1024xf32, #tpu.memory_space<vmem>>, vector<1x16xf32>,
        %swap3A_890 = vector.shape_cast %swap3A_889 : vector<1x16xf32> to vector<16xf32>
        %swap3A_891 = vector.shape_cast %add3A_886 : vector<16xf32> to vector<1x16xf32>
        tpu.vector_store %arg9[%swap3A_887, %swap3A_888], %swap3A_891 {strides = array<i32>} : memref<16x1024xf32, #tpu.memory_space<vmem>>, vector<1x16xf32>,
        %get3A_892 = arith.index_cast %scan3A_67 : i32 to index
        %get3A_893 = arith.constant 944 : index
        %get3A_894 = tpu.vector_load %arg9[%get3A_892, %get3A_893] {strides = array<i32>} : memref<16x1024xf32, #tpu.memory_space<vmem>>, vector<1x16xf32>,
        %get3A_895 = vector.shape_cast %get3A_894 : vector<1x16xf32> to vector<16xf32>
        %get3A_896 = arith.index_cast %scan3A_67 : i32 to index
        %get3A_897 = arith.constant 944 : index
        %get3A_898 = tpu.vector_load %arg10[%get3A_896, %get3A_897] {strides = array<i32>} : memref<16x1024xf32, #tpu.memory_space<vmem>>, vector<1x16xf32>,
        %get3A_899 = vector.shape_cast %get3A_898 : vector<1x16xf32> to vector<16xf32>
        %add3A_900 = arith.addf %get3A_895, %get3A_899 : vector<16xf32>
        %swap3A_901 = arith.index_cast %scan3A_67 : i32 to index
        %swap3A_902 = arith.constant 944 : index
        %swap3A_903 = tpu.vector_load %arg9[%swap3A_901, %swap3A_902] {strides = array<i32>} : memref<16x1024xf32, #tpu.memory_space<vmem>>, vector<1x16xf32>,
        %swap3A_904 = vector.shape_cast %swap3A_903 : vector<1x16xf32> to vector<16xf32>
        %swap3A_905 = vector.shape_cast %add3A_900 : vector<16xf32> to vector<1x16xf32>
        tpu.vector_store %arg9[%swap3A_901, %swap3A_902], %swap3A_905 {strides = array<i32>} : memref<16x1024xf32, #tpu.memory_space<vmem>>, vector<1x16xf32>,
        %get3A_906 = arith.index_cast %scan3A_67 : i32 to index
        %get3A_907 = arith.constant 960 : index
        %get3A_908 = tpu.vector_load %arg9[%get3A_906, %get3A_907] {strides = array<i32>} : memref<16x1024xf32, #tpu.memory_space<vmem>>, vector<1x16xf32>,
        %get3A_909 = vector.shape_cast %get3A_908 : vector<1x16xf32> to vector<16xf32>
        %get3A_910 = arith.index_cast %scan3A_67 : i32 to index
        %get3A_911 = arith.constant 960 : index
        %get3A_912 = tpu.vector_load %arg10[%get3A_910, %get3A_911] {strides = array<i32>} : memref<16x1024xf32, #tpu.memory_space<vmem>>, vector<1x16xf32>,
        %get3A_913 = vector.shape_cast %get3A_912 : vector<1x16xf32> to vector<16xf32>
        %add3A_914 = arith.addf %get3A_909, %get3A_913 : vector<16xf32>
        %swap3A_915 = arith.index_cast %scan3A_67 : i32 to index
        %swap3A_916 = arith.constant 960 : index
        %swap3A_917 = tpu.vector_load %arg9[%swap3A_915, %swap3A_916] {strides = array<i32>} : memref<16x1024xf32, #tpu.memory_space<vmem>>, vector<1x16xf32>,
        %swap3A_918 = vector.shape_cast %swap3A_917 : vector<1x16xf32> to vector<16xf32>
        %swap3A_919 = vector.shape_cast %add3A_914 : vector<16xf32> to vector<1x16xf32>
        tpu.vector_store %arg9[%swap3A_915, %swap3A_916], %swap3A_919 {strides = array<i32>} : memref<16x1024xf32, #tpu.memory_space<vmem>>, vector<1x16xf32>,
        %get3A_920 = arith.index_cast %scan3A_67 : i32 to index
        %get3A_921 = arith.constant 976 : index
        %get3A_922 = tpu.vector_load %arg9[%get3A_920, %get3A_921] {strides = array<i32>} : memref<16x1024xf32, #tpu.memory_space<vmem>>, vector<1x16xf32>,
        %get3A_923 = vector.shape_cast %get3A_922 : vector<1x16xf32> to vector<16xf32>
        %get3A_924 = arith.index_cast %scan3A_67 : i32 to index
        %get3A_925 = arith.constant 976 : index
        %get3A_926 = tpu.vector_load %arg10[%get3A_924, %get3A_925] {strides = array<i32>} : memref<16x1024xf32, #tpu.memory_space<vmem>>, vector<1x16xf32>,
        %get3A_927 = vector.shape_cast %get3A_926 : vector<1x16xf32> to vector<16xf32>
        %add3A_928 = arith.addf %get3A_923, %get3A_927 : vector<16xf32>
        %swap3A_929 = arith.index_cast %scan3A_67 : i32 to index
        %swap3A_930 = arith.constant 976 : index
        %swap3A_931 = tpu.vector_load %arg9[%swap3A_929, %swap3A_930] {strides = array<i32>} : memref<16x1024xf32, #tpu.memory_space<vmem>>, vector<1x16xf32>,
        %swap3A_932 = vector.shape_cast %swap3A_931 : vector<1x16xf32> to vector<16xf32>
        %swap3A_933 = vector.shape_cast %add3A_928 : vector<16xf32> to vector<1x16xf32>
        tpu.vector_store %arg9[%swap3A_929, %swap3A_930], %swap3A_933 {strides = array<i32>} : memref<16x1024xf32, #tpu.memory_space<vmem>>, vector<1x16xf32>,
        %get3A_934 = arith.index_cast %scan3A_67 : i32 to index
        %get3A_935 = arith.constant 992 : index
        %get3A_936 = tpu.vector_load %arg9[%get3A_934, %get3A_935] {strides = array<i32>} : memref<16x1024xf32, #tpu.memory_space<vmem>>, vector<1x16xf32>,
        %get3A_937 = vector.shape_cast %get3A_936 : vector<1x16xf32> to vector<16xf32>
        %get3A_938 = arith.index_cast %scan3A_67 : i32 to index
        %get3A_939 = arith.constant 992 : index
        %get3A_940 = tpu.vector_load %arg10[%get3A_938, %get3A_939] {strides = array<i32>} : memref<16x1024xf32, #tpu.memory_space<vmem>>, vector<1x16xf32>,
        %get3A_941 = vector.shape_cast %get3A_940 : vector<1x16xf32> to vector<16xf32>
        %add3A_942 = arith.addf %get3A_937, %get3A_941 : vector<16xf32>
        %swap3A_943 = arith.index_cast %scan3A_67 : i32 to index
        %swap3A_944 = arith.constant 992 : index
        %swap3A_945 = tpu.vector_load %arg9[%swap3A_943, %swap3A_944] {strides = array<i32>} : memref<16x1024xf32, #tpu.memory_space<vmem>>, vector<1x16xf32>,
        %swap3A_946 = vector.shape_cast %swap3A_945 : vector<1x16xf32> to vector<16xf32>
        %swap3A_947 = vector.shape_cast %add3A_942 : vector<16xf32> to vector<1x16xf32>
        tpu.vector_store %arg9[%swap3A_943, %swap3A_944], %swap3A_947 {strides = array<i32>} : memref<16x1024xf32, #tpu.memory_space<vmem>>, vector<1x16xf32>,
        %get3A_948 = arith.index_cast %scan3A_67 : i32 to index
        %get3A_949 = arith.constant 1008 : index
        %get3A_950 = tpu.vector_load %arg9[%get3A_948, %get3A_949] {strides = array<i32>} : memref<16x1024xf32, #tpu.memory_space<vmem>>, vector<1x16xf32>,
        %get3A_951 = vector.shape_cast %get3A_950 : vector<1x16xf32> to vector<16xf32>
        %get3A_952 = arith.index_cast %scan3A_67 : i32 to index
        %get3A_953 = arith.constant 1008 : index
        %get3A_954 = tpu.vector_load %arg10[%get3A_952, %get3A_953] {strides = array<i32>} : memref<16x1024xf32, #tpu.memory_space<vmem>>, vector<1x16xf32>,
        %get3A_955 = vector.shape_cast %get3A_954 : vector<1x16xf32> to vector<16xf32>
        %add3A_956 = arith.addf %get3A_951, %get3A_955 : vector<16xf32>
        %swap3A_957 = arith.index_cast %scan3A_67 : i32 to index
        %swap3A_958 = arith.constant 1008 : index
        %swap3A_959 = tpu.vector_load %arg9[%swap3A_957, %swap3A_958] {strides = array<i32>} : memref<16x1024xf32, #tpu.memory_space<vmem>>, vector<1x16xf32>,
        %swap3A_960 = vector.shape_cast %swap3A_959 : vector<1x16xf32> to vector<16xf32>
        %swap3A_961 = vector.shape_cast %add3A_956 : vector<16xf32> to vector<1x16xf32>
        tpu.vector_store %arg9[%swap3A_957, %swap3A_958], %swap3A_961 {strides = array<i32>} : memref<16x1024xf32, #tpu.memory_space<vmem>>, vector<1x16xf32>,
      }
      %scan3A_37 = arith.constant 16 : i32
      %mul3A_38 = arith.constant 16 : i32
      %mul3A_39 = arith.muli %add3A_22, %mul3A_38 : i32
      %add3A_40 = arith.addi %mul3A_2, %mul3A_39 : i32
      "tpu.region"() ({
        %run_scoped3A_67 = tpu.sem_alloc : memref<!tpu.dma_semaphore, #tpu.memory_space<semaphore_mem>>
        %dma_start3A_68 = arith.constant 0 : i32
        %dma_start3A_69 = tpu.memref_slice %arg4[%add3A_40, %dma_start3A_68] : memref<8192x1024xf32, #tpu.memory_space<hbm>> -> memref<16x1024xf32, #tpu.memory_space<hbm>>
        %dma_start3A_70 = arith.constant 0 : i32
        %dma_start3A_71 = tpu.memref_slice %arg4[%add3A_40, %dma_start3A_70] : memref<8192x1024xf32, #tpu.memory_space<hbm>> -> memref<16x1024xf32, #tpu.memory_space<hbm>>
        tpu.enqueue_dma source(%arg9 : memref<16x1024xf32, #tpu.memory_space<vmem>>) target(%dma_start3A_71 : memref<16x1024xf32, #tpu.memory_space<hbm>>) target_semaphore(%run_scoped3A_67 : memref<!tpu.dma_semaphore, #tpu.memory_space<semaphore_mem>>)
        %dma_wait3A_72 = arith.constant 0 : i32
        %dma_wait3A_73 = tpu.memref_slice %arg4[%add3A_40, %dma_wait3A_72] : memref<8192x1024xf32, #tpu.memory_space<hbm>> -> memref<16x1024xf32, #tpu.memory_space<hbm>>
        %dma_wait3A_74 = arith.constant 0 : i32
        %dma_wait3A_75 = tpu.memref_slice %arg4[%add3A_40, %dma_wait3A_74] : memref<8192x1024xf32, #tpu.memory_space<hbm>> -> memref<16x1024xf32, #tpu.memory_space<hbm>>
        tpu.wait_dma2 semaphore(%run_scoped3A_67 : memref<!tpu.dma_semaphore, #tpu.memory_space<semaphore_mem>>) src(%arg9 : memref<16x1024xf32, #tpu.memory_space<vmem>>) dst(%dma_wait3A_75 : memref<16x1024xf32, #tpu.memory_space<hbm>>)
        tpu.yield
      }) : () -> ()
      %mul3A_41 = arith.constant 2 : i32
      %mul3A_42 = arith.muli %scan3A_18, %mul3A_41 : i32
      %add3A_43 = arith.constant 1 : i32
      %add3A_44 = arith.addi %mul3A_42, %add3A_43 : i32
      %dma_wait3A_45 = arith.constant 0 : i32
      %dma_wait3A_46 = arith.constant 0 : i32
      %dma_wait3A_47 = tpu.memref_slice %arg2[%dma_wait3A_45, %dma_wait3A_46] : memref<20480x1024xf32, #tpu.memory_space<hbm>> -> memref<20480x1024xf32, #tpu.memory_space<hbm>>
      tpu.wait_indirect_dma semaphore(%arg15 : memref<!tpu.dma_semaphore, #tpu.memory_space<semaphore_mem>>) src(%dma_wait3A_47 : memref<20480x1024xf32, #tpu.memory_space<hbm>>) dst(%arg11 : memref<16x1024xf32, #tpu.memory_space<vmem>>)
      %dma_wait3A_48 = arith.constant 0 : i32
      %dma_wait3A_49 = arith.constant 0 : i32
      %dma_wait3A_50 = tpu.memref_slice %arg2[%dma_wait3A_48, %dma_wait3A_49] : memref<20480x1024xf32, #tpu.memory_space<hbm>> -> memref<20480x1024xf32, #tpu.memory_space<hbm>>
      tpu.wait_indirect_dma semaphore(%arg16 : memref<!tpu.dma_semaphore, #tpu.memory_space<semaphore_mem>>) src(%dma_wait3A_50 : memref<20480x1024xf32, #tpu.memory_space<hbm>>) dst(%arg12 : memref<16x1024xf32, #tpu.memory_space<vmem>>)
      %add3A_51 = arith.constant 1 : i32
      %add3A_52 = arith.addi %add3A_44, %add3A_51 : i32
      %lt3A_53 = arith.constant 16 : i32
      %lt3A_54 = arith.cmpi slt, %add3A_52, %lt3A_53 : i32
      %convert_element_type3A_55 = arith.extui %lt3A_54 : i1 to i32
      %cond3A_56 = arith.constant 0 : i32
      %cond3A_57 = arith.cmpi ne, %convert_element_type3A_55, %cond3A_56 : i32
      scf.if %cond3A_57 {
        %add3A_67 = arith.constant 1 : i32
        %add3A_68 = arith.addi %add3A_44, %add3A_67 : i32
        %mul3A_69 = arith.constant 16 : i32
        %mul3A_70 = arith.muli %add3A_68, %mul3A_69 : i32
        %add3A_71 = arith.addi %mul3A_2, %mul3A_70 : i32
        %run_scoped3A_72 = arith.constant 0 : i32
        "tpu.region"() ({
          %run_scoped3A_83 = tpu.sem_alloc : memref<!tpu.dma_semaphore, #tpu.memory_space<semaphore_mem>>
          %dma_start3A_84 = tpu.memref_slice %arg3[%run_scoped3A_72, %add3A_71] : memref<2x8192xi32, #tpu.memory_space<hbm>> -> memref<1x16xi32, #tpu.memory_space<hbm>>
          %dma_start3A_85 = tpu.memref_squeeze %dma_start3A_84 : memref<1x16xi32, #tpu.memory_space<hbm>> -> memref<16xi32, #tpu.memory_space<hbm>>
          %dma_start3A_86 = tpu.memref_slice %arg3[%run_scoped3A_72, %add3A_71] : memref<2x8192xi32, #tpu.memory_space<hbm>> -> memref<1x16xi32, #tpu.memory_space<hbm>>
          %dma_start3A_87 = tpu.memref_squeeze %dma_start3A_86 : memref<1x16xi32, #tpu.memory_space<hbm>> -> memref<16xi32, #tpu.memory_space<hbm>>
          tpu.enqueue_dma source(%dma_start3A_87 : memref<16xi32, #tpu.memory_space<hbm>>) target(%arg5 : memref<16xi32, #tpu.memory_space<vmem>>) target_semaphore(%run_scoped3A_83 : memref<!tpu.dma_semaphore, #tpu.memory_space<semaphore_mem>>)
          %dma_wait3A_88 = tpu.memref_slice %arg3[%run_scoped3A_72, %add3A_71] : memref<2x8192xi32, #tpu.memory_space<hbm>> -> memref<1x16xi32, #tpu.memory_space<hbm>>
          %dma_wait3A_89 = tpu.memref_squeeze %dma_wait3A_88 : memref<1x16xi32, #tpu.memory_space<hbm>> -> memref<16xi32, #tpu.memory_space<hbm>>
          %dma_wait3A_90 = tpu.memref_slice %arg3[%run_scoped3A_72, %add3A_71] : memref<2x8192xi32, #tpu.memory_space<hbm>> -> memref<1x16xi32, #tpu.memory_space<hbm>>
          %dma_wait3A_91 = tpu.memref_squeeze %dma_wait3A_90 : memref<1x16xi32, #tpu.memory_space<hbm>> -> memref<16xi32, #tpu.memory_space<hbm>>
          tpu.wait_dma2 semaphore(%run_scoped3A_83 : memref<!tpu.dma_semaphore, #tpu.memory_space<semaphore_mem>>) src(%dma_wait3A_91 : memref<16xi32, #tpu.memory_space<hbm>>) dst(%arg5 : memref<16xi32, #tpu.memory_space<vmem>>)
          tpu.yield
        }) : () -> ()
        %dma_start3A_73 = arith.constant 0 : i32
        %dma_start3A_74 = arith.constant 0 : i32
        %dma_start3A_75 = tpu.memref_slice %arg2[%dma_start3A_73, %dma_start3A_74] : memref<20480x1024xf32, #tpu.memory_space<hbm>> -> memref<20480x1024xf32, #tpu.memory_space<hbm>>
        tpu.enqueue_indirect_dma source(%dma_start3A_75 : memref<20480x1024xf32, #tpu.memory_space<hbm>>) target(%arg9 : memref<16x1024xf32, #tpu.memory_space<vmem>>) offsets(%arg5 : memref<16xi32, #tpu.memory_space<vmem>>) semaphore(%arg13 : memref<!tpu.dma_semaphore, #tpu.memory_space<semaphore_mem>>)
        %mul3A_76 = arith.constant 16 : i32
        %mul3A_77 = arith.muli %add3A_68, %mul3A_76 : i32
        %add3A_78 = arith.addi %mul3A_2, %mul3A_77 : i32
        %run_scoped3A_79 = arith.constant 1 : i32
        "tpu.region"() ({
          %run_scoped3A_83 = tpu.sem_alloc : memref<!tpu.dma_semaphore, #tpu.memory_space<semaphore_mem>>
          %dma_start3A_84 = tpu.memref_slice %arg3[%run_scoped3A_79, %add3A_78] : memref<2x8192xi32, #tpu.memory_space<hbm>> -> memref<1x16xi32, #tpu.memory_space<hbm>>
          %dma_start3A_85 = tpu.memref_squeeze %dma_start3A_84 : memref<1x16xi32, #tpu.memory_space<hbm>> -> memref<16xi32, #tpu.memory_space<hbm>>
          %dma_start3A_86 = tpu.memref_slice %arg3[%run_scoped3A_79, %add3A_78] : memref<2x8192xi32, #tpu.memory_space<hbm>> -> memref<1x16xi32, #tpu.memory_space<hbm>>
          %dma_start3A_87 = tpu.memref_squeeze %dma_start3A_86 : memref<1x16xi32, #tpu.memory_space<hbm>> -> memref<16xi32, #tpu.memory_space<hbm>>
          tpu.enqueue_dma source(%dma_start3A_87 : memref<16xi32, #tpu.memory_space<hbm>>) target(%arg6 : memref<16xi32, #tpu.memory_space<vmem>>) target_semaphore(%run_scoped3A_83 : memref<!tpu.dma_semaphore, #tpu.memory_space<semaphore_mem>>)
          %dma_wait3A_88 = tpu.memref_slice %arg3[%run_scoped3A_79, %add3A_78] : memref<2x8192xi32, #tpu.memory_space<hbm>> -> memref<1x16xi32, #tpu.memory_space<hbm>>
          %dma_wait3A_89 = tpu.memref_squeeze %dma_wait3A_88 : memref<1x16xi32, #tpu.memory_space<hbm>> -> memref<16xi32, #tpu.memory_space<hbm>>
          %dma_wait3A_90 = tpu.memref_slice %arg3[%run_scoped3A_79, %add3A_78] : memref<2x8192xi32, #tpu.memory_space<hbm>> -> memref<1x16xi32, #tpu.memory_space<hbm>>
          %dma_wait3A_91 = tpu.memref_squeeze %dma_wait3A_90 : memref<1x16xi32, #tpu.memory_space<hbm>> -> memref<16xi32, #tpu.memory_space<hbm>>
          tpu.wait_dma2 semaphore(%run_scoped3A_83 : memref<!tpu.dma_semaphore, #tpu.memory_space<semaphore_mem>>) src(%dma_wait3A_91 : memref<16xi32, #tpu.memory_space<hbm>>) dst(%arg6 : memref<16xi32, #tpu.memory_space<vmem>>)
          tpu.yield
        }) : () -> ()
        %dma_start3A_80 = arith.constant 0 : i32
        %dma_start3A_81 = arith.constant 0 : i32
        %dma_start3A_82 = tpu.memref_slice %arg2[%dma_start3A_80, %dma_start3A_81] : memref<20480x1024xf32, #tpu.memory_space<hbm>> -> memref<20480x1024xf32, #tpu.memory_space<hbm>>
        tpu.enqueue_indirect_dma source(%dma_start3A_82 : memref<20480x1024xf32, #tpu.memory_space<hbm>>) target(%arg10 : memref<16x1024xf32, #tpu.memory_space<vmem>>) offsets(%arg6 : memref<16xi32, #tpu.memory_space<vmem>>) semaphore(%arg14 : memref<!tpu.dma_semaphore, #tpu.memory_space<semaphore_mem>>)
      } else {
      }
      %scan3A_58 = arith.constant 0 : i32
      %scan3A_59 = arith.constant 0 : i32
      %scan3A_60 = arith.constant 16 : i32
      %scan3A_61 = arith.addi %scan3A_59, %scan3A_60 : i32
      %scan3A_62 = arith.constant 1 : i32
      scf.for %scan3A_67 = %scan3A_59 to %scan3A_61 step %scan3A_62  : i32 {
        %get3A = arith.index_cast %scan3A_67 : i32 to index
        %get3A_68 = arith.constant 0 : index
        %get3A_69 = tpu.vector_load %arg11[%get3A, %get3A_68] {strides = array<i32>} : memref<16x1024xf32, #tpu.memory_space<vmem>>, vector<1x16xf32>,
        %get3A_70 = vector.shape_cast %get3A_69 : vector<1x16xf32> to vector<16xf32>
        %get3A_71 = arith.index_cast %scan3A_67 : i32 to index
        %get3A_72 = arith.constant 0 : index
        %get3A_73 = tpu.vector_load %arg12[%get3A_71, %get3A_72] {strides = array<i32>} : memref<16x1024xf32, #tpu.memory_space<vmem>>, vector<1x16xf32>,
        %get3A_74 = vector.shape_cast %get3A_73 : vector<1x16xf32> to vector<16xf32>
        %add3A_75 = arith.addf %get3A_70, %get3A_74 : vector<16xf32>
        %swap3A = arith.index_cast %scan3A_67 : i32 to index
        %swap3A_76 = arith.constant 0 : index
        %swap3A_77 = tpu.vector_load %arg11[%swap3A, %swap3A_76] {strides = array<i32>} : memref<16x1024xf32, #tpu.memory_space<vmem>>, vector<1x16xf32>,
        %swap3A_78 = vector.shape_cast %swap3A_77 : vector<1x16xf32> to vector<16xf32>
        %swap3A_79 = vector.shape_cast %add3A_75 : vector<16xf32> to vector<1x16xf32>
        tpu.vector_store %arg11[%swap3A, %swap3A_76], %swap3A_79 {strides = array<i32>} : memref<16x1024xf32, #tpu.memory_space<vmem>>, vector<1x16xf32>,
        %get3A_80 = arith.index_cast %scan3A_67 : i32 to index
        %get3A_81 = arith.constant 16 : index
        %get3A_82 = tpu.vector_load %arg11[%get3A_80, %get3A_81] {strides = array<i32>} : memref<16x1024xf32, #tpu.memory_space<vmem>>, vector<1x16xf32>,
        %get3A_83 = vector.shape_cast %get3A_82 : vector<1x16xf32> to vector<16xf32>
        %get3A_84 = arith.index_cast %scan3A_67 : i32 to index
        %get3A_85 = arith.constant 16 : index
        %get3A_86 = tpu.vector_load %arg12[%get3A_84, %get3A_85] {strides = array<i32>} : memref<16x1024xf32, #tpu.memory_space<vmem>>, vector<1x16xf32>,
        %get3A_87 = vector.shape_cast %get3A_86 : vector<1x16xf32> to vector<16xf32>
        %add3A_88 = arith.addf %get3A_83, %get3A_87 : vector<16xf32>
        %swap3A_89 = arith.index_cast %scan3A_67 : i32 to index
        %swap3A_90 = arith.constant 16 : index
        %swap3A_91 = tpu.vector_load %arg11[%swap3A_89, %swap3A_90] {strides = array<i32>} : memref<16x1024xf32, #tpu.memory_space<vmem>>, vector<1x16xf32>,
        %swap3A_92 = vector.shape_cast %swap3A_91 : vector<1x16xf32> to vector<16xf32>
        %swap3A_93 = vector.shape_cast %add3A_88 : vector<16xf32> to vector<1x16xf32>
        tpu.vector_store %arg11[%swap3A_89, %swap3A_90], %swap3A_93 {strides = array<i32>} : memref<16x1024xf32, #tpu.memory_space<vmem>>, vector<1x16xf32>,
        %get3A_94 = arith.index_cast %scan3A_67 : i32 to index
        %get3A_95 = arith.constant 32 : index
        %get3A_96 = tpu.vector_load %arg11[%get3A_94, %get3A_95] {strides = array<i32>} : memref<16x1024xf32, #tpu.memory_space<vmem>>, vector<1x16xf32>,
        %get3A_97 = vector.shape_cast %get3A_96 : vector<1x16xf32> to vector<16xf32>
        %get3A_98 = arith.index_cast %scan3A_67 : i32 to index
        %get3A_99 = arith.constant 32 : index
        %get3A_100 = tpu.vector_load %arg12[%get3A_98, %get3A_99] {strides = array<i32>} : memref<16x1024xf32, #tpu.memory_space<vmem>>, vector<1x16xf32>,
        %get3A_101 = vector.shape_cast %get3A_100 : vector<1x16xf32> to vector<16xf32>
        %add3A_102 = arith.addf %get3A_97, %get3A_101 : vector<16xf32>
        %swap3A_103 = arith.index_cast %scan3A_67 : i32 to index
        %swap3A_104 = arith.constant 32 : index
        %swap3A_105 = tpu.vector_load %arg11[%swap3A_103, %swap3A_104] {strides = array<i32>} : memref<16x1024xf32, #tpu.memory_space<vmem>>, vector<1x16xf32>,
        %swap3A_106 = vector.shape_cast %swap3A_105 : vector<1x16xf32> to vector<16xf32>
        %swap3A_107 = vector.shape_cast %add3A_102 : vector<16xf32> to vector<1x16xf32>
        tpu.vector_store %arg11[%swap3A_103, %swap3A_104], %swap3A_107 {strides = array<i32>} : memref<16x1024xf32, #tpu.memory_space<vmem>>, vector<1x16xf32>,
        %get3A_108 = arith.index_cast %scan3A_67 : i32 to index
        %get3A_109 = arith.constant 48 : index
        %get3A_110 = tpu.vector_load %arg11[%get3A_108, %get3A_109] {strides = array<i32>} : memref<16x1024xf32, #tpu.memory_space<vmem>>, vector<1x16xf32>,
        %get3A_111 = vector.shape_cast %get3A_110 : vector<1x16xf32> to vector<16xf32>
        %get3A_112 = arith.index_cast %scan3A_67 : i32 to index
        %get3A_113 = arith.constant 48 : index
        %get3A_114 = tpu.vector_load %arg12[%get3A_112, %get3A_113] {strides = array<i32>} : memref<16x1024xf32, #tpu.memory_space<vmem>>, vector<1x16xf32>,
        %get3A_115 = vector.shape_cast %get3A_114 : vector<1x16xf32> to vector<16xf32>
        %add3A_116 = arith.addf %get3A_111, %get3A_115 : vector<16xf32>
        %swap3A_117 = arith.index_cast %scan3A_67 : i32 to index
        %swap3A_118 = arith.constant 48 : index
        %swap3A_119 = tpu.vector_load %arg11[%swap3A_117, %swap3A_118] {strides = array<i32>} : memref<16x1024xf32, #tpu.memory_space<vmem>>, vector<1x16xf32>,
        %swap3A_120 = vector.shape_cast %swap3A_119 : vector<1x16xf32> to vector<16xf32>
        %swap3A_121 = vector.shape_cast %add3A_116 : vector<16xf32> to vector<1x16xf32>
        tpu.vector_store %arg11[%swap3A_117, %swap3A_118], %swap3A_121 {strides = array<i32>} : memref<16x1024xf32, #tpu.memory_space<vmem>>, vector<1x16xf32>,
        %get3A_122 = arith.index_cast %scan3A_67 : i32 to index
        %get3A_123 = arith.constant 64 : index
        %get3A_124 = tpu.vector_load %arg11[%get3A_122, %get3A_123] {strides = array<i32>} : memref<16x1024xf32, #tpu.memory_space<vmem>>, vector<1x16xf32>,
        %get3A_125 = vector.shape_cast %get3A_124 : vector<1x16xf32> to vector<16xf32>
        %get3A_126 = arith.index_cast %scan3A_67 : i32 to index
        %get3A_127 = arith.constant 64 : index
        %get3A_128 = tpu.vector_load %arg12[%get3A_126, %get3A_127] {strides = array<i32>} : memref<16x1024xf32, #tpu.memory_space<vmem>>, vector<1x16xf32>,
        %get3A_129 = vector.shape_cast %get3A_128 : vector<1x16xf32> to vector<16xf32>
        %add3A_130 = arith.addf %get3A_125, %get3A_129 : vector<16xf32>
        %swap3A_131 = arith.index_cast %scan3A_67 : i32 to index
        %swap3A_132 = arith.constant 64 : index
        %swap3A_133 = tpu.vector_load %arg11[%swap3A_131, %swap3A_132] {strides = array<i32>} : memref<16x1024xf32, #tpu.memory_space<vmem>>, vector<1x16xf32>,
        %swap3A_134 = vector.shape_cast %swap3A_133 : vector<1x16xf32> to vector<16xf32>
        %swap3A_135 = vector.shape_cast %add3A_130 : vector<16xf32> to vector<1x16xf32>
        tpu.vector_store %arg11[%swap3A_131, %swap3A_132], %swap3A_135 {strides = array<i32>} : memref<16x1024xf32, #tpu.memory_space<vmem>>, vector<1x16xf32>,
        %get3A_136 = arith.index_cast %scan3A_67 : i32 to index
        %get3A_137 = arith.constant 80 : index
        %get3A_138 = tpu.vector_load %arg11[%get3A_136, %get3A_137] {strides = array<i32>} : memref<16x1024xf32, #tpu.memory_space<vmem>>, vector<1x16xf32>,
        %get3A_139 = vector.shape_cast %get3A_138 : vector<1x16xf32> to vector<16xf32>
        %get3A_140 = arith.index_cast %scan3A_67 : i32 to index
        %get3A_141 = arith.constant 80 : index
        %get3A_142 = tpu.vector_load %arg12[%get3A_140, %get3A_141] {strides = array<i32>} : memref<16x1024xf32, #tpu.memory_space<vmem>>, vector<1x16xf32>,
        %get3A_143 = vector.shape_cast %get3A_142 : vector<1x16xf32> to vector<16xf32>
        %add3A_144 = arith.addf %get3A_139, %get3A_143 : vector<16xf32>
        %swap3A_145 = arith.index_cast %scan3A_67 : i32 to index
        %swap3A_146 = arith.constant 80 : index
        %swap3A_147 = tpu.vector_load %arg11[%swap3A_145, %swap3A_146] {strides = array<i32>} : memref<16x1024xf32, #tpu.memory_space<vmem>>, vector<1x16xf32>,
        %swap3A_148 = vector.shape_cast %swap3A_147 : vector<1x16xf32> to vector<16xf32>
        %swap3A_149 = vector.shape_cast %add3A_144 : vector<16xf32> to vector<1x16xf32>
        tpu.vector_store %arg11[%swap3A_145, %swap3A_146], %swap3A_149 {strides = array<i32>} : memref<16x1024xf32, #tpu.memory_space<vmem>>, vector<1x16xf32>,
        %get3A_150 = arith.index_cast %scan3A_67 : i32 to index
        %get3A_151 = arith.constant 96 : index
        %get3A_152 = tpu.vector_load %arg11[%get3A_150, %get3A_151] {strides = array<i32>} : memref<16x1024xf32, #tpu.memory_space<vmem>>, vector<1x16xf32>,
        %get3A_153 = vector.shape_cast %get3A_152 : vector<1x16xf32> to vector<16xf32>
        %get3A_154 = arith.index_cast %scan3A_67 : i32 to index
        %get3A_155 = arith.constant 96 : index
        %get3A_156 = tpu.vector_load %arg12[%get3A_154, %get3A_155] {strides = array<i32>} : memref<16x1024xf32, #tpu.memory_space<vmem>>, vector<1x16xf32>,
        %get3A_157 = vector.shape_cast %get3A_156 : vector<1x16xf32> to vector<16xf32>
        %add3A_158 = arith.addf %get3A_153, %get3A_157 : vector<16xf32>
        %swap3A_159 = arith.index_cast %scan3A_67 : i32 to index
        %swap3A_160 = arith.constant 96 : index
        %swap3A_161 = tpu.vector_load %arg11[%swap3A_159, %swap3A_160] {strides = array<i32>} : memref<16x1024xf32, #tpu.memory_space<vmem>>, vector<1x16xf32>,
        %swap3A_162 = vector.shape_cast %swap3A_161 : vector<1x16xf32> to vector<16xf32>
        %swap3A_163 = vector.shape_cast %add3A_158 : vector<16xf32> to vector<1x16xf32>
        tpu.vector_store %arg11[%swap3A_159, %swap3A_160], %swap3A_163 {strides = array<i32>} : memref<16x1024xf32, #tpu.memory_space<vmem>>, vector<1x16xf32>,
        %get3A_164 = arith.index_cast %scan3A_67 : i32 to index
        %get3A_165 = arith.constant 112 : index
        %get3A_166 = tpu.vector_load %arg11[%get3A_164, %get3A_165] {strides = array<i32>} : memref<16x1024xf32, #tpu.memory_space<vmem>>, vector<1x16xf32>,
        %get3A_167 = vector.shape_cast %get3A_166 : vector<1x16xf32> to vector<16xf32>
        %get3A_168 = arith.index_cast %scan3A_67 : i32 to index
        %get3A_169 = arith.constant 112 : index
        %get3A_170 = tpu.vector_load %arg12[%get3A_168, %get3A_169] {strides = array<i32>} : memref<16x1024xf32, #tpu.memory_space<vmem>>, vector<1x16xf32>,
        %get3A_171 = vector.shape_cast %get3A_170 : vector<1x16xf32> to vector<16xf32>
        %add3A_172 = arith.addf %get3A_167, %get3A_171 : vector<16xf32>
        %swap3A_173 = arith.index_cast %scan3A_67 : i32 to index
        %swap3A_174 = arith.constant 112 : index
        %swap3A_175 = tpu.vector_load %arg11[%swap3A_173, %swap3A_174] {strides = array<i32>} : memref<16x1024xf32, #tpu.memory_space<vmem>>, vector<1x16xf32>,
        %swap3A_176 = vector.shape_cast %swap3A_175 : vector<1x16xf32> to vector<16xf32>
        %swap3A_177 = vector.shape_cast %add3A_172 : vector<16xf32> to vector<1x16xf32>
        tpu.vector_store %arg11[%swap3A_173, %swap3A_174], %swap3A_177 {strides = array<i32>} : memref<16x1024xf32, #tpu.memory_space<vmem>>, vector<1x16xf32>,
        %get3A_178 = arith.index_cast %scan3A_67 : i32 to index
        %get3A_179 = arith.constant 128 : index
        %get3A_180 = tpu.vector_load %arg11[%get3A_178, %get3A_179] {strides = array<i32>} : memref<16x1024xf32, #tpu.memory_space<vmem>>, vector<1x16xf32>,
        %get3A_181 = vector.shape_cast %get3A_180 : vector<1x16xf32> to vector<16xf32>
        %get3A_182 = arith.index_cast %scan3A_67 : i32 to index
        %get3A_183 = arith.constant 128 : index
        %get3A_184 = tpu.vector_load %arg12[%get3A_182, %get3A_183] {strides = array<i32>} : memref<16x1024xf32, #tpu.memory_space<vmem>>, vector<1x16xf32>,
        %get3A_185 = vector.shape_cast %get3A_184 : vector<1x16xf32> to vector<16xf32>
        %add3A_186 = arith.addf %get3A_181, %get3A_185 : vector<16xf32>
        %swap3A_187 = arith.index_cast %scan3A_67 : i32 to index
        %swap3A_188 = arith.constant 128 : index
        %swap3A_189 = tpu.vector_load %arg11[%swap3A_187, %swap3A_188] {strides = array<i32>} : memref<16x1024xf32, #tpu.memory_space<vmem>>, vector<1x16xf32>,
        %swap3A_190 = vector.shape_cast %swap3A_189 : vector<1x16xf32> to vector<16xf32>
        %swap3A_191 = vector.shape_cast %add3A_186 : vector<16xf32> to vector<1x16xf32>
        tpu.vector_store %arg11[%swap3A_187, %swap3A_188], %swap3A_191 {strides = array<i32>} : memref<16x1024xf32, #tpu.memory_space<vmem>>, vector<1x16xf32>,
        %get3A_192 = arith.index_cast %scan3A_67 : i32 to index
        %get3A_193 = arith.constant 144 : index
        %get3A_194 = tpu.vector_load %arg11[%get3A_192, %get3A_193] {strides = array<i32>} : memref<16x1024xf32, #tpu.memory_space<vmem>>, vector<1x16xf32>,
        %get3A_195 = vector.shape_cast %get3A_194 : vector<1x16xf32> to vector<16xf32>
        %get3A_196 = arith.index_cast %scan3A_67 : i32 to index
        %get3A_197 = arith.constant 144 : index
        %get3A_198 = tpu.vector_load %arg12[%get3A_196, %get3A_197] {strides = array<i32>} : memref<16x1024xf32, #tpu.memory_space<vmem>>, vector<1x16xf32>,
        %get3A_199 = vector.shape_cast %get3A_198 : vector<1x16xf32> to vector<16xf32>
        %add3A_200 = arith.addf %get3A_195, %get3A_199 : vector<16xf32>
        %swap3A_201 = arith.index_cast %scan3A_67 : i32 to index
        %swap3A_202 = arith.constant 144 : index
        %swap3A_203 = tpu.vector_load %arg11[%swap3A_201, %swap3A_202] {strides = array<i32>} : memref<16x1024xf32, #tpu.memory_space<vmem>>, vector<1x16xf32>,
        %swap3A_204 = vector.shape_cast %swap3A_203 : vector<1x16xf32> to vector<16xf32>
        %swap3A_205 = vector.shape_cast %add3A_200 : vector<16xf32> to vector<1x16xf32>
        tpu.vector_store %arg11[%swap3A_201, %swap3A_202], %swap3A_205 {strides = array<i32>} : memref<16x1024xf32, #tpu.memory_space<vmem>>, vector<1x16xf32>,
        %get3A_206 = arith.index_cast %scan3A_67 : i32 to index
        %get3A_207 = arith.constant 160 : index
        %get3A_208 = tpu.vector_load %arg11[%get3A_206, %get3A_207] {strides = array<i32>} : memref<16x1024xf32, #tpu.memory_space<vmem>>, vector<1x16xf32>,
        %get3A_209 = vector.shape_cast %get3A_208 : vector<1x16xf32> to vector<16xf32>
        %get3A_210 = arith.index_cast %scan3A_67 : i32 to index
        %get3A_211 = arith.constant 160 : index
        %get3A_212 = tpu.vector_load %arg12[%get3A_210, %get3A_211] {strides = array<i32>} : memref<16x1024xf32, #tpu.memory_space<vmem>>, vector<1x16xf32>,
        %get3A_213 = vector.shape_cast %get3A_212 : vector<1x16xf32> to vector<16xf32>
        %add3A_214 = arith.addf %get3A_209, %get3A_213 : vector<16xf32>
        %swap3A_215 = arith.index_cast %scan3A_67 : i32 to index
        %swap3A_216 = arith.constant 160 : index
        %swap3A_217 = tpu.vector_load %arg11[%swap3A_215, %swap3A_216] {strides = array<i32>} : memref<16x1024xf32, #tpu.memory_space<vmem>>, vector<1x16xf32>,
        %swap3A_218 = vector.shape_cast %swap3A_217 : vector<1x16xf32> to vector<16xf32>
        %swap3A_219 = vector.shape_cast %add3A_214 : vector<16xf32> to vector<1x16xf32>
        tpu.vector_store %arg11[%swap3A_215, %swap3A_216], %swap3A_219 {strides = array<i32>} : memref<16x1024xf32, #tpu.memory_space<vmem>>, vector<1x16xf32>,
        %get3A_220 = arith.index_cast %scan3A_67 : i32 to index
        %get3A_221 = arith.constant 176 : index
        %get3A_222 = tpu.vector_load %arg11[%get3A_220, %get3A_221] {strides = array<i32>} : memref<16x1024xf32, #tpu.memory_space<vmem>>, vector<1x16xf32>,
        %get3A_223 = vector.shape_cast %get3A_222 : vector<1x16xf32> to vector<16xf32>
        %get3A_224 = arith.index_cast %scan3A_67 : i32 to index
        %get3A_225 = arith.constant 176 : index
        %get3A_226 = tpu.vector_load %arg12[%get3A_224, %get3A_225] {strides = array<i32>} : memref<16x1024xf32, #tpu.memory_space<vmem>>, vector<1x16xf32>,
        %get3A_227 = vector.shape_cast %get3A_226 : vector<1x16xf32> to vector<16xf32>
        %add3A_228 = arith.addf %get3A_223, %get3A_227 : vector<16xf32>
        %swap3A_229 = arith.index_cast %scan3A_67 : i32 to index
        %swap3A_230 = arith.constant 176 : index
        %swap3A_231 = tpu.vector_load %arg11[%swap3A_229, %swap3A_230] {strides = array<i32>} : memref<16x1024xf32, #tpu.memory_space<vmem>>, vector<1x16xf32>,
        %swap3A_232 = vector.shape_cast %swap3A_231 : vector<1x16xf32> to vector<16xf32>
        %swap3A_233 = vector.shape_cast %add3A_228 : vector<16xf32> to vector<1x16xf32>
        tpu.vector_store %arg11[%swap3A_229, %swap3A_230], %swap3A_233 {strides = array<i32>} : memref<16x1024xf32, #tpu.memory_space<vmem>>, vector<1x16xf32>,
        %get3A_234 = arith.index_cast %scan3A_67 : i32 to index
        %get3A_235 = arith.constant 192 : index
        %get3A_236 = tpu.vector_load %arg11[%get3A_234, %get3A_235] {strides = array<i32>} : memref<16x1024xf32, #tpu.memory_space<vmem>>, vector<1x16xf32>,
        %get3A_237 = vector.shape_cast %get3A_236 : vector<1x16xf32> to vector<16xf32>
        %get3A_238 = arith.index_cast %scan3A_67 : i32 to index
        %get3A_239 = arith.constant 192 : index
        %get3A_240 = tpu.vector_load %arg12[%get3A_238, %get3A_239] {strides = array<i32>} : memref<16x1024xf32, #tpu.memory_space<vmem>>, vector<1x16xf32>,
        %get3A_241 = vector.shape_cast %get3A_240 : vector<1x16xf32> to vector<16xf32>
        %add3A_242 = arith.addf %get3A_237, %get3A_241 : vector<16xf32>
        %swap3A_243 = arith.index_cast %scan3A_67 : i32 to index
        %swap3A_244 = arith.constant 192 : index
        %swap3A_245 = tpu.vector_load %arg11[%swap3A_243, %swap3A_244] {strides = array<i32>} : memref<16x1024xf32, #tpu.memory_space<vmem>>, vector<1x16xf32>,
        %swap3A_246 = vector.shape_cast %swap3A_245 : vector<1x16xf32> to vector<16xf32>
        %swap3A_247 = vector.shape_cast %add3A_242 : vector<16xf32> to vector<1x16xf32>
        tpu.vector_store %arg11[%swap3A_243, %swap3A_244], %swap3A_247 {strides = array<i32>} : memref<16x1024xf32, #tpu.memory_space<vmem>>, vector<1x16xf32>,
        %get3A_248 = arith.index_cast %scan3A_67 : i32 to index
        %get3A_249 = arith.constant 208 : index
        %get3A_250 = tpu.vector_load %arg11[%get3A_248, %get3A_249] {strides = array<i32>} : memref<16x1024xf32, #tpu.memory_space<vmem>>, vector<1x16xf32>,
        %get3A_251 = vector.shape_cast %get3A_250 : vector<1x16xf32> to vector<16xf32>
        %get3A_252 = arith.index_cast %scan3A_67 : i32 to index
        %get3A_253 = arith.constant 208 : index
        %get3A_254 = tpu.vector_load %arg12[%get3A_252, %get3A_253] {strides = array<i32>} : memref<16x1024xf32, #tpu.memory_space<vmem>>, vector<1x16xf32>,
        %get3A_255 = vector.shape_cast %get3A_254 : vector<1x16xf32> to vector<16xf32>
        %add3A_256 = arith.addf %get3A_251, %get3A_255 : vector<16xf32>
        %swap3A_257 = arith.index_cast %scan3A_67 : i32 to index
        %swap3A_258 = arith.constant 208 : index
        %swap3A_259 = tpu.vector_load %arg11[%swap3A_257, %swap3A_258] {strides = array<i32>} : memref<16x1024xf32, #tpu.memory_space<vmem>>, vector<1x16xf32>,
        %swap3A_260 = vector.shape_cast %swap3A_259 : vector<1x16xf32> to vector<16xf32>
        %swap3A_261 = vector.shape_cast %add3A_256 : vector<16xf32> to vector<1x16xf32>
        tpu.vector_store %arg11[%swap3A_257, %swap3A_258], %swap3A_261 {strides = array<i32>} : memref<16x1024xf32, #tpu.memory_space<vmem>>, vector<1x16xf32>,
        %get3A_262 = arith.index_cast %scan3A_67 : i32 to index
        %get3A_263 = arith.constant 224 : index
        %get3A_264 = tpu.vector_load %arg11[%get3A_262, %get3A_263] {strides = array<i32>} : memref<16x1024xf32, #tpu.memory_space<vmem>>, vector<1x16xf32>,
        %get3A_265 = vector.shape_cast %get3A_264 : vector<1x16xf32> to vector<16xf32>
        %get3A_266 = arith.index_cast %scan3A_67 : i32 to index
        %get3A_267 = arith.constant 224 : index
        %get3A_268 = tpu.vector_load %arg12[%get3A_266, %get3A_267] {strides = array<i32>} : memref<16x1024xf32, #tpu.memory_space<vmem>>, vector<1x16xf32>,
        %get3A_269 = vector.shape_cast %get3A_268 : vector<1x16xf32> to vector<16xf32>
        %add3A_270 = arith.addf %get3A_265, %get3A_269 : vector<16xf32>
        %swap3A_271 = arith.index_cast %scan3A_67 : i32 to index
        %swap3A_272 = arith.constant 224 : index
        %swap3A_273 = tpu.vector_load %arg11[%swap3A_271, %swap3A_272] {strides = array<i32>} : memref<16x1024xf32, #tpu.memory_space<vmem>>, vector<1x16xf32>,
        %swap3A_274 = vector.shape_cast %swap3A_273 : vector<1x16xf32> to vector<16xf32>
        %swap3A_275 = vector.shape_cast %add3A_270 : vector<16xf32> to vector<1x16xf32>
        tpu.vector_store %arg11[%swap3A_271, %swap3A_272], %swap3A_275 {strides = array<i32>} : memref<16x1024xf32, #tpu.memory_space<vmem>>, vector<1x16xf32>,
        %get3A_276 = arith.index_cast %scan3A_67 : i32 to index
        %get3A_277 = arith.constant 240 : index
        %get3A_278 = tpu.vector_load %arg11[%get3A_276, %get3A_277] {strides = array<i32>} : memref<16x1024xf32, #tpu.memory_space<vmem>>, vector<1x16xf32>,
        %get3A_279 = vector.shape_cast %get3A_278 : vector<1x16xf32> to vector<16xf32>
        %get3A_280 = arith.index_cast %scan3A_67 : i32 to index
        %get3A_281 = arith.constant 240 : index
        %get3A_282 = tpu.vector_load %arg12[%get3A_280, %get3A_281] {strides = array<i32>} : memref<16x1024xf32, #tpu.memory_space<vmem>>, vector<1x16xf32>,
        %get3A_283 = vector.shape_cast %get3A_282 : vector<1x16xf32> to vector<16xf32>
        %add3A_284 = arith.addf %get3A_279, %get3A_283 : vector<16xf32>
        %swap3A_285 = arith.index_cast %scan3A_67 : i32 to index
        %swap3A_286 = arith.constant 240 : index
        %swap3A_287 = tpu.vector_load %arg11[%swap3A_285, %swap3A_286] {strides = array<i32>} : memref<16x1024xf32, #tpu.memory_space<vmem>>, vector<1x16xf32>,
        %swap3A_288 = vector.shape_cast %swap3A_287 : vector<1x16xf32> to vector<16xf32>
        %swap3A_289 = vector.shape_cast %add3A_284 : vector<16xf32> to vector<1x16xf32>
        tpu.vector_store %arg11[%swap3A_285, %swap3A_286], %swap3A_289 {strides = array<i32>} : memref<16x1024xf32, #tpu.memory_space<vmem>>, vector<1x16xf32>,
        %get3A_290 = arith.index_cast %scan3A_67 : i32 to index
        %get3A_291 = arith.constant 256 : index
        %get3A_292 = tpu.vector_load %arg11[%get3A_290, %get3A_291] {strides = array<i32>} : memref<16x1024xf32, #tpu.memory_space<vmem>>, vector<1x16xf32>,
        %get3A_293 = vector.shape_cast %get3A_292 : vector<1x16xf32> to vector<16xf32>
        %get3A_294 = arith.index_cast %scan3A_67 : i32 to index
        %get3A_295 = arith.constant 256 : index
        %get3A_296 = tpu.vector_load %arg12[%get3A_294, %get3A_295] {strides = array<i32>} : memref<16x1024xf32, #tpu.memory_space<vmem>>, vector<1x16xf32>,
        %get3A_297 = vector.shape_cast %get3A_296 : vector<1x16xf32> to vector<16xf32>
        %add3A_298 = arith.addf %get3A_293, %get3A_297 : vector<16xf32>
        %swap3A_299 = arith.index_cast %scan3A_67 : i32 to index
        %swap3A_300 = arith.constant 256 : index
        %swap3A_301 = tpu.vector_load %arg11[%swap3A_299, %swap3A_300] {strides = array<i32>} : memref<16x1024xf32, #tpu.memory_space<vmem>>, vector<1x16xf32>,
        %swap3A_302 = vector.shape_cast %swap3A_301 : vector<1x16xf32> to vector<16xf32>
        %swap3A_303 = vector.shape_cast %add3A_298 : vector<16xf32> to vector<1x16xf32>
        tpu.vector_store %arg11[%swap3A_299, %swap3A_300], %swap3A_303 {strides = array<i32>} : memref<16x1024xf32, #tpu.memory_space<vmem>>, vector<1x16xf32>,
        %get3A_304 = arith.index_cast %scan3A_67 : i32 to index
        %get3A_305 = arith.constant 272 : index
        %get3A_306 = tpu.vector_load %arg11[%get3A_304, %get3A_305] {strides = array<i32>} : memref<16x1024xf32, #tpu.memory_space<vmem>>, vector<1x16xf32>,
        %get3A_307 = vector.shape_cast %get3A_306 : vector<1x16xf32> to vector<16xf32>
        %get3A_308 = arith.index_cast %scan3A_67 : i32 to index
        %get3A_309 = arith.constant 272 : index
        %get3A_310 = tpu.vector_load %arg12[%get3A_308, %get3A_309] {strides = array<i32>} : memref<16x1024xf32, #tpu.memory_space<vmem>>, vector<1x16xf32>,
        %get3A_311 = vector.shape_cast %get3A_310 : vector<1x16xf32> to vector<16xf32>
        %add3A_312 = arith.addf %get3A_307, %get3A_311 : vector<16xf32>
        %swap3A_313 = arith.index_cast %scan3A_67 : i32 to index
        %swap3A_314 = arith.constant 272 : index
        %swap3A_315 = tpu.vector_load %arg11[%swap3A_313, %swap3A_314] {strides = array<i32>} : memref<16x1024xf32, #tpu.memory_space<vmem>>, vector<1x16xf32>,
        %swap3A_316 = vector.shape_cast %swap3A_315 : vector<1x16xf32> to vector<16xf32>
        %swap3A_317 = vector.shape_cast %add3A_312 : vector<16xf32> to vector<1x16xf32>
        tpu.vector_store %arg11[%swap3A_313, %swap3A_314], %swap3A_317 {strides = array<i32>} : memref<16x1024xf32, #tpu.memory_space<vmem>>, vector<1x16xf32>,
        %get3A_318 = arith.index_cast %scan3A_67 : i32 to index
        %get3A_319 = arith.constant 288 : index
        %get3A_320 = tpu.vector_load %arg11[%get3A_318, %get3A_319] {strides = array<i32>} : memref<16x1024xf32, #tpu.memory_space<vmem>>, vector<1x16xf32>,
        %get3A_321 = vector.shape_cast %get3A_320 : vector<1x16xf32> to vector<16xf32>
        %get3A_322 = arith.index_cast %scan3A_67 : i32 to index
        %get3A_323 = arith.constant 288 : index
        %get3A_324 = tpu.vector_load %arg12[%get3A_322, %get3A_323] {strides = array<i32>} : memref<16x1024xf32, #tpu.memory_space<vmem>>, vector<1x16xf32>,
        %get3A_325 = vector.shape_cast %get3A_324 : vector<1x16xf32> to vector<16xf32>
        %add3A_326 = arith.addf %get3A_321, %get3A_325 : vector<16xf32>
        %swap3A_327 = arith.index_cast %scan3A_67 : i32 to index
        %swap3A_328 = arith.constant 288 : index
        %swap3A_329 = tpu.vector_load %arg11[%swap3A_327, %swap3A_328] {strides = array<i32>} : memref<16x1024xf32, #tpu.memory_space<vmem>>, vector<1x16xf32>,
        %swap3A_330 = vector.shape_cast %swap3A_329 : vector<1x16xf32> to vector<16xf32>
        %swap3A_331 = vector.shape_cast %add3A_326 : vector<16xf32> to vector<1x16xf32>
        tpu.vector_store %arg11[%swap3A_327, %swap3A_328], %swap3A_331 {strides = array<i32>} : memref<16x1024xf32, #tpu.memory_space<vmem>>, vector<1x16xf32>,
        %get3A_332 = arith.index_cast %scan3A_67 : i32 to index
        %get3A_333 = arith.constant 304 : index
        %get3A_334 = tpu.vector_load %arg11[%get3A_332, %get3A_333] {strides = array<i32>} : memref<16x1024xf32, #tpu.memory_space<vmem>>, vector<1x16xf32>,
        %get3A_335 = vector.shape_cast %get3A_334 : vector<1x16xf32> to vector<16xf32>
        %get3A_336 = arith.index_cast %scan3A_67 : i32 to index
        %get3A_337 = arith.constant 304 : index
        %get3A_338 = tpu.vector_load %arg12[%get3A_336, %get3A_337] {strides = array<i32>} : memref<16x1024xf32, #tpu.memory_space<vmem>>, vector<1x16xf32>,
        %get3A_339 = vector.shape_cast %get3A_338 : vector<1x16xf32> to vector<16xf32>
        %add3A_340 = arith.addf %get3A_335, %get3A_339 : vector<16xf32>
        %swap3A_341 = arith.index_cast %scan3A_67 : i32 to index
        %swap3A_342 = arith.constant 304 : index
        %swap3A_343 = tpu.vector_load %arg11[%swap3A_341, %swap3A_342] {strides = array<i32>} : memref<16x1024xf32, #tpu.memory_space<vmem>>, vector<1x16xf32>,
        %swap3A_344 = vector.shape_cast %swap3A_343 : vector<1x16xf32> to vector<16xf32>
        %swap3A_345 = vector.shape_cast %add3A_340 : vector<16xf32> to vector<1x16xf32>
        tpu.vector_store %arg11[%swap3A_341, %swap3A_342], %swap3A_345 {strides = array<i32>} : memref<16x1024xf32, #tpu.memory_space<vmem>>, vector<1x16xf32>,
        %get3A_346 = arith.index_cast %scan3A_67 : i32 to index
        %get3A_347 = arith.constant 320 : index
        %get3A_348 = tpu.vector_load %arg11[%get3A_346, %get3A_347] {strides = array<i32>} : memref<16x1024xf32, #tpu.memory_space<vmem>>, vector<1x16xf32>,
        %get3A_349 = vector.shape_cast %get3A_348 : vector<1x16xf32> to vector<16xf32>
        %get3A_350 = arith.index_cast %scan3A_67 : i32 to index
        %get3A_351 = arith.constant 320 : index
        %get3A_352 = tpu.vector_load %arg12[%get3A_350, %get3A_351] {strides = array<i32>} : memref<16x1024xf32, #tpu.memory_space<vmem>>, vector<1x16xf32>,
        %get3A_353 = vector.shape_cast %get3A_352 : vector<1x16xf32> to vector<16xf32>
        %add3A_354 = arith.addf %get3A_349, %get3A_353 : vector<16xf32>
        %swap3A_355 = arith.index_cast %scan3A_67 : i32 to index
        %swap3A_356 = arith.constant 320 : index
        %swap3A_357 = tpu.vector_load %arg11[%swap3A_355, %swap3A_356] {strides = array<i32>} : memref<16x1024xf32, #tpu.memory_space<vmem>>, vector<1x16xf32>,
        %swap3A_358 = vector.shape_cast %swap3A_357 : vector<1x16xf32> to vector<16xf32>
        %swap3A_359 = vector.shape_cast %add3A_354 : vector<16xf32> to vector<1x16xf32>
        tpu.vector_store %arg11[%swap3A_355, %swap3A_356], %swap3A_359 {strides = array<i32>} : memref<16x1024xf32, #tpu.memory_space<vmem>>, vector<1x16xf32>,
        %get3A_360 = arith.index_cast %scan3A_67 : i32 to index
        %get3A_361 = arith.constant 336 : index
        %get3A_362 = tpu.vector_load %arg11[%get3A_360, %get3A_361] {strides = array<i32>} : memref<16x1024xf32, #tpu.memory_space<vmem>>, vector<1x16xf32>,
        %get3A_363 = vector.shape_cast %get3A_362 : vector<1x16xf32> to vector<16xf32>
        %get3A_364 = arith.index_cast %scan3A_67 : i32 to index
        %get3A_365 = arith.constant 336 : index
        %get3A_366 = tpu.vector_load %arg12[%get3A_364, %get3A_365] {strides = array<i32>} : memref<16x1024xf32, #tpu.memory_space<vmem>>, vector<1x16xf32>,
        %get3A_367 = vector.shape_cast %get3A_366 : vector<1x16xf32> to vector<16xf32>
        %add3A_368 = arith.addf %get3A_363, %get3A_367 : vector<16xf32>
        %swap3A_369 = arith.index_cast %scan3A_67 : i32 to index
        %swap3A_370 = arith.constant 336 : index
        %swap3A_371 = tpu.vector_load %arg11[%swap3A_369, %swap3A_370] {strides = array<i32>} : memref<16x1024xf32, #tpu.memory_space<vmem>>, vector<1x16xf32>,
        %swap3A_372 = vector.shape_cast %swap3A_371 : vector<1x16xf32> to vector<16xf32>
        %swap3A_373 = vector.shape_cast %add3A_368 : vector<16xf32> to vector<1x16xf32>
        tpu.vector_store %arg11[%swap3A_369, %swap3A_370], %swap3A_373 {strides = array<i32>} : memref<16x1024xf32, #tpu.memory_space<vmem>>, vector<1x16xf32>,
        %get3A_374 = arith.index_cast %scan3A_67 : i32 to index
        %get3A_375 = arith.constant 352 : index
        %get3A_376 = tpu.vector_load %arg11[%get3A_374, %get3A_375] {strides = array<i32>} : memref<16x1024xf32, #tpu.memory_space<vmem>>, vector<1x16xf32>,
        %get3A_377 = vector.shape_cast %get3A_376 : vector<1x16xf32> to vector<16xf32>
        %get3A_378 = arith.index_cast %scan3A_67 : i32 to index
        %get3A_379 = arith.constant 352 : index
        %get3A_380 = tpu.vector_load %arg12[%get3A_378, %get3A_379] {strides = array<i32>} : memref<16x1024xf32, #tpu.memory_space<vmem>>, vector<1x16xf32>,
        %get3A_381 = vector.shape_cast %get3A_380 : vector<1x16xf32> to vector<16xf32>
        %add3A_382 = arith.addf %get3A_377, %get3A_381 : vector<16xf32>
        %swap3A_383 = arith.index_cast %scan3A_67 : i32 to index
        %swap3A_384 = arith.constant 352 : index
        %swap3A_385 = tpu.vector_load %arg11[%swap3A_383, %swap3A_384] {strides = array<i32>} : memref<16x1024xf32, #tpu.memory_space<vmem>>, vector<1x16xf32>,
        %swap3A_386 = vector.shape_cast %swap3A_385 : vector<1x16xf32> to vector<16xf32>
        %swap3A_387 = vector.shape_cast %add3A_382 : vector<16xf32> to vector<1x16xf32>
        tpu.vector_store %arg11[%swap3A_383, %swap3A_384], %swap3A_387 {strides = array<i32>} : memref<16x1024xf32, #tpu.memory_space<vmem>>, vector<1x16xf32>,
        %get3A_388 = arith.index_cast %scan3A_67 : i32 to index
        %get3A_389 = arith.constant 368 : index
        %get3A_390 = tpu.vector_load %arg11[%get3A_388, %get3A_389] {strides = array<i32>} : memref<16x1024xf32, #tpu.memory_space<vmem>>, vector<1x16xf32>,
        %get3A_391 = vector.shape_cast %get3A_390 : vector<1x16xf32> to vector<16xf32>
        %get3A_392 = arith.index_cast %scan3A_67 : i32 to index
        %get3A_393 = arith.constant 368 : index
        %get3A_394 = tpu.vector_load %arg12[%get3A_392, %get3A_393] {strides = array<i32>} : memref<16x1024xf32, #tpu.memory_space<vmem>>, vector<1x16xf32>,
        %get3A_395 = vector.shape_cast %get3A_394 : vector<1x16xf32> to vector<16xf32>
        %add3A_396 = arith.addf %get3A_391, %get3A_395 : vector<16xf32>
        %swap3A_397 = arith.index_cast %scan3A_67 : i32 to index
        %swap3A_398 = arith.constant 368 : index
        %swap3A_399 = tpu.vector_load %arg11[%swap3A_397, %swap3A_398] {strides = array<i32>} : memref<16x1024xf32, #tpu.memory_space<vmem>>, vector<1x16xf32>,
        %swap3A_400 = vector.shape_cast %swap3A_399 : vector<1x16xf32> to vector<16xf32>
        %swap3A_401 = vector.shape_cast %add3A_396 : vector<16xf32> to vector<1x16xf32>
        tpu.vector_store %arg11[%swap3A_397, %swap3A_398], %swap3A_401 {strides = array<i32>} : memref<16x1024xf32, #tpu.memory_space<vmem>>, vector<1x16xf32>,
        %get3A_402 = arith.index_cast %scan3A_67 : i32 to index
        %get3A_403 = arith.constant 384 : index
        %get3A_404 = tpu.vector_load %arg11[%get3A_402, %get3A_403] {strides = array<i32>} : memref<16x1024xf32, #tpu.memory_space<vmem>>, vector<1x16xf32>,
        %get3A_405 = vector.shape_cast %get3A_404 : vector<1x16xf32> to vector<16xf32>
        %get3A_406 = arith.index_cast %scan3A_67 : i32 to index
        %get3A_407 = arith.constant 384 : index
        %get3A_408 = tpu.vector_load %arg12[%get3A_406, %get3A_407] {strides = array<i32>} : memref<16x1024xf32, #tpu.memory_space<vmem>>, vector<1x16xf32>,
        %get3A_409 = vector.shape_cast %get3A_408 : vector<1x16xf32> to vector<16xf32>
        %add3A_410 = arith.addf %get3A_405, %get3A_409 : vector<16xf32>
        %swap3A_411 = arith.index_cast %scan3A_67 : i32 to index
        %swap3A_412 = arith.constant 384 : index
        %swap3A_413 = tpu.vector_load %arg11[%swap3A_411, %swap3A_412] {strides = array<i32>} : memref<16x1024xf32, #tpu.memory_space<vmem>>, vector<1x16xf32>,
        %swap3A_414 = vector.shape_cast %swap3A_413 : vector<1x16xf32> to vector<16xf32>
        %swap3A_415 = vector.shape_cast %add3A_410 : vector<16xf32> to vector<1x16xf32>
        tpu.vector_store %arg11[%swap3A_411, %swap3A_412], %swap3A_415 {strides = array<i32>} : memref<16x1024xf32, #tpu.memory_space<vmem>>, vector<1x16xf32>,
        %get3A_416 = arith.index_cast %scan3A_67 : i32 to index
        %get3A_417 = arith.constant 400 : index
        %get3A_418 = tpu.vector_load %arg11[%get3A_416, %get3A_417] {strides = array<i32>} : memref<16x1024xf32, #tpu.memory_space<vmem>>, vector<1x16xf32>,
        %get3A_419 = vector.shape_cast %get3A_418 : vector<1x16xf32> to vector<16xf32>
        %get3A_420 = arith.index_cast %scan3A_67 : i32 to index
        %get3A_421 = arith.constant 400 : index
        %get3A_422 = tpu.vector_load %arg12[%get3A_420, %get3A_421] {strides = array<i32>} : memref<16x1024xf32, #tpu.memory_space<vmem>>, vector<1x16xf32>,
        %get3A_423 = vector.shape_cast %get3A_422 : vector<1x16xf32> to vector<16xf32>
        %add3A_424 = arith.addf %get3A_419, %get3A_423 : vector<16xf32>
        %swap3A_425 = arith.index_cast %scan3A_67 : i32 to index
        %swap3A_426 = arith.constant 400 : index
        %swap3A_427 = tpu.vector_load %arg11[%swap3A_425, %swap3A_426] {strides = array<i32>} : memref<16x1024xf32, #tpu.memory_space<vmem>>, vector<1x16xf32>,
        %swap3A_428 = vector.shape_cast %swap3A_427 : vector<1x16xf32> to vector<16xf32>
        %swap3A_429 = vector.shape_cast %add3A_424 : vector<16xf32> to vector<1x16xf32>
        tpu.vector_store %arg11[%swap3A_425, %swap3A_426], %swap3A_429 {strides = array<i32>} : memref<16x1024xf32, #tpu.memory_space<vmem>>, vector<1x16xf32>,
        %get3A_430 = arith.index_cast %scan3A_67 : i32 to index
        %get3A_431 = arith.constant 416 : index
        %get3A_432 = tpu.vector_load %arg11[%get3A_430, %get3A_431] {strides = array<i32>} : memref<16x1024xf32, #tpu.memory_space<vmem>>, vector<1x16xf32>,
        %get3A_433 = vector.shape_cast %get3A_432 : vector<1x16xf32> to vector<16xf32>
        %get3A_434 = arith.index_cast %scan3A_67 : i32 to index
        %get3A_435 = arith.constant 416 : index
        %get3A_436 = tpu.vector_load %arg12[%get3A_434, %get3A_435] {strides = array<i32>} : memref<16x1024xf32, #tpu.memory_space<vmem>>, vector<1x16xf32>,
        %get3A_437 = vector.shape_cast %get3A_436 : vector<1x16xf32> to vector<16xf32>
        %add3A_438 = arith.addf %get3A_433, %get3A_437 : vector<16xf32>
        %swap3A_439 = arith.index_cast %scan3A_67 : i32 to index
        %swap3A_440 = arith.constant 416 : index
        %swap3A_441 = tpu.vector_load %arg11[%swap3A_439, %swap3A_440] {strides = array<i32>} : memref<16x1024xf32, #tpu.memory_space<vmem>>, vector<1x16xf32>,
        %swap3A_442 = vector.shape_cast %swap3A_441 : vector<1x16xf32> to vector<16xf32>
        %swap3A_443 = vector.shape_cast %add3A_438 : vector<16xf32> to vector<1x16xf32>
        tpu.vector_store %arg11[%swap3A_439, %swap3A_440], %swap3A_443 {strides = array<i32>} : memref<16x1024xf32, #tpu.memory_space<vmem>>, vector<1x16xf32>,
        %get3A_444 = arith.index_cast %scan3A_67 : i32 to index
        %get3A_445 = arith.constant 432 : index
        %get3A_446 = tpu.vector_load %arg11[%get3A_444, %get3A_445] {strides = array<i32>} : memref<16x1024xf32, #tpu.memory_space<vmem>>, vector<1x16xf32>,
        %get3A_447 = vector.shape_cast %get3A_446 : vector<1x16xf32> to vector<16xf32>
        %get3A_448 = arith.index_cast %scan3A_67 : i32 to index
        %get3A_449 = arith.constant 432 : index
        %get3A_450 = tpu.vector_load %arg12[%get3A_448, %get3A_449] {strides = array<i32>} : memref<16x1024xf32, #tpu.memory_space<vmem>>, vector<1x16xf32>,
        %get3A_451 = vector.shape_cast %get3A_450 : vector<1x16xf32> to vector<16xf32>
        %add3A_452 = arith.addf %get3A_447, %get3A_451 : vector<16xf32>
        %swap3A_453 = arith.index_cast %scan3A_67 : i32 to index
        %swap3A_454 = arith.constant 432 : index
        %swap3A_455 = tpu.vector_load %arg11[%swap3A_453, %swap3A_454] {strides = array<i32>} : memref<16x1024xf32, #tpu.memory_space<vmem>>, vector<1x16xf32>,
        %swap3A_456 = vector.shape_cast %swap3A_455 : vector<1x16xf32> to vector<16xf32>
        %swap3A_457 = vector.shape_cast %add3A_452 : vector<16xf32> to vector<1x16xf32>
        tpu.vector_store %arg11[%swap3A_453, %swap3A_454], %swap3A_457 {strides = array<i32>} : memref<16x1024xf32, #tpu.memory_space<vmem>>, vector<1x16xf32>,
        %get3A_458 = arith.index_cast %scan3A_67 : i32 to index
        %get3A_459 = arith.constant 448 : index
        %get3A_460 = tpu.vector_load %arg11[%get3A_458, %get3A_459] {strides = array<i32>} : memref<16x1024xf32, #tpu.memory_space<vmem>>, vector<1x16xf32>,
        %get3A_461 = vector.shape_cast %get3A_460 : vector<1x16xf32> to vector<16xf32>
        %get3A_462 = arith.index_cast %scan3A_67 : i32 to index
        %get3A_463 = arith.constant 448 : index
        %get3A_464 = tpu.vector_load %arg12[%get3A_462, %get3A_463] {strides = array<i32>} : memref<16x1024xf32, #tpu.memory_space<vmem>>, vector<1x16xf32>,
        %get3A_465 = vector.shape_cast %get3A_464 : vector<1x16xf32> to vector<16xf32>
        %add3A_466 = arith.addf %get3A_461, %get3A_465 : vector<16xf32>
        %swap3A_467 = arith.index_cast %scan3A_67 : i32 to index
        %swap3A_468 = arith.constant 448 : index
        %swap3A_469 = tpu.vector_load %arg11[%swap3A_467, %swap3A_468] {strides = array<i32>} : memref<16x1024xf32, #tpu.memory_space<vmem>>, vector<1x16xf32>,
        %swap3A_470 = vector.shape_cast %swap3A_469 : vector<1x16xf32> to vector<16xf32>
        %swap3A_471 = vector.shape_cast %add3A_466 : vector<16xf32> to vector<1x16xf32>
        tpu.vector_store %arg11[%swap3A_467, %swap3A_468], %swap3A_471 {strides = array<i32>} : memref<16x1024xf32, #tpu.memory_space<vmem>>, vector<1x16xf32>,
        %get3A_472 = arith.index_cast %scan3A_67 : i32 to index
        %get3A_473 = arith.constant 464 : index
        %get3A_474 = tpu.vector_load %arg11[%get3A_472, %get3A_473] {strides = array<i32>} : memref<16x1024xf32, #tpu.memory_space<vmem>>, vector<1x16xf32>,
        %get3A_475 = vector.shape_cast %get3A_474 : vector<1x16xf32> to vector<16xf32>
        %get3A_476 = arith.index_cast %scan3A_67 : i32 to index
        %get3A_477 = arith.constant 464 : index
        %get3A_478 = tpu.vector_load %arg12[%get3A_476, %get3A_477] {strides = array<i32>} : memref<16x1024xf32, #tpu.memory_space<vmem>>, vector<1x16xf32>,
        %get3A_479 = vector.shape_cast %get3A_478 : vector<1x16xf32> to vector<16xf32>
        %add3A_480 = arith.addf %get3A_475, %get3A_479 : vector<16xf32>
        %swap3A_481 = arith.index_cast %scan3A_67 : i32 to index
        %swap3A_482 = arith.constant 464 : index
        %swap3A_483 = tpu.vector_load %arg11[%swap3A_481, %swap3A_482] {strides = array<i32>} : memref<16x1024xf32, #tpu.memory_space<vmem>>, vector<1x16xf32>,
        %swap3A_484 = vector.shape_cast %swap3A_483 : vector<1x16xf32> to vector<16xf32>
        %swap3A_485 = vector.shape_cast %add3A_480 : vector<16xf32> to vector<1x16xf32>
        tpu.vector_store %arg11[%swap3A_481, %swap3A_482], %swap3A_485 {strides = array<i32>} : memref<16x1024xf32, #tpu.memory_space<vmem>>, vector<1x16xf32>,
        %get3A_486 = arith.index_cast %scan3A_67 : i32 to index
        %get3A_487 = arith.constant 480 : index
        %get3A_488 = tpu.vector_load %arg11[%get3A_486, %get3A_487] {strides = array<i32>} : memref<16x1024xf32, #tpu.memory_space<vmem>>, vector<1x16xf32>,
        %get3A_489 = vector.shape_cast %get3A_488 : vector<1x16xf32> to vector<16xf32>
        %get3A_490 = arith.index_cast %scan3A_67 : i32 to index
        %get3A_491 = arith.constant 480 : index
        %get3A_492 = tpu.vector_load %arg12[%get3A_490, %get3A_491] {strides = array<i32>} : memref<16x1024xf32, #tpu.memory_space<vmem>>, vector<1x16xf32>,
        %get3A_493 = vector.shape_cast %get3A_492 : vector<1x16xf32> to vector<16xf32>
        %add3A_494 = arith.addf %get3A_489, %get3A_493 : vector<16xf32>
        %swap3A_495 = arith.index_cast %scan3A_67 : i32 to index
        %swap3A_496 = arith.constant 480 : index
        %swap3A_497 = tpu.vector_load %arg11[%swap3A_495, %swap3A_496] {strides = array<i32>} : memref<16x1024xf32, #tpu.memory_space<vmem>>, vector<1x16xf32>,
        %swap3A_498 = vector.shape_cast %swap3A_497 : vector<1x16xf32> to vector<16xf32>
        %swap3A_499 = vector.shape_cast %add3A_494 : vector<16xf32> to vector<1x16xf32>
        tpu.vector_store %arg11[%swap3A_495, %swap3A_496], %swap3A_499 {strides = array<i32>} : memref<16x1024xf32, #tpu.memory_space<vmem>>, vector<1x16xf32>,
        %get3A_500 = arith.index_cast %scan3A_67 : i32 to index
        %get3A_501 = arith.constant 496 : index
        %get3A_502 = tpu.vector_load %arg11[%get3A_500, %get3A_501] {strides = array<i32>} : memref<16x1024xf32, #tpu.memory_space<vmem>>, vector<1x16xf32>,
        %get3A_503 = vector.shape_cast %get3A_502 : vector<1x16xf32> to vector<16xf32>
        %get3A_504 = arith.index_cast %scan3A_67 : i32 to index
        %get3A_505 = arith.constant 496 : index
        %get3A_506 = tpu.vector_load %arg12[%get3A_504, %get3A_505] {strides = array<i32>} : memref<16x1024xf32, #tpu.memory_space<vmem>>, vector<1x16xf32>,
        %get3A_507 = vector.shape_cast %get3A_506 : vector<1x16xf32> to vector<16xf32>
        %add3A_508 = arith.addf %get3A_503, %get3A_507 : vector<16xf32>
        %swap3A_509 = arith.index_cast %scan3A_67 : i32 to index
        %swap3A_510 = arith.constant 496 : index
        %swap3A_511 = tpu.vector_load %arg11[%swap3A_509, %swap3A_510] {strides = array<i32>} : memref<16x1024xf32, #tpu.memory_space<vmem>>, vector<1x16xf32>,
        %swap3A_512 = vector.shape_cast %swap3A_511 : vector<1x16xf32> to vector<16xf32>
        %swap3A_513 = vector.shape_cast %add3A_508 : vector<16xf32> to vector<1x16xf32>
        tpu.vector_store %arg11[%swap3A_509, %swap3A_510], %swap3A_513 {strides = array<i32>} : memref<16x1024xf32, #tpu.memory_space<vmem>>, vector<1x16xf32>,
        %get3A_514 = arith.index_cast %scan3A_67 : i32 to index
        %get3A_515 = arith.constant 512 : index
        %get3A_516 = tpu.vector_load %arg11[%get3A_514, %get3A_515] {strides = array<i32>} : memref<16x1024xf32, #tpu.memory_space<vmem>>, vector<1x16xf32>,
        %get3A_517 = vector.shape_cast %get3A_516 : vector<1x16xf32> to vector<16xf32>
        %get3A_518 = arith.index_cast %scan3A_67 : i32 to index
        %get3A_519 = arith.constant 512 : index
        %get3A_520 = tpu.vector_load %arg12[%get3A_518, %get3A_519] {strides = array<i32>} : memref<16x1024xf32, #tpu.memory_space<vmem>>, vector<1x16xf32>,
        %get3A_521 = vector.shape_cast %get3A_520 : vector<1x16xf32> to vector<16xf32>
        %add3A_522 = arith.addf %get3A_517, %get3A_521 : vector<16xf32>
        %swap3A_523 = arith.index_cast %scan3A_67 : i32 to index
        %swap3A_524 = arith.constant 512 : index
        %swap3A_525 = tpu.vector_load %arg11[%swap3A_523, %swap3A_524] {strides = array<i32>} : memref<16x1024xf32, #tpu.memory_space<vmem>>, vector<1x16xf32>,
        %swap3A_526 = vector.shape_cast %swap3A_525 : vector<1x16xf32> to vector<16xf32>
        %swap3A_527 = vector.shape_cast %add3A_522 : vector<16xf32> to vector<1x16xf32>
        tpu.vector_store %arg11[%swap3A_523, %swap3A_524], %swap3A_527 {strides = array<i32>} : memref<16x1024xf32, #tpu.memory_space<vmem>>, vector<1x16xf32>,
        %get3A_528 = arith.index_cast %scan3A_67 : i32 to index
        %get3A_529 = arith.constant 528 : index
        %get3A_530 = tpu.vector_load %arg11[%get3A_528, %get3A_529] {strides = array<i32>} : memref<16x1024xf32, #tpu.memory_space<vmem>>, vector<1x16xf32>,
        %get3A_531 = vector.shape_cast %get3A_530 : vector<1x16xf32> to vector<16xf32>
        %get3A_532 = arith.index_cast %scan3A_67 : i32 to index
        %get3A_533 = arith.constant 528 : index
        %get3A_534 = tpu.vector_load %arg12[%get3A_532, %get3A_533] {strides = array<i32>} : memref<16x1024xf32, #tpu.memory_space<vmem>>, vector<1x16xf32>,
        %get3A_535 = vector.shape_cast %get3A_534 : vector<1x16xf32> to vector<16xf32>
        %add3A_536 = arith.addf %get3A_531, %get3A_535 : vector<16xf32>
        %swap3A_537 = arith.index_cast %scan3A_67 : i32 to index
        %swap3A_538 = arith.constant 528 : index
        %swap3A_539 = tpu.vector_load %arg11[%swap3A_537, %swap3A_538] {strides = array<i32>} : memref<16x1024xf32, #tpu.memory_space<vmem>>, vector<1x16xf32>,
        %swap3A_540 = vector.shape_cast %swap3A_539 : vector<1x16xf32> to vector<16xf32>
        %swap3A_541 = vector.shape_cast %add3A_536 : vector<16xf32> to vector<1x16xf32>
        tpu.vector_store %arg11[%swap3A_537, %swap3A_538], %swap3A_541 {strides = array<i32>} : memref<16x1024xf32, #tpu.memory_space<vmem>>, vector<1x16xf32>,
        %get3A_542 = arith.index_cast %scan3A_67 : i32 to index
        %get3A_543 = arith.constant 544 : index
        %get3A_544 = tpu.vector_load %arg11[%get3A_542, %get3A_543] {strides = array<i32>} : memref<16x1024xf32, #tpu.memory_space<vmem>>, vector<1x16xf32>,
        %get3A_545 = vector.shape_cast %get3A_544 : vector<1x16xf32> to vector<16xf32>
        %get3A_546 = arith.index_cast %scan3A_67 : i32 to index
        %get3A_547 = arith.constant 544 : index
        %get3A_548 = tpu.vector_load %arg12[%get3A_546, %get3A_547] {strides = array<i32>} : memref<16x1024xf32, #tpu.memory_space<vmem>>, vector<1x16xf32>,
        %get3A_549 = vector.shape_cast %get3A_548 : vector<1x16xf32> to vector<16xf32>
        %add3A_550 = arith.addf %get3A_545, %get3A_549 : vector<16xf32>
        %swap3A_551 = arith.index_cast %scan3A_67 : i32 to index
        %swap3A_552 = arith.constant 544 : index
        %swap3A_553 = tpu.vector_load %arg11[%swap3A_551, %swap3A_552] {strides = array<i32>} : memref<16x1024xf32, #tpu.memory_space<vmem>>, vector<1x16xf32>,
        %swap3A_554 = vector.shape_cast %swap3A_553 : vector<1x16xf32> to vector<16xf32>
        %swap3A_555 = vector.shape_cast %add3A_550 : vector<16xf32> to vector<1x16xf32>
        tpu.vector_store %arg11[%swap3A_551, %swap3A_552], %swap3A_555 {strides = array<i32>} : memref<16x1024xf32, #tpu.memory_space<vmem>>, vector<1x16xf32>,
        %get3A_556 = arith.index_cast %scan3A_67 : i32 to index
        %get3A_557 = arith.constant 560 : index
        %get3A_558 = tpu.vector_load %arg11[%get3A_556, %get3A_557] {strides = array<i32>} : memref<16x1024xf32, #tpu.memory_space<vmem>>, vector<1x16xf32>,
        %get3A_559 = vector.shape_cast %get3A_558 : vector<1x16xf32> to vector<16xf32>
        %get3A_560 = arith.index_cast %scan3A_67 : i32 to index
        %get3A_561 = arith.constant 560 : index
        %get3A_562 = tpu.vector_load %arg12[%get3A_560, %get3A_561] {strides = array<i32>} : memref<16x1024xf32, #tpu.memory_space<vmem>>, vector<1x16xf32>,
        %get3A_563 = vector.shape_cast %get3A_562 : vector<1x16xf32> to vector<16xf32>
        %add3A_564 = arith.addf %get3A_559, %get3A_563 : vector<16xf32>
        %swap3A_565 = arith.index_cast %scan3A_67 : i32 to index
        %swap3A_566 = arith.constant 560 : index
        %swap3A_567 = tpu.vector_load %arg11[%swap3A_565, %swap3A_566] {strides = array<i32>} : memref<16x1024xf32, #tpu.memory_space<vmem>>, vector<1x16xf32>,
        %swap3A_568 = vector.shape_cast %swap3A_567 : vector<1x16xf32> to vector<16xf32>
        %swap3A_569 = vector.shape_cast %add3A_564 : vector<16xf32> to vector<1x16xf32>
        tpu.vector_store %arg11[%swap3A_565, %swap3A_566], %swap3A_569 {strides = array<i32>} : memref<16x1024xf32, #tpu.memory_space<vmem>>, vector<1x16xf32>,
        %get3A_570 = arith.index_cast %scan3A_67 : i32 to index
        %get3A_571 = arith.constant 576 : index
        %get3A_572 = tpu.vector_load %arg11[%get3A_570, %get3A_571] {strides = array<i32>} : memref<16x1024xf32, #tpu.memory_space<vmem>>, vector<1x16xf32>,
        %get3A_573 = vector.shape_cast %get3A_572 : vector<1x16xf32> to vector<16xf32>
        %get3A_574 = arith.index_cast %scan3A_67 : i32 to index
        %get3A_575 = arith.constant 576 : index
        %get3A_576 = tpu.vector_load %arg12[%get3A_574, %get3A_575] {strides = array<i32>} : memref<16x1024xf32, #tpu.memory_space<vmem>>, vector<1x16xf32>,
        %get3A_577 = vector.shape_cast %get3A_576 : vector<1x16xf32> to vector<16xf32>
        %add3A_578 = arith.addf %get3A_573, %get3A_577 : vector<16xf32>
        %swap3A_579 = arith.index_cast %scan3A_67 : i32 to index
        %swap3A_580 = arith.constant 576 : index
        %swap3A_581 = tpu.vector_load %arg11[%swap3A_579, %swap3A_580] {strides = array<i32>} : memref<16x1024xf32, #tpu.memory_space<vmem>>, vector<1x16xf32>,
        %swap3A_582 = vector.shape_cast %swap3A_581 : vector<1x16xf32> to vector<16xf32>
        %swap3A_583 = vector.shape_cast %add3A_578 : vector<16xf32> to vector<1x16xf32>
        tpu.vector_store %arg11[%swap3A_579, %swap3A_580], %swap3A_583 {strides = array<i32>} : memref<16x1024xf32, #tpu.memory_space<vmem>>, vector<1x16xf32>,
        %get3A_584 = arith.index_cast %scan3A_67 : i32 to index
        %get3A_585 = arith.constant 592 : index
        %get3A_586 = tpu.vector_load %arg11[%get3A_584, %get3A_585] {strides = array<i32>} : memref<16x1024xf32, #tpu.memory_space<vmem>>, vector<1x16xf32>,
        %get3A_587 = vector.shape_cast %get3A_586 : vector<1x16xf32> to vector<16xf32>
        %get3A_588 = arith.index_cast %scan3A_67 : i32 to index
        %get3A_589 = arith.constant 592 : index
        %get3A_590 = tpu.vector_load %arg12[%get3A_588, %get3A_589] {strides = array<i32>} : memref<16x1024xf32, #tpu.memory_space<vmem>>, vector<1x16xf32>,
        %get3A_591 = vector.shape_cast %get3A_590 : vector<1x16xf32> to vector<16xf32>
        %add3A_592 = arith.addf %get3A_587, %get3A_591 : vector<16xf32>
        %swap3A_593 = arith.index_cast %scan3A_67 : i32 to index
        %swap3A_594 = arith.constant 592 : index
        %swap3A_595 = tpu.vector_load %arg11[%swap3A_593, %swap3A_594] {strides = array<i32>} : memref<16x1024xf32, #tpu.memory_space<vmem>>, vector<1x16xf32>,
        %swap3A_596 = vector.shape_cast %swap3A_595 : vector<1x16xf32> to vector<16xf32>
        %swap3A_597 = vector.shape_cast %add3A_592 : vector<16xf32> to vector<1x16xf32>
        tpu.vector_store %arg11[%swap3A_593, %swap3A_594], %swap3A_597 {strides = array<i32>} : memref<16x1024xf32, #tpu.memory_space<vmem>>, vector<1x16xf32>,
        %get3A_598 = arith.index_cast %scan3A_67 : i32 to index
        %get3A_599 = arith.constant 608 : index
        %get3A_600 = tpu.vector_load %arg11[%get3A_598, %get3A_599] {strides = array<i32>} : memref<16x1024xf32, #tpu.memory_space<vmem>>, vector<1x16xf32>,
        %get3A_601 = vector.shape_cast %get3A_600 : vector<1x16xf32> to vector<16xf32>
        %get3A_602 = arith.index_cast %scan3A_67 : i32 to index
        %get3A_603 = arith.constant 608 : index
        %get3A_604 = tpu.vector_load %arg12[%get3A_602, %get3A_603] {strides = array<i32>} : memref<16x1024xf32, #tpu.memory_space<vmem>>, vector<1x16xf32>,
        %get3A_605 = vector.shape_cast %get3A_604 : vector<1x16xf32> to vector<16xf32>
        %add3A_606 = arith.addf %get3A_601, %get3A_605 : vector<16xf32>
        %swap3A_607 = arith.index_cast %scan3A_67 : i32 to index
        %swap3A_608 = arith.constant 608 : index
        %swap3A_609 = tpu.vector_load %arg11[%swap3A_607, %swap3A_608] {strides = array<i32>} : memref<16x1024xf32, #tpu.memory_space<vmem>>, vector<1x16xf32>,
        %swap3A_610 = vector.shape_cast %swap3A_609 : vector<1x16xf32> to vector<16xf32>
        %swap3A_611 = vector.shape_cast %add3A_606 : vector<16xf32> to vector<1x16xf32>
        tpu.vector_store %arg11[%swap3A_607, %swap3A_608], %swap3A_611 {strides = array<i32>} : memref<16x1024xf32, #tpu.memory_space<vmem>>, vector<1x16xf32>,
        %get3A_612 = arith.index_cast %scan3A_67 : i32 to index
        %get3A_613 = arith.constant 624 : index
        %get3A_614 = tpu.vector_load %arg11[%get3A_612, %get3A_613] {strides = array<i32>} : memref<16x1024xf32, #tpu.memory_space<vmem>>, vector<1x16xf32>,
        %get3A_615 = vector.shape_cast %get3A_614 : vector<1x16xf32> to vector<16xf32>
        %get3A_616 = arith.index_cast %scan3A_67 : i32 to index
        %get3A_617 = arith.constant 624 : index
        %get3A_618 = tpu.vector_load %arg12[%get3A_616, %get3A_617] {strides = array<i32>} : memref<16x1024xf32, #tpu.memory_space<vmem>>, vector<1x16xf32>,
        %get3A_619 = vector.shape_cast %get3A_618 : vector<1x16xf32> to vector<16xf32>
        %add3A_620 = arith.addf %get3A_615, %get3A_619 : vector<16xf32>
        %swap3A_621 = arith.index_cast %scan3A_67 : i32 to index
        %swap3A_622 = arith.constant 624 : index
        %swap3A_623 = tpu.vector_load %arg11[%swap3A_621, %swap3A_622] {strides = array<i32>} : memref<16x1024xf32, #tpu.memory_space<vmem>>, vector<1x16xf32>,
        %swap3A_624 = vector.shape_cast %swap3A_623 : vector<1x16xf32> to vector<16xf32>
        %swap3A_625 = vector.shape_cast %add3A_620 : vector<16xf32> to vector<1x16xf32>
        tpu.vector_store %arg11[%swap3A_621, %swap3A_622], %swap3A_625 {strides = array<i32>} : memref<16x1024xf32, #tpu.memory_space<vmem>>, vector<1x16xf32>,
        %get3A_626 = arith.index_cast %scan3A_67 : i32 to index
        %get3A_627 = arith.constant 640 : index
        %get3A_628 = tpu.vector_load %arg11[%get3A_626, %get3A_627] {strides = array<i32>} : memref<16x1024xf32, #tpu.memory_space<vmem>>, vector<1x16xf32>,
        %get3A_629 = vector.shape_cast %get3A_628 : vector<1x16xf32> to vector<16xf32>
        %get3A_630 = arith.index_cast %scan3A_67 : i32 to index
        %get3A_631 = arith.constant 640 : index
        %get3A_632 = tpu.vector_load %arg12[%get3A_630, %get3A_631] {strides = array<i32>} : memref<16x1024xf32, #tpu.memory_space<vmem>>, vector<1x16xf32>,
        %get3A_633 = vector.shape_cast %get3A_632 : vector<1x16xf32> to vector<16xf32>
        %add3A_634 = arith.addf %get3A_629, %get3A_633 : vector<16xf32>
        %swap3A_635 = arith.index_cast %scan3A_67 : i32 to index
        %swap3A_636 = arith.constant 640 : index
        %swap3A_637 = tpu.vector_load %arg11[%swap3A_635, %swap3A_636] {strides = array<i32>} : memref<16x1024xf32, #tpu.memory_space<vmem>>, vector<1x16xf32>,
        %swap3A_638 = vector.shape_cast %swap3A_637 : vector<1x16xf32> to vector<16xf32>
        %swap3A_639 = vector.shape_cast %add3A_634 : vector<16xf32> to vector<1x16xf32>
        tpu.vector_store %arg11[%swap3A_635, %swap3A_636], %swap3A_639 {strides = array<i32>} : memref<16x1024xf32, #tpu.memory_space<vmem>>, vector<1x16xf32>,
        %get3A_640 = arith.index_cast %scan3A_67 : i32 to index
        %get3A_641 = arith.constant 656 : index
        %get3A_642 = tpu.vector_load %arg11[%get3A_640, %get3A_641] {strides = array<i32>} : memref<16x1024xf32, #tpu.memory_space<vmem>>, vector<1x16xf32>,
        %get3A_643 = vector.shape_cast %get3A_642 : vector<1x16xf32> to vector<16xf32>
        %get3A_644 = arith.index_cast %scan3A_67 : i32 to index
        %get3A_645 = arith.constant 656 : index
        %get3A_646 = tpu.vector_load %arg12[%get3A_644, %get3A_645] {strides = array<i32>} : memref<16x1024xf32, #tpu.memory_space<vmem>>, vector<1x16xf32>,
        %get3A_647 = vector.shape_cast %get3A_646 : vector<1x16xf32> to vector<16xf32>
        %add3A_648 = arith.addf %get3A_643, %get3A_647 : vector<16xf32>
        %swap3A_649 = arith.index_cast %scan3A_67 : i32 to index
        %swap3A_650 = arith.constant 656 : index
        %swap3A_651 = tpu.vector_load %arg11[%swap3A_649, %swap3A_650] {strides = array<i32>} : memref<16x1024xf32, #tpu.memory_space<vmem>>, vector<1x16xf32>,
        %swap3A_652 = vector.shape_cast %swap3A_651 : vector<1x16xf32> to vector<16xf32>
        %swap3A_653 = vector.shape_cast %add3A_648 : vector<16xf32> to vector<1x16xf32>
        tpu.vector_store %arg11[%swap3A_649, %swap3A_650], %swap3A_653 {strides = array<i32>} : memref<16x1024xf32, #tpu.memory_space<vmem>>, vector<1x16xf32>,
        %get3A_654 = arith.index_cast %scan3A_67 : i32 to index
        %get3A_655 = arith.constant 672 : index
        %get3A_656 = tpu.vector_load %arg11[%get3A_654, %get3A_655] {strides = array<i32>} : memref<16x1024xf32, #tpu.memory_space<vmem>>, vector<1x16xf32>,
        %get3A_657 = vector.shape_cast %get3A_656 : vector<1x16xf32> to vector<16xf32>
        %get3A_658 = arith.index_cast %scan3A_67 : i32 to index
        %get3A_659 = arith.constant 672 : index
        %get3A_660 = tpu.vector_load %arg12[%get3A_658, %get3A_659] {strides = array<i32>} : memref<16x1024xf32, #tpu.memory_space<vmem>>, vector<1x16xf32>,
        %get3A_661 = vector.shape_cast %get3A_660 : vector<1x16xf32> to vector<16xf32>
        %add3A_662 = arith.addf %get3A_657, %get3A_661 : vector<16xf32>
        %swap3A_663 = arith.index_cast %scan3A_67 : i32 to index
        %swap3A_664 = arith.constant 672 : index
        %swap3A_665 = tpu.vector_load %arg11[%swap3A_663, %swap3A_664] {strides = array<i32>} : memref<16x1024xf32, #tpu.memory_space<vmem>>, vector<1x16xf32>,
        %swap3A_666 = vector.shape_cast %swap3A_665 : vector<1x16xf32> to vector<16xf32>
        %swap3A_667 = vector.shape_cast %add3A_662 : vector<16xf32> to vector<1x16xf32>
        tpu.vector_store %arg11[%swap3A_663, %swap3A_664], %swap3A_667 {strides = array<i32>} : memref<16x1024xf32, #tpu.memory_space<vmem>>, vector<1x16xf32>,
        %get3A_668 = arith.index_cast %scan3A_67 : i32 to index
        %get3A_669 = arith.constant 688 : index
        %get3A_670 = tpu.vector_load %arg11[%get3A_668, %get3A_669] {strides = array<i32>} : memref<16x1024xf32, #tpu.memory_space<vmem>>, vector<1x16xf32>,
        %get3A_671 = vector.shape_cast %get3A_670 : vector<1x16xf32> to vector<16xf32>
        %get3A_672 = arith.index_cast %scan3A_67 : i32 to index
        %get3A_673 = arith.constant 688 : index
        %get3A_674 = tpu.vector_load %arg12[%get3A_672, %get3A_673] {strides = array<i32>} : memref<16x1024xf32, #tpu.memory_space<vmem>>, vector<1x16xf32>,
        %get3A_675 = vector.shape_cast %get3A_674 : vector<1x16xf32> to vector<16xf32>
        %add3A_676 = arith.addf %get3A_671, %get3A_675 : vector<16xf32>
        %swap3A_677 = arith.index_cast %scan3A_67 : i32 to index
        %swap3A_678 = arith.constant 688 : index
        %swap3A_679 = tpu.vector_load %arg11[%swap3A_677, %swap3A_678] {strides = array<i32>} : memref<16x1024xf32, #tpu.memory_space<vmem>>, vector<1x16xf32>,
        %swap3A_680 = vector.shape_cast %swap3A_679 : vector<1x16xf32> to vector<16xf32>
        %swap3A_681 = vector.shape_cast %add3A_676 : vector<16xf32> to vector<1x16xf32>
        tpu.vector_store %arg11[%swap3A_677, %swap3A_678], %swap3A_681 {strides = array<i32>} : memref<16x1024xf32, #tpu.memory_space<vmem>>, vector<1x16xf32>,
        %get3A_682 = arith.index_cast %scan3A_67 : i32 to index
        %get3A_683 = arith.constant 704 : index
        %get3A_684 = tpu.vector_load %arg11[%get3A_682, %get3A_683] {strides = array<i32>} : memref<16x1024xf32, #tpu.memory_space<vmem>>, vector<1x16xf32>,
        %get3A_685 = vector.shape_cast %get3A_684 : vector<1x16xf32> to vector<16xf32>
        %get3A_686 = arith.index_cast %scan3A_67 : i32 to index
        %get3A_687 = arith.constant 704 : index
        %get3A_688 = tpu.vector_load %arg12[%get3A_686, %get3A_687] {strides = array<i32>} : memref<16x1024xf32, #tpu.memory_space<vmem>>, vector<1x16xf32>,
        %get3A_689 = vector.shape_cast %get3A_688 : vector<1x16xf32> to vector<16xf32>
        %add3A_690 = arith.addf %get3A_685, %get3A_689 : vector<16xf32>
        %swap3A_691 = arith.index_cast %scan3A_67 : i32 to index
        %swap3A_692 = arith.constant 704 : index
        %swap3A_693 = tpu.vector_load %arg11[%swap3A_691, %swap3A_692] {strides = array<i32>} : memref<16x1024xf32, #tpu.memory_space<vmem>>, vector<1x16xf32>,
        %swap3A_694 = vector.shape_cast %swap3A_693 : vector<1x16xf32> to vector<16xf32>
        %swap3A_695 = vector.shape_cast %add3A_690 : vector<16xf32> to vector<1x16xf32>
        tpu.vector_store %arg11[%swap3A_691, %swap3A_692], %swap3A_695 {strides = array<i32>} : memref<16x1024xf32, #tpu.memory_space<vmem>>, vector<1x16xf32>,
        %get3A_696 = arith.index_cast %scan3A_67 : i32 to index
        %get3A_697 = arith.constant 720 : index
        %get3A_698 = tpu.vector_load %arg11[%get3A_696, %get3A_697] {strides = array<i32>} : memref<16x1024xf32, #tpu.memory_space<vmem>>, vector<1x16xf32>,
        %get3A_699 = vector.shape_cast %get3A_698 : vector<1x16xf32> to vector<16xf32>
        %get3A_700 = arith.index_cast %scan3A_67 : i32 to index
        %get3A_701 = arith.constant 720 : index
        %get3A_702 = tpu.vector_load %arg12[%get3A_700, %get3A_701] {strides = array<i32>} : memref<16x1024xf32, #tpu.memory_space<vmem>>, vector<1x16xf32>,
        %get3A_703 = vector.shape_cast %get3A_702 : vector<1x16xf32> to vector<16xf32>
        %add3A_704 = arith.addf %get3A_699, %get3A_703 : vector<16xf32>
        %swap3A_705 = arith.index_cast %scan3A_67 : i32 to index
        %swap3A_706 = arith.constant 720 : index
        %swap3A_707 = tpu.vector_load %arg11[%swap3A_705, %swap3A_706] {strides = array<i32>} : memref<16x1024xf32, #tpu.memory_space<vmem>>, vector<1x16xf32>,
        %swap3A_708 = vector.shape_cast %swap3A_707 : vector<1x16xf32> to vector<16xf32>
        %swap3A_709 = vector.shape_cast %add3A_704 : vector<16xf32> to vector<1x16xf32>
        tpu.vector_store %arg11[%swap3A_705, %swap3A_706], %swap3A_709 {strides = array<i32>} : memref<16x1024xf32, #tpu.memory_space<vmem>>, vector<1x16xf32>,
        %get3A_710 = arith.index_cast %scan3A_67 : i32 to index
        %get3A_711 = arith.constant 736 : index
        %get3A_712 = tpu.vector_load %arg11[%get3A_710, %get3A_711] {strides = array<i32>} : memref<16x1024xf32, #tpu.memory_space<vmem>>, vector<1x16xf32>,
        %get3A_713 = vector.shape_cast %get3A_712 : vector<1x16xf32> to vector<16xf32>
        %get3A_714 = arith.index_cast %scan3A_67 : i32 to index
        %get3A_715 = arith.constant 736 : index
        %get3A_716 = tpu.vector_load %arg12[%get3A_714, %get3A_715] {strides = array<i32>} : memref<16x1024xf32, #tpu.memory_space<vmem>>, vector<1x16xf32>,
        %get3A_717 = vector.shape_cast %get3A_716 : vector<1x16xf32> to vector<16xf32>
        %add3A_718 = arith.addf %get3A_713, %get3A_717 : vector<16xf32>
        %swap3A_719 = arith.index_cast %scan3A_67 : i32 to index
        %swap3A_720 = arith.constant 736 : index
        %swap3A_721 = tpu.vector_load %arg11[%swap3A_719, %swap3A_720] {strides = array<i32>} : memref<16x1024xf32, #tpu.memory_space<vmem>>, vector<1x16xf32>,
        %swap3A_722 = vector.shape_cast %swap3A_721 : vector<1x16xf32> to vector<16xf32>
        %swap3A_723 = vector.shape_cast %add3A_718 : vector<16xf32> to vector<1x16xf32>
        tpu.vector_store %arg11[%swap3A_719, %swap3A_720], %swap3A_723 {strides = array<i32>} : memref<16x1024xf32, #tpu.memory_space<vmem>>, vector<1x16xf32>,
        %get3A_724 = arith.index_cast %scan3A_67 : i32 to index
        %get3A_725 = arith.constant 752 : index
        %get3A_726 = tpu.vector_load %arg11[%get3A_724, %get3A_725] {strides = array<i32>} : memref<16x1024xf32, #tpu.memory_space<vmem>>, vector<1x16xf32>,
        %get3A_727 = vector.shape_cast %get3A_726 : vector<1x16xf32> to vector<16xf32>
        %get3A_728 = arith.index_cast %scan3A_67 : i32 to index
        %get3A_729 = arith.constant 752 : index
        %get3A_730 = tpu.vector_load %arg12[%get3A_728, %get3A_729] {strides = array<i32>} : memref<16x1024xf32, #tpu.memory_space<vmem>>, vector<1x16xf32>,
        %get3A_731 = vector.shape_cast %get3A_730 : vector<1x16xf32> to vector<16xf32>
        %add3A_732 = arith.addf %get3A_727, %get3A_731 : vector<16xf32>
        %swap3A_733 = arith.index_cast %scan3A_67 : i32 to index
        %swap3A_734 = arith.constant 752 : index
        %swap3A_735 = tpu.vector_load %arg11[%swap3A_733, %swap3A_734] {strides = array<i32>} : memref<16x1024xf32, #tpu.memory_space<vmem>>, vector<1x16xf32>,
        %swap3A_736 = vector.shape_cast %swap3A_735 : vector<1x16xf32> to vector<16xf32>
        %swap3A_737 = vector.shape_cast %add3A_732 : vector<16xf32> to vector<1x16xf32>
        tpu.vector_store %arg11[%swap3A_733, %swap3A_734], %swap3A_737 {strides = array<i32>} : memref<16x1024xf32, #tpu.memory_space<vmem>>, vector<1x16xf32>,
        %get3A_738 = arith.index_cast %scan3A_67 : i32 to index
        %get3A_739 = arith.constant 768 : index
        %get3A_740 = tpu.vector_load %arg11[%get3A_738, %get3A_739] {strides = array<i32>} : memref<16x1024xf32, #tpu.memory_space<vmem>>, vector<1x16xf32>,
        %get3A_741 = vector.shape_cast %get3A_740 : vector<1x16xf32> to vector<16xf32>
        %get3A_742 = arith.index_cast %scan3A_67 : i32 to index
        %get3A_743 = arith.constant 768 : index
        %get3A_744 = tpu.vector_load %arg12[%get3A_742, %get3A_743] {strides = array<i32>} : memref<16x1024xf32, #tpu.memory_space<vmem>>, vector<1x16xf32>,
        %get3A_745 = vector.shape_cast %get3A_744 : vector<1x16xf32> to vector<16xf32>
        %add3A_746 = arith.addf %get3A_741, %get3A_745 : vector<16xf32>
        %swap3A_747 = arith.index_cast %scan3A_67 : i32 to index
        %swap3A_748 = arith.constant 768 : index
        %swap3A_749 = tpu.vector_load %arg11[%swap3A_747, %swap3A_748] {strides = array<i32>} : memref<16x1024xf32, #tpu.memory_space<vmem>>, vector<1x16xf32>,
        %swap3A_750 = vector.shape_cast %swap3A_749 : vector<1x16xf32> to vector<16xf32>
        %swap3A_751 = vector.shape_cast %add3A_746 : vector<16xf32> to vector<1x16xf32>
        tpu.vector_store %arg11[%swap3A_747, %swap3A_748], %swap3A_751 {strides = array<i32>} : memref<16x1024xf32, #tpu.memory_space<vmem>>, vector<1x16xf32>,
        %get3A_752 = arith.index_cast %scan3A_67 : i32 to index
        %get3A_753 = arith.constant 784 : index
        %get3A_754 = tpu.vector_load %arg11[%get3A_752, %get3A_753] {strides = array<i32>} : memref<16x1024xf32, #tpu.memory_space<vmem>>, vector<1x16xf32>,
        %get3A_755 = vector.shape_cast %get3A_754 : vector<1x16xf32> to vector<16xf32>
        %get3A_756 = arith.index_cast %scan3A_67 : i32 to index
        %get3A_757 = arith.constant 784 : index
        %get3A_758 = tpu.vector_load %arg12[%get3A_756, %get3A_757] {strides = array<i32>} : memref<16x1024xf32, #tpu.memory_space<vmem>>, vector<1x16xf32>,
        %get3A_759 = vector.shape_cast %get3A_758 : vector<1x16xf32> to vector<16xf32>
        %add3A_760 = arith.addf %get3A_755, %get3A_759 : vector<16xf32>
        %swap3A_761 = arith.index_cast %scan3A_67 : i32 to index
        %swap3A_762 = arith.constant 784 : index
        %swap3A_763 = tpu.vector_load %arg11[%swap3A_761, %swap3A_762] {strides = array<i32>} : memref<16x1024xf32, #tpu.memory_space<vmem>>, vector<1x16xf32>,
        %swap3A_764 = vector.shape_cast %swap3A_763 : vector<1x16xf32> to vector<16xf32>
        %swap3A_765 = vector.shape_cast %add3A_760 : vector<16xf32> to vector<1x16xf32>
        tpu.vector_store %arg11[%swap3A_761, %swap3A_762], %swap3A_765 {strides = array<i32>} : memref<16x1024xf32, #tpu.memory_space<vmem>>, vector<1x16xf32>,
        %get3A_766 = arith.index_cast %scan3A_67 : i32 to index
        %get3A_767 = arith.constant 800 : index
        %get3A_768 = tpu.vector_load %arg11[%get3A_766, %get3A_767] {strides = array<i32>} : memref<16x1024xf32, #tpu.memory_space<vmem>>, vector<1x16xf32>,
        %get3A_769 = vector.shape_cast %get3A_768 : vector<1x16xf32> to vector<16xf32>
        %get3A_770 = arith.index_cast %scan3A_67 : i32 to index
        %get3A_771 = arith.constant 800 : index
        %get3A_772 = tpu.vector_load %arg12[%get3A_770, %get3A_771] {strides = array<i32>} : memref<16x1024xf32, #tpu.memory_space<vmem>>, vector<1x16xf32>,
        %get3A_773 = vector.shape_cast %get3A_772 : vector<1x16xf32> to vector<16xf32>
        %add3A_774 = arith.addf %get3A_769, %get3A_773 : vector<16xf32>
        %swap3A_775 = arith.index_cast %scan3A_67 : i32 to index
        %swap3A_776 = arith.constant 800 : index
        %swap3A_777 = tpu.vector_load %arg11[%swap3A_775, %swap3A_776] {strides = array<i32>} : memref<16x1024xf32, #tpu.memory_space<vmem>>, vector<1x16xf32>,
        %swap3A_778 = vector.shape_cast %swap3A_777 : vector<1x16xf32> to vector<16xf32>
        %swap3A_779 = vector.shape_cast %add3A_774 : vector<16xf32> to vector<1x16xf32>
        tpu.vector_store %arg11[%swap3A_775, %swap3A_776], %swap3A_779 {strides = array<i32>} : memref<16x1024xf32, #tpu.memory_space<vmem>>, vector<1x16xf32>,
        %get3A_780 = arith.index_cast %scan3A_67 : i32 to index
        %get3A_781 = arith.constant 816 : index
        %get3A_782 = tpu.vector_load %arg11[%get3A_780, %get3A_781] {strides = array<i32>} : memref<16x1024xf32, #tpu.memory_space<vmem>>, vector<1x16xf32>,
        %get3A_783 = vector.shape_cast %get3A_782 : vector<1x16xf32> to vector<16xf32>
        %get3A_784 = arith.index_cast %scan3A_67 : i32 to index
        %get3A_785 = arith.constant 816 : index
        %get3A_786 = tpu.vector_load %arg12[%get3A_784, %get3A_785] {strides = array<i32>} : memref<16x1024xf32, #tpu.memory_space<vmem>>, vector<1x16xf32>,
        %get3A_787 = vector.shape_cast %get3A_786 : vector<1x16xf32> to vector<16xf32>
        %add3A_788 = arith.addf %get3A_783, %get3A_787 : vector<16xf32>
        %swap3A_789 = arith.index_cast %scan3A_67 : i32 to index
        %swap3A_790 = arith.constant 816 : index
        %swap3A_791 = tpu.vector_load %arg11[%swap3A_789, %swap3A_790] {strides = array<i32>} : memref<16x1024xf32, #tpu.memory_space<vmem>>, vector<1x16xf32>,
        %swap3A_792 = vector.shape_cast %swap3A_791 : vector<1x16xf32> to vector<16xf32>
        %swap3A_793 = vector.shape_cast %add3A_788 : vector<16xf32> to vector<1x16xf32>
        tpu.vector_store %arg11[%swap3A_789, %swap3A_790], %swap3A_793 {strides = array<i32>} : memref<16x1024xf32, #tpu.memory_space<vmem>>, vector<1x16xf32>,
        %get3A_794 = arith.index_cast %scan3A_67 : i32 to index
        %get3A_795 = arith.constant 832 : index
        %get3A_796 = tpu.vector_load %arg11[%get3A_794, %get3A_795] {strides = array<i32>} : memref<16x1024xf32, #tpu.memory_space<vmem>>, vector<1x16xf32>,
        %get3A_797 = vector.shape_cast %get3A_796 : vector<1x16xf32> to vector<16xf32>
        %get3A_798 = arith.index_cast %scan3A_67 : i32 to index
        %get3A_799 = arith.constant 832 : index
        %get3A_800 = tpu.vector_load %arg12[%get3A_798, %get3A_799] {strides = array<i32>} : memref<16x1024xf32, #tpu.memory_space<vmem>>, vector<1x16xf32>,
        %get3A_801 = vector.shape_cast %get3A_800 : vector<1x16xf32> to vector<16xf32>
        %add3A_802 = arith.addf %get3A_797, %get3A_801 : vector<16xf32>
        %swap3A_803 = arith.index_cast %scan3A_67 : i32 to index
        %swap3A_804 = arith.constant 832 : index
        %swap3A_805 = tpu.vector_load %arg11[%swap3A_803, %swap3A_804] {strides = array<i32>} : memref<16x1024xf32, #tpu.memory_space<vmem>>, vector<1x16xf32>,
        %swap3A_806 = vector.shape_cast %swap3A_805 : vector<1x16xf32> to vector<16xf32>
        %swap3A_807 = vector.shape_cast %add3A_802 : vector<16xf32> to vector<1x16xf32>
        tpu.vector_store %arg11[%swap3A_803, %swap3A_804], %swap3A_807 {strides = array<i32>} : memref<16x1024xf32, #tpu.memory_space<vmem>>, vector<1x16xf32>,
        %get3A_808 = arith.index_cast %scan3A_67 : i32 to index
        %get3A_809 = arith.constant 848 : index
        %get3A_810 = tpu.vector_load %arg11[%get3A_808, %get3A_809] {strides = array<i32>} : memref<16x1024xf32, #tpu.memory_space<vmem>>, vector<1x16xf32>,
        %get3A_811 = vector.shape_cast %get3A_810 : vector<1x16xf32> to vector<16xf32>
        %get3A_812 = arith.index_cast %scan3A_67 : i32 to index
        %get3A_813 = arith.constant 848 : index
        %get3A_814 = tpu.vector_load %arg12[%get3A_812, %get3A_813] {strides = array<i32>} : memref<16x1024xf32, #tpu.memory_space<vmem>>, vector<1x16xf32>,
        %get3A_815 = vector.shape_cast %get3A_814 : vector<1x16xf32> to vector<16xf32>
        %add3A_816 = arith.addf %get3A_811, %get3A_815 : vector<16xf32>
        %swap3A_817 = arith.index_cast %scan3A_67 : i32 to index
        %swap3A_818 = arith.constant 848 : index
        %swap3A_819 = tpu.vector_load %arg11[%swap3A_817, %swap3A_818] {strides = array<i32>} : memref<16x1024xf32, #tpu.memory_space<vmem>>, vector<1x16xf32>,
        %swap3A_820 = vector.shape_cast %swap3A_819 : vector<1x16xf32> to vector<16xf32>
        %swap3A_821 = vector.shape_cast %add3A_816 : vector<16xf32> to vector<1x16xf32>
        tpu.vector_store %arg11[%swap3A_817, %swap3A_818], %swap3A_821 {strides = array<i32>} : memref<16x1024xf32, #tpu.memory_space<vmem>>, vector<1x16xf32>,
        %get3A_822 = arith.index_cast %scan3A_67 : i32 to index
        %get3A_823 = arith.constant 864 : index
        %get3A_824 = tpu.vector_load %arg11[%get3A_822, %get3A_823] {strides = array<i32>} : memref<16x1024xf32, #tpu.memory_space<vmem>>, vector<1x16xf32>,
        %get3A_825 = vector.shape_cast %get3A_824 : vector<1x16xf32> to vector<16xf32>
        %get3A_826 = arith.index_cast %scan3A_67 : i32 to index
        %get3A_827 = arith.constant 864 : index
        %get3A_828 = tpu.vector_load %arg12[%get3A_826, %get3A_827] {strides = array<i32>} : memref<16x1024xf32, #tpu.memory_space<vmem>>, vector<1x16xf32>,
        %get3A_829 = vector.shape_cast %get3A_828 : vector<1x16xf32> to vector<16xf32>
        %add3A_830 = arith.addf %get3A_825, %get3A_829 : vector<16xf32>
        %swap3A_831 = arith.index_cast %scan3A_67 : i32 to index
        %swap3A_832 = arith.constant 864 : index
        %swap3A_833 = tpu.vector_load %arg11[%swap3A_831, %swap3A_832] {strides = array<i32>} : memref<16x1024xf32, #tpu.memory_space<vmem>>, vector<1x16xf32>,
        %swap3A_834 = vector.shape_cast %swap3A_833 : vector<1x16xf32> to vector<16xf32>
        %swap3A_835 = vector.shape_cast %add3A_830 : vector<16xf32> to vector<1x16xf32>
        tpu.vector_store %arg11[%swap3A_831, %swap3A_832], %swap3A_835 {strides = array<i32>} : memref<16x1024xf32, #tpu.memory_space<vmem>>, vector<1x16xf32>,
        %get3A_836 = arith.index_cast %scan3A_67 : i32 to index
        %get3A_837 = arith.constant 880 : index
        %get3A_838 = tpu.vector_load %arg11[%get3A_836, %get3A_837] {strides = array<i32>} : memref<16x1024xf32, #tpu.memory_space<vmem>>, vector<1x16xf32>,
        %get3A_839 = vector.shape_cast %get3A_838 : vector<1x16xf32> to vector<16xf32>
        %get3A_840 = arith.index_cast %scan3A_67 : i32 to index
        %get3A_841 = arith.constant 880 : index
        %get3A_842 = tpu.vector_load %arg12[%get3A_840, %get3A_841] {strides = array<i32>} : memref<16x1024xf32, #tpu.memory_space<vmem>>, vector<1x16xf32>,
        %get3A_843 = vector.shape_cast %get3A_842 : vector<1x16xf32> to vector<16xf32>
        %add3A_844 = arith.addf %get3A_839, %get3A_843 : vector<16xf32>
        %swap3A_845 = arith.index_cast %scan3A_67 : i32 to index
        %swap3A_846 = arith.constant 880 : index
        %swap3A_847 = tpu.vector_load %arg11[%swap3A_845, %swap3A_846] {strides = array<i32>} : memref<16x1024xf32, #tpu.memory_space<vmem>>, vector<1x16xf32>,
        %swap3A_848 = vector.shape_cast %swap3A_847 : vector<1x16xf32> to vector<16xf32>
        %swap3A_849 = vector.shape_cast %add3A_844 : vector<16xf32> to vector<1x16xf32>
        tpu.vector_store %arg11[%swap3A_845, %swap3A_846], %swap3A_849 {strides = array<i32>} : memref<16x1024xf32, #tpu.memory_space<vmem>>, vector<1x16xf32>,
        %get3A_850 = arith.index_cast %scan3A_67 : i32 to index
        %get3A_851 = arith.constant 896 : index
        %get3A_852 = tpu.vector_load %arg11[%get3A_850, %get3A_851] {strides = array<i32>} : memref<16x1024xf32, #tpu.memory_space<vmem>>, vector<1x16xf32>,
        %get3A_853 = vector.shape_cast %get3A_852 : vector<1x16xf32> to vector<16xf32>
        %get3A_854 = arith.index_cast %scan3A_67 : i32 to index
        %get3A_855 = arith.constant 896 : index
        %get3A_856 = tpu.vector_load %arg12[%get3A_854, %get3A_855] {strides = array<i32>} : memref<16x1024xf32, #tpu.memory_space<vmem>>, vector<1x16xf32>,
        %get3A_857 = vector.shape_cast %get3A_856 : vector<1x16xf32> to vector<16xf32>
        %add3A_858 = arith.addf %get3A_853, %get3A_857 : vector<16xf32>
        %swap3A_859 = arith.index_cast %scan3A_67 : i32 to index
        %swap3A_860 = arith.constant 896 : index
        %swap3A_861 = tpu.vector_load %arg11[%swap3A_859, %swap3A_860] {strides = array<i32>} : memref<16x1024xf32, #tpu.memory_space<vmem>>, vector<1x16xf32>,
        %swap3A_862 = vector.shape_cast %swap3A_861 : vector<1x16xf32> to vector<16xf32>
        %swap3A_863 = vector.shape_cast %add3A_858 : vector<16xf32> to vector<1x16xf32>
        tpu.vector_store %arg11[%swap3A_859, %swap3A_860], %swap3A_863 {strides = array<i32>} : memref<16x1024xf32, #tpu.memory_space<vmem>>, vector<1x16xf32>,
        %get3A_864 = arith.index_cast %scan3A_67 : i32 to index
        %get3A_865 = arith.constant 912 : index
        %get3A_866 = tpu.vector_load %arg11[%get3A_864, %get3A_865] {strides = array<i32>} : memref<16x1024xf32, #tpu.memory_space<vmem>>, vector<1x16xf32>,
        %get3A_867 = vector.shape_cast %get3A_866 : vector<1x16xf32> to vector<16xf32>
        %get3A_868 = arith.index_cast %scan3A_67 : i32 to index
        %get3A_869 = arith.constant 912 : index
        %get3A_870 = tpu.vector_load %arg12[%get3A_868, %get3A_869] {strides = array<i32>} : memref<16x1024xf32, #tpu.memory_space<vmem>>, vector<1x16xf32>,
        %get3A_871 = vector.shape_cast %get3A_870 : vector<1x16xf32> to vector<16xf32>
        %add3A_872 = arith.addf %get3A_867, %get3A_871 : vector<16xf32>
        %swap3A_873 = arith.index_cast %scan3A_67 : i32 to index
        %swap3A_874 = arith.constant 912 : index
        %swap3A_875 = tpu.vector_load %arg11[%swap3A_873, %swap3A_874] {strides = array<i32>} : memref<16x1024xf32, #tpu.memory_space<vmem>>, vector<1x16xf32>,
        %swap3A_876 = vector.shape_cast %swap3A_875 : vector<1x16xf32> to vector<16xf32>
        %swap3A_877 = vector.shape_cast %add3A_872 : vector<16xf32> to vector<1x16xf32>
        tpu.vector_store %arg11[%swap3A_873, %swap3A_874], %swap3A_877 {strides = array<i32>} : memref<16x1024xf32, #tpu.memory_space<vmem>>, vector<1x16xf32>,
        %get3A_878 = arith.index_cast %scan3A_67 : i32 to index
        %get3A_879 = arith.constant 928 : index
        %get3A_880 = tpu.vector_load %arg11[%get3A_878, %get3A_879] {strides = array<i32>} : memref<16x1024xf32, #tpu.memory_space<vmem>>, vector<1x16xf32>,
        %get3A_881 = vector.shape_cast %get3A_880 : vector<1x16xf32> to vector<16xf32>
        %get3A_882 = arith.index_cast %scan3A_67 : i32 to index
        %get3A_883 = arith.constant 928 : index
        %get3A_884 = tpu.vector_load %arg12[%get3A_882, %get3A_883] {strides = array<i32>} : memref<16x1024xf32, #tpu.memory_space<vmem>>, vector<1x16xf32>,
        %get3A_885 = vector.shape_cast %get3A_884 : vector<1x16xf32> to vector<16xf32>
        %add3A_886 = arith.addf %get3A_881, %get3A_885 : vector<16xf32>
        %swap3A_887 = arith.index_cast %scan3A_67 : i32 to index
        %swap3A_888 = arith.constant 928 : index
        %swap3A_889 = tpu.vector_load %arg11[%swap3A_887, %swap3A_888] {strides = array<i32>} : memref<16x1024xf32, #tpu.memory_space<vmem>>, vector<1x16xf32>,
        %swap3A_890 = vector.shape_cast %swap3A_889 : vector<1x16xf32> to vector<16xf32>
        %swap3A_891 = vector.shape_cast %add3A_886 : vector<16xf32> to vector<1x16xf32>
        tpu.vector_store %arg11[%swap3A_887, %swap3A_888], %swap3A_891 {strides = array<i32>} : memref<16x1024xf32, #tpu.memory_space<vmem>>, vector<1x16xf32>,
        %get3A_892 = arith.index_cast %scan3A_67 : i32 to index
        %get3A_893 = arith.constant 944 : index
        %get3A_894 = tpu.vector_load %arg11[%get3A_892, %get3A_893] {strides = array<i32>} : memref<16x1024xf32, #tpu.memory_space<vmem>>, vector<1x16xf32>,
        %get3A_895 = vector.shape_cast %get3A_894 : vector<1x16xf32> to vector<16xf32>
        %get3A_896 = arith.index_cast %scan3A_67 : i32 to index
        %get3A_897 = arith.constant 944 : index
        %get3A_898 = tpu.vector_load %arg12[%get3A_896, %get3A_897] {strides = array<i32>} : memref<16x1024xf32, #tpu.memory_space<vmem>>, vector<1x16xf32>,
        %get3A_899 = vector.shape_cast %get3A_898 : vector<1x16xf32> to vector<16xf32>
        %add3A_900 = arith.addf %get3A_895, %get3A_899 : vector<16xf32>
        %swap3A_901 = arith.index_cast %scan3A_67 : i32 to index
        %swap3A_902 = arith.constant 944 : index
        %swap3A_903 = tpu.vector_load %arg11[%swap3A_901, %swap3A_902] {strides = array<i32>} : memref<16x1024xf32, #tpu.memory_space<vmem>>, vector<1x16xf32>,
        %swap3A_904 = vector.shape_cast %swap3A_903 : vector<1x16xf32> to vector<16xf32>
        %swap3A_905 = vector.shape_cast %add3A_900 : vector<16xf32> to vector<1x16xf32>
        tpu.vector_store %arg11[%swap3A_901, %swap3A_902], %swap3A_905 {strides = array<i32>} : memref<16x1024xf32, #tpu.memory_space<vmem>>, vector<1x16xf32>,
        %get3A_906 = arith.index_cast %scan3A_67 : i32 to index
        %get3A_907 = arith.constant 960 : index
        %get3A_908 = tpu.vector_load %arg11[%get3A_906, %get3A_907] {strides = array<i32>} : memref<16x1024xf32, #tpu.memory_space<vmem>>, vector<1x16xf32>,
        %get3A_909 = vector.shape_cast %get3A_908 : vector<1x16xf32> to vector<16xf32>
        %get3A_910 = arith.index_cast %scan3A_67 : i32 to index
        %get3A_911 = arith.constant 960 : index
        %get3A_912 = tpu.vector_load %arg12[%get3A_910, %get3A_911] {strides = array<i32>} : memref<16x1024xf32, #tpu.memory_space<vmem>>, vector<1x16xf32>,
        %get3A_913 = vector.shape_cast %get3A_912 : vector<1x16xf32> to vector<16xf32>
        %add3A_914 = arith.addf %get3A_909, %get3A_913 : vector<16xf32>
        %swap3A_915 = arith.index_cast %scan3A_67 : i32 to index
        %swap3A_916 = arith.constant 960 : index
        %swap3A_917 = tpu.vector_load %arg11[%swap3A_915, %swap3A_916] {strides = array<i32>} : memref<16x1024xf32, #tpu.memory_space<vmem>>, vector<1x16xf32>,
        %swap3A_918 = vector.shape_cast %swap3A_917 : vector<1x16xf32> to vector<16xf32>
        %swap3A_919 = vector.shape_cast %add3A_914 : vector<16xf32> to vector<1x16xf32>
        tpu.vector_store %arg11[%swap3A_915, %swap3A_916], %swap3A_919 {strides = array<i32>} : memref<16x1024xf32, #tpu.memory_space<vmem>>, vector<1x16xf32>,
        %get3A_920 = arith.index_cast %scan3A_67 : i32 to index
        %get3A_921 = arith.constant 976 : index
        %get3A_922 = tpu.vector_load %arg11[%get3A_920, %get3A_921] {strides = array<i32>} : memref<16x1024xf32, #tpu.memory_space<vmem>>, vector<1x16xf32>,
        %get3A_923 = vector.shape_cast %get3A_922 : vector<1x16xf32> to vector<16xf32>
        %get3A_924 = arith.index_cast %scan3A_67 : i32 to index
        %get3A_925 = arith.constant 976 : index
        %get3A_926 = tpu.vector_load %arg12[%get3A_924, %get3A_925] {strides = array<i32>} : memref<16x1024xf32, #tpu.memory_space<vmem>>, vector<1x16xf32>,
        %get3A_927 = vector.shape_cast %get3A_926 : vector<1x16xf32> to vector<16xf32>
        %add3A_928 = arith.addf %get3A_923, %get3A_927 : vector<16xf32>
        %swap3A_929 = arith.index_cast %scan3A_67 : i32 to index
        %swap3A_930 = arith.constant 976 : index
        %swap3A_931 = tpu.vector_load %arg11[%swap3A_929, %swap3A_930] {strides = array<i32>} : memref<16x1024xf32, #tpu.memory_space<vmem>>, vector<1x16xf32>,
        %swap3A_932 = vector.shape_cast %swap3A_931 : vector<1x16xf32> to vector<16xf32>
        %swap3A_933 = vector.shape_cast %add3A_928 : vector<16xf32> to vector<1x16xf32>
        tpu.vector_store %arg11[%swap3A_929, %swap3A_930], %swap3A_933 {strides = array<i32>} : memref<16x1024xf32, #tpu.memory_space<vmem>>, vector<1x16xf32>,
        %get3A_934 = arith.index_cast %scan3A_67 : i32 to index
        %get3A_935 = arith.constant 992 : index
        %get3A_936 = tpu.vector_load %arg11[%get3A_934, %get3A_935] {strides = array<i32>} : memref<16x1024xf32, #tpu.memory_space<vmem>>, vector<1x16xf32>,
        %get3A_937 = vector.shape_cast %get3A_936 : vector<1x16xf32> to vector<16xf32>
        %get3A_938 = arith.index_cast %scan3A_67 : i32 to index
        %get3A_939 = arith.constant 992 : index
        %get3A_940 = tpu.vector_load %arg12[%get3A_938, %get3A_939] {strides = array<i32>} : memref<16x1024xf32, #tpu.memory_space<vmem>>, vector<1x16xf32>,
        %get3A_941 = vector.shape_cast %get3A_940 : vector<1x16xf32> to vector<16xf32>
        %add3A_942 = arith.addf %get3A_937, %get3A_941 : vector<16xf32>
        %swap3A_943 = arith.index_cast %scan3A_67 : i32 to index
        %swap3A_944 = arith.constant 992 : index
        %swap3A_945 = tpu.vector_load %arg11[%swap3A_943, %swap3A_944] {strides = array<i32>} : memref<16x1024xf32, #tpu.memory_space<vmem>>, vector<1x16xf32>,
        %swap3A_946 = vector.shape_cast %swap3A_945 : vector<1x16xf32> to vector<16xf32>
        %swap3A_947 = vector.shape_cast %add3A_942 : vector<16xf32> to vector<1x16xf32>
        tpu.vector_store %arg11[%swap3A_943, %swap3A_944], %swap3A_947 {strides = array<i32>} : memref<16x1024xf32, #tpu.memory_space<vmem>>, vector<1x16xf32>,
        %get3A_948 = arith.index_cast %scan3A_67 : i32 to index
        %get3A_949 = arith.constant 1008 : index
        %get3A_950 = tpu.vector_load %arg11[%get3A_948, %get3A_949] {strides = array<i32>} : memref<16x1024xf32, #tpu.memory_space<vmem>>, vector<1x16xf32>,
        %get3A_951 = vector.shape_cast %get3A_950 : vector<1x16xf32> to vector<16xf32>
        %get3A_952 = arith.index_cast %scan3A_67 : i32 to index
        %get3A_953 = arith.constant 1008 : index
        %get3A_954 = tpu.vector_load %arg12[%get3A_952, %get3A_953] {strides = array<i32>} : memref<16x1024xf32, #tpu.memory_space<vmem>>, vector<1x16xf32>,
        %get3A_955 = vector.shape_cast %get3A_954 : vector<1x16xf32> to vector<16xf32>
        %add3A_956 = arith.addf %get3A_951, %get3A_955 : vector<16xf32>
        %swap3A_957 = arith.index_cast %scan3A_67 : i32 to index
        %swap3A_958 = arith.constant 1008 : index
        %swap3A_959 = tpu.vector_load %arg11[%swap3A_957, %swap3A_958] {strides = array<i32>} : memref<16x1024xf32, #tpu.memory_space<vmem>>, vector<1x16xf32>,
        %swap3A_960 = vector.shape_cast %swap3A_959 : vector<1x16xf32> to vector<16xf32>
        %swap3A_961 = vector.shape_cast %add3A_956 : vector<16xf32> to vector<1x16xf32>
        tpu.vector_store %arg11[%swap3A_957, %swap3A_958], %swap3A_961 {strides = array<i32>} : memref<16x1024xf32, #tpu.memory_space<vmem>>, vector<1x16xf32>,
      }
      %scan3A_63 = arith.constant 16 : i32
      %mul3A_64 = arith.constant 16 : i32
      %mul3A_65 = arith.muli %add3A_44, %mul3A_64 : i32
      %add3A_66 = arith.addi %mul3A_2, %mul3A_65 : i32
      "tpu.region"() ({
        %run_scoped3A_67 = tpu.sem_alloc : memref<!tpu.dma_semaphore, #tpu.memory_space<semaphore_mem>>
        %dma_start3A_68 = arith.constant 0 : i32
        %dma_start3A_69 = tpu.memref_slice %arg4[%add3A_66, %dma_start3A_68] : memref<8192x1024xf32, #tpu.memory_space<hbm>> -> memref<16x1024xf32, #tpu.memory_space<hbm>>
        %dma_start3A_70 = arith.constant 0 : i32
        %dma_start3A_71 = tpu.memref_slice %arg4[%add3A_66, %dma_start3A_70] : memref<8192x1024xf32, #tpu.memory_space<hbm>> -> memref<16x1024xf32, #tpu.memory_space<hbm>>
        tpu.enqueue_dma source(%arg11 : memref<16x1024xf32, #tpu.memory_space<vmem>>) target(%dma_start3A_71 : memref<16x1024xf32, #tpu.memory_space<hbm>>) target_semaphore(%run_scoped3A_67 : memref<!tpu.dma_semaphore, #tpu.memory_space<semaphore_mem>>)
        %dma_wait3A_72 = arith.constant 0 : i32
        %dma_wait3A_73 = tpu.memref_slice %arg4[%add3A_66, %dma_wait3A_72] : memref<8192x1024xf32, #tpu.memory_space<hbm>> -> memref<16x1024xf32, #tpu.memory_space<hbm>>
        %dma_wait3A_74 = arith.constant 0 : i32
        %dma_wait3A_75 = tpu.memref_slice %arg4[%add3A_66, %dma_wait3A_74] : memref<8192x1024xf32, #tpu.memory_space<hbm>> -> memref<16x1024xf32, #tpu.memory_space<hbm>>
        tpu.wait_dma2 semaphore(%run_scoped3A_67 : memref<!tpu.dma_semaphore, #tpu.memory_space<semaphore_mem>>) src(%arg11 : memref<16x1024xf32, #tpu.memory_space<vmem>>) dst(%dma_wait3A_75 : memref<16x1024xf32, #tpu.memory_space<hbm>>)
        tpu.yield
      }) : () -> ()
    }
    %scan3A_17 = arith.constant 8 : i32
    return
  }
}

module attributes {stable_mosaic.version = 14 : i64} {
  func.func @_ffn_body(%arg0: i32, %arg1: memref<40xi32, #tpu.memory_space<smem>>, %arg2: memref<40xi32, #tpu.memory_space<smem>>, %arg3: memref<4x128x1024xf32, #tpu.memory_space<vmem>>, %arg4: memref<1x512x1024xf32, #tpu.memory_space<vmem>>, %arg5: memref<1x1024x512xf32, #tpu.memory_space<vmem>>, %arg6: memref<128x128xf32, #tpu.memory_space<vmem>>, %arg7: memref<4x128x1024xf32, #tpu.memory_space<vmem>>) attributes {dimension_semantics = [#tpu.dimension_semantics<arbitrary>], iteration_bounds = array<i64: 40>, scalar_prefetch = 2 : i64, scratch_operands = 0 : i64, tpu.core_type = #tpu.core_type<tc>, window_params = [{transform_indices = @transform_0, window_bounds = array<i64: 4, 128, 1024>}, {transform_indices = @transform_1, window_bounds = array<i64: 1, 512, 1024>}, {transform_indices = @transform_2, window_bounds = array<i64: 1, 1024, 512>}, {transform_indices = @transform_3, window_bounds = array<i64: 128, 128>}, {transform_indices = @transform_4, window_bounds = array<i64: 4, 128, 1024>}]} {
    %get3A = arith.index_cast %arg0 : i32 to index
    %get3A_0 = memref.load %arg2[%get3A] : memref<40xi32, #tpu.memory_space<smem>>
    %eq3A = arith.constant 1 : i32
    %eq3A_1 = arith.cmpi eq, %get3A_0, %eq3A : i32
    %convert_element_type3A = arith.extui %eq3A_1 : i1 to i32
    %cond3A = arith.constant 0 : i32
    %cond3A_2 = arith.cmpi ne, %convert_element_type3A, %cond3A : i32
    scf.if %cond3A_2 {
      %get3A_3 = arith.constant 0 : index
      %get3A_4 = arith.constant 0 : index
      %get3A_5 = arith.constant 0 : index
      %get3A_6 = vector.load %arg4[%get3A_3, %get3A_4, %get3A_5] : memref<1x512x1024xf32, #tpu.memory_space<vmem>>, vector<1x512x1024xf32>
      %get3A_7 = vector.shape_cast %get3A_6 : vector<1x512x1024xf32> to vector<512x1024xf32>
      %get3A_8 = arith.constant 0 : index
      %get3A_9 = arith.constant 0 : index
      %get3A_10 = arith.constant 0 : index
      %get3A_11 = vector.load %arg5[%get3A_8, %get3A_9, %get3A_10] : memref<1x1024x512xf32, #tpu.memory_space<vmem>>, vector<1x1024x512xf32>
      %get3A_12 = vector.shape_cast %get3A_11 : vector<1x1024x512xf32> to vector<1024x512xf32>
      %get3A_13 = arith.constant 0 : index
      %get3A_14 = arith.constant 0 : index
      %get3A_15 = vector.load %arg6[%get3A_13, %get3A_14] : memref<128x128xf32, #tpu.memory_space<vmem>>, vector<128x1xf32>
      %get3A_16 = arith.constant 0 : index
      %get3A_17 = arith.constant 0 : index
      %get3A_18 = arith.constant 0 : index
      %get3A_19 = vector.load %arg3[%get3A_16, %get3A_17, %get3A_18] : memref<4x128x1024xf32, #tpu.memory_space<vmem>>, vector<4x128x1024xf32>
      %reshape3A = vector.shape_cast %get3A_19 : vector<4x128x1024xf32> to vector<512x1024xf32>
      %dot_general3A = arith.constant dense<0.000000e+00> : vector<512x512xf32>
      %dot_general3A_20 = tpu.matmul %reshape3A, %get3A_7, %dot_general3A {dimension_numbers = #tpu.dot_dimension_numbers<[1], [1], [0], [0], [0, 0, 1, 0], [], []>, transpose_lhs_hint = false} : vector<512x1024xf32>, vector<512x1024xf32>, vector<512x512xf32> -> vector<512x512xf32>
      %broadcast_in_dim3A = arith.constant 0.000000e+00 : f32
      %broadcast_in_dim3A_21 = vector.broadcast %broadcast_in_dim3A : f32 to vector<128x512xf32>
      %mul3A = arith.constant 0.899999976 : f32
      %mul3A_22 = vector.broadcast %mul3A : f32 to vector<128x512xf32>
      %mul3A_23 = arith.mulf %mul3A_22, %broadcast_in_dim3A_21 : vector<128x512xf32>
      %slice3A = vector.extract_strided_slice %dot_general3A_20 {offsets = [0, 0], sizes = [128, 512], strides = [1, 1]} : vector<512x512xf32> to vector<128x512xf32>
      %add3A = arith.addf %mul3A_23, %slice3A : vector<128x512xf32>
      %ge3A = arith.constant 1.000000e+00 : f32
      %ge3A_24 = vector.broadcast %ge3A : f32 to vector<128x512xf32>
      %ge3A_25 = arith.cmpf oge, %add3A, %ge3A_24 : vector<128x512xf32>
      %convert_element_type3A_26 = arith.extui %ge3A_25 : vector<128x512xi1> to vector<128x512xi32>
      %convert_element_type3A_27 = arith.sitofp %convert_element_type3A_26 : vector<128x512xi32> to vector<128x512xf32>
      %mul3A_28 = arith.constant 1.000000e+00 : f32
      %mul3A_29 = vector.broadcast %mul3A_28 : f32 to vector<128x512xf32>
      %mul3A_30 = arith.mulf %convert_element_type3A_27, %mul3A_29 : vector<128x512xf32>
      %sub3A = arith.subf %add3A, %mul3A_30 : vector<128x512xf32>
      %mul3A_31 = arith.constant 0.899999976 : f32
      %mul3A_32 = vector.broadcast %mul3A_31 : f32 to vector<128x512xf32>
      %mul3A_33 = arith.mulf %mul3A_32, %sub3A : vector<128x512xf32>
      %slice3A_34 = vector.extract_strided_slice %dot_general3A_20 {offsets = [128, 0], sizes = [128, 512], strides = [1, 1]} : vector<512x512xf32> to vector<128x512xf32>
      %add3A_35 = arith.addf %mul3A_33, %slice3A_34 : vector<128x512xf32>
      %ge3A_36 = arith.constant 1.000000e+00 : f32
      %ge3A_37 = vector.broadcast %ge3A_36 : f32 to vector<128x512xf32>
      %ge3A_38 = arith.cmpf oge, %add3A_35, %ge3A_37 : vector<128x512xf32>
      %convert_element_type3A_39 = arith.extui %ge3A_38 : vector<128x512xi1> to vector<128x512xi32>
      %convert_element_type3A_40 = arith.sitofp %convert_element_type3A_39 : vector<128x512xi32> to vector<128x512xf32>
      %mul3A_41 = arith.constant 1.000000e+00 : f32
      %mul3A_42 = vector.broadcast %mul3A_41 : f32 to vector<128x512xf32>
      %mul3A_43 = arith.mulf %convert_element_type3A_40, %mul3A_42 : vector<128x512xf32>
      %sub3A_44 = arith.subf %add3A_35, %mul3A_43 : vector<128x512xf32>
      %mul3A_45 = arith.constant 0.899999976 : f32
      %mul3A_46 = vector.broadcast %mul3A_45 : f32 to vector<128x512xf32>
      %mul3A_47 = arith.mulf %mul3A_46, %sub3A_44 : vector<128x512xf32>
      %slice3A_48 = vector.extract_strided_slice %dot_general3A_20 {offsets = [256, 0], sizes = [128, 512], strides = [1, 1]} : vector<512x512xf32> to vector<128x512xf32>
      %add3A_49 = arith.addf %mul3A_47, %slice3A_48 : vector<128x512xf32>
      %ge3A_50 = arith.constant 1.000000e+00 : f32
      %ge3A_51 = vector.broadcast %ge3A_50 : f32 to vector<128x512xf32>
      %ge3A_52 = arith.cmpf oge, %add3A_49, %ge3A_51 : vector<128x512xf32>
      %convert_element_type3A_53 = arith.extui %ge3A_52 : vector<128x512xi1> to vector<128x512xi32>
      %convert_element_type3A_54 = arith.sitofp %convert_element_type3A_53 : vector<128x512xi32> to vector<128x512xf32>
      %mul3A_55 = arith.constant 1.000000e+00 : f32
      %mul3A_56 = vector.broadcast %mul3A_55 : f32 to vector<128x512xf32>
      %mul3A_57 = arith.mulf %convert_element_type3A_54, %mul3A_56 : vector<128x512xf32>
      %sub3A_58 = arith.subf %add3A_49, %mul3A_57 : vector<128x512xf32>
      %mul3A_59 = arith.constant 0.899999976 : f32
      %mul3A_60 = vector.broadcast %mul3A_59 : f32 to vector<128x512xf32>
      %mul3A_61 = arith.mulf %mul3A_60, %sub3A_58 : vector<128x512xf32>
      %slice3A_62 = vector.extract_strided_slice %dot_general3A_20 {offsets = [384, 0], sizes = [128, 512], strides = [1, 1]} : vector<512x512xf32> to vector<128x512xf32>
      %add3A_63 = arith.addf %mul3A_61, %slice3A_62 : vector<128x512xf32>
      %ge3A_64 = arith.constant 1.000000e+00 : f32
      %ge3A_65 = vector.broadcast %ge3A_64 : f32 to vector<128x512xf32>
      %ge3A_66 = arith.cmpf oge, %add3A_63, %ge3A_65 : vector<128x512xf32>
      %convert_element_type3A_67 = arith.extui %ge3A_66 : vector<128x512xi1> to vector<128x512xi32>
      %convert_element_type3A_68 = arith.sitofp %convert_element_type3A_67 : vector<128x512xi32> to vector<128x512xf32>
      %concatenate3A = tpu.concatenate %convert_element_type3A_27, %convert_element_type3A_40, %convert_element_type3A_54, %convert_element_type3A_68 in 0 : vector<128x512xf32>, vector<128x512xf32>, vector<128x512xf32>, vector<128x512xf32> -> vector<512x512xf32>
      %dot_general3A_69 = arith.constant dense<0.000000e+00> : vector<512x1024xf32>
      %dot_general3A_70 = tpu.matmul %concatenate3A, %get3A_12, %dot_general3A_69 {dimension_numbers = #tpu.dot_dimension_numbers<[1], [1], [0], [0], [0, 0, 1, 0], [], []>, transpose_lhs_hint = false} : vector<512x512xf32>, vector<1024x512xf32>, vector<512x1024xf32> -> vector<512x1024xf32>
      %broadcast_in_dim3A_71 = arith.constant 0.000000e+00 : f32
      %broadcast_in_dim3A_72 = vector.broadcast %broadcast_in_dim3A_71 : f32 to vector<128x1024xf32>
      %mul3A_73 = arith.constant 0.899999976 : f32
      %mul3A_74 = vector.broadcast %mul3A_73 : f32 to vector<128x1024xf32>
      %mul3A_75 = arith.mulf %mul3A_74, %broadcast_in_dim3A_72 : vector<128x1024xf32>
      %slice3A_76 = vector.extract_strided_slice %dot_general3A_70 {offsets = [0, 0], sizes = [128, 1024], strides = [1, 1]} : vector<512x1024xf32> to vector<128x1024xf32>
      %add3A_77 = arith.addf %mul3A_75, %slice3A_76 : vector<128x1024xf32>
      %ge3A_78 = arith.constant 1.000000e+00 : f32
      %ge3A_79 = vector.broadcast %ge3A_78 : f32 to vector<128x1024xf32>
      %ge3A_80 = arith.cmpf oge, %add3A_77, %ge3A_79 : vector<128x1024xf32>
      %convert_element_type3A_81 = arith.extui %ge3A_80 : vector<128x1024xi1> to vector<128x1024xi32>
      %convert_element_type3A_82 = arith.sitofp %convert_element_type3A_81 : vector<128x1024xi32> to vector<128x1024xf32>
      %mul3A_83 = arith.constant 1.000000e+00 : f32
      %mul3A_84 = vector.broadcast %mul3A_83 : f32 to vector<128x1024xf32>
      %mul3A_85 = arith.mulf %convert_element_type3A_82, %mul3A_84 : vector<128x1024xf32>
      %sub3A_86 = arith.subf %add3A_77, %mul3A_85 : vector<128x1024xf32>
      %mul3A_87 = vector.broadcast %get3A_15 : vector<128x1xf32> to vector<128x1024xf32>
      %mul3A_88 = arith.mulf %convert_element_type3A_82, %mul3A_87 : vector<128x1024xf32>
      %swap3A = arith.constant 0 : index
      %swap3A_89 = arith.constant 0 : index
      %swap3A_90 = arith.constant 0 : index
      %swap3A_91 = vector.load %arg7[%swap3A, %swap3A_89, %swap3A_90] : memref<4x128x1024xf32, #tpu.memory_space<vmem>>, vector<1x128x1024xf32>
      %swap3A_92 = vector.shape_cast %swap3A_91 : vector<1x128x1024xf32> to vector<128x1024xf32>
      %swap3A_93 = vector.shape_cast %mul3A_88 : vector<128x1024xf32> to vector<1x128x1024xf32>
      tpu.vector_store %arg7[%swap3A, %swap3A_89, %swap3A_90], %swap3A_93 {strides = array<i32>} : memref<4x128x1024xf32, #tpu.memory_space<vmem>>, vector<1x128x1024xf32>,
      %mul3A_94 = arith.constant 0.899999976 : f32
      %mul3A_95 = vector.broadcast %mul3A_94 : f32 to vector<128x1024xf32>
      %mul3A_96 = arith.mulf %mul3A_95, %sub3A_86 : vector<128x1024xf32>
      %slice3A_97 = vector.extract_strided_slice %dot_general3A_70 {offsets = [128, 0], sizes = [128, 1024], strides = [1, 1]} : vector<512x1024xf32> to vector<128x1024xf32>
      %add3A_98 = arith.addf %mul3A_96, %slice3A_97 : vector<128x1024xf32>
      %ge3A_99 = arith.constant 1.000000e+00 : f32
      %ge3A_100 = vector.broadcast %ge3A_99 : f32 to vector<128x1024xf32>
      %ge3A_101 = arith.cmpf oge, %add3A_98, %ge3A_100 : vector<128x1024xf32>
      %convert_element_type3A_102 = arith.extui %ge3A_101 : vector<128x1024xi1> to vector<128x1024xi32>
      %convert_element_type3A_103 = arith.sitofp %convert_element_type3A_102 : vector<128x1024xi32> to vector<128x1024xf32>
      %mul3A_104 = arith.constant 1.000000e+00 : f32
      %mul3A_105 = vector.broadcast %mul3A_104 : f32 to vector<128x1024xf32>
      %mul3A_106 = arith.mulf %convert_element_type3A_103, %mul3A_105 : vector<128x1024xf32>
      %sub3A_107 = arith.subf %add3A_98, %mul3A_106 : vector<128x1024xf32>
      %mul3A_108 = vector.broadcast %get3A_15 : vector<128x1xf32> to vector<128x1024xf32>
      %mul3A_109 = arith.mulf %convert_element_type3A_103, %mul3A_108 : vector<128x1024xf32>
      %swap3A_110 = arith.constant 1 : index
      %swap3A_111 = arith.constant 0 : index
      %swap3A_112 = arith.constant 0 : index
      %swap3A_113 = vector.load %arg7[%swap3A_110, %swap3A_111, %swap3A_112] : memref<4x128x1024xf32, #tpu.memory_space<vmem>>, vector<1x128x1024xf32>
      %swap3A_114 = vector.shape_cast %swap3A_113 : vector<1x128x1024xf32> to vector<128x1024xf32>
      %swap3A_115 = vector.shape_cast %mul3A_109 : vector<128x1024xf32> to vector<1x128x1024xf32>
      tpu.vector_store %arg7[%swap3A_110, %swap3A_111, %swap3A_112], %swap3A_115 {strides = array<i32>} : memref<4x128x1024xf32, #tpu.memory_space<vmem>>, vector<1x128x1024xf32>,
      %mul3A_116 = arith.constant 0.899999976 : f32
      %mul3A_117 = vector.broadcast %mul3A_116 : f32 to vector<128x1024xf32>
      %mul3A_118 = arith.mulf %mul3A_117, %sub3A_107 : vector<128x1024xf32>
      %slice3A_119 = vector.extract_strided_slice %dot_general3A_70 {offsets = [256, 0], sizes = [128, 1024], strides = [1, 1]} : vector<512x1024xf32> to vector<128x1024xf32>
      %add3A_120 = arith.addf %mul3A_118, %slice3A_119 : vector<128x1024xf32>
      %ge3A_121 = arith.constant 1.000000e+00 : f32
      %ge3A_122 = vector.broadcast %ge3A_121 : f32 to vector<128x1024xf32>
      %ge3A_123 = arith.cmpf oge, %add3A_120, %ge3A_122 : vector<128x1024xf32>
      %convert_element_type3A_124 = arith.extui %ge3A_123 : vector<128x1024xi1> to vector<128x1024xi32>
      %convert_element_type3A_125 = arith.sitofp %convert_element_type3A_124 : vector<128x1024xi32> to vector<128x1024xf32>
      %mul3A_126 = arith.constant 1.000000e+00 : f32
      %mul3A_127 = vector.broadcast %mul3A_126 : f32 to vector<128x1024xf32>
      %mul3A_128 = arith.mulf %convert_element_type3A_125, %mul3A_127 : vector<128x1024xf32>
      %sub3A_129 = arith.subf %add3A_120, %mul3A_128 : vector<128x1024xf32>
      %mul3A_130 = vector.broadcast %get3A_15 : vector<128x1xf32> to vector<128x1024xf32>
      %mul3A_131 = arith.mulf %convert_element_type3A_125, %mul3A_130 : vector<128x1024xf32>
      %swap3A_132 = arith.constant 2 : index
      %swap3A_133 = arith.constant 0 : index
      %swap3A_134 = arith.constant 0 : index
      %swap3A_135 = vector.load %arg7[%swap3A_132, %swap3A_133, %swap3A_134] : memref<4x128x1024xf32, #tpu.memory_space<vmem>>, vector<1x128x1024xf32>
      %swap3A_136 = vector.shape_cast %swap3A_135 : vector<1x128x1024xf32> to vector<128x1024xf32>
      %swap3A_137 = vector.shape_cast %mul3A_131 : vector<128x1024xf32> to vector<1x128x1024xf32>
      tpu.vector_store %arg7[%swap3A_132, %swap3A_133, %swap3A_134], %swap3A_137 {strides = array<i32>} : memref<4x128x1024xf32, #tpu.memory_space<vmem>>, vector<1x128x1024xf32>,
      %mul3A_138 = arith.constant 0.899999976 : f32
      %mul3A_139 = vector.broadcast %mul3A_138 : f32 to vector<128x1024xf32>
      %mul3A_140 = arith.mulf %mul3A_139, %sub3A_129 : vector<128x1024xf32>
      %slice3A_141 = vector.extract_strided_slice %dot_general3A_70 {offsets = [384, 0], sizes = [128, 1024], strides = [1, 1]} : vector<512x1024xf32> to vector<128x1024xf32>
      %add3A_142 = arith.addf %mul3A_140, %slice3A_141 : vector<128x1024xf32>
      %ge3A_143 = arith.constant 1.000000e+00 : f32
      %ge3A_144 = vector.broadcast %ge3A_143 : f32 to vector<128x1024xf32>
      %ge3A_145 = arith.cmpf oge, %add3A_142, %ge3A_144 : vector<128x1024xf32>
      %convert_element_type3A_146 = arith.extui %ge3A_145 : vector<128x1024xi1> to vector<128x1024xi32>
      %convert_element_type3A_147 = arith.sitofp %convert_element_type3A_146 : vector<128x1024xi32> to vector<128x1024xf32>
      %mul3A_148 = vector.broadcast %get3A_15 : vector<128x1xf32> to vector<128x1024xf32>
      %mul3A_149 = arith.mulf %convert_element_type3A_147, %mul3A_148 : vector<128x1024xf32>
      %swap3A_150 = arith.constant 3 : index
      %swap3A_151 = arith.constant 0 : index
      %swap3A_152 = arith.constant 0 : index
      %swap3A_153 = vector.load %arg7[%swap3A_150, %swap3A_151, %swap3A_152] : memref<4x128x1024xf32, #tpu.memory_space<vmem>>, vector<1x128x1024xf32>
      %swap3A_154 = vector.shape_cast %swap3A_153 : vector<1x128x1024xf32> to vector<128x1024xf32>
      %swap3A_155 = vector.shape_cast %mul3A_149 : vector<128x1024xf32> to vector<1x128x1024xf32>
      tpu.vector_store %arg7[%swap3A_150, %swap3A_151, %swap3A_152], %swap3A_155 {strides = array<i32>} : memref<4x128x1024xf32, #tpu.memory_space<vmem>>, vector<1x128x1024xf32>,
    } else {
    }
    return
  }
  func.func @transform_0(%arg0: i32, %arg1: memref<40xi32, #tpu.memory_space<smem>>, %arg2: memref<40xi32, #tpu.memory_space<smem>>) -> (i32, i32, i32) {
    %get3A = arith.index_cast %arg0 : i32 to index
    %get3A_0 = memref.load %arg2[%get3A] : memref<40xi32, #tpu.memory_space<smem>>
    %eq3A = arith.constant 1 : i32
    %eq3A_1 = arith.cmpi eq, %get3A_0, %eq3A : i32
    %jit3A = arith.constant 0 : i32
    %select_n3A = arith.select %eq3A_1, %arg0, %jit3A : i32
    %c0_i32 = arith.constant 0 : i32
    %c0_i32_2 = arith.constant 0 : i32
    %c0_i32_3 = arith.constant 0 : i32
    return %c0_i32, %select_n3A, %c0_i32_2 : i32, i32, i32
  }
  func.func @transform_1(%arg0: i32, %arg1: memref<40xi32, #tpu.memory_space<smem>>, %arg2: memref<40xi32, #tpu.memory_space<smem>>) -> (i32, i32, i32) {
    %get3A = arith.index_cast %arg0 : i32 to index
    %get3A_0 = memref.load %arg1[%get3A] : memref<40xi32, #tpu.memory_space<smem>>
    %c0_i32 = arith.constant 0 : i32
    %c0_i32_1 = arith.constant 0 : i32
    %c0_i32_2 = arith.constant 0 : i32
    return %get3A_0, %c0_i32, %c0_i32_1 : i32, i32, i32
  }
  func.func @transform_2(%arg0: i32, %arg1: memref<40xi32, #tpu.memory_space<smem>>, %arg2: memref<40xi32, #tpu.memory_space<smem>>) -> (i32, i32, i32) {
    %get3A = arith.index_cast %arg0 : i32 to index
    %get3A_0 = memref.load %arg1[%get3A] : memref<40xi32, #tpu.memory_space<smem>>
    %c0_i32 = arith.constant 0 : i32
    %c0_i32_1 = arith.constant 0 : i32
    %c0_i32_2 = arith.constant 0 : i32
    return %get3A_0, %c0_i32, %c0_i32_1 : i32, i32, i32
  }
  func.func @transform_3(%arg0: i32, %arg1: memref<40xi32, #tpu.memory_space<smem>>, %arg2: memref<40xi32, #tpu.memory_space<smem>>) -> (i32, i32) {
    %get3A = arith.index_cast %arg0 : i32 to index
    %get3A_0 = memref.load %arg2[%get3A] : memref<40xi32, #tpu.memory_space<smem>>
    %eq3A = arith.constant 1 : i32
    %eq3A_1 = arith.cmpi eq, %get3A_0, %eq3A : i32
    %jit3A = arith.constant 0 : i32
    %select_n3A = arith.select %eq3A_1, %arg0, %jit3A : i32
    %c0_i32 = arith.constant 0 : i32
    %c0_i32_2 = arith.constant 0 : i32
    return %select_n3A, %c0_i32 : i32, i32
  }
  func.func @transform_4(%arg0: i32, %arg1: memref<40xi32, #tpu.memory_space<smem>>, %arg2: memref<40xi32, #tpu.memory_space<smem>>) -> (i32, i32, i32) {
    %get3A = arith.index_cast %arg0 : i32 to index
    %get3A_0 = memref.load %arg2[%get3A] : memref<40xi32, #tpu.memory_space<smem>>
    %eq3A = arith.constant 1 : i32
    %eq3A_1 = arith.cmpi eq, %get3A_0, %eq3A : i32
    %jit3A = arith.constant 39 : i32
    %select_n3A = arith.select %eq3A_1, %arg0, %jit3A : i32
    %c0_i32 = arith.constant 0 : i32
    %c0_i32_2 = arith.constant 0 : i32
    %c0_i32_3 = arith.constant 0 : i32
    return %c0_i32, %select_n3A, %c0_i32_2 : i32, i32, i32
  }
}

</mosaic_0001>

<sc_bundles>
// kernel: gather_offload_async_start
scs
__scs_entry_jumppad:
0x0: {  	(pc) =	sbr.rel $0x88, $3  }
0x1: {  	(tag) =	ssettag $0x0;
	lr =	simm.s32 $0x1  }
0x2: {  	[smem:$0x3F9C] =	sst lr;
	_ =	strace $0xD0000000  }
0x3: {  	_ = 	snop  }
0x4: {  	_ = 	snop  }
0x5: {  	_ = 	snop  }
0x6: {  	_ = 	snop  }
0x7: {  	_ = 	snop  }
__scs_overlays_trampoline_lowered:
0x8: {  	[smem:$0x3FAB] =	sst s0  }
0x9: {  	[smem:$0x3FAC] =	sst s1  }
0xa: {  	[smem:$0x3FAD] =	sst s2  }
0xb: {  	[smem:$0x3FAE] =	sst s3  }
0xc: {  	[smem:$0x3FAF] =	sst s4  }
0xd: {  	[smem:$0x3FB0] =	sst s5  }
0xe: {  	[smem:$0x3FB1] =	sst s6  }
0xf: {  	[smem:$0x3FB2] =	sst s7  }
0x10: {  	[smem:$0x3FB3] =	sst s8  }
0x11: {  	[smem:$0x3FB4] =	sst s9;
	s0 =	simm.s32 @!p0 $0x0  }
0x12: {  	s1 =	sld [smem:$0x3F9A];
	s0 =	simm.s32 @p0 $0x1  }
0x13: {  	[smem:$0x3FB5] =	sst s0;
	s0 =	simm.s32 @!p1 $0x0  }
0x14: {  	s2 =	sld [smem:$0x3F99];
	s0 =	simm.s32 @p1 $0x1  }
0x15: {  	[smem:$0x3FB6] =	sst s0;
	s0 =	simm.s32 @!p2 $0x0  }
0x16: {  	s3 =	sld [smem:$0x3FDB];
	s0 =	simm.s32 @p2 $0x1  }
0x17: {  	s4 =	simm.s32 $0x1BF5;
	[smem:$0x3FB8] =	sst s0  }
0x18: {  	s0 =	sld [smem:$0x3F9B];
	_ =	swait.ge [sflag:s4], $0x0  }
0x19: {  	s7 =	sld [smem:$0x3F9C]  }
0x1a: {  	s8 =	sadd.s32 $0xFFFFE003, lr  }
0x1b: {  	s9 =	sadd.s32 $0xFFFFFEF7, lr;
	s5 =	simm.s32 $0xFFFFFFFF;
	p2 =	slt.u32 s8, $0xFFFFF086  }
0x1c: {  	p1 =	slt.u32 s9, $0xF7A;
	s5 =	simm.s32 @!p2 $0x0  }
0x1d: {  	s5 =	simm.s32 @p1 $0x1;
	p0 =	seq.s32 s7, s2  }
0x1e: {  	s7 =	smul.u32 @!p0 $0xF7A, s2;
	p2 =	seq.s32 @!p0 s5, $0x0  }
0x1f: {  	s9 =	smul.u32 $0xF7A, s1;
	s8 =	simm.s32 @!p0 $0x1BF5;
	p2 =	por !p2, p0  }
0x20: {  	[sflag:s8] =	ssyncset.s32 @!p0 $0xFFFFF086;
	s6 =	sadd.s32 @!p0 s3, s7;
	s7 =	simm.s32 @!p0 $0x108  }
0x21: {  	s3 =	sadd.s32 s3, s9;
	s6 =	sadd.s32 @!p0 $0x88, s6;
	s7 =	simm.s32 @p2 $0x1082  }
0x22: {  	[simem:s7], [sflag:s8] =	dma.local @!p0 [hbm:s6], $0xF7A  }
0x23: {  	s9 =	sor.u32 $0xD0000000, s2;
	s6 =	simm.s32 $0x108;
	_ =	swait.ge @!p0 [sflag:s8], $0x0  }
0x24: {  	s3 =	sadd.s32 $0x88, s3;
	s6 =	simm.s32 @!p1 $0x1082;
	[sflag:s4] =	ssyncset.s32 $0xFFFFF086  }
0x25: {  	[simem:s6], [sflag:s4] =	dma.local [hbm:s3], $0xF7A  }
0x26: {  	[smem:$0x3F9C] =	sst s1;
	(tag) =	ssettag s2;
	_ =	strace s9  }
0x27: {  	s1 =	sld [smem:$0x3FAC]  }
0x28: {  	s2 =	sld [smem:$0x3FAD]  }
0x29: {  	s4 =	sld [smem:$0x3FAF]  }
0x2a: {  	p0 =	seq.s32 s5, $0x0;
	s5 =	sld [smem:$0x3FB0]  }
0x2b: {  	s6 =	sld [smem:$0x3FB1]  }
0x2c: {  	s7 =	sld [smem:$0x3FB2]  }
0x2d: {  	s3 =	simm.s32 $0x108;
	s8 =	sld [smem:$0x3FB3]  }
0x2e: {  	s3 =	simm.s32 @!p0 $0x1082;
	s9 =	sld [smem:$0x3FB4]  }
0x2f: {  	lr =	sadd.s32 s0, s3;
	s0 =	sld [smem:$0x3FAB]  }
0x30: {  	s3 =	sld [smem:$0x3FAE]  }
0x31: {  	[smem:$0x3FB7] =	sst s10  }
0x32: {  	s10 =	sld [smem:$0x3FB5];
	_ =	sdelay $0x3  }
0x33: {  	p0 =	seq.s32 s10, $0x1;
	s10 =	sld [smem:$0x3FB7];
	_ =	sdelay $0x3  }
0x34: {  	[smem:$0x3FB7] =	sst s10  }
0x35: {  	s10 =	sld [smem:$0x3FB6];
	_ =	sdelay $0x3  }
0x36: {  	p1 =	seq.s32 s10, $0x1;
	s10 =	sld [smem:$0x3FB7];
	_ =	sdelay $0x3  }
0x37: {  	[smem:$0x3FB7] =	sst s10  }
0x38: {  	s10 =	sld [smem:$0x3FB8]  }
0x39: {  	_ = 	snop;
	(pc) =	sbr.ind lr, $3  }
0x3a: {  	_ = 	snop  }
0x3b: {  	_ = 	snop  }
0x3c: {  	p2 =	seq.s32 s10, $0x1;
	s10 =	sld [smem:$0x3FB7]  }
0x3d: {  	_ =	shalt  }
0x3e: {  	_ =	shalt  }
0x3f: {  	_ =	shalt  }
0x40: {  	_ =	shalt  }
0x41: {  	_ =	shalt  }
0x42: {  	_ =	shalt  }
0x43: {  	_ =	shalt  }
0x44: {  	_ =	shalt  }
0x45: {  	_ =	shalt  }
0x46: {  	_ =	shalt  }
0x47: {  	_ =	shalt  }
0x48: {  	_ =	shalt  }
0x49: {  	_ =	shalt  }
0x4a: {  	_ =	shalt  }
0x4b: {  	_ =	shalt  }
0x4c: {  	_ =	shalt  }
0x4d: {  	_ =	shalt  }
0x4e: {  	_ =	shalt  }
0x4f: {  	_ =	shalt  }
0x50: {  	_ =	shalt  }
0x51: {  	_ =	shalt  }
0x52: {  	_ =	shalt  }
0x53: {  	_ =	shalt  }
0x54: {  	_ =	shalt  }
0x55: {  	_ =	shalt  }
0x56: {  	_ =	shalt  }
0x57: {  	_ =	shalt  }
0x58: {  	_ =	shalt  }
0x59: {  	_ =	shalt  }
0x5a: {  	_ =	shalt  }
0x5b: {  	_ =	shalt  }
0x5c: {  	_ =	shalt  }
0x5d: {  	_ =	shalt  }
0x5e: {  	_ =	shalt  }
0x5f: {  	_ =	shalt  }
0x60: {  	_ =	shalt  }
0x61: {  	_ =	shalt  }
0x62: {  	_ =	shalt  }
0x63: {  	_ =	shalt  }
0x64: {  	_ =	shalt  }
0x65: {  	_ =	shalt  }
0x66: {  	_ =	shalt  }
0x67: {  	_ =	shalt  }
0x68: {  	_ =	shalt  }
0x69: {  	_ =	shalt  }
0x6a: {  	_ =	shalt  }
0x6b: {  	_ =	shalt  }
0x6c: {  	_ =	shalt  }
0x6d: {  	_ =	shalt  }
0x6e: {  	_ =	shalt  }
0x6f: {  	_ =	shalt  }
0x70: {  	_ =	shalt  }
0x71: {  	_ =	shalt  }
0x72: {  	_ =	shalt  }
0x73: {  	_ =	shalt  }
0x74: {  	_ =	shalt  }
0x75: {  	_ =	shalt  }
0x76: {  	_ =	shalt  }
0x77: {  	_ =	shalt  }
0x78: {  	_ =	shalt  }
0x79: {  	_ =	shalt  }
0x7a: {  	_ =	shalt  }
0x7b: {  	_ =	shalt  }
0x7c: {  	_ =	shalt  }
0x7d: {  	_ =	shalt  }
0x7e: {  	_ =	shalt  }
0x7f: {  	_ =	shalt  }
0x80: {  	_ =	shalt  }
0x81: {  	_ =	shalt  }
0x82: {  	_ =	shalt  }
0x83: {  	_ =	shalt  }
0x84: {  	_ =	shalt  }
0x85: {  	_ =	shalt  }
0x86: {  	_ =	shalt  }
0x87: {  	_ =	shalt  }
.Lfunc_end0:
.L_simem_size_0:
called_computation_lowered:
.L_overlay_start_0:
0x88: {  	s2 =	sld [smem:$0x3FD9]  }
0x89: {  	s3 =	sld [smem:$0x3FFE];
	_ =	sdelay $0x1  }
0x8a: {  	s1 =	srdreg.scid  }
0x8b: {  	s0 =	sand.u32 $0x1, s1  }
0x8c: {  	s17 =	sshll.u32 s0, $0xA;
	s2 =	sadd.s32 s3, s2  }
0x8d: {  	s2 =	sadd.s32 s2, s17  }
0x8e: {  	[smem:$0x3FC3] =	sst s2  }
0x8f: {  	_ = 	snop  }
0x90: {  	s2 =	sld [smem:$0x3FD0];
	(tm) =	ssettm $0x1  }
0x91: {  	s18 =	sld [smem:$0x3FFB];
	_ =	sdelay $0x3  }
0x92: {  	_ =	strace s18  }
0x93: {  	s3 =	sld [smem:$0x3FFC];
	_ =	sdelay $0x3  }
0x94: {  	_ =	strace s3  }
0x95: {  	s3 =	sld [smem:$0x3FFD];
	_ =	sdelay $0x3  }
0x96: {  	_ =	strace s3  }
0x97: {  	_ =	strace $0x8FFFFFFF  }
0x98: {  	s19 =	sld [smem:$0x3FDB];
	_ =	sdelay $0x1  }
0x99: {  	s4 =	simm.s32 $_scs_section_size  }
0x9a: {  	s5 =	simm.s32 $_size__tile_overlayer_lowered;
	s6 =	simm.s32 $_tile_overlayer_lowered  }
0x9b: {  	s22 =	simm.s32 $0x1BFF;
	s21 =	sshll.u32 s6, $0x1;
	s3 =	sadd.s32 s4, s19  }
0x9c: {  	s7 =	simm.s32 $0x0;
	s20 =	sshll.u32 s5, $0x1;
	s5 =	sadd.s32 s21, s3  }
0x9d: {  	[timem:s7], [sflag:s22] =	dma.local [hbm:s5], s20  }
0x9e: {  	_ =	swait.ge [sflag:s22], s20  }
0x9f: {  	s4 =	ssub.s32 $0x0, s20;
	[sflag:s22] =	ssyncset.done $0x0  }
0xa0: {  	[sflag:s22] =	ssyncadd.s32 s4;
	_ =	sdelay $0x1  }
0xa1: {  	s23 =	simm.s32 $0x1B8B  }
0xa2: {  	_ =	swait.ge [sflag:s23], $0x1  }
0xa3: {  	[sflag:s23] =	ssyncset.done $0x0  }
0xa4: {  	s25 =	simm.s32 $0x1B8E;
	s24 =	sld [smem:$0x3FFE];
	[sflag:s23] =	ssyncadd.s32 $0xFFFFFFFF  }
0xa5: {  	s26 =	simm.s32 $execute0_lowered;
	[smem:$0x3FD2] =	sst s25  }
0xa6: {  	s5 =	sshll.u32 s26, $0x1;
	_ =	strace $0x80000046;
	[dreg:$0x1] =	wrdreg $0xFFFFFFFF  }
0xa7: {  	s28 =	simm.s32 $_size_execute0_lowered;
	s3 =	sadd.s32 s3, s5;
	[dreg:$0x0] =	wrdreg $0x0  }
0xa8: {  	s5 =	sshll.u32 s28, $0x1;
	[dreg:$0x2] =	wrdreg s3  }
0xa9: {  	[dreg:$0x3] =	wrdreg s5  }
0xaa: {  	[dreg:$0x4] =	wrdreg $0xC0  }
0xab: {  	_ =	task [dreg:s7], $0x5FFFF  }
0xac: {  	[dreg:$0x1] =	wrdreg $0xFFFFFFFF  }
0xad: {  	[dreg:$0x0] =	wrdreg $0x60  }
0xae: {  	[dreg:$0x2] =	wrdreg s2  }
0xaf: {  	[dreg:$0x3] =	wrdreg s24  }
0xb0: {  	[dreg:$0x4] =	wrdreg $0x9  }
0xb1: {  	_ =	task.clear_ibuf [dreg:s7], $0x5FFFF;
	_ =	strace $0x90000046  }
0xb2: {  	s29 =	simm.s32 $0x9;
	_ =	strace $0x80000048  }
0xb3: {  	_ =	swait.ge [sflag:s29], $0x1  }
0xb4: {  	[sflag:s29] =	ssyncadd.s32 $0xFFFFFFFF  }
0xb5: {  	_ =	strace $0x90000048  }
0xb6: {  	_ =	sfence  }
0xb7: {  	s30 =	sld [smem:$0x0];
	_ =	sdelay $0x2  }
0xb8: {  	s31 =	sshll.u32 s1, $0xD;
	s1 =	sshrl.u32 s1, $0x2  }
0xb9: {  	s3 =	sand.u32 $0x4000, s31;
	s1 =	sadd.s32 s1, s30  }
0xba: {  	s0 =	sor.u32 s3, s0;
	s1 =	sshll.u32 s1, $0x11  }
0xbb: {  	s0 =	sor.u32 s1, s0  }
0xbc: {  	s0 =	sadd.s32 $0x8F2B, s0  }
0xbd: {  	[sflag:s0] =	ssyncadd.remote.s32 $0x1  }
0xbe: {  	_ =	sfence.sel $0xFFFF  }
0xbf: {  	[dreg:$0x0] =	wrdreg $0xFFFFFFFF;
	(pc) =	sbr.abs _section_cstart, $3  }
0xc0: {  	[dreg:$0x1] =	wrdreg $0xFFFFFFFF  }
0xc1: {  	_ =	task.clear_ibuf [dreg:s7], $0x2FFFF;
	_ =	strace $0x9FFFFFFF  }
0xc2: {  	(tm) =	ssettm $0x7FFFFFFF  }
0xc3: {  	_ =	shalt  }
tec
execute0_lowered:
.L_overlay_start_1:
0x0: {  	(tag) =	ssettag $0x1  }
0x1: {  	s1 =	srdreg.scid;
	s2 =	rddreg [dreg:$0x0]  }
0x2: {  	s0 =	stileid.u32;
	s5 =	rddreg [dreg:$0x1];
	s6 =	simm.s32 $0x1  }
0x3: {  	s9 =	simm.s32 $0x1;
	s10 =	simm.s32 $0x3;
	s1 =	sshll.u32 s1, $0x6  }
0x4: {  	s13 =	simm.s32 $0x0;
	s3 =	sshll.u32 s0, $0x7;
	s4 =	sand.u32 $0x40, s1  }
0x5: {  	s12 =	simm.s32 $0x0;
	s1 =	rddreg [dreg:$0x2];
	s3 =	sor.u32 s3, s4  }
0x6: {  	_ =	strace $0x80000047;
	s4 =	sadd.s32 $0x400, s5;
	s8 =	ssub.s32 $0x1000, s3  }
.Ltmp0:
0x7: {  	s5 =	sadd.s32 $0x600, s5;
	s7 =	sand.u32 $0x7C0, s8;
	(pc) =	sbr.rel .LBB2_1-.Ltmp0, $4  }
0x8: {  	[sflag:s6] =	ssyncpa.u1 $0x0;
	s11 =	smov.u32 s3;
	p0 =	sne.s32 s7, $0x0  }
0x9: {  	s8 =	sshrl.u32 s8, $0xB;
	s7 =	simm.s32 $0x2;
	s9 =	simm.s32 @!p0 $0x0  }
0xa: {  	[sflag:s7] =	ssyncpa.u1 $0x0;
	p0 =	por $0x0, $0x0;
	s8 =	sadd.s32 s9, s8  }
0xb: {  	vm0 =	vmmov $0xffff;
	[sflag:s10] =	ssyncpa.u1 $0x0;
	s10 =	simm.s32 $0x0;
	s9 =	sadd.s32 $0x1, s8  }
.LBB2_4:
0xc: {  	v5 =	vshrl.u32 v1, $0xC;
	v6 =	vshll.u32 v1, $0x7  }
0xd: {  	vm1 =	veq.s32 v1, $0x80000000;
	v58 =	vand.u32 $0x7, v5;
	v59 =	vand.u32 $0x7FF80, v6  }
0xe: {  	v1 =	vsel vm1, $0xFFFFFFFF, v58;
	v5 =	vsel vm1, $0xFFFFFF80, v59  }
0xf: {  	v3 =	vor.u32 v4, v3;
	v60 =	vand.u32 $0xFFFFFC00, v5;
	v61 =	vand.u32 $0xFFFFFC00, v1  }
0x10: {  	v2 =	vor.u32 v2, v3;
	v63 =	vand.u32 $0x380, v5;
	v62 =	vadd.s32 v61, v60  }
0x11: {  	v1 =	vand.u32 $0x7F, v1;
	v3 =	vor.u32 v63, v62  }
0x12: {  	v1 =	vor.u32 v1, v3  }
0x13: {  	[tilespmem:s15], [sflag:$0x1] =	stream.indirect_vreg.gather [hbm4b:s2+s10], $0x1, v0, vm0, $0x4038;
	[tilespmem:$0x100] =	vst v63  }
0x14: {  	(ifvalue) =	ssetifvalue $0x7FFFFFFF  }
0x15: {  	[tilespmem:s16], [sflag:$0x1] =	stream.indirect_vreg.gather [hbm4b:s2+s10], $0x1, v2, vm0, $0x4038;
	[tilespmem:$0x100] =	vst v63  }
0x16: {  	s29 =	sadd.s32 $0x10, s16;
	(ifvalue) =	ssetifvalue $0x7FFFFFFF  }
0x17: {  	[tilespmem:s29], [sflag:$0x1] =	stream.indirect_vreg.gather [hbm4b:s2+s10], $0x1, v1, vm0, $0x4038;
	[tilespmem:$0x100] =	vst v63  }
0x18: {  	_ =	swait.ge [sflag:s6], $0x40  }
0x19: {  	s30 =	sshrl.u32 s13, $0x3;
	[sflag:s6] =	ssyncset.done $0x0  }
0x1a: {  	s31 =	sand.u32 $0x7, s13;
	s15 =	sadd.s32 s5, s30;
	[sflag:s6] =	ssyncadd.s32 $0xFFFFFFC0  }
0x1b: {  	[hbm4b:s15+s31] =	stream.linear.scatter [tilespmem:s14], [sflag:$0x3], $0x40, $0x38;
	[tilespmem:$0x100] =	vst v63  }
.LBB2_5:
0x1c: {  	s15 =	sadd.s32 $0x800, s11  }
0x1d: {  	p2 =	sgt.s32 s15, $0xFFF  }
0x1e: {  	s15 =	smov.u32 @p2 s3;
	p2 =	sne.s32 s12, s9  }
.Ltmp1:
0x1f: {  	p1 =	slt.u32 s12, $0x2;
	(pc) =	sbr.rel @!p2 .LBB2_6-.Ltmp1, $4  }
0x20: {  	s14 =	simm.s32 @!p1 $0x3  }
0x21: {  	s16 =	sadd.s32 $0x1, s12;
	_ =	swait.ge @!p1 [sflag:s14], $0x40  }
0x22: {  	s13 =	smov.u32 s11;
	p0 =	por !p0, !p0;
	[sflag:s14] =	ssyncset.done @!p1 $0x0  }
0x23: {  	s12 =	smov.u32 s16;
	s11 =	smov.u32 s15;
	[sflag:s14] =	ssyncadd.s32 @!p1 $0xFFFFFFC0  }
.LBB2_1:
0x24: {  	p1 =	sge.u32 s12, s8  }
0x25: {  	s14 =	sxor.u32 @!p1 $0xFFFFFFFF, s12  }
0x26: {  	s31 =	sadd.s32 $0xFFFFFFFF, s12;
	s15 =	sshrl.u32 @!p1 s11, $0x3;
	s14 =	sshll.u32 @!p1 s14, $0x6  }
0x27: {  	s16 =	sand.u32 @!p1 $0x7, s11;
	s15 =	sadd.s32 @!p1 s4, s15;
	s14 =	sand.u32 @!p1 $0x40, s14  }
0x28: {  	[tilespmem:s14], [sflag:$0x2] =	stream.linear.gather @!p1 [hbm4b:s15+s16], $0x40, $0x38;
	[tilespmem:$0x100] =	vst v63  }
0x29: {  	p1 =	sge.u32 s31, s8  }
.Ltmp2:
0x2a: {  	_ = 	snop;
	(pc) =	sbr.rel @p1 .LBB2_5-.Ltmp2, $1  }
0x2b: {  	_ =	sdelay $0x3  }
0x2c: {  	s14 =	simm.s32 $0x1  }
0x2d: {  	_ =	swait.ge [sflag:s7], $0x40;
	s14 =	simm.s32 @!p0 $0x0  }
0x2e: {  	[sflag:s7] =	ssyncset.done $0x0;
	s14 =	sshll.u32 s14, $0x6  }
0x2f: {  	[sflag:s7] =	ssyncadd.s32 $0xFFFFFFC0;
	(ifvalue) =	ssetifvalue $0x7FFFFFFF;
	v0 =	vld.msk [tilespmem:s14+$0x0 ss:$0x1], $0xffff;
	_ =	sdelay $0x4  }
0x30: {  	s15 =	sadd.s32 $0x10, s14;
	v2 =	vshrl.u32 v0, $0xC;
	v3 =	vshll.u32 v0, $0x7  }
0x31: {  	v1 =	vld.msk [tilespmem:s15+$0x0 ss:$0x1], $0xffff;
	vm1 =	veq.s32 v0, $0x80000000;
	v0 =	vand.u32 $0x7, v2;
	v2 =	vand.u32 $0x7FF80, v3  }
0x32: {  	v0 =	vsel vm1, $0xFFFFFFFF, v0;
	v2 =	vsel vm1, $0xFFFFFF80, v2  }
0x33: {  	v3 =	vand.u32 $0xFFFFFC00, v2;
	v4 =	vand.u32 $0xFFFFFC00, v0  }
0x34: {  	v2 =	vand.u32 $0x380, v2;
	v3 =	vadd.s32 v4, v3  }
0x35: {  	v0 =	vand.u32 $0x7F, v0;
	v2 =	vor.u32 v2, v3  }
0x36: {  	v5 =	vshll.u32 v1, $0x7;
	v4 =	vshrl.u32 v1, $0xC;
	v0 =	vor.u32 v0, v2  }
0x37: {  	s16 =	sshll.u32 s12, $0x6;
	vm1 =	veq.s32 v1, $0x80000000;
	v1 =	vand.u32 $0x7, v4;
	v4 =	vand.u32 $0x7FF80, v5  }
0x38: {  	s16 =	sand.u32 $0x40, s16;
	s18 =	sadd.s32 $0x10, s15;
	v3 =	vsel vm1, $0xFFFFFFFF, v1;
	v4 =	vsel vm1, $0xFFFFFF80, v4  }
0x39: {  	s17 =	simm.s32 $0x20;
	s15 =	sor.u32 $0x80, s14;
	s14 =	sor.u32 $0x80, s16;
	v1 =	vld.msk [tilespmem:s18+$0x0 ss:$0x1], $0xffff;
	v5 =	vand.u32 $0xFFFFFC00, v4;
	v6 =	vand.u32 $0xFFFFFC00, v3  }
0x3a: {  	s16 =	sadd.s32 $0x10, s15;
	s18 =	sadd.s32 $0x10, s18;
	(ifvalue) =	ssetifvalue $0x7FFFFFFF;
	v2 =	vand.u32 $0x7F, v3;
	v4 =	vand.u32 $0x380, v4;
	v3 =	vadd.s32 v6, v5  }
.LBB2_3:
0x3b: {  	[tilespmem:s15], [sflag:$0x1] =	stream.indirect_vreg.gather [hbm4b:s2+s10], $0x1, v0, vm0, $0x4038;
	[tilespmem:$0x100] =	vst v63  }
0x3c: {  	s17 =	sadd.s32 $0x10, s17  }
0x3d: {  	v3 =	vor.u32 v4, v3;
	p1 =	slt.u32 s17, $0x30  }
.Ltmp3:
0x3e: {  	v4 =	vshrl.u32 v1, $0xC;
	v5 =	vshll.u32 v1, $0x7;
	s15 =	smov.u32 s16;
	v0 =	vor.u32 v2, v3;
	v2 =	vmovc v1;
	v1 =	vld.msk [tilespmem:s18+$0x0 ss:$0x1], $0xffff;
	(pc) =	sbr.rel @p1 .LBB2_3-.Ltmp3, $4  }
0x3f: {  	v3 =	vand.u32 $0x7FF80, v5;
	vm1 =	veq.s32 v2, $0x80000000;
	v2 =	vand.u32 $0x7, v4  }
0x40: {  	v4 =	vsel vm1, $0xFFFFFFFF, v2;
	v5 =	vsel vm1, $0xFFFFFF80, v3  }
0x41: {  	v2 =	vand.u32 $0x7F, v4;
	v3 =	vand.u32 $0xFFFFFC00, v5;
	v4 =	vand.u32 $0xFFFFFC00, v4  }
0x42: {  	s16 =	sadd.s32 $0x10, s16;
	s18 =	sadd.s32 $0x10, s18;
	v3 =	vadd.s32 v4, v3;
	v4 =	vand.u32 $0x380, v5;
	(ifvalue) =	ssetifvalue $0x7FFFFFFF  }
.Ltmp4:
0x43: {  	_ = 	snop;
	(pc) =	sbr.rel .LBB2_4-.Ltmp4, $1  }
0x44: {  	_ =	sdelay $0x3  }
.LBB2_6:
0x45: {  	_ =	sfence.sel $0x180000  }
0x46: {  	s2 =	simm.s32 $0x2;
	[bflag:$0x0] =	sbarrier.arrive $0xFFFF  }
0x47: {  	s30 =	simm.s32 $0x3;
	[sflag:s2] =	ssyncpa.u1 $0x1  }
0x48: {  	s31 =	simm.s32 $0x1;
	[sflag:s30] =	ssyncpa.u1 $0x1  }
0x49: {  	[sflag:s31] =	ssyncpa.u1 $0x1  }
0x4a: {  	p0 =	sne.s32 s0, $0x0;
	_ =	strace $0x90000047  }
0x4b: {  	s0 =	sadd.s32 @!p0 $0x100000, s1;
	[bflag:$0x2] =	sbarrier.arrive $0xFFFF  }
0x4c: {  	[sflag:s0] =	ssyncadd.tile.s32 @!p0 $0x1;
	_ =	shalt  }
.Lfunc_end2:
_tile_overlayer_lowered:
.L_overlay_start_2:
0x4d: {  	(tag) =	ssettag $0x2  }
0x4e: {  	s0 =	rddreg [dreg:$0x0];
	s2 =	stileid.u32  }
0x4f: {  	s1 =	rddreg [dreg:$0x1];
	p0 =	sne.s32 s2, $0x0  }
0x50: {  	s3 =	rddreg [dreg:$0x2];
	[bflag:$0x3] =	sbarrier.arrive $0xFFFF;
	s2 =	simm.s32 @!p0 $0x1C01  }
0x51: {  	[timem:s3], [sflag:s2] =	dma.local @!p0 [hbm:s0], s1  }
0x52: {  	s0 =	simm.s32 @!p0 $0x1  }
0x53: {  	_ =	swait.ge @!p0 [sflag:s0], s1  }
0x54: {  	s1 =	ssub.s32 @!p0 $0x0, s1;
	[sflag:s0] =	ssyncset.done @!p0 $0x0  }
0x55: {  	[sflag:s0] =	ssyncadd.s32 @!p0 s1  }
0x56: {  	[bflag:$0x3] =	sbarrier.arrive $0xFFFF  }
0x57: {  	_ =	shalt  }

// kernel: kernel.5.cloned.1.call-start
scs
__scs_entry_jumppad:
0x0: {  	(pc) =	sbr.rel $0x88, $3  }
0x1: {  	(tag) =	ssettag $0x0;
	lr =	simm.s32 $0x1  }
0x2: {  	[smem:$0x3F9C] =	sst lr;
	_ =	strace $0xD0000000  }
0x3: {  	_ = 	snop  }
0x4: {  	_ = 	snop  }
0x5: {  	_ = 	snop  }
0x6: {  	_ = 	snop  }
0x7: {  	_ = 	snop  }
__scs_overlays_trampoline_lowered:
0x8: {  	[smem:$0x3FAB] =	sst s0  }
0x9: {  	[smem:$0x3FAC] =	sst s1  }
0xa: {  	[smem:$0x3FAD] =	sst s2  }
0xb: {  	[smem:$0x3FAE] =	sst s3  }
0xc: {  	[smem:$0x3FAF] =	sst s4  }
0xd: {  	[smem:$0x3FB0] =	sst s5  }
0xe: {  	[smem:$0x3FB1] =	sst s6  }
0xf: {  	[smem:$0x3FB2] =	sst s7  }
0x10: {  	[smem:$0x3FB3] =	sst s8  }
0x11: {  	[smem:$0x3FB4] =	sst s9;
	s0 =	simm.s32 @!p0 $0x0  }
0x12: {  	s1 =	sld [smem:$0x3F9A];
	s0 =	simm.s32 @p0 $0x1  }
0x13: {  	[smem:$0x3FB5] =	sst s0;
	s0 =	simm.s32 @!p1 $0x0  }
0x14: {  	s2 =	sld [smem:$0x3F99];
	s0 =	simm.s32 @p1 $0x1  }
0x15: {  	[smem:$0x3FB6] =	sst s0;
	s0 =	simm.s32 @!p2 $0x0  }
0x16: {  	s3 =	sld [smem:$0x3FDB];
	s0 =	simm.s32 @p2 $0x1  }
0x17: {  	s4 =	simm.s32 $0x1BF5;
	[smem:$0x3FB8] =	sst s0  }
0x18: {  	s0 =	sld [smem:$0x3F9B];
	_ =	swait.ge [sflag:s4], $0x0  }
0x19: {  	s7 =	sld [smem:$0x3F9C]  }
0x1a: {  	s8 =	sadd.s32 $0xFFFFE003, lr  }
0x1b: {  	s9 =	sadd.s32 $0xFFFFFEF7, lr;
	s5 =	simm.s32 $0xFFFFFFFF;
	p2 =	slt.u32 s8, $0xFFFFF086  }
0x1c: {  	p1 =	slt.u32 s9, $0xF7A;
	s5 =	simm.s32 @!p2 $0x0  }
0x1d: {  	s5 =	simm.s32 @p1 $0x1;
	p0 =	seq.s32 s7, s2  }
0x1e: {  	s7 =	smul.u32 @!p0 $0xF7A, s2;
	p2 =	seq.s32 @!p0 s5, $0x0  }
0x1f: {  	s9 =	smul.u32 $0xF7A, s1;
	s8 =	simm.s32 @!p0 $0x1BF5;
	p2 =	por !p2, p0  }
0x20: {  	[sflag:s8] =	ssyncset.s32 @!p0 $0xFFFFF086;
	s6 =	sadd.s32 @!p0 s3, s7;
	s7 =	simm.s32 @!p0 $0x108  }
0x21: {  	s3 =	sadd.s32 s3, s9;
	s6 =	sadd.s32 @!p0 $0x88, s6;
	s7 =	simm.s32 @p2 $0x1082  }
0x22: {  	[simem:s7], [sflag:s8] =	dma.local @!p0 [hbm:s6], $0xF7A  }
0x23: {  	s9 =	sor.u32 $0xD0000000, s2;
	s6 =	simm.s32 $0x108;
	_ =	swait.ge @!p0 [sflag:s8], $0x0  }
0x24: {  	s3 =	sadd.s32 $0x88, s3;
	s6 =	simm.s32 @!p1 $0x1082;
	[sflag:s4] =	ssyncset.s32 $0xFFFFF086  }
0x25: {  	[simem:s6], [sflag:s4] =	dma.local [hbm:s3], $0xF7A  }
0x26: {  	[smem:$0x3F9C] =	sst s1;
	(tag) =	ssettag s2;
	_ =	strace s9  }
0x27: {  	s1 =	sld [smem:$0x3FAC]  }
0x28: {  	s2 =	sld [smem:$0x3FAD]  }
0x29: {  	s4 =	sld [smem:$0x3FAF]  }
0x2a: {  	p0 =	seq.s32 s5, $0x0;
	s5 =	sld [smem:$0x3FB0]  }
0x2b: {  	s6 =	sld [smem:$0x3FB1]  }
0x2c: {  	s7 =	sld [smem:$0x3FB2]  }
0x2d: {  	s3 =	simm.s32 $0x108;
	s8 =	sld [smem:$0x3FB3]  }
0x2e: {  	s3 =	simm.s32 @!p0 $0x1082;
	s9 =	sld [smem:$0x3FB4]  }
0x2f: {  	lr =	sadd.s32 s0, s3;
	s0 =	sld [smem:$0x3FAB]  }
0x30: {  	s3 =	sld [smem:$0x3FAE]  }
0x31: {  	[smem:$0x3FB7] =	sst s10  }
0x32: {  	s10 =	sld [smem:$0x3FB5];
	_ =	sdelay $0x3  }
0x33: {  	p0 =	seq.s32 s10, $0x1;
	s10 =	sld [smem:$0x3FB7];
	_ =	sdelay $0x3  }
0x34: {  	[smem:$0x3FB7] =	sst s10  }
0x35: {  	s10 =	sld [smem:$0x3FB6];
	_ =	sdelay $0x3  }
0x36: {  	p1 =	seq.s32 s10, $0x1;
	s10 =	sld [smem:$0x3FB7];
	_ =	sdelay $0x3  }
0x37: {  	[smem:$0x3FB7] =	sst s10  }
0x38: {  	s10 =	sld [smem:$0x3FB8]  }
0x39: {  	_ = 	snop;
	(pc) =	sbr.ind lr, $3  }
0x3a: {  	_ = 	snop  }
0x3b: {  	_ = 	snop  }
0x3c: {  	p2 =	seq.s32 s10, $0x1;
	s10 =	sld [smem:$0x3FB7]  }
0x3d: {  	_ =	shalt  }
0x3e: {  	_ =	shalt  }
0x3f: {  	_ =	shalt  }
0x40: {  	_ =	shalt  }
0x41: {  	_ =	shalt  }
0x42: {  	_ =	shalt  }
0x43: {  	_ =	shalt  }
0x44: {  	_ =	shalt  }
0x45: {  	_ =	shalt  }
0x46: {  	_ =	shalt  }
0x47: {  	_ =	shalt  }
0x48: {  	_ =	shalt  }
0x49: {  	_ =	shalt  }
0x4a: {  	_ =	shalt  }
0x4b: {  	_ =	shalt  }
0x4c: {  	_ =	shalt  }
0x4d: {  	_ =	shalt  }
0x4e: {  	_ =	shalt  }
0x4f: {  	_ =	shalt  }
0x50: {  	_ =	shalt  }
0x51: {  	_ =	shalt  }
0x52: {  	_ =	shalt  }
0x53: {  	_ =	shalt  }
0x54: {  	_ =	shalt  }
0x55: {  	_ =	shalt  }
0x56: {  	_ =	shalt  }
0x57: {  	_ =	shalt  }
0x58: {  	_ =	shalt  }
0x59: {  	_ =	shalt  }
0x5a: {  	_ =	shalt  }
0x5b: {  	_ =	shalt  }
0x5c: {  	_ =	shalt  }
0x5d: {  	_ =	shalt  }
0x5e: {  	_ =	shalt  }
0x5f: {  	_ =	shalt  }
0x60: {  	_ =	shalt  }
0x61: {  	_ =	shalt  }
0x62: {  	_ =	shalt  }
0x63: {  	_ =	shalt  }
0x64: {  	_ =	shalt  }
0x65: {  	_ =	shalt  }
0x66: {  	_ =	shalt  }
0x67: {  	_ =	shalt  }
0x68: {  	_ =	shalt  }
0x69: {  	_ =	shalt  }
0x6a: {  	_ =	shalt  }
0x6b: {  	_ =	shalt  }
0x6c: {  	_ =	shalt  }
0x6d: {  	_ =	shalt  }
0x6e: {  	_ =	shalt  }
0x6f: {  	_ =	shalt  }
0x70: {  	_ =	shalt  }
0x71: {  	_ =	shalt  }
0x72: {  	_ =	shalt  }
0x73: {  	_ =	shalt  }
0x74: {  	_ =	shalt  }
0x75: {  	_ =	shalt  }
0x76: {  	_ =	shalt  }
0x77: {  	_ =	shalt  }
0x78: {  	_ =	shalt  }
0x79: {  	_ =	shalt  }
0x7a: {  	_ =	shalt  }
0x7b: {  	_ =	shalt  }
0x7c: {  	_ =	shalt  }
0x7d: {  	_ =	shalt  }
0x7e: {  	_ =	shalt  }
0x7f: {  	_ =	shalt  }
0x80: {  	_ =	shalt  }
0x81: {  	_ =	shalt  }
0x82: {  	_ =	shalt  }
0x83: {  	_ =	shalt  }
0x84: {  	_ =	shalt  }
0x85: {  	_ =	shalt  }
0x86: {  	_ =	shalt  }
0x87: {  	_ =	shalt  }
.Lfunc_end0:
.L_simem_size_0:
called_computation.1_lowered:
.L_overlay_start_0:
0x88: {  	s2 =	sld [smem:$0x3FD9]  }
0x89: {  	s3 =	sld [smem:$0x3FFE];
	_ =	sdelay $0x1  }
0x8a: {  	s1 =	srdreg.scid  }
0x8b: {  	s0 =	sand.u32 $0x1, s1  }
0x8c: {  	s17 =	sshll.u32 s0, $0xA;
	s2 =	sadd.s32 s3, s2  }
0x8d: {  	s2 =	sadd.s32 s2, s17  }
0x8e: {  	[smem:$0x3FC3] =	sst s2  }
0x8f: {  	_ = 	snop  }
0x90: {  	s2 =	sld [smem:$0x3FC9];
	(tm) =	ssettm $0x1  }
0x91: {  	s18 =	sld [smem:$0x3FFB];
	_ =	sdelay $0x3  }
0x92: {  	_ =	strace s18  }
0x93: {  	s3 =	sld [smem:$0x3FFC];
	_ =	sdelay $0x3  }
0x94: {  	_ =	strace s3  }
0x95: {  	s3 =	sld [smem:$0x3FFD];
	_ =	sdelay $0x3  }
0x96: {  	_ =	strace s3  }
0x97: {  	_ =	strace $0x8FFFFFFF  }
0x98: {  	s19 =	sld [smem:$0x3FDB];
	_ =	sdelay $0x1  }
0x99: {  	s4 =	simm.s32 $_scs_section_size  }
0x9a: {  	s5 =	simm.s32 $_size__tile_overlayer_lowered;
	s6 =	simm.s32 $_tile_overlayer_lowered  }
0x9b: {  	s22 =	simm.s32 $0x1BFF;
	s21 =	sshll.u32 s6, $0x1;
	s3 =	sadd.s32 s4, s19  }
0x9c: {  	s7 =	simm.s32 $0x0;
	s20 =	sshll.u32 s5, $0x1;
	s5 =	sadd.s32 s21, s3  }
0x9d: {  	[timem:s7], [sflag:s22] =	dma.local [hbm:s5], s20  }
0x9e: {  	_ =	swait.ge [sflag:s22], s20  }
0x9f: {  	s4 =	ssub.s32 $0x0, s20;
	[sflag:s22] =	ssyncset.done $0x0  }
0xa0: {  	[sflag:s22] =	ssyncadd.s32 s4;
	_ =	sdelay $0x1  }
0xa1: {  	s23 =	simm.s32 $0x1B8B  }
0xa2: {  	_ =	swait.ge [sflag:s23], $0x1  }
0xa3: {  	[sflag:s23] =	ssyncset.done $0x0  }
0xa4: {  	s25 =	simm.s32 $0x1B8E;
	s24 =	sld [smem:$0x3FFE];
	[sflag:s23] =	ssyncadd.s32 $0xFFFFFFFF  }
0xa5: {  	s26 =	simm.s32 $execute0_lowered;
	[smem:$0x3FD2] =	sst s25  }
0xa6: {  	s5 =	sshll.u32 s26, $0x1;
	_ =	strace $0x80000049;
	[dreg:$0x1] =	wrdreg $0xFFFFFFFF  }
0xa7: {  	s28 =	simm.s32 $_size_execute0_lowered;
	s3 =	sadd.s32 s3, s5;
	[dreg:$0x0] =	wrdreg $0x0  }
0xa8: {  	s5 =	sshll.u32 s28, $0x1;
	[dreg:$0x2] =	wrdreg s3  }
0xa9: {  	[dreg:$0x3] =	wrdreg s5  }
0xaa: {  	[dreg:$0x4] =	wrdreg $0xC0  }
0xab: {  	_ =	task [dreg:s7], $0x5FFFF  }
0xac: {  	[dreg:$0x1] =	wrdreg $0xFFFFFFFF  }
0xad: {  	[dreg:$0x0] =	wrdreg $0x60  }
0xae: {  	[dreg:$0x2] =	wrdreg s2  }
0xaf: {  	[dreg:$0x3] =	wrdreg s24  }
0xb0: {  	[dreg:$0x4] =	wrdreg $0x9  }
0xb1: {  	_ =	task.clear_ibuf [dreg:s7], $0x5FFFF;
	_ =	strace $0x90000049  }
0xb2: {  	s29 =	simm.s32 $0x9;
	_ =	strace $0x8000004B  }
0xb3: {  	_ =	swait.ge [sflag:s29], $0x1  }
0xb4: {  	[sflag:s29] =	ssyncadd.s32 $0xFFFFFFFF  }
0xb5: {  	_ =	strace $0x9000004B  }
0xb6: {  	_ =	sfence  }
0xb7: {  	s30 =	sld [smem:$0x0];
	_ =	sdelay $0x2  }
0xb8: {  	s31 =	sshll.u32 s1, $0xD;
	s1 =	sshrl.u32 s1, $0x2  }
0xb9: {  	s3 =	sand.u32 $0x4000, s31;
	s1 =	sadd.s32 s1, s30  }
0xba: {  	s0 =	sor.u32 s3, s0;
	s1 =	sshll.u32 s1, $0x11  }
0xbb: {  	s0 =	sor.u32 s1, s0  }
0xbc: {  	s0 =	sadd.s32 $0x8F2B, s0  }
0xbd: {  	[sflag:s0] =	ssyncadd.remote.s32 $0x1  }
0xbe: {  	_ =	sfence.sel $0xFFFF  }
0xbf: {  	[dreg:$0x0] =	wrdreg $0xFFFFFFFF;
	(pc) =	sbr.abs _section_cstart, $3  }
0xc0: {  	[dreg:$0x1] =	wrdreg $0xFFFFFFFF  }
0xc1: {  	_ =	task.clear_ibuf [dreg:s7], $0x2FFFF;
	_ =	strace $0x9FFFFFFF  }
0xc2: {  	(tm) =	ssettm $0x7FFFFFFF  }
0xc3: {  	_ =	shalt  }
tec
execute0_lowered:
.L_overlay_start_1:
0x0: {  	(tag) =	ssettag $0x1  }
0x1: {  	s0 =	rddreg [dreg:$0x0]  }
0x2: {  	s1 =	rddreg [dreg:$0x1];
	s2 =	simm.s32 $0x0;
	s3 =	srdreg.scid  }
0x3: {  	s12 =	stileid.u32;
	s15 =	simm.s32 $0x7;
	s25 =	simm.s32 $0x3  }
0x4: {  	s26 =	simm.s32 $0x4;
	[smem:$0x7FF] =	sst s2;
	s5 =	sand.u32 $0x1, s3  }
0x5: {  	s9 =	sshll.u32 s12, $0x10;
	s3 =	sadd.s32 $0x800, s1;
	s4 =	sadd.s32 $0x1000, s1  }
0x6: {  	s30 =	sshll.u32 s12, $0xA;
	_ =	strace $0x8000004A;
	s6 =	ssub.s32 $0x2, s5  }
0x7: {  	s10 =	sshll.u32 s5, $0xF;
	s5 =	sshll.u32 s5, $0x9;
	s7 =	sshrl.u32 s6, $0x1  }
0x8: {  	s8 =	sor.u32 s10, s9;
	s31 =	sor.u32 s5, s30;
	s11 =	ssub.s32 s6, s7  }
0x9: {  	s28 =	sadd.s32 s0, s8;
	s6 =	sadd.s32 $0x1100, s1;
	s7 =	sadd.s32 $0x1200, s1  }
.Ltmp0:
0xa: {  	s8 =	sadd.s32 $0x1300, s1;
	[dreg:$0x7] =	wrdreg s31;
	(pc) =	sbr.rel .LBB2_1-.Ltmp0, $4  }
0xb: {  	s1 =	sadd.s32 $0x810, s1;
	s0 =	sadd.s32 s9, s0;
	[dreg:$0x3] =	wrdreg s28  }
0xc: {  	v2 =	vlaneseq.u32;
	[dreg:$0x4] =	wrdreg s1;
	s29 =	smax.u32 s11, $0x1;
	s0 =	sadd.s32 s10, s0  }
0xd: {  	vm0 =	vmmov $0xffff;
	v1 =	vshrl.u32 v2, $0x3;
	s5 =	simm.s32 $0x2;
	[dreg:$0x5] =	wrdreg s29;
	s0 =	sadd.s32 $0x2000, s0  }
0xe: {  	v0 =	vand.u32 $0x7, v2;
	v2 =	vor.u32 $0x8, v2;
	v1 =	vmul.u32 $0x8, v1;
	s9 =	simm.s32 $0x0;
	s1 =	simm.s32 $0x8000;
	[dreg:$0x6] =	wrdreg s0  }
.LBB2_4:
0xf: {  	s0 =	simm.s32 $0x5  }
0x10: {  	_ =	swait.ge [sflag:s0], $0x8000  }
0x11: {  	[sflag:s0] =	ssyncset.done $0x0  }
0x12: {  	s31 =	simm.s32 $0x6;
	[sflag:s0] =	ssyncadd.s32 $0xFFFF8000  }
0x13: {  	_ =	swait.ge [sflag:s31], $0x8000  }
0x14: {  	s9 =	rddreg [dreg:$0x8]  }
0x15: {  	s11 =	rddreg [dreg:$0x5];
	s9 =	sadd.s32 $0x1, s9  }
0x16: {  	p0 =	sne.s32 s9, s11  }
.Ltmp1:
0x17: {  	_ = 	snop;
	(pc) =	sbr.rel @!p0 .LBB2_5-.Ltmp1, $3  }
0x18: {  	_ =	sdelay $0x1  }
0x19: {  	[sflag:s31] =	ssyncset.done $0x0  }
0x1a: {  	[sflag:s31] =	ssyncadd.s32 $0xFFFF8000  }
.LBB2_1:
0x1b: {  	[dreg:$0x8] =	wrdreg s9  }
0x1c: {  	s11 =	rddreg [dreg:$0x3]  }
0x1d: {  	s28 =	rddreg [dreg:$0x7]  }
0x1e: {  	s29 =	simm.s32 $0x0;
	s30 =	rddreg [dreg:$0x6]  }
0x1f: {  	[tilespmem:s2], [sflag:$0x1] =	stream.linear.gather [hbm4b:s11+s2], $0x8000, $0x38;
	[tilespmem:$0x10200] =	vst v63  }
.LBB2_2:
0x20: {  	s31 =	sand.u32 $0x3F00, s28;
	s11 =	sand.u32 $0x40, s29;
	s0 =	simm.s32 $0x1  }
0x21: {  	_ =	swait.ge [sflag:s0], $0x8000;
	s11 =	sor.u32 s11, s31  }
0x22: {  	[sflag:s0] =	ssyncset.done $0x0;
	s11 =	sshrl.u32 s11, $0x3  }
0x23: {  	s12 =	simm.s32 $0x10000;
	[sflag:s0] =	ssyncadd.s32 $0xFFFF8000;
	s11 =	sadd.s32 s3, s11  }
0x24: {  	[tilespmem:s12], [sflag:$0x7] =	stream.linear.gather [hbm4b:s11+s2], $0x20, $0x38;
	[tilespmem:$0x10200] =	vst v63  }
0x25: {  	_ =	swait.ge [sflag:s15], $0x20  }
0x26: {  	[sflag:s15] =	ssyncset.done $0x0  }
0x27: {  	[sflag:s15] =	ssyncadd.s32 $0xFFFFFFE0  }
0x28: {  	v3 =	vld [tilespmem:$0x10000];
	_ =	sdelay $0x4  }
0x29: {  	v4 =	vshll.u32 v3, $0x3  }
0x2a: {  	v3 =	vand.u32 $0x7, v3;
	v4 =	vand.u32 $0xFFFFFFC0, v4  }
0x2b: {  	v3 =	vor.u32 v3, v4  }
0x2c: {  	v4 =	vperm.xlane v3, v0;
	_ =	sdelay $0x1  }
0x2d: {  	v4 =	vadd.s32 v1, v4;
	_ =	sdelay $0x4  }
0x2e: {  	[hbm4b:s4+s2] =	stream.indirect_vreg.scatter [tilespmem:s2], [sflag:$0x3], $0x80, v4, vm0, $0xb8;
	[tilespmem:$0x10200] =	vst v63  }
0x2f: {  	s31 =	simm.s32 $0x800;
	v3 =	vperm.xlane v3, v2  }
0x30: {  	[hbm4b:s6+s2] =	stream.indirect_vreg.scatter [tilespmem:s31], [sflag:$0x3], $0x80, v4, vm0, $0xb8;
	[tilespmem:$0x10200] =	vst v63  }
0x31: {  	s12 =	simm.s32 $0x1000;
	v3 =	vadd.s32 v1, v3  }
0x32: {  	[hbm4b:s7+s2] =	stream.indirect_vreg.scatter [tilespmem:s12], [sflag:$0x3], $0x80, v4, vm0, $0xb8;
	[tilespmem:$0x10200] =	vst v63  }
0x33: {  	s14 =	simm.s32 $0x1800  }
0x34: {  	[hbm4b:s8+s2] =	stream.indirect_vreg.scatter [tilespmem:s14], [sflag:$0x3], $0x80, v4, vm0, $0xb8;
	[tilespmem:$0x10200] =	vst v63  }
0x35: {  	s0 =	simm.s32 $0x2000  }
0x36: {  	[hbm4b:s4+s2] =	stream.indirect_vreg.scatter [tilespmem:s0], [sflag:$0x3], $0x80, v3, vm0, $0xb8;
	[tilespmem:$0x10200] =	vst v63  }
0x37: {  	s10 =	simm.s32 $0x2800  }
0x38: {  	[hbm4b:s6+s2] =	stream.indirect_vreg.scatter [tilespmem:s10], [sflag:$0x3], $0x80, v3, vm0, $0xb8;
	[tilespmem:$0x10200] =	vst v63  }
0x39: {  	s9 =	simm.s32 $0x3000  }
0x3a: {  	[hbm4b:s7+s2] =	stream.indirect_vreg.scatter [tilespmem:s9], [sflag:$0x3], $0x80, v3, vm0, $0xb8;
	[tilespmem:$0x10200] =	vst v63  }
0x3b: {  	s16 =	simm.s32 $0x3800  }
0x3c: {  	[hbm4b:s8+s2] =	stream.indirect_vreg.scatter [tilespmem:s16], [sflag:$0x3], $0x80, v3, vm0, $0xb8;
	[tilespmem:$0x10200] =	vst v63  }
0x3d: {  	v3 =	vld [tilespmem:$0x10010];
	_ =	sdelay $0x4  }
0x3e: {  	v57 =	vshll.u32 v3, $0x3  }
0x3f: {  	v3 =	vand.u32 $0x7, v3;
	v4 =	vand.u32 $0xFFFFFFC0, v57  }
0x40: {  	v3 =	vor.u32 v3, v4  }
0x41: {  	v4 =	vperm.xlane v3, v0;
	_ =	sdelay $0x1  }
0x42: {  	v4 =	vadd.s32 v1, v4;
	_ =	sdelay $0x3  }
0x43: {  	s17 =	simm.s32 $0x4000  }
0x44: {  	[hbm4b:s4+s2] =	stream.indirect_vreg.scatter [tilespmem:s17], [sflag:$0x3], $0x80, v4, vm0, $0xb8;
	[tilespmem:$0x10200] =	vst v63  }
0x45: {  	s18 =	simm.s32 $0x4800;
	v3 =	vperm.xlane v3, v2  }
0x46: {  	[hbm4b:s6+s2] =	stream.indirect_vreg.scatter [tilespmem:s18], [sflag:$0x3], $0x80, v4, vm0, $0xb8;
	[tilespmem:$0x10200] =	vst v63  }
0x47: {  	s19 =	simm.s32 $0x5000;
	v3 =	vadd.s32 v1, v3  }
0x48: {  	[hbm4b:s7+s2] =	stream.indirect_vreg.scatter [tilespmem:s19], [sflag:$0x3], $0x80, v4, vm0, $0xb8;
	[tilespmem:$0x10200] =	vst v63  }
0x49: {  	s20 =	simm.s32 $0x5800  }
0x4a: {  	[hbm4b:s8+s2] =	stream.indirect_vreg.scatter [tilespmem:s20], [sflag:$0x3], $0x80, v4, vm0, $0xb8;
	[tilespmem:$0x10200] =	vst v63  }
0x4b: {  	s21 =	simm.s32 $0x6000  }
0x4c: {  	[hbm4b:s4+s2] =	stream.indirect_vreg.scatter [tilespmem:s21], [sflag:$0x3], $0x80, v3, vm0, $0xb8;
	[tilespmem:$0x10200] =	vst v63  }
0x4d: {  	s22 =	simm.s32 $0x6800;
	s13 =	sor.u32 s29, s28  }
0x4e: {  	[hbm4b:s6+s2] =	stream.indirect_vreg.scatter [tilespmem:s22], [sflag:$0x3], $0x80, v3, vm0, $0xb8;
	[tilespmem:$0x10200] =	vst v63  }
0x4f: {  	s23 =	simm.s32 $0x7000;
	s11 =	sshrl.u32 s13, $0x3  }
0x50: {  	[hbm4b:s7+s2] =	stream.indirect_vreg.scatter [tilespmem:s23], [sflag:$0x3], $0x80, v3, vm0, $0xb8;
	[tilespmem:$0x10200] =	vst v63  }
0x51: {  	s24 =	simm.s32 $0x7800;
	s11 =	sor.u32 $0x10, s11  }
0x52: {  	[hbm4b:s8+s2] =	stream.indirect_vreg.scatter [tilespmem:s24], [sflag:$0x3], $0x80, v3, vm0, $0xb8;
	[tilespmem:$0x10200] =	vst v63  }
0x53: {  	s13 =	simm.s32 $0x10080;
	s11 =	sadd.s32 s3, s11  }
0x54: {  	[tilespmem:s13], [sflag:$0x7] =	stream.linear.gather [hbm4b:s11+s2], $0x20, $0x38;
	[tilespmem:$0x10200] =	vst v63  }
0x55: {  	_ =	swait.ge [sflag:s15], $0x20  }
0x56: {  	[sflag:s15] =	ssyncset.done $0x0  }
0x57: {  	[sflag:s15] =	ssyncadd.s32 $0xFFFFFFE0  }
0x58: {  	v3 =	vld [tilespmem:$0x10080];
	_ =	sdelay $0x4  }
0x59: {  	v58 =	vshll.u32 v3, $0x3  }
0x5a: {  	v3 =	vand.u32 $0x7, v3;
	v4 =	vand.u32 $0xFFFFFFC0, v58  }
0x5b: {  	v3 =	vor.u32 v3, v4  }
0x5c: {  	v4 =	vperm.xlane v3, v0;
	_ =	sdelay $0x1  }
0x5d: {  	v4 =	vadd.s32 v1, v4;
	_ =	sdelay $0x4  }
0x5e: {  	[hbm4b:s4+s2] =	stream.indirect_vreg.scatter [tilespmem:s2], [sflag:$0x4], $0x80, v4, vm0, $0xb8;
	[tilespmem:$0x10200] =	vst v63  }
0x5f: {  	v3 =	vperm.xlane v3, v2  }
0x60: {  	[hbm4b:s6+s2] =	stream.indirect_vreg.scatter [tilespmem:s31], [sflag:$0x4], $0x80, v4, vm0, $0xb8;
	[tilespmem:$0x10200] =	vst v63  }
0x61: {  	v3 =	vadd.s32 v1, v3  }
0x62: {  	[hbm4b:s7+s2] =	stream.indirect_vreg.scatter [tilespmem:s12], [sflag:$0x4], $0x80, v4, vm0, $0xb8;
	[tilespmem:$0x10200] =	vst v63  }
0x63: {  	_ = 	snop  }
0x64: {  	[hbm4b:s8+s2] =	stream.indirect_vreg.scatter [tilespmem:s14], [sflag:$0x4], $0x80, v4, vm0, $0xb8;
	[tilespmem:$0x10200] =	vst v63  }
0x65: {  	_ = 	snop  }
0x66: {  	[hbm4b:s4+s2] =	stream.indirect_vreg.scatter [tilespmem:s0], [sflag:$0x4], $0x80, v3, vm0, $0xb8;
	[tilespmem:$0x10200] =	vst v63  }
0x67: {  	_ = 	snop  }
0x68: {  	[hbm4b:s6+s2] =	stream.indirect_vreg.scatter [tilespmem:s10], [sflag:$0x4], $0x80, v3, vm0, $0xb8;
	[tilespmem:$0x10200] =	vst v63  }
0x69: {  	_ = 	snop  }
0x6a: {  	[hbm4b:s7+s2] =	stream.indirect_vreg.scatter [tilespmem:s9], [sflag:$0x4], $0x80, v3, vm0, $0xb8;
	[tilespmem:$0x10200] =	vst v63  }
0x6b: {  	_ = 	snop  }
0x6c: {  	[hbm4b:s8+s2] =	stream.indirect_vreg.scatter [tilespmem:s16], [sflag:$0x4], $0x80, v3, vm0, $0xb8;
	[tilespmem:$0x10200] =	vst v63  }
0x6d: {  	v3 =	vld [tilespmem:$0x10090];
	_ =	sdelay $0x4  }
0x6e: {  	v59 =	vshll.u32 v3, $0x3  }
0x6f: {  	v3 =	vand.u32 $0x7, v3;
	v4 =	vand.u32 $0xFFFFFFC0, v59  }
0x70: {  	v3 =	vor.u32 v3, v4  }
0x71: {  	v4 =	vperm.xlane v3, v0;
	_ =	sdelay $0x1  }
0x72: {  	v4 =	vadd.s32 v1, v4;
	_ =	sdelay $0x4  }
0x73: {  	[hbm4b:s4+s2] =	stream.indirect_vreg.scatter [tilespmem:s17], [sflag:$0x4], $0x80, v4, vm0, $0xb8;
	[tilespmem:$0x10200] =	vst v63  }
0x74: {  	v3 =	vperm.xlane v3, v2  }
0x75: {  	[hbm4b:s6+s2] =	stream.indirect_vreg.scatter [tilespmem:s18], [sflag:$0x4], $0x80, v4, vm0, $0xb8;
	[tilespmem:$0x10200] =	vst v63  }
0x76: {  	v3 =	vadd.s32 v1, v3  }
0x77: {  	[hbm4b:s7+s2] =	stream.indirect_vreg.scatter [tilespmem:s19], [sflag:$0x4], $0x80, v4, vm0, $0xb8;
	[tilespmem:$0x10200] =	vst v63  }
0x78: {  	_ = 	snop  }
0x79: {  	[hbm4b:s8+s2] =	stream.indirect_vreg.scatter [tilespmem:s20], [sflag:$0x4], $0x80, v4, vm0, $0xb8;
	[tilespmem:$0x10200] =	vst v63  }
0x7a: {  	_ = 	snop  }
0x7b: {  	[hbm4b:s4+s2] =	stream.indirect_vreg.scatter [tilespmem:s21], [sflag:$0x4], $0x80, v3, vm0, $0xb8;
	[tilespmem:$0x10200] =	vst v63  }
0x7c: {  	_ = 	snop  }
0x7d: {  	[hbm4b:s6+s2] =	stream.indirect_vreg.scatter [tilespmem:s22], [sflag:$0x4], $0x80, v3, vm0, $0xb8;
	[tilespmem:$0x10200] =	vst v63  }
0x7e: {  	p0 =	seq.s32 s29, $0x0  }
0x7f: {  	[hbm4b:s7+s2] =	stream.indirect_vreg.scatter [tilespmem:s23], [sflag:$0x4], $0x80, v3, vm0, $0xb8;
	[tilespmem:$0x10200] =	vst v63  }
0x80: {  	s11 =	simm.s32 @!p0 $0x5  }
0x81: {  	[hbm4b:s8+s2] =	stream.indirect_vreg.scatter [tilespmem:s24], [sflag:$0x4], $0x80, v3, vm0, $0xb8;
	[tilespmem:$0x10200] =	vst v63  }
0x82: {  	_ =	swait.ge @!p0 [sflag:s11], $0x8000  }
0x83: {  	[sflag:s11] =	ssyncset.done @!p0 $0x0  }
0x84: {  	[sflag:s11] =	ssyncadd.s32 @!p0 $0xFFFF8000;
	s11 =	simm.s32 @!p0 $0x6  }
0x85: {  	s20 =	sadd.s32 $0xFFFFF000, s30;
	_ =	swait.ge @!p0 [sflag:s11], $0x8000  }
0x86: {  	s21 =	sadd.s32 $0x20, s29;
	s22 =	sadd.s32 $0x40, s28;
	[sflag:s11] =	ssyncset.done @!p0 $0x0  }
0x87: {  	s31 =	sand.u32 $0x7FFFFF00, s22;
	[sflag:s11] =	ssyncadd.s32 @!p0 $0xFFFF8000;
	s11 =	sand.u32 $0x60, s21  }
0x88: {  	[tilespmem:s1], [sflag:$0x2] =	stream.linear.gather [hbm4b:s20+s2], $0x8000, $0x38;
	[tilespmem:$0x10200] =	vst v63  }
0x89: {  	s11 =	sor.u32 s11, s31;
	_ =	swait.ge [sflag:s5], $0x8000  }
0x8a: {  	s11 =	sshrl.u32 s11, $0x3;
	[sflag:s5] =	ssyncset.done $0x0  }
0x8b: {  	s24 =	simm.s32 $0x10100;
	s23 =	sadd.s32 s3, s11;
	[sflag:s5] =	ssyncadd.s32 $0xFFFF8000  }
0x8c: {  	[tilespmem:s24], [sflag:$0x7] =	stream.linear.gather [hbm4b:s23+s2], $0x20, $0x38;
	[tilespmem:$0x10200] =	vst v63  }
0x8d: {  	_ =	swait.ge [sflag:s15], $0x20  }
0x8e: {  	[sflag:s15] =	ssyncset.done $0x0  }
0x8f: {  	[sflag:s15] =	ssyncadd.s32 $0xFFFFFFE0  }
0x90: {  	v3 =	vld [tilespmem:$0x10100];
	_ =	sdelay $0x4  }
0x91: {  	v60 =	vshll.u32 v3, $0x3  }
0x92: {  	v3 =	vand.u32 $0x7, v3;
	v4 =	vand.u32 $0xFFFFFFC0, v60  }
0x93: {  	v3 =	vor.u32 v3, v4  }
0x94: {  	v4 =	vperm.xlane v3, v0;
	_ =	sdelay $0x1  }
0x95: {  	v4 =	vadd.s32 v1, v4;
	_ =	sdelay $0x4  }
0x96: {  	[hbm4b:s4+s2] =	stream.indirect_vreg.scatter [tilespmem:s1], [sflag:$0x5], $0x80, v4, vm0, $0xb8;
	[tilespmem:$0x10200] =	vst v63  }
0x97: {  	s0 =	simm.s32 $0x8800;
	v3 =	vperm.xlane v3, v2  }
0x98: {  	[hbm4b:s6+s2] =	stream.indirect_vreg.scatter [tilespmem:s0], [sflag:$0x5], $0x80, v4, vm0, $0xb8;
	[tilespmem:$0x10200] =	vst v63  }
0x99: {  	s9 =	simm.s32 $0x9000;
	v3 =	vadd.s32 v1, v3  }
0x9a: {  	[hbm4b:s7+s2] =	stream.indirect_vreg.scatter [tilespmem:s9], [sflag:$0x5], $0x80, v4, vm0, $0xb8;
	[tilespmem:$0x10200] =	vst v63  }
0x9b: {  	s10 =	simm.s32 $0x9800  }
0x9c: {  	[hbm4b:s8+s2] =	stream.indirect_vreg.scatter [tilespmem:s10], [sflag:$0x5], $0x80, v4, vm0, $0xb8;
	[tilespmem:$0x10200] =	vst v63  }
0x9d: {  	s12 =	simm.s32 $0xA000  }
0x9e: {  	[hbm4b:s4+s2] =	stream.indirect_vreg.scatter [tilespmem:s12], [sflag:$0x5], $0x80, v3, vm0, $0xb8;
	[tilespmem:$0x10200] =	vst v63  }
0x9f: {  	s13 =	simm.s32 $0xA800  }
0xa0: {  	[hbm4b:s6+s2] =	stream.indirect_vreg.scatter [tilespmem:s13], [sflag:$0x5], $0x80, v3, vm0, $0xb8;
	[tilespmem:$0x10200] =	vst v63  }
0xa1: {  	s14 =	simm.s32 $0xB000  }
0xa2: {  	[hbm4b:s7+s2] =	stream.indirect_vreg.scatter [tilespmem:s14], [sflag:$0x5], $0x80, v3, vm0, $0xb8;
	[tilespmem:$0x10200] =	vst v63  }
0xa3: {  	s16 =	simm.s32 $0xB800  }
0xa4: {  	[hbm4b:s8+s2] =	stream.indirect_vreg.scatter [tilespmem:s16], [sflag:$0x5], $0x80, v3, vm0, $0xb8;
	[tilespmem:$0x10200] =	vst v63  }
0xa5: {  	v3 =	vld [tilespmem:$0x10110];
	_ =	sdelay $0x4  }
0xa6: {  	v61 =	vshll.u32 v3, $0x3  }
0xa7: {  	v3 =	vand.u32 $0x7, v3;
	v4 =	vand.u32 $0xFFFFFFC0, v61  }
0xa8: {  	v3 =	vor.u32 v3, v4  }
0xa9: {  	v4 =	vperm.xlane v3, v0;
	_ =	sdelay $0x1  }
0xaa: {  	v4 =	vadd.s32 v1, v4;
	_ =	sdelay $0x3  }
0xab: {  	s17 =	simm.s32 $0xC000  }
0xac: {  	[hbm4b:s4+s2] =	stream.indirect_vreg.scatter [tilespmem:s17], [sflag:$0x5], $0x80, v4, vm0, $0xb8;
	[tilespmem:$0x10200] =	vst v63  }
0xad: {  	s18 =	simm.s32 $0xC800;
	v3 =	vperm.xlane v3, v2  }
0xae: {  	[hbm4b:s6+s2] =	stream.indirect_vreg.scatter [tilespmem:s18], [sflag:$0x5], $0x80, v4, vm0, $0xb8;
	[tilespmem:$0x10200] =	vst v63  }
0xaf: {  	s19 =	simm.s32 $0xD000;
	v3 =	vadd.s32 v1, v3  }
0xb0: {  	[hbm4b:s7+s2] =	stream.indirect_vreg.scatter [tilespmem:s19], [sflag:$0x5], $0x80, v4, vm0, $0xb8;
	[tilespmem:$0x10200] =	vst v63  }
0xb1: {  	s20 =	simm.s32 $0xD800  }
0xb2: {  	[hbm4b:s8+s2] =	stream.indirect_vreg.scatter [tilespmem:s20], [sflag:$0x5], $0x80, v4, vm0, $0xb8;
	[tilespmem:$0x10200] =	vst v63  }
0xb3: {  	s21 =	simm.s32 $0xE000  }
0xb4: {  	[hbm4b:s4+s2] =	stream.indirect_vreg.scatter [tilespmem:s21], [sflag:$0x5], $0x80, v3, vm0, $0xb8;
	[tilespmem:$0x10200] =	vst v63  }
0xb5: {  	s22 =	simm.s32 $0xE800  }
0xb6: {  	[hbm4b:s6+s2] =	stream.indirect_vreg.scatter [tilespmem:s22], [sflag:$0x5], $0x80, v3, vm0, $0xb8;
	[tilespmem:$0x10200] =	vst v63  }
0xb7: {  	s23 =	simm.s32 $0xF000  }
0xb8: {  	[hbm4b:s7+s2] =	stream.indirect_vreg.scatter [tilespmem:s23], [sflag:$0x5], $0x80, v3, vm0, $0xb8;
	[tilespmem:$0x10200] =	vst v63  }
0xb9: {  	s24 =	simm.s32 $0xF800;
	s31 =	rddreg [dreg:$0x4]  }
0xba: {  	[hbm4b:s8+s2] =	stream.indirect_vreg.scatter [tilespmem:s24], [sflag:$0x5], $0x80, v3, vm0, $0xb8;
	[tilespmem:$0x10200] =	vst v63  }
0xbb: {  	s11 =	sadd.s32 s11, s31;
	s31 =	simm.s32 $0x10180  }
0xbc: {  	[tilespmem:s31], [sflag:$0x7] =	stream.linear.gather [hbm4b:s11+s2], $0x20, $0x38;
	[tilespmem:$0x10200] =	vst v63  }
0xbd: {  	_ =	swait.ge [sflag:s15], $0x20  }
0xbe: {  	[sflag:s15] =	ssyncset.done $0x0  }
0xbf: {  	[sflag:s15] =	ssyncadd.s32 $0xFFFFFFE0  }
0xc0: {  	v3 =	vld [tilespmem:$0x10180];
	_ =	sdelay $0x4  }
0xc1: {  	v62 =	vshll.u32 v3, $0x3  }
0xc2: {  	v3 =	vand.u32 $0x7, v3;
	v4 =	vand.u32 $0xFFFFFFC0, v62  }
0xc3: {  	v3 =	vor.u32 v3, v4  }
0xc4: {  	v4 =	vperm.xlane v3, v0;
	_ =	sdelay $0x1  }
0xc5: {  	v4 =	vadd.s32 v1, v4;
	_ =	sdelay $0x4  }
0xc6: {  	[hbm4b:s4+s2] =	stream.indirect_vreg.scatter [tilespmem:s1], [sflag:$0x6], $0x80, v4, vm0, $0xb8;
	[tilespmem:$0x10200] =	vst v63  }
0xc7: {  	v3 =	vperm.xlane v3, v2  }
0xc8: {  	[hbm4b:s6+s2] =	stream.indirect_vreg.scatter [tilespmem:s0], [sflag:$0x6], $0x80, v4, vm0, $0xb8;
	[tilespmem:$0x10200] =	vst v63  }
0xc9: {  	v3 =	vadd.s32 v1, v3  }
0xca: {  	[hbm4b:s7+s2] =	stream.indirect_vreg.scatter [tilespmem:s9], [sflag:$0x6], $0x80, v4, vm0, $0xb8;
	[tilespmem:$0x10200] =	vst v63  }
0xcb: {  	_ = 	snop  }
0xcc: {  	[hbm4b:s8+s2] =	stream.indirect_vreg.scatter [tilespmem:s10], [sflag:$0x6], $0x80, v4, vm0, $0xb8;
	[tilespmem:$0x10200] =	vst v63  }
0xcd: {  	_ = 	snop  }
0xce: {  	[hbm4b:s4+s2] =	stream.indirect_vreg.scatter [tilespmem:s12], [sflag:$0x6], $0x80, v3, vm0, $0xb8;
	[tilespmem:$0x10200] =	vst v63  }
0xcf: {  	_ = 	snop  }
0xd0: {  	[hbm4b:s6+s2] =	stream.indirect_vreg.scatter [tilespmem:s13], [sflag:$0x6], $0x80, v3, vm0, $0xb8;
	[tilespmem:$0x10200] =	vst v63  }
0xd1: {  	_ = 	snop  }
0xd2: {  	[hbm4b:s7+s2] =	stream.indirect_vreg.scatter [tilespmem:s14], [sflag:$0x6], $0x80, v3, vm0, $0xb8;
	[tilespmem:$0x10200] =	vst v63  }
0xd3: {  	_ = 	snop  }
0xd4: {  	[hbm4b:s8+s2] =	stream.indirect_vreg.scatter [tilespmem:s16], [sflag:$0x6], $0x80, v3, vm0, $0xb8;
	[tilespmem:$0x10200] =	vst v63  }
0xd5: {  	v3 =	vld [tilespmem:$0x10190];
	_ =	sdelay $0x4  }
0xd6: {  	v63 =	vshll.u32 v3, $0x3  }
0xd7: {  	v3 =	vand.u32 $0x7, v3;
	v4 =	vand.u32 $0xFFFFFFC0, v63  }
0xd8: {  	v3 =	vor.u32 v3, v4  }
0xd9: {  	v4 =	vperm.xlane v3, v0;
	_ =	sdelay $0x1  }
0xda: {  	v4 =	vadd.s32 v1, v4;
	_ =	sdelay $0x4  }
0xdb: {  	[hbm4b:s4+s2] =	stream.indirect_vreg.scatter [tilespmem:s17], [sflag:$0x6], $0x80, v4, vm0, $0xb8;
	[tilespmem:$0x10200] =	vst v63  }
0xdc: {  	v3 =	vperm.xlane v3, v2  }
0xdd: {  	[hbm4b:s6+s2] =	stream.indirect_vreg.scatter [tilespmem:s18], [sflag:$0x6], $0x80, v4, vm0, $0xb8;
	[tilespmem:$0x10200] =	vst v63  }
0xde: {  	v3 =	vadd.s32 v1, v3  }
0xdf: {  	[hbm4b:s7+s2] =	stream.indirect_vreg.scatter [tilespmem:s19], [sflag:$0x6], $0x80, v4, vm0, $0xb8;
	[tilespmem:$0x10200] =	vst v63  }
0xe0: {  	_ = 	snop  }
0xe1: {  	[hbm4b:s8+s2] =	stream.indirect_vreg.scatter [tilespmem:s20], [sflag:$0x6], $0x80, v4, vm0, $0xb8;
	[tilespmem:$0x10200] =	vst v63  }
0xe2: {  	_ = 	snop  }
0xe3: {  	[hbm4b:s4+s2] =	stream.indirect_vreg.scatter [tilespmem:s21], [sflag:$0x6], $0x80, v3, vm0, $0xb8;
	[tilespmem:$0x10200] =	vst v63  }
0xe4: {  	p0 =	seq.s32 s29, $0xC0  }
0xe5: {  	[hbm4b:s6+s2] =	stream.indirect_vreg.scatter [tilespmem:s22], [sflag:$0x6], $0x80, v3, vm0, $0xb8;
	[tilespmem:$0x10200] =	vst v63  }
.Ltmp2:
0xe6: {  	_ = 	snop;
	(pc) =	sbr.rel @p0 .LBB2_4-.Ltmp2, $4  }
0xe7: {  	_ = 	snop  }
0xe8: {  	[hbm4b:s7+s2] =	stream.indirect_vreg.scatter [tilespmem:s23], [sflag:$0x6], $0x80, v3, vm0, $0xb8;
	[tilespmem:$0x10200] =	vst v63  }
0xe9: {  	_ = 	snop  }
0xea: {  	[hbm4b:s8+s2] =	stream.indirect_vreg.scatter [tilespmem:s24], [sflag:$0x6], $0x80, v3, vm0, $0xb8;
	[tilespmem:$0x10200] =	vst v63  }
0xeb: {  	_ =	swait.ge [sflag:s25], $0x8000  }
0xec: {  	[sflag:s25] =	ssyncset.done $0x0  }
0xed: {  	[sflag:s25] =	ssyncadd.s32 $0xFFFF8000  }
.Ltmp3:
0xee: {  	_ =	swait.ge [sflag:s26], $0x8000;
	(pc) =	sbr.rel .LBB2_2-.Ltmp3, $4  }
0xef: {  	[sflag:s26] =	ssyncset.done $0x0  }
0xf0: {  	[sflag:s26] =	ssyncadd.s32 $0xFFFF8000  }
0xf1: {  	[tilespmem:s2], [sflag:$0x1] =	stream.linear.gather [hbm4b:s30+s2], $0x8000, $0x38;
	[tilespmem:$0x10200] =	vst v63  }
0xf2: {  	s29 =	sadd.s32 $0x40, s29;
	s28 =	sadd.s32 $0x80, s28;
	s30 =	sadd.s32 $0x2000, s30  }
.LBB2_5:
0xf3: {  	_ =	sfence.sel $0x180000  }
0xf4: {  	[bflag:$0x0] =	sbarrier.arrive $0xFFFF  }
0xf5: {  	_ =	strace $0x9000004A  }
0xf6: {  	s0 =	stileid.u32;
	[bflag:$0x2] =	sbarrier.arrive $0xFFFF  }
0xf7: {  	p0 =	sne.s32 s0, $0x0;
	s0 =	rddreg [dreg:$0x2]  }
0xf8: {  	s0 =	sadd.s32 @!p0 $0x100000, s0  }
0xf9: {  	[sflag:s0] =	ssyncadd.tile.s32 @!p0 $0x1;
	_ =	shalt  }
.Lfunc_end2:
_tile_overlayer_lowered:
.L_overlay_start_2:
0xfa: {  	(tag) =	ssettag $0x2  }
0xfb: {  	s0 =	rddreg [dreg:$0x0];
	s2 =	stileid.u32  }
0xfc: {  	s1 =	rddreg [dreg:$0x1];
	p0 =	sne.s32 s2, $0x0  }
0xfd: {  	s3 =	rddreg [dreg:$0x2];
	[bflag:$0x3] =	sbarrier.arrive $0xFFFF;
	s2 =	simm.s32 @!p0 $0x1C07  }
0xfe: {  	[timem:s3], [sflag:s2] =	dma.local @!p0 [hbm:s0], s1  }
0xff: {  	s0 =	simm.s32 @!p0 $0x7  }
0x100: {  	_ =	swait.ge @!p0 [sflag:s0], s1  }
0x101: {  	s1 =	ssub.s32 @!p0 $0x0, s1;
	[sflag:s0] =	ssyncset.done @!p0 $0x0  }
0x102: {  	[sflag:s0] =	ssyncadd.s32 @!p0 s1  }
0x103: {  	[bflag:$0x3] =	sbarrier.arrive $0xFFFF  }
0x104: {  	_ =	shalt  }

// kernel: kernel.8.cloned.1.call-start
scs
__scs_entry_jumppad:
0x0: {  	(pc) =	sbr.rel $0x88, $3  }
0x1: {  	(tag) =	ssettag $0x0;
	lr =	simm.s32 $0x1  }
0x2: {  	[smem:$0x3F9C] =	sst lr;
	_ =	strace $0xD0000000  }
0x3: {  	_ = 	snop  }
0x4: {  	_ = 	snop  }
0x5: {  	_ = 	snop  }
0x6: {  	_ = 	snop  }
0x7: {  	_ = 	snop  }
__scs_overlays_trampoline_lowered:
0x8: {  	[smem:$0x3FAB] =	sst s0  }
0x9: {  	[smem:$0x3FAC] =	sst s1  }
0xa: {  	[smem:$0x3FAD] =	sst s2  }
0xb: {  	[smem:$0x3FAE] =	sst s3  }
0xc: {  	[smem:$0x3FAF] =	sst s4  }
0xd: {  	[smem:$0x3FB0] =	sst s5  }
0xe: {  	[smem:$0x3FB1] =	sst s6  }
0xf: {  	[smem:$0x3FB2] =	sst s7  }
0x10: {  	[smem:$0x3FB3] =	sst s8  }
0x11: {  	[smem:$0x3FB4] =	sst s9;
	s0 =	simm.s32 @!p0 $0x0  }
0x12: {  	s1 =	sld [smem:$0x3F9A];
	s0 =	simm.s32 @p0 $0x1  }
0x13: {  	[smem:$0x3FB5] =	sst s0;
	s0 =	simm.s32 @!p1 $0x0  }
0x14: {  	s2 =	sld [smem:$0x3F99];
	s0 =	simm.s32 @p1 $0x1  }
0x15: {  	[smem:$0x3FB6] =	sst s0;
	s0 =	simm.s32 @!p2 $0x0  }
0x16: {  	s3 =	sld [smem:$0x3FDB];
	s0 =	simm.s32 @p2 $0x1  }
0x17: {  	s4 =	simm.s32 $0x1BF5;
	[smem:$0x3FB8] =	sst s0  }
0x18: {  	s0 =	sld [smem:$0x3F9B];
	_ =	swait.ge [sflag:s4], $0x0  }
0x19: {  	s7 =	sld [smem:$0x3F9C]  }
0x1a: {  	s8 =	sadd.s32 $0xFFFFE003, lr  }
0x1b: {  	s9 =	sadd.s32 $0xFFFFFEF7, lr;
	s5 =	simm.s32 $0xFFFFFFFF;
	p2 =	slt.u32 s8, $0xFFFFF086  }
0x1c: {  	p1 =	slt.u32 s9, $0xF7A;
	s5 =	simm.s32 @!p2 $0x0  }
0x1d: {  	s5 =	simm.s32 @p1 $0x1;
	p0 =	seq.s32 s7, s2  }
0x1e: {  	s7 =	smul.u32 @!p0 $0xF7A, s2;
	p2 =	seq.s32 @!p0 s5, $0x0  }
0x1f: {  	s9 =	smul.u32 $0xF7A, s1;
	s8 =	simm.s32 @!p0 $0x1BF5;
	p2 =	por !p2, p0  }
0x20: {  	[sflag:s8] =	ssyncset.s32 @!p0 $0xFFFFF086;
	s6 =	sadd.s32 @!p0 s3, s7;
	s7 =	simm.s32 @!p0 $0x108  }
0x21: {  	s3 =	sadd.s32 s3, s9;
	s6 =	sadd.s32 @!p0 $0x88, s6;
	s7 =	simm.s32 @p2 $0x1082  }
0x22: {  	[simem:s7], [sflag:s8] =	dma.local @!p0 [hbm:s6], $0xF7A  }
0x23: {  	s9 =	sor.u32 $0xD0000000, s2;
	s6 =	simm.s32 $0x108;
	_ =	swait.ge @!p0 [sflag:s8], $0x0  }
0x24: {  	s3 =	sadd.s32 $0x88, s3;
	s6 =	simm.s32 @!p1 $0x1082;
	[sflag:s4] =	ssyncset.s32 $0xFFFFF086  }
0x25: {  	[simem:s6], [sflag:s4] =	dma.local [hbm:s3], $0xF7A  }
0x26: {  	[smem:$0x3F9C] =	sst s1;
	(tag) =	ssettag s2;
	_ =	strace s9  }
0x27: {  	s1 =	sld [smem:$0x3FAC]  }
0x28: {  	s2 =	sld [smem:$0x3FAD]  }
0x29: {  	s4 =	sld [smem:$0x3FAF]  }
0x2a: {  	p0 =	seq.s32 s5, $0x0;
	s5 =	sld [smem:$0x3FB0]  }
0x2b: {  	s6 =	sld [smem:$0x3FB1]  }
0x2c: {  	s7 =	sld [smem:$0x3FB2]  }
0x2d: {  	s3 =	simm.s32 $0x108;
	s8 =	sld [smem:$0x3FB3]  }
0x2e: {  	s3 =	simm.s32 @!p0 $0x1082;
	s9 =	sld [smem:$0x3FB4]  }
0x2f: {  	lr =	sadd.s32 s0, s3;
	s0 =	sld [smem:$0x3FAB]  }
0x30: {  	s3 =	sld [smem:$0x3FAE]  }
0x31: {  	[smem:$0x3FB7] =	sst s10  }
0x32: {  	s10 =	sld [smem:$0x3FB5];
	_ =	sdelay $0x3  }
0x33: {  	p0 =	seq.s32 s10, $0x1;
	s10 =	sld [smem:$0x3FB7];
	_ =	sdelay $0x3  }
0x34: {  	[smem:$0x3FB7] =	sst s10  }
0x35: {  	s10 =	sld [smem:$0x3FB6];
	_ =	sdelay $0x3  }
0x36: {  	p1 =	seq.s32 s10, $0x1;
	s10 =	sld [smem:$0x3FB7];
	_ =	sdelay $0x3  }
0x37: {  	[smem:$0x3FB7] =	sst s10  }
0x38: {  	s10 =	sld [smem:$0x3FB8]  }
0x39: {  	_ = 	snop;
	(pc) =	sbr.ind lr, $3  }
0x3a: {  	_ = 	snop  }
0x3b: {  	_ = 	snop  }
0x3c: {  	p2 =	seq.s32 s10, $0x1;
	s10 =	sld [smem:$0x3FB7]  }
0x3d: {  	_ =	shalt  }
0x3e: {  	_ =	shalt  }
0x3f: {  	_ =	shalt  }
0x40: {  	_ =	shalt  }
0x41: {  	_ =	shalt  }
0x42: {  	_ =	shalt  }
0x43: {  	_ =	shalt  }
0x44: {  	_ =	shalt  }
0x45: {  	_ =	shalt  }
0x46: {  	_ =	shalt  }
0x47: {  	_ =	shalt  }
0x48: {  	_ =	shalt  }
0x49: {  	_ =	shalt  }
0x4a: {  	_ =	shalt  }
0x4b: {  	_ =	shalt  }
0x4c: {  	_ =	shalt  }
0x4d: {  	_ =	shalt  }
0x4e: {  	_ =	shalt  }
0x4f: {  	_ =	shalt  }
0x50: {  	_ =	shalt  }
0x51: {  	_ =	shalt  }
0x52: {  	_ =	shalt  }
0x53: {  	_ =	shalt  }
0x54: {  	_ =	shalt  }
0x55: {  	_ =	shalt  }
0x56: {  	_ =	shalt  }
0x57: {  	_ =	shalt  }
0x58: {  	_ =	shalt  }
0x59: {  	_ =	shalt  }
0x5a: {  	_ =	shalt  }
0x5b: {  	_ =	shalt  }
0x5c: {  	_ =	shalt  }
0x5d: {  	_ =	shalt  }
0x5e: {  	_ =	shalt  }
0x5f: {  	_ =	shalt  }
0x60: {  	_ =	shalt  }
0x61: {  	_ =	shalt  }
0x62: {  	_ =	shalt  }
0x63: {  	_ =	shalt  }
0x64: {  	_ =	shalt  }
0x65: {  	_ =	shalt  }
0x66: {  	_ =	shalt  }
0x67: {  	_ =	shalt  }
0x68: {  	_ =	shalt  }
0x69: {  	_ =	shalt  }
0x6a: {  	_ =	shalt  }
0x6b: {  	_ =	shalt  }
0x6c: {  	_ =	shalt  }
0x6d: {  	_ =	shalt  }
0x6e: {  	_ =	shalt  }
0x6f: {  	_ =	shalt  }
0x70: {  	_ =	shalt  }
0x71: {  	_ =	shalt  }
0x72: {  	_ =	shalt  }
0x73: {  	_ =	shalt  }
0x74: {  	_ =	shalt  }
0x75: {  	_ =	shalt  }
0x76: {  	_ =	shalt  }
0x77: {  	_ =	shalt  }
0x78: {  	_ =	shalt  }
0x79: {  	_ =	shalt  }
0x7a: {  	_ =	shalt  }
0x7b: {  	_ =	shalt  }
0x7c: {  	_ =	shalt  }
0x7d: {  	_ =	shalt  }
0x7e: {  	_ =	shalt  }
0x7f: {  	_ =	shalt  }
0x80: {  	_ =	shalt  }
0x81: {  	_ =	shalt  }
0x82: {  	_ =	shalt  }
0x83: {  	_ =	shalt  }
0x84: {  	_ =	shalt  }
0x85: {  	_ =	shalt  }
0x86: {  	_ =	shalt  }
0x87: {  	_ =	shalt  }
.Lfunc_end0:
.L_simem_size_0:
called_computation.2_lowered:
.L_overlay_start_0:
0x88: {  	s2 =	sld [smem:$0x3FD9]  }
0x89: {  	s3 =	sld [smem:$0x3FFE];
	_ =	sdelay $0x1  }
0x8a: {  	s1 =	srdreg.scid  }
0x8b: {  	s0 =	sand.u32 $0x1, s1  }
0x8c: {  	s17 =	sshll.u32 s0, $0xA;
	s2 =	sadd.s32 s3, s2  }
0x8d: {  	s2 =	sadd.s32 s2, s17  }
0x8e: {  	[smem:$0x3FC3] =	sst s2  }
0x8f: {  	_ = 	snop  }
0x90: {  	s2 =	sld [smem:$0x3FD0];
	(tm) =	ssettm $0x1  }
0x91: {  	s18 =	sld [smem:$0x3FFB];
	_ =	sdelay $0x3  }
0x92: {  	_ =	strace s18  }
0x93: {  	s3 =	sld [smem:$0x3FFC];
	_ =	sdelay $0x3  }
0x94: {  	_ =	strace s3  }
0x95: {  	s3 =	sld [smem:$0x3FFD];
	_ =	sdelay $0x3  }
0x96: {  	_ =	strace s3  }
0x97: {  	_ =	strace $0x8FFFFFFF  }
0x98: {  	s19 =	sld [smem:$0x3FDB];
	_ =	sdelay $0x1  }
0x99: {  	s4 =	simm.s32 $_scs_section_size  }
0x9a: {  	s5 =	simm.s32 $_size__tile_overlayer_lowered;
	s6 =	simm.s32 $_tile_overlayer_lowered  }
0x9b: {  	s22 =	simm.s32 $0x1BFF;
	s21 =	sshll.u32 s6, $0x1;
	s3 =	sadd.s32 s4, s19  }
0x9c: {  	s7 =	simm.s32 $0x0;
	s20 =	sshll.u32 s5, $0x1;
	s5 =	sadd.s32 s21, s3  }
0x9d: {  	[timem:s7], [sflag:s22] =	dma.local [hbm:s5], s20  }
0x9e: {  	_ =	swait.ge [sflag:s22], s20  }
0x9f: {  	s4 =	ssub.s32 $0x0, s20;
	[sflag:s22] =	ssyncset.done $0x0  }
0xa0: {  	[sflag:s22] =	ssyncadd.s32 s4;
	_ =	sdelay $0x1  }
0xa1: {  	s23 =	simm.s32 $0x1B8B  }
0xa2: {  	_ =	swait.ge [sflag:s23], $0x1  }
0xa3: {  	[sflag:s23] =	ssyncset.done $0x0  }
0xa4: {  	s25 =	simm.s32 $0x1B8E;
	s24 =	sld [smem:$0x3FFE];
	[sflag:s23] =	ssyncadd.s32 $0xFFFFFFFF  }
0xa5: {  	s26 =	simm.s32 $execute0_lowered;
	[smem:$0x3FD2] =	sst s25  }
0xa6: {  	s5 =	sshll.u32 s26, $0x1;
	_ =	strace $0x8000004C;
	[dreg:$0x1] =	wrdreg $0xFFFFFFFF  }
0xa7: {  	s28 =	simm.s32 $_size_execute0_lowered;
	s3 =	sadd.s32 s3, s5;
	[dreg:$0x0] =	wrdreg $0x0  }
0xa8: {  	s5 =	sshll.u32 s28, $0x1;
	[dreg:$0x2] =	wrdreg s3  }
0xa9: {  	[dreg:$0x3] =	wrdreg s5  }
0xaa: {  	[dreg:$0x4] =	wrdreg $0xC0  }
0xab: {  	_ =	task [dreg:s7], $0x5FFFF  }
0xac: {  	[dreg:$0x1] =	wrdreg $0xFFFFFFFF  }
0xad: {  	[dreg:$0x0] =	wrdreg $0x60  }
0xae: {  	[dreg:$0x2] =	wrdreg s24  }
0xaf: {  	[dreg:$0x3] =	wrdreg s2  }
0xb0: {  	[dreg:$0x4] =	wrdreg $0x9  }
0xb1: {  	_ =	task.clear_ibuf [dreg:s7], $0x5FFFF;
	_ =	strace $0x9000004C  }
0xb2: {  	s29 =	simm.s32 $0x9;
	_ =	strace $0x8000004E  }
0xb3: {  	_ =	swait.ge [sflag:s29], $0x1  }
0xb4: {  	[sflag:s29] =	ssyncadd.s32 $0xFFFFFFFF  }
0xb5: {  	_ =	strace $0x9000004E  }
0xb6: {  	_ =	sfence  }
0xb7: {  	s30 =	sld [smem:$0x0];
	_ =	sdelay $0x2  }
0xb8: {  	s31 =	sshll.u32 s1, $0xD;
	s1 =	sshrl.u32 s1, $0x2  }
0xb9: {  	s3 =	sand.u32 $0x4000, s31;
	s1 =	sadd.s32 s1, s30  }
0xba: {  	s0 =	sor.u32 s3, s0;
	s1 =	sshll.u32 s1, $0x11  }
0xbb: {  	s0 =	sor.u32 s1, s0  }
0xbc: {  	s0 =	sadd.s32 $0x8F2B, s0  }
0xbd: {  	[sflag:s0] =	ssyncadd.remote.s32 $0x1  }
0xbe: {  	_ =	sfence.sel $0xFFFF  }
0xbf: {  	[dreg:$0x0] =	wrdreg $0xFFFFFFFF;
	(pc) =	sbr.abs _section_cstart, $3  }
0xc0: {  	[dreg:$0x1] =	wrdreg $0xFFFFFFFF  }
0xc1: {  	_ =	task.clear_ibuf [dreg:s7], $0x2FFFF;
	_ =	strace $0x9FFFFFFF  }
0xc2: {  	(tm) =	ssettm $0x7FFFFFFF  }
0xc3: {  	_ =	shalt  }
tec
execute0_lowered:
.L_overlay_start_1:
0x0: {  	(tag) =	ssettag $0x1  }
0x1: {  	s0 =	rddreg [dreg:$0x0]  }
0x2: {  	s1 =	rddreg [dreg:$0x1];
	s2 =	simm.s32 $0x0;
	s3 =	srdreg.scid  }
0x3: {  	s5 =	stileid.u32;
	s14 =	simm.s32 $0x5;
	s15 =	simm.s32 $0x200  }
0x4: {  	s13 =	simm.s32 $0x8200;
	s28 =	simm.s32 $0xDA00;
	s29 =	simm.s32 $0xE200  }
0x5: {  	s30 =	simm.s32 $0xEA00;
	s31 =	simm.s32 $0xF200;
	s16 =	simm.s32 $0x4  }
0x6: {  	s18 =	simm.s32 $0x0;
	[smem:$0x7FF] =	sst s2;
	s4 =	sand.u32 $0x1, s3  }
0x7: {  	s5 =	sshll.u32 s5, $0x9;
	s3 =	sadd.s32 $0x281000, s0;
	s8 =	sadd.s32 $0x281200, s0  }
0x8: {  	s9 =	sadd.s32 $0x810, s0;
	s10 =	sadd.s32 $0x281300, s0;
	s6 =	sshll.u32 s4, $0x8  }
0x9: {  	_ =	strace $0x8000004D;
	s7 =	ssub.s32 $0x2, s4;
	s4 =	sor.u32 s6, s5  }
0xa: {  	s5 =	sadd.s32 $0x800, s0;
	s23 =	sshrl.u32 s7, $0x1;
	s11 =	sshrl.u32 s4, $0x2  }
0xb: {  	s6 =	ssub.s32 s7, s23;
	s7 =	sadd.s32 $0x281100, s0;
	s12 =	sshll.u32 s4, $0x7  }
0xc: {  	s0 =	simm.s32 $0xFA00;
	s24 =	sadd.s32 s5, s11;
	s25 =	sadd.s32 s11, s9  }
0xd: {  	v2 =	vlaneseq.u32;
	s12 =	sadd.s32 s1, s12;
	s26 =	smax.u32 s6, $0x1;
	[dreg:$0x3] =	wrdreg s24  }
0xe: {  	vm0 =	vmmov $0xffff;
	v1 =	vshrl.u32 v2, $0x3;
	s1 =	simm.s32 $0x1;
	s6 =	simm.s32 $0x2;
	[dreg:$0x4] =	wrdreg s25  }
0xf: {  	v0 =	vand.u32 $0x7, v2;
	v2 =	vor.u32 $0x8, v2;
	v1 =	vmul.u32 $0x8, v1;
	s11 =	simm.s32 $0x3;
	[dreg:$0x5] =	wrdreg s26;
	s26 =	simm.s32 $0xD200  }
.LBB2_1:
0x10: {  	[dreg:$0x6] =	wrdreg s18  }
0x11: {  	s17 =	rddreg [dreg:$0x3]  }
0x12: {  	[tilespmem:s2], [sflag:$0x5] =	stream.linear.gather [hbm4b:s17+s2], $0x10, $0x38;
	[tilespmem:$0x10200] =	vst v63  }
0x13: {  	_ =	swait.ge [sflag:s14], $0x10  }
0x14: {  	[sflag:s14] =	ssyncset.done $0x0  }
0x15: {  	[sflag:s14] =	ssyncadd.s32 $0xFFFFFFF0  }
0x16: {  	v3 =	vld [tilespmem:$0x0];
	_ =	sdelay $0x4  }
0x17: {  	v4 =	vshll.u32 v3, $0x3  }
0x18: {  	v3 =	vand.u32 $0x7, v3;
	v4 =	vand.u32 $0xFFFFFFC0, v4  }
0x19: {  	v3 =	vor.u32 v3, v4  }
0x1a: {  	v4 =	vperm.xlane v3, v0;
	_ =	sdelay $0x1  }
0x1b: {  	v4 =	vadd.s32 v1, v4;
	_ =	sdelay $0x4  }
0x1c: {  	[tilespmem:s15], [sflag:$0x1] =	stream.indirect_vreg.gather [hbm4b:s3+s2], $0x80, v4, vm0, $0xb8;
	[tilespmem:$0x10200] =	vst v63  }
0x1d: {  	s25 =	simm.s32 $0xA00;
	v3 =	vperm.xlane v3, v2  }
0x1e: {  	[tilespmem:s25], [sflag:$0x1] =	stream.indirect_vreg.gather [hbm4b:s7+s2], $0x80, v4, vm0, $0xb8;
	[tilespmem:$0x10200] =	vst v63  }
0x1f: {  	s18 =	simm.s32 $0x1200;
	v3 =	vadd.s32 v1, v3  }
0x20: {  	[tilespmem:s18], [sflag:$0x1] =	stream.indirect_vreg.gather [hbm4b:s8+s2], $0x80, v4, vm0, $0xb8;
	[tilespmem:$0x10200] =	vst v63  }
0x21: {  	s19 =	simm.s32 $0x1A00  }
0x22: {  	[tilespmem:s19], [sflag:$0x1] =	stream.indirect_vreg.gather [hbm4b:s10+s2], $0x80, v4, vm0, $0xb8;
	[tilespmem:$0x10200] =	vst v63  }
0x23: {  	s20 =	simm.s32 $0x2200  }
0x24: {  	[tilespmem:s20], [sflag:$0x1] =	stream.indirect_vreg.gather [hbm4b:s3+s2], $0x80, v3, vm0, $0xb8;
	[tilespmem:$0x10200] =	vst v63  }
0x25: {  	s21 =	simm.s32 $0x2A00  }
0x26: {  	[tilespmem:s21], [sflag:$0x1] =	stream.indirect_vreg.gather [hbm4b:s7+s2], $0x80, v3, vm0, $0xb8;
	[tilespmem:$0x10200] =	vst v63  }
0x27: {  	s22 =	simm.s32 $0x3200  }
0x28: {  	[tilespmem:s22], [sflag:$0x1] =	stream.indirect_vreg.gather [hbm4b:s8+s2], $0x80, v3, vm0, $0xb8;
	[tilespmem:$0x10200] =	vst v63  }
0x29: {  	s23 =	simm.s32 $0x3A00  }
0x2a: {  	[tilespmem:s23], [sflag:$0x1] =	stream.indirect_vreg.gather [hbm4b:s10+s2], $0x80, v3, vm0, $0xb8;
	[tilespmem:$0x10200] =	vst v63  }
0x2b: {  	s24 =	rddreg [dreg:$0x4];
	s25 =	simm.s32 $0x80  }
0x2c: {  	[tilespmem:s25], [sflag:$0x5] =	stream.linear.gather [hbm4b:s24+s2], $0x10, $0x38;
	[tilespmem:$0x10200] =	vst v63  }
0x2d: {  	_ =	swait.ge [sflag:s14], $0x10  }
0x2e: {  	[sflag:s14] =	ssyncset.done $0x0  }
0x2f: {  	[sflag:s14] =	ssyncadd.s32 $0xFFFFFFF0  }
0x30: {  	v3 =	vld [tilespmem:$0x80];
	_ =	sdelay $0x4  }
0x31: {  	v63 =	vshll.u32 v3, $0x3  }
0x32: {  	v3 =	vand.u32 $0x7, v3;
	v4 =	vand.u32 $0xFFFFFFC0, v63  }
0x33: {  	v3 =	vor.u32 v3, v4  }
0x34: {  	v4 =	vperm.xlane v3, v0;
	_ =	sdelay $0x1  }
0x35: {  	v4 =	vadd.s32 v1, v4;
	_ =	sdelay $0x3  }
0x36: {  	s18 =	simm.s32 $0x4200  }
0x37: {  	[tilespmem:s18], [sflag:$0x2] =	stream.indirect_vreg.gather [hbm4b:s3+s2], $0x80, v4, vm0, $0xb8;
	[tilespmem:$0x10200] =	vst v63  }
0x38: {  	s19 =	simm.s32 $0x4A00;
	v3 =	vperm.xlane v3, v2  }
0x39: {  	[tilespmem:s19], [sflag:$0x2] =	stream.indirect_vreg.gather [hbm4b:s7+s2], $0x80, v4, vm0, $0xb8;
	[tilespmem:$0x10200] =	vst v63  }
0x3a: {  	s20 =	simm.s32 $0x5200;
	v3 =	vadd.s32 v1, v3  }
0x3b: {  	[tilespmem:s20], [sflag:$0x2] =	stream.indirect_vreg.gather [hbm4b:s8+s2], $0x80, v4, vm0, $0xb8;
	[tilespmem:$0x10200] =	vst v63  }
0x3c: {  	s21 =	simm.s32 $0x5A00  }
0x3d: {  	[tilespmem:s21], [sflag:$0x2] =	stream.indirect_vreg.gather [hbm4b:s10+s2], $0x80, v4, vm0, $0xb8;
	[tilespmem:$0x10200] =	vst v63  }
0x3e: {  	s22 =	simm.s32 $0x6200  }
0x3f: {  	[tilespmem:s22], [sflag:$0x2] =	stream.indirect_vreg.gather [hbm4b:s3+s2], $0x80, v3, vm0, $0xb8;
	[tilespmem:$0x10200] =	vst v63  }
0x40: {  	s23 =	simm.s32 $0x6A00  }
0x41: {  	[tilespmem:s23], [sflag:$0x2] =	stream.indirect_vreg.gather [hbm4b:s7+s2], $0x80, v3, vm0, $0xb8;
	[tilespmem:$0x10200] =	vst v63  }
0x42: {  	s24 =	simm.s32 $0x7200  }
0x43: {  	[tilespmem:s24], [sflag:$0x2] =	stream.indirect_vreg.gather [hbm4b:s8+s2], $0x80, v3, vm0, $0xb8;
	[tilespmem:$0x10200] =	vst v63  }
0x44: {  	s17 =	simm.s32 $0x0;
	s25 =	simm.s32 $0x7A00  }
0x45: {  	[tilespmem:s25], [sflag:$0x2] =	stream.indirect_vreg.gather [hbm4b:s10+s2], $0x80, v3, vm0, $0xb8;
	[tilespmem:$0x10200] =	vst v63  }
.LBB2_2:
0x46: {  	s18 =	sshllo.u32 s17, $0x1  }
0x47: {  	s19 =	sshll.u32 s18, $0x4  }
0x48: {  	_ =	swait.ge [sflag:s1], $0x4000;
	s20 =	sadd.s32 s4, s19  }
0x49: {  	[sflag:s1] =	ssyncset.done $0x0;
	s20 =	sshll.u32 s20, $0x1  }
0x4a: {  	[sflag:s1] =	ssyncadd.s32 $0xFFFFC000;
	s19 =	sand.u32 $0x70, s19;
	s20 =	sand.u32 $0x7FFFFF00, s20  }
0x4b: {  	_ =	swait.ge [sflag:s6], $0x4000;
	s19 =	sor.u32 s19, s20  }
0x4c: {  	s22 =	simm.s32 $0x100;
	[sflag:s6] =	ssyncset.done $0x0;
	s20 =	sshrl.u32 s19, $0x3  }
0x4d: {  	[sflag:s6] =	ssyncadd.s32 $0xFFFFC000;
	s19 =	simm.s32 $0x0;
	s21 =	sadd.s32 s5, s20  }
0x4e: {  	[tilespmem:s22], [sflag:$0x5] =	stream.linear.gather [hbm4b:s21+s19], $0x10, $0x38;
	[tilespmem:$0x10200] =	vst v63  }
0x4f: {  	_ =	swait.ge [sflag:s14], $0x10  }
0x50: {  	[sflag:s14] =	ssyncset.done $0x0  }
0x51: {  	[sflag:s14] =	ssyncadd.s32 $0xFFFFFFF0  }
0x52: {  	v3 =	vld [tilespmem:$0x100];
	_ =	sdelay $0x4  }
0x53: {  	v4 =	vshll.u32 v3, $0x3  }
0x54: {  	v3 =	vand.u32 $0x7, v3;
	v4 =	vand.u32 $0xFFFFFFC0, v4  }
0x55: {  	v3 =	vor.u32 v3, v4  }
0x56: {  	v4 =	vperm.xlane v3, v0;
	_ =	sdelay $0x1  }
0x57: {  	v4 =	vadd.s32 v1, v4;
	_ =	sdelay $0x4  }
0x58: {  	[tilespmem:s13], [sflag:$0x3] =	stream.indirect_vreg.gather [hbm4b:s3+s19], $0x80, v4, vm0, $0xb8;
	[tilespmem:$0x10200] =	vst v63  }
0x59: {  	s24 =	simm.s32 $0x8A00;
	v3 =	vperm.xlane v3, v2  }
0x5a: {  	[tilespmem:s24], [sflag:$0x3] =	stream.indirect_vreg.gather [hbm4b:s7+s19], $0x80, v4, vm0, $0xb8;
	[tilespmem:$0x10200] =	vst v63  }
0x5b: {  	s25 =	simm.s32 $0x9200;
	v3 =	vadd.s32 v1, v3  }
0x5c: {  	[tilespmem:s25], [sflag:$0x3] =	stream.indirect_vreg.gather [hbm4b:s8+s19], $0x80, v4, vm0, $0xb8;
	[tilespmem:$0x10200] =	vst v63  }
0x5d: {  	s22 =	simm.s32 $0x9A00  }
0x5e: {  	[tilespmem:s22], [sflag:$0x3] =	stream.indirect_vreg.gather [hbm4b:s10+s19], $0x80, v4, vm0, $0xb8;
	[tilespmem:$0x10200] =	vst v63  }
0x5f: {  	s23 =	simm.s32 $0xA200  }
0x60: {  	[tilespmem:s23], [sflag:$0x3] =	stream.indirect_vreg.gather [hbm4b:s3+s19], $0x80, v3, vm0, $0xb8;
	[tilespmem:$0x10200] =	vst v63  }
0x61: {  	s24 =	simm.s32 $0xAA00  }
0x62: {  	[tilespmem:s24], [sflag:$0x3] =	stream.indirect_vreg.gather [hbm4b:s7+s19], $0x80, v3, vm0, $0xb8;
	[tilespmem:$0x10200] =	vst v63  }
0x63: {  	s25 =	simm.s32 $0xB200  }
0x64: {  	[tilespmem:s25], [sflag:$0x3] =	stream.indirect_vreg.gather [hbm4b:s8+s19], $0x80, v3, vm0, $0xb8;
	[tilespmem:$0x10200] =	vst v63  }
0x65: {  	s22 =	simm.s32 $0xBA00  }
0x66: {  	[tilespmem:s22], [sflag:$0x3] =	stream.indirect_vreg.gather [hbm4b:s10+s19], $0x80, v3, vm0, $0xb8;
	[tilespmem:$0x10200] =	vst v63  }
0x67: {  	s20 =	sadd.s32 s20, s9;
	s23 =	simm.s32 $0x180  }
0x68: {  	[tilespmem:s23], [sflag:$0x5] =	stream.linear.gather [hbm4b:s20+s19], $0x10, $0x38;
	[tilespmem:$0x10200] =	vst v63  }
0x69: {  	_ =	swait.ge [sflag:s14], $0x10  }
0x6a: {  	[sflag:s14] =	ssyncset.done $0x0  }
0x6b: {  	[sflag:s14] =	ssyncadd.s32 $0xFFFFFFF0  }
0x6c: {  	v3 =	vld [tilespmem:$0x180];
	_ =	sdelay $0x4  }
0x6d: {  	v63 =	vshll.u32 v3, $0x3  }
0x6e: {  	v3 =	vand.u32 $0x7, v3;
	v4 =	vand.u32 $0xFFFFFFC0, v63  }
0x6f: {  	v3 =	vor.u32 v3, v4  }
0x70: {  	v4 =	vperm.xlane v3, v0;
	_ =	sdelay $0x1  }
0x71: {  	v4 =	vadd.s32 v1, v4;
	_ =	sdelay $0x3  }
0x72: {  	s24 =	simm.s32 $0xC200  }
0x73: {  	[tilespmem:s24], [sflag:$0x4] =	stream.indirect_vreg.gather [hbm4b:s3+s19], $0x80, v4, vm0, $0xb8;
	[tilespmem:$0x10200] =	vst v63  }
0x74: {  	s25 =	simm.s32 $0xCA00;
	v3 =	vperm.xlane v3, v2  }
0x75: {  	[tilespmem:s25], [sflag:$0x4] =	stream.indirect_vreg.gather [hbm4b:s7+s19], $0x80, v4, vm0, $0xb8;
	[tilespmem:$0x10200] =	vst v63  }
0x76: {  	v3 =	vadd.s32 v1, v3  }
0x77: {  	[tilespmem:s26], [sflag:$0x4] =	stream.indirect_vreg.gather [hbm4b:s8+s19], $0x80, v4, vm0, $0xb8;
	[tilespmem:$0x10200] =	vst v63  }
0x78: {  	_ = 	snop  }
0x79: {  	[tilespmem:s28], [sflag:$0x4] =	stream.indirect_vreg.gather [hbm4b:s10+s19], $0x80, v4, vm0, $0xb8;
	[tilespmem:$0x10200] =	vst v63  }
0x7a: {  	_ = 	snop  }
0x7b: {  	[tilespmem:s29], [sflag:$0x4] =	stream.indirect_vreg.gather [hbm4b:s3+s19], $0x80, v3, vm0, $0xb8;
	[tilespmem:$0x10200] =	vst v63  }
0x7c: {  	_ = 	snop  }
0x7d: {  	[tilespmem:s30], [sflag:$0x4] =	stream.indirect_vreg.gather [hbm4b:s7+s19], $0x80, v3, vm0, $0xb8;
	[tilespmem:$0x10200] =	vst v63  }
0x7e: {  	_ = 	snop  }
0x7f: {  	[tilespmem:s31], [sflag:$0x4] =	stream.indirect_vreg.gather [hbm4b:s8+s19], $0x80, v3, vm0, $0xb8;
	[tilespmem:$0x10200] =	vst v63  }
0x80: {  	s21 =	simm.s32 $0x0;
	s22 =	simm.s32 $0x0;
	s20 =	simm.s32 $0xFFFFC000  }
0x81: {  	[tilespmem:s0], [sflag:$0x4] =	stream.indirect_vreg.gather [hbm4b:s10+s19], $0x80, v3, vm0, $0xb8;
	[tilespmem:$0x10200] =	vst v63  }
.LBB2_3:
0x82: {  	s23 =	sadd.s32 $0x4000, s20  }
0x83: {  	s24 =	sand.u32 $0x380, s22;
	s23 =	sand.u32 $0x2000, s23  }
0x84: {  	s23 =	sor.u32 s24, s23  }
0x85: {  	v3 =	vld [tilespmem:s23+$0x200]  }
0x86: {  	v4 =	vld [tilespmem:s23+$0x4200]  }
0x87: {  	v5 =	vld [tilespmem:s23+$0x210]  }
0x88: {  	v6 =	vld [tilespmem:s23+$0x4210]  }
0x89: {  	v7 =	vld [tilespmem:s23+$0x220]  }
0x8a: {  	v8 =	vld [tilespmem:s23+$0x4220]  }
0x8b: {  	v9 =	vld [tilespmem:s23+$0x230]  }
0x8c: {  	v10 =	vld [tilespmem:s23+$0x4230]  }
0x8d: {  	v11 =	vld [tilespmem:s23+$0x240]  }
0x8e: {  	v12 =	vld [tilespmem:s23+$0x4240]  }
0x8f: {  	v13 =	vld [tilespmem:s23+$0x250]  }
0x90: {  	v14 =	vld [tilespmem:s23+$0x4250]  }
0x91: {  	v15 =	vld [tilespmem:s23+$0x260]  }
0x92: {  	v16 =	vld [tilespmem:s23+$0x4260]  }
0x93: {  	v17 =	vld [tilespmem:s23+$0x270]  }
0x94: {  	v18 =	vld [tilespmem:s23+$0x4270]  }
0x95: {  	v19 =	vld [tilespmem:s23+$0x600]  }
0x96: {  	v20 =	vld [tilespmem:s23+$0x4600]  }
0x97: {  	v21 =	vld [tilespmem:s23+$0x610]  }
0x98: {  	v22 =	vld [tilespmem:s23+$0x4610]  }
0x99: {  	v23 =	vld [tilespmem:s23+$0x620]  }
0x9a: {  	v24 =	vld [tilespmem:s23+$0x4620]  }
0x9b: {  	v25 =	vld [tilespmem:s23+$0x630]  }
0x9c: {  	v26 =	vld [tilespmem:s23+$0x4630]  }
0x9d: {  	v27 =	vld [tilespmem:s23+$0x640]  }
0x9e: {  	v28 =	vld [tilespmem:s23+$0x4640]  }
0x9f: {  	v29 =	vld [tilespmem:s23+$0x650]  }
0xa0: {  	v30 =	vld [tilespmem:s23+$0x4650]  }
0xa1: {  	v31 =	vld [tilespmem:s23+$0x660]  }
0xa2: {  	v32 =	vld [tilespmem:s23+$0x4660]  }
0xa3: {  	v33 =	vld [tilespmem:s23+$0x670]  }
0xa4: {  	v34 =	vld [tilespmem:s23+$0x4670]  }
0xa5: {  	v35 =	vld [tilespmem:s23+$0xA00]  }
0xa6: {  	v36 =	vld [tilespmem:s23+$0x4A00]  }
0xa7: {  	v37 =	vld [tilespmem:s23+$0xA10]  }
0xa8: {  	v38 =	vld [tilespmem:s23+$0x4A10]  }
0xa9: {  	v39 =	vld [tilespmem:s23+$0xA20]  }
0xaa: {  	v40 =	vld [tilespmem:s23+$0x4A20]  }
0xab: {  	v41 =	vld [tilespmem:s23+$0xA30]  }
0xac: {  	v42 =	vld [tilespmem:s23+$0x4A30]  }
0xad: {  	v43 =	vld [tilespmem:s23+$0xA40]  }
0xae: {  	v44 =	vld [tilespmem:s23+$0x4A40]  }
0xaf: {  	v45 =	vld [tilespmem:s23+$0xA50]  }
0xb0: {  	v46 =	vld [tilespmem:s23+$0x4A50]  }
0xb1: {  	v47 =	vld [tilespmem:s23+$0xA60]  }
0xb2: {  	v48 =	vld [tilespmem:s23+$0x4A60]  }
0xb3: {  	v49 =	vld [tilespmem:s23+$0xA70]  }
0xb4: {  	v50 =	vld [tilespmem:s23+$0x4A70]  }
0xb5: {  	v51 =	vld [tilespmem:s23+$0xE00]  }
0xb6: {  	v52 =	vld [tilespmem:s23+$0x4E00]  }
0xb7: {  	v53 =	vld [tilespmem:s23+$0xE10]  }
0xb8: {  	v54 =	vld [tilespmem:s23+$0x4E10]  }
0xb9: {  	v55 =	vld [tilespmem:s23+$0xE20]  }
0xba: {  	v56 =	vld [tilespmem:s23+$0x4E20]  }
0xbb: {  	v57 =	vld [tilespmem:s23+$0xE30]  }
0xbc: {  	v58 =	vld [tilespmem:s23+$0x4E30]  }
0xbd: {  	v59 =	vld [tilespmem:s23+$0xE40]  }
0xbe: {  	v60 =	vld [tilespmem:s23+$0x4E40]  }
0xbf: {  	v61 =	vld [tilespmem:s23+$0xE50]  }
0xc0: {  	v62 =	vld [tilespmem:s23+$0x4E50]  }
0xc1: {  	v63 =	vld [tilespmem:s23+$0xE60]  }
0xc2: {  	v3 =	vadd.f32 v4, v3;
	v4 =	vld [tilespmem:s23+$0x4E60]  }
0xc3: {  	v5 =	vadd.f32 v6, v5;
	v6 =	vld [tilespmem:s23+$0xE70]  }
0xc4: {  	v14 =	vadd.f32 v14, v13;
	v13 =	vld [tilespmem:s23+$0x5220];
	[tilespmem:s23+$0x200] =	vst v3;
	v3 =	vadd.f32 v8, v7  }
0xc5: {  	v18 =	vadd.f32 v18, v17;
	v17 =	vld [tilespmem:s23+$0x5240];
	[tilespmem:s23+$0x210] =	vst v5  }
0xc6: {  	v22 =	vadd.f32 v22, v21;
	v21 =	vld [tilespmem:s23+$0x5260];
	[tilespmem:s23+$0x220] =	vst v3;
	v3 =	vadd.f32 v12, v11  }
0xc7: {  	v7 =	vld [tilespmem:s23+$0x4E70];
	[tilespmem:s23+$0x250] =	vst v14  }
0xc8: {  	v8 =	vld [tilespmem:s23+$0x1200];
	[tilespmem:s23+$0x240] =	vst v3;
	v3 =	vadd.f32 v16, v15  }
0xc9: {  	v5 =	vadd.f32 v10, v9;
	v9 =	vld [tilespmem:s23+$0x5200];
	[tilespmem:s23+$0x270] =	vst v18  }
0xca: {  	v10 =	vld [tilespmem:s23+$0x1210];
	[tilespmem:s23+$0x260] =	vst v3;
	v3 =	vadd.f32 v20, v19  }
0xcb: {  	v26 =	vadd.f32 v26, v25;
	v14 =	vld [tilespmem:s23+$0x1230];
	[tilespmem:s23+$0x610] =	vst v22  }
0xcc: {  	v18 =	vld [tilespmem:s23+$0x1250];
	[tilespmem:s23+$0x600] =	vst v3;
	v3 =	vadd.f32 v24, v23  }
0xcd: {  	v30 =	vadd.f32 v30, v29;
	[tilespmem:s23+$0x630] =	vst v26;
	v22 =	vld [tilespmem:s23+$0x1270]  }
0xce: {  	v19 =	vld [tilespmem:s23+$0x5250];
	[tilespmem:s23+$0x620] =	vst v3;
	v3 =	vadd.f32 v28, v27  }
0xcf: {  	v34 =	vadd.f32 v34, v33;
	[tilespmem:s23+$0x650] =	vst v30;
	v11 =	vld [tilespmem:s23+$0x5210]  }
0xd0: {  	v12 =	vld [tilespmem:s23+$0x1220];
	[tilespmem:s23+$0x640] =	vst v3;
	v3 =	vadd.f32 v32, v31  }
0xd1: {  	[tilespmem:s23+$0x670] =	vst v34;
	v15 =	vld [tilespmem:s23+$0x5230]  }
0xd2: {  	v16 =	vld [tilespmem:s23+$0x1240];
	[tilespmem:s23+$0x660] =	vst v3;
	v3 =	vadd.f32 v36, v35  }
0xd3: {  	[tilespmem:s23+$0x230] =	vst v5;
	v20 =	vld [tilespmem:s23+$0x1260];
	v19 =	vadd.f32 v19, v18  }
0xd4: {  	v24 =	vld [tilespmem:s23+$0x1600];
	[tilespmem:s23+$0xA00] =	vst v3;
	v3 =	vadd.f32 v40, v39  }
0xd5: {  	[tilespmem:s23+$0x1250] =	vst v19;
	v36 =	vadd.f32 v38, v37;
	v37 =	vld [tilespmem:s23+$0x5270]  }
0xd6: {  	v38 =	vadd.f32 v42, v41;
	v41 =	vld [tilespmem:s23+$0x1610];
	[tilespmem:s23+$0xA20] =	vst v3;
	v3 =	vadd.f32 v44, v43  }
0xd7: {  	v42 =	vld [tilespmem:s23+$0x5610];
	[tilespmem:s23+$0xA10] =	vst v36  }
0xd8: {  	v35 =	vld [tilespmem:s23+$0x1A10];
	[tilespmem:s23+$0xA40] =	vst v3;
	v3 =	vadd.f32 v48, v47  }
0xd9: {  	v39 =	vld [tilespmem:s23+$0x5600];
	[tilespmem:s23+$0xA30] =	vst v38;
	v40 =	vadd.f32 v46, v45  }
0xda: {  	v45 =	vld [tilespmem:s23+$0x5620];
	[tilespmem:s23+$0xA60] =	vst v3;
	v3 =	vadd.f32 v52, v51  }
0xdb: {  	v46 =	vadd.f32 v54, v53;
	v53 =	vld [tilespmem:s23+$0x1650];
	[tilespmem:s23+$0xA50] =	vst v40  }
0xdc: {  	v54 =	vld [tilespmem:s23+$0x5650];
	[tilespmem:s23+$0xE00] =	vst v3;
	v3 =	vadd.f32 v56, v55  }
0xdd: {  	v36 =	vld [tilespmem:s23+$0x5A10];
	v43 =	vadd.f32 v50, v49;
	[tilespmem:s23+$0xE10] =	vst v46  }
0xde: {  	v38 =	vld [tilespmem:s23+$0x1A20];
	[tilespmem:s23+$0xE20] =	vst v3;
	v3 =	vadd.f32 v60, v59  }
0xdf: {  	v44 =	vld [tilespmem:s23+$0x1620];
	v49 =	vadd.f32 v58, v57;
	[tilespmem:s23+$0xA70] =	vst v43  }
0xe0: {  	v50 =	vld [tilespmem:s23+$0x1640];
	[tilespmem:s23+$0xE40] =	vst v3;
	v3 =	vadd.f32 v4, v63  }
0xe1: {  	v57 =	vld [tilespmem:s23+$0x5660];
	v58 =	vadd.f32 v11, v10;
	[tilespmem:s23+$0xE30] =	vst v49  }
0xe2: {  	v46 =	vld [tilespmem:s23+$0x5A50];
	[tilespmem:s23+$0xE60] =	vst v3;
	v3 =	vadd.f32 v9, v8  }
0xe3: {  	v37 =	vadd.f32 v37, v22;
	v40 =	vadd.f32 v42, v41;
	v41 =	vld [tilespmem:s23+$0x1A30];
	[tilespmem:s23+$0x1210] =	vst v58  }
0xe4: {  	v42 =	vld [tilespmem:s23+$0x5A30];
	[tilespmem:s23+$0x1200] =	vst v3;
	v3 =	vadd.f32 v13, v12  }
0xe5: {  	v47 =	vld [tilespmem:s23+$0x1630];
	[tilespmem:s23+$0x1270] =	vst v37  }
0xe6: {  	v48 =	vld [tilespmem:s23+$0x5630];
	[tilespmem:s23+$0x1220] =	vst v3;
	v3 =	vadd.f32 v17, v16  }
0xe7: {  	v49 =	vld [tilespmem:s23+$0x5A60];
	[tilespmem:s23+$0x1610] =	vst v40;
	v52 =	vadd.f32 v62, v61  }
0xe8: {  	v51 =	vld [tilespmem:s23+$0x5640];
	[tilespmem:s23+$0x1240] =	vst v3;
	v3 =	vadd.f32 v21, v20  }
0xe9: {  	v61 =	vadd.f32 v15, v14;
	v62 =	vld [tilespmem:s23+$0x1A00];
	[tilespmem:s23+$0xE50] =	vst v52  }
0xea: {  	v56 =	vld [tilespmem:s23+$0x1660];
	[tilespmem:s23+$0x1260] =	vst v3;
	v3 =	vadd.f32 v39, v24  }
0xeb: {  	v55 =	vadd.f32 v7, v6;
	[tilespmem:s23+$0x1230] =	vst v61;
	v52 =	vld [tilespmem:s23+$0x5A70]  }
0xec: {  	v43 =	vadd.f32 v48, v47;
	v47 =	vld [tilespmem:s23+$0x1A60];
	[tilespmem:s23+$0x1600] =	vst v3;
	v3 =	vadd.f32 v45, v44  }
0xed: {  	[tilespmem:s23+$0xE70] =	vst v55;
	v63 =	vld [tilespmem:s23+$0x5A00]  }
0xee: {  	v59 =	vld [tilespmem:s23+$0x1670];
	[tilespmem:s23+$0x1620] =	vst v3;
	v3 =	vadd.f32 v51, v50  }
0xef: {  	[tilespmem:s23+$0x1630] =	vst v43;
	v4 =	vadd.f32 v54, v53;
	v39 =	vld [tilespmem:s23+$0x5A20]  }
0xf0: {  	v60 =	vld [tilespmem:s23+$0x5670];
	[tilespmem:s23+$0x1640] =	vst v3;
	v3 =	vadd.f32 v57, v56  }
0xf1: {  	v54 =	vadd.f32 v42, v41;
	[tilespmem:s23+$0x1650] =	vst v4;
	v45 =	vld [tilespmem:s23+$0x1A50]  }
0xf2: {  	v53 =	vld [tilespmem:s23+$0x5A40];
	[tilespmem:s23+$0x1660] =	vst v3;
	v3 =	vadd.f32 v63, v62  }
0xf3: {  	[tilespmem:s23+$0x1A30] =	vst v54;
	v55 =	vadd.f32 v49, v47;
	v50 =	vld [tilespmem:s23+$0x1A70]  }
0xf4: {  	v44 =	vld [tilespmem:s23+$0x1A40];
	[tilespmem:s23+$0x1A00] =	vst v3;
	v3 =	vadd.f32 v39, v38  }
0xf5: {  	v48 =	vadd.f32 v60, v59;
	[tilespmem:s23+$0x1A60] =	vst v55  }
0xf6: {  	[tilespmem:s23+$0x1A20] =	vst v3;
	v3 =	vadd.f32 v46, v45  }
0xf7: {  	s25 =	sand.u32 $0x7, s19;
	[tilespmem:s23+$0x1670] =	vst v48;
	v51 =	vadd.f32 v36, v35  }
0xf8: {  	s24 =	sshll.u32 s25, $0x7;
	[tilespmem:s23+$0x1A50] =	vst v3;
	v3 =	vadd.f32 v52, v50  }
0xf9: {  	s24 =	sadd.s32 s24, s21;
	[tilespmem:s23+$0x1A10] =	vst v51;
	v56 =	vadd.f32 v53, v44  }
0xfa: {  	s25 =	sor.u32 $0x1C00, s24;
	[tilespmem:s23+$0x1A70] =	vst v3  }
0xfb: {  	[tilespmem:s23+$0x1A40] =	vst v56;
	v3 =	vld [tilespmem:s25+$0x200]  }
0xfc: {  	v4 =	vld [tilespmem:s25+$0x4200];
	_ =	sdelay $0x4  }
0xfd: {  	v3 =	vadd.f32 v4, v3;
	_ =	sdelay $0x1  }
0xfe: {  	[tilespmem:s25+$0x200] =	vst v3;
	s25 =	sor.u32 $0x1C10, s24  }
0xff: {  	v3 =	vld [tilespmem:s25+$0x200]  }
0x100: {  	v57 =	vld [tilespmem:s25+$0x4200];
	_ =	sdelay $0x4  }
0x101: {  	v3 =	vadd.f32 v57, v3;
	_ =	sdelay $0x1  }
0x102: {  	[tilespmem:s25+$0x200] =	vst v3;
	s25 =	sor.u32 $0x1C20, s24  }
0x103: {  	v3 =	vld [tilespmem:s25+$0x200]  }
0x104: {  	v58 =	vld [tilespmem:s25+$0x4200];
	_ =	sdelay $0x4  }
0x105: {  	v3 =	vadd.f32 v58, v3;
	_ =	sdelay $0x1  }
0x106: {  	[tilespmem:s25+$0x200] =	vst v3;
	s25 =	sor.u32 $0x1C30, s24  }
0x107: {  	v3 =	vld [tilespmem:s25+$0x200]  }
0x108: {  	v59 =	vld [tilespmem:s25+$0x4200];
	_ =	sdelay $0x4  }
0x109: {  	v3 =	vadd.f32 v59, v3;
	_ =	sdelay $0x1  }
0x10a: {  	[tilespmem:s25+$0x200] =	vst v3;
	s25 =	sor.u32 $0x1C40, s24  }
0x10b: {  	v3 =	vld [tilespmem:s25+$0x200]  }
0x10c: {  	v60 =	vld [tilespmem:s25+$0x4200];
	_ =	sdelay $0x4  }
0x10d: {  	v3 =	vadd.f32 v60, v3;
	_ =	sdelay $0x1  }
0x10e: {  	[tilespmem:s25+$0x200] =	vst v3;
	s25 =	sor.u32 $0x1C50, s24  }
0x10f: {  	v3 =	vld [tilespmem:s25+$0x200]  }
0x110: {  	v61 =	vld [tilespmem:s25+$0x4200];
	_ =	sdelay $0x4  }
0x111: {  	v3 =	vadd.f32 v61, v3;
	_ =	sdelay $0x1  }
0x112: {  	[tilespmem:s25+$0x200] =	vst v3;
	s25 =	sor.u32 $0x1C60, s24  }
0x113: {  	v3 =	vld [tilespmem:s25+$0x200]  }
0x114: {  	v62 =	vld [tilespmem:s25+$0x4200];
	_ =	sdelay $0x4  }
0x115: {  	v3 =	vadd.f32 v62, v3;
	_ =	sdelay $0x1  }
0x116: {  	[tilespmem:s25+$0x200] =	vst v3;
	s25 =	sor.u32 $0x1C70, s24  }
0x117: {  	v3 =	vld [tilespmem:s25+$0x200]  }
0x118: {  	v63 =	vld [tilespmem:s25+$0x4200];
	_ =	sdelay $0x1  }
0x119: {  	p0 =	sne.s32 s22, $0x780  }
.Ltmp0:
0x11a: {  	_ = 	snop;
	(pc) =	sbr.rel @p0 .LBB2_3-.Ltmp0, $4  }
0x11b: {  	_ = 	snop  }
0x11c: {  	v3 =	vadd.f32 v63, v3  }
0x11d: {  	s19 =	sadd.s32 $0x1, s19  }
0x11e: {  	s20 =	sadd.s32 $0x400, s20;
	s22 =	sadd.s32 $0x80, s22;
	s21 =	sadd.s32 $0x400, s21;
	[tilespmem:s25+$0x200] =	vst v3  }
0x11f: {  	s19 =	sshll.u32 s17, $0xC  }
0x120: {  	s19 =	sadd.s32 s19, s12  }
0x121: {  	[hbm4b:s19+s2] =	stream.linear.scatter [tilespmem:s15], [sflag:$0x5], $0x4000, $0x38;
	[tilespmem:$0x10200] =	vst v63  }
0x122: {  	_ =	swait.ge [sflag:s14], $0x4000  }
0x123: {  	[sflag:s14] =	ssyncset.done $0x0  }
0x124: {  	[sflag:s14] =	ssyncadd.s32 $0xFFFFC000  }
0x125: {  	p0 =	seq.s32 s17, $0x7;
	_ =	swait.ge [sflag:s11], $0x4000  }
.Ltmp1:
0x126: {  	[sflag:s11] =	ssyncset.done $0x0;
	(pc) =	sbr.rel @p0 .LBB2_6-.Ltmp1, $4  }
0x127: {  	[sflag:s11] =	ssyncadd.s32 $0xFFFFC000  }
0x128: {  	_ =	swait.ge [sflag:s16], $0x4000  }
0x129: {  	[sflag:s16] =	ssyncset.done $0x0  }
0x12a: {  	[sflag:s16] =	ssyncadd.s32 $0xFFFFC000  }
0x12b: {  	s19 =	sshll.u32 s17, $0x5  }
0x12c: {  	s19 =	sadd.s32 $0x20, s19  }
0x12d: {  	s20 =	sadd.s32 s4, s19  }
0x12e: {  	s20 =	sshll.u32 s20, $0x1  }
0x12f: {  	s19 =	sand.u32 $0x60, s19;
	s20 =	sand.u32 $0x7F00, s20  }
0x130: {  	s19 =	sor.u32 s19, s20  }
0x131: {  	s19 =	sshrl.u32 s19, $0x3  }
0x132: {  	s25 =	sadd.s32 s5, s19  }
0x133: {  	[tilespmem:s2], [sflag:$0x5] =	stream.linear.gather [hbm4b:s25+s2], $0x10, $0x38;
	[tilespmem:$0x10200] =	vst v63  }
0x134: {  	_ =	swait.ge [sflag:s14], $0x10  }
0x135: {  	[sflag:s14] =	ssyncset.done $0x0  }
0x136: {  	[sflag:s14] =	ssyncadd.s32 $0xFFFFFFF0  }
0x137: {  	v3 =	vld [tilespmem:$0x0];
	_ =	sdelay $0x4  }
0x138: {  	v4 =	vshll.u32 v3, $0x3  }
0x139: {  	v3 =	vand.u32 $0x7, v3;
	v4 =	vand.u32 $0xFFFFFFC0, v4  }
0x13a: {  	v3 =	vor.u32 v3, v4  }
0x13b: {  	v4 =	vperm.xlane v3, v0;
	_ =	sdelay $0x1  }
0x13c: {  	v4 =	vadd.s32 v1, v4;
	_ =	sdelay $0x4  }
0x13d: {  	[tilespmem:s15], [sflag:$0x1] =	stream.indirect_vreg.gather [hbm4b:s3+s2], $0x80, v4, vm0, $0xb8;
	[tilespmem:$0x10200] =	vst v63  }
0x13e: {  	s21 =	simm.s32 $0xA00;
	v3 =	vperm.xlane v3, v2  }
0x13f: {  	[tilespmem:s21], [sflag:$0x1] =	stream.indirect_vreg.gather [hbm4b:s7+s2], $0x80, v4, vm0, $0xb8;
	[tilespmem:$0x10200] =	vst v63  }
0x140: {  	s22 =	simm.s32 $0x1200;
	v3 =	vadd.s32 v1, v3  }
0x141: {  	[tilespmem:s22], [sflag:$0x1] =	stream.indirect_vreg.gather [hbm4b:s8+s2], $0x80, v4, vm0, $0xb8;
	[tilespmem:$0x10200] =	vst v63  }
0x142: {  	s23 =	simm.s32 $0x1A00  }
0x143: {  	[tilespmem:s23], [sflag:$0x1] =	stream.indirect_vreg.gather [hbm4b:s10+s2], $0x80, v4, vm0, $0xb8;
	[tilespmem:$0x10200] =	vst v63  }
0x144: {  	s24 =	simm.s32 $0x2200  }
0x145: {  	[tilespmem:s24], [sflag:$0x1] =	stream.indirect_vreg.gather [hbm4b:s3+s2], $0x80, v3, vm0, $0xb8;
	[tilespmem:$0x10200] =	vst v63  }
0x146: {  	s25 =	simm.s32 $0x2A00  }
0x147: {  	[tilespmem:s25], [sflag:$0x1] =	stream.indirect_vreg.gather [hbm4b:s7+s2], $0x80, v3, vm0, $0xb8;
	[tilespmem:$0x10200] =	vst v63  }
0x148: {  	s21 =	simm.s32 $0x3200  }
0x149: {  	[tilespmem:s21], [sflag:$0x1] =	stream.indirect_vreg.gather [hbm4b:s8+s2], $0x80, v3, vm0, $0xb8;
	[tilespmem:$0x10200] =	vst v63  }
0x14a: {  	s22 =	simm.s32 $0x3A00  }
0x14b: {  	[tilespmem:s22], [sflag:$0x1] =	stream.indirect_vreg.gather [hbm4b:s10+s2], $0x80, v3, vm0, $0xb8;
	[tilespmem:$0x10200] =	vst v63  }
0x14c: {  	s19 =	sadd.s32 s19, s9;
	s23 =	simm.s32 $0x80  }
0x14d: {  	[tilespmem:s23], [sflag:$0x5] =	stream.linear.gather [hbm4b:s19+s2], $0x10, $0x38;
	[tilespmem:$0x10200] =	vst v63  }
0x14e: {  	_ =	swait.ge [sflag:s14], $0x10  }
0x14f: {  	[sflag:s14] =	ssyncset.done $0x0  }
0x150: {  	[sflag:s14] =	ssyncadd.s32 $0xFFFFFFF0  }
0x151: {  	v3 =	vld [tilespmem:$0x80];
	_ =	sdelay $0x4  }
0x152: {  	v63 =	vshll.u32 v3, $0x3  }
0x153: {  	v3 =	vand.u32 $0x7, v3;
	v4 =	vand.u32 $0xFFFFFFC0, v63  }
0x154: {  	v3 =	vor.u32 v3, v4  }
0x155: {  	v4 =	vperm.xlane v3, v0;
	_ =	sdelay $0x1  }
0x156: {  	v4 =	vadd.s32 v1, v4;
	_ =	sdelay $0x3  }
0x157: {  	s24 =	simm.s32 $0x4200  }
0x158: {  	[tilespmem:s24], [sflag:$0x2] =	stream.indirect_vreg.gather [hbm4b:s3+s2], $0x80, v4, vm0, $0xb8;
	[tilespmem:$0x10200] =	vst v63  }
0x159: {  	s25 =	simm.s32 $0x4A00;
	v3 =	vperm.xlane v3, v2  }
0x15a: {  	[tilespmem:s25], [sflag:$0x2] =	stream.indirect_vreg.gather [hbm4b:s7+s2], $0x80, v4, vm0, $0xb8;
	[tilespmem:$0x10200] =	vst v63  }
0x15b: {  	s20 =	simm.s32 $0x5200;
	v3 =	vadd.s32 v1, v3  }
0x15c: {  	[tilespmem:s20], [sflag:$0x2] =	stream.indirect_vreg.gather [hbm4b:s8+s2], $0x80, v4, vm0, $0xb8;
	[tilespmem:$0x10200] =	vst v63  }
0x15d: {  	s21 =	simm.s32 $0x5A00  }
0x15e: {  	[tilespmem:s21], [sflag:$0x2] =	stream.indirect_vreg.gather [hbm4b:s10+s2], $0x80, v4, vm0, $0xb8;
	[tilespmem:$0x10200] =	vst v63  }
0x15f: {  	s22 =	simm.s32 $0x6200  }
0x160: {  	[tilespmem:s22], [sflag:$0x2] =	stream.indirect_vreg.gather [hbm4b:s3+s2], $0x80, v3, vm0, $0xb8;
	[tilespmem:$0x10200] =	vst v63  }
0x161: {  	s23 =	simm.s32 $0x6A00  }
0x162: {  	[tilespmem:s23], [sflag:$0x2] =	stream.indirect_vreg.gather [hbm4b:s7+s2], $0x80, v3, vm0, $0xb8;
	[tilespmem:$0x10200] =	vst v63  }
0x163: {  	s24 =	simm.s32 $0x7200  }
0x164: {  	[tilespmem:s24], [sflag:$0x2] =	stream.indirect_vreg.gather [hbm4b:s8+s2], $0x80, v3, vm0, $0xb8;
	[tilespmem:$0x10200] =	vst v63  }
0x165: {  	s25 =	simm.s32 $0x7A00  }
0x166: {  	[tilespmem:s25], [sflag:$0x2] =	stream.indirect_vreg.gather [hbm4b:s10+s2], $0x80, v3, vm0, $0xb8;
	[tilespmem:$0x10200] =	vst v63  }
.LBB2_6:
0x167: {  	s19 =	simm.s32 $0x0  }
0x168: {  	s20 =	simm.s32 $0xFFFFC000;
	s21 =	simm.s32 $0x0;
	s22 =	simm.s32 $0x0  }
.LBB2_7:
0x169: {  	s23 =	sadd.s32 $0x4000, s20  }
0x16a: {  	s24 =	sand.u32 $0x380, s22;
	s23 =	sand.u32 $0x2000, s23  }
0x16b: {  	s23 =	sor.u32 s24, s23  }
0x16c: {  	v3 =	vld [tilespmem:s23+$0x8200]  }
0x16d: {  	v4 =	vld [tilespmem:s23+$0xC200]  }
0x16e: {  	v5 =	vld [tilespmem:s23+$0x8210]  }
0x16f: {  	v6 =	vld [tilespmem:s23+$0xC210]  }
0x170: {  	v7 =	vld [tilespmem:s23+$0x8220]  }
0x171: {  	v8 =	vld [tilespmem:s23+$0xC220]  }
0x172: {  	v9 =	vld [tilespmem:s23+$0x8230]  }
0x173: {  	v10 =	vld [tilespmem:s23+$0xC230]  }
0x174: {  	v11 =	vld [tilespmem:s23+$0x8240]  }
0x175: {  	v12 =	vld [tilespmem:s23+$0xC240]  }
0x176: {  	v13 =	vld [tilespmem:s23+$0x8250]  }
0x177: {  	v14 =	vld [tilespmem:s23+$0xC250]  }
0x178: {  	v15 =	vld [tilespmem:s23+$0x8260]  }
0x179: {  	v16 =	vld [tilespmem:s23+$0xC260]  }
0x17a: {  	v17 =	vld [tilespmem:s23+$0x8270]  }
0x17b: {  	v18 =	vld [tilespmem:s23+$0xC270]  }
0x17c: {  	v19 =	vld [tilespmem:s23+$0x8600]  }
0x17d: {  	v20 =	vld [tilespmem:s23+$0xC600]  }
0x17e: {  	v21 =	vld [tilespmem:s23+$0x8610]  }
0x17f: {  	v22 =	vld [tilespmem:s23+$0xC610]  }
0x180: {  	v23 =	vld [tilespmem:s23+$0x8620]  }
0x181: {  	v24 =	vld [tilespmem:s23+$0xC620]  }
0x182: {  	v25 =	vld [tilespmem:s23+$0x8630]  }
0x183: {  	v26 =	vld [tilespmem:s23+$0xC630]  }
0x184: {  	v27 =	vld [tilespmem:s23+$0x8640]  }
0x185: {  	v28 =	vld [tilespmem:s23+$0xC640]  }
0x186: {  	v29 =	vld [tilespmem:s23+$0x8650]  }
0x187: {  	v30 =	vld [tilespmem:s23+$0xC650]  }
0x188: {  	v31 =	vld [tilespmem:s23+$0x8660]  }
0x189: {  	v32 =	vld [tilespmem:s23+$0xC660]  }
0x18a: {  	v33 =	vld [tilespmem:s23+$0x8670]  }
0x18b: {  	v34 =	vld [tilespmem:s23+$0xC670]  }
0x18c: {  	v35 =	vld [tilespmem:s23+$0x8A00]  }
0x18d: {  	v36 =	vld [tilespmem:s23+$0xCA00]  }
0x18e: {  	v37 =	vld [tilespmem:s23+$0x8A10]  }
0x18f: {  	v38 =	vld [tilespmem:s23+$0xCA10]  }
0x190: {  	v39 =	vld [tilespmem:s23+$0x8A20]  }
0x191: {  	v40 =	vld [tilespmem:s23+$0xCA20]  }
0x192: {  	v41 =	vld [tilespmem:s23+$0x8A30]  }
0x193: {  	v42 =	vld [tilespmem:s23+$0xCA30]  }
0x194: {  	v43 =	vld [tilespmem:s23+$0x8A40]  }
0x195: {  	v44 =	vld [tilespmem:s23+$0xCA40]  }
0x196: {  	v45 =	vld [tilespmem:s23+$0x8A50]  }
0x197: {  	v46 =	vld [tilespmem:s23+$0xCA50]  }
0x198: {  	v47 =	vld [tilespmem:s23+$0x8A60]  }
0x199: {  	v48 =	vld [tilespmem:s23+$0xCA60]  }
0x19a: {  	v49 =	vld [tilespmem:s23+$0x8A70]  }
0x19b: {  	v50 =	vld [tilespmem:s23+$0xCA70]  }
0x19c: {  	v51 =	vld [tilespmem:s23+$0x8E00]  }
0x19d: {  	v52 =	vld [tilespmem:s23+$0xCE00]  }
0x19e: {  	v53 =	vld [tilespmem:s23+$0x8E10]  }
0x19f: {  	v54 =	vld [tilespmem:s23+$0xCE10]  }
0x1a0: {  	v55 =	vld [tilespmem:s23+$0x8E20]  }
0x1a1: {  	v56 =	vld [tilespmem:s23+$0xCE20]  }
0x1a2: {  	v57 =	vld [tilespmem:s23+$0x8E30]  }
0x1a3: {  	v58 =	vld [tilespmem:s23+$0xCE30]  }
0x1a4: {  	v59 =	vld [tilespmem:s23+$0x8E40]  }
0x1a5: {  	v60 =	vld [tilespmem:s23+$0xCE40]  }
0x1a6: {  	v61 =	vld [tilespmem:s23+$0x8E50]  }
0x1a7: {  	v62 =	vld [tilespmem:s23+$0xCE50]  }
0x1a8: {  	v63 =	vld [tilespmem:s23+$0x8E60]  }
0x1a9: {  	v3 =	vadd.f32 v4, v3;
	v4 =	vld [tilespmem:s23+$0xCE60]  }
0x1aa: {  	v5 =	vadd.f32 v6, v5;
	v6 =	vld [tilespmem:s23+$0x8E70]  }
0x1ab: {  	v14 =	vadd.f32 v14, v13;
	v13 =	vld [tilespmem:s23+$0xD220];
	[tilespmem:s23+$0x8200] =	vst v3;
	v3 =	vadd.f32 v8, v7  }
0x1ac: {  	v18 =	vadd.f32 v18, v17;
	v17 =	vld [tilespmem:s23+$0xD240];
	[tilespmem:s23+$0x8210] =	vst v5  }
0x1ad: {  	v22 =	vadd.f32 v22, v21;
	v21 =	vld [tilespmem:s23+$0xD260];
	[tilespmem:s23+$0x8220] =	vst v3;
	v3 =	vadd.f32 v12, v11  }
0x1ae: {  	v7 =	vld [tilespmem:s23+$0xCE70];
	[tilespmem:s23+$0x8250] =	vst v14  }
0x1af: {  	v8 =	vld [tilespmem:s23+$0x9200];
	[tilespmem:s23+$0x8240] =	vst v3;
	v3 =	vadd.f32 v16, v15  }
0x1b0: {  	v5 =	vadd.f32 v10, v9;
	v9 =	vld [tilespmem:s23+$0xD200];
	[tilespmem:s23+$0x8270] =	vst v18  }
0x1b1: {  	v10 =	vld [tilespmem:s23+$0x9210];
	[tilespmem:s23+$0x8260] =	vst v3;
	v3 =	vadd.f32 v20, v19  }
0x1b2: {  	v26 =	vadd.f32 v26, v25;
	v14 =	vld [tilespmem:s23+$0x9230];
	[tilespmem:s23+$0x8610] =	vst v22  }
0x1b3: {  	v18 =	vld [tilespmem:s23+$0x9250];
	[tilespmem:s23+$0x8600] =	vst v3;
	v3 =	vadd.f32 v24, v23  }
0x1b4: {  	v30 =	vadd.f32 v30, v29;
	[tilespmem:s23+$0x8630] =	vst v26;
	v22 =	vld [tilespmem:s23+$0x9270]  }
0x1b5: {  	v19 =	vld [tilespmem:s23+$0xD250];
	[tilespmem:s23+$0x8620] =	vst v3;
	v3 =	vadd.f32 v28, v27  }
0x1b6: {  	v34 =	vadd.f32 v34, v33;
	[tilespmem:s23+$0x8650] =	vst v30;
	v11 =	vld [tilespmem:s23+$0xD210]  }
0x1b7: {  	v12 =	vld [tilespmem:s23+$0x9220];
	[tilespmem:s23+$0x8640] =	vst v3;
	v3 =	vadd.f32 v32, v31  }
0x1b8: {  	[tilespmem:s23+$0x8670] =	vst v34;
	v15 =	vld [tilespmem:s23+$0xD230]  }
0x1b9: {  	v16 =	vld [tilespmem:s23+$0x9240];
	[tilespmem:s23+$0x8660] =	vst v3;
	v3 =	vadd.f32 v36, v35  }
0x1ba: {  	[tilespmem:s23+$0x8230] =	vst v5;
	v20 =	vld [tilespmem:s23+$0x9260];
	v19 =	vadd.f32 v19, v18  }
0x1bb: {  	v24 =	vld [tilespmem:s23+$0x9600];
	[tilespmem:s23+$0x8A00] =	vst v3;
	v3 =	vadd.f32 v40, v39  }
0x1bc: {  	[tilespmem:s23+$0x9250] =	vst v19;
	v36 =	vadd.f32 v38, v37;
	v37 =	vld [tilespmem:s23+$0xD270]  }
0x1bd: {  	v38 =	vadd.f32 v42, v41;
	v41 =	vld [tilespmem:s23+$0x9610];
	[tilespmem:s23+$0x8A20] =	vst v3;
	v3 =	vadd.f32 v44, v43  }
0x1be: {  	v42 =	vld [tilespmem:s23+$0xD610];
	[tilespmem:s23+$0x8A10] =	vst v36  }
0x1bf: {  	v35 =	vld [tilespmem:s23+$0x9A10];
	[tilespmem:s23+$0x8A40] =	vst v3;
	v3 =	vadd.f32 v48, v47  }
0x1c0: {  	v39 =	vld [tilespmem:s23+$0xD600];
	[tilespmem:s23+$0x8A30] =	vst v38;
	v40 =	vadd.f32 v46, v45  }
0x1c1: {  	v45 =	vld [tilespmem:s23+$0xD620];
	[tilespmem:s23+$0x8A60] =	vst v3;
	v3 =	vadd.f32 v52, v51  }
0x1c2: {  	v46 =	vadd.f32 v54, v53;
	v53 =	vld [tilespmem:s23+$0x9650];
	[tilespmem:s23+$0x8A50] =	vst v40  }
0x1c3: {  	v54 =	vld [tilespmem:s23+$0xD650];
	[tilespmem:s23+$0x8E00] =	vst v3;
	v3 =	vadd.f32 v56, v55  }
0x1c4: {  	v36 =	vld [tilespmem:s23+$0xDA10];
	v43 =	vadd.f32 v50, v49;
	[tilespmem:s23+$0x8E10] =	vst v46  }
0x1c5: {  	v38 =	vld [tilespmem:s23+$0x9A20];
	[tilespmem:s23+$0x8E20] =	vst v3;
	v3 =	vadd.f32 v60, v59  }
0x1c6: {  	v44 =	vld [tilespmem:s23+$0x9620];
	v49 =	vadd.f32 v58, v57;
	[tilespmem:s23+$0x8A70] =	vst v43  }
0x1c7: {  	v50 =	vld [tilespmem:s23+$0x9640];
	[tilespmem:s23+$0x8E40] =	vst v3;
	v3 =	vadd.f32 v4, v63  }
0x1c8: {  	v57 =	vld [tilespmem:s23+$0xD660];
	v58 =	vadd.f32 v11, v10;
	[tilespmem:s23+$0x8E30] =	vst v49  }
0x1c9: {  	v46 =	vld [tilespmem:s23+$0xDA50];
	[tilespmem:s23+$0x8E60] =	vst v3;
	v3 =	vadd.f32 v9, v8  }
0x1ca: {  	v37 =	vadd.f32 v37, v22;
	v40 =	vadd.f32 v42, v41;
	v41 =	vld [tilespmem:s23+$0x9A30];
	[tilespmem:s23+$0x9210] =	vst v58  }
0x1cb: {  	v42 =	vld [tilespmem:s23+$0xDA30];
	[tilespmem:s23+$0x9200] =	vst v3;
	v3 =	vadd.f32 v13, v12  }
0x1cc: {  	v47 =	vld [tilespmem:s23+$0x9630];
	[tilespmem:s23+$0x9270] =	vst v37  }
0x1cd: {  	v48 =	vld [tilespmem:s23+$0xD630];
	[tilespmem:s23+$0x9220] =	vst v3;
	v3 =	vadd.f32 v17, v16  }
0x1ce: {  	v49 =	vld [tilespmem:s23+$0xDA60];
	[tilespmem:s23+$0x9610] =	vst v40;
	v52 =	vadd.f32 v62, v61  }
0x1cf: {  	v51 =	vld [tilespmem:s23+$0xD640];
	[tilespmem:s23+$0x9240] =	vst v3;
	v3 =	vadd.f32 v21, v20  }
0x1d0: {  	v61 =	vadd.f32 v15, v14;
	v62 =	vld [tilespmem:s23+$0x9A00];
	[tilespmem:s23+$0x8E50] =	vst v52  }
0x1d1: {  	v56 =	vld [tilespmem:s23+$0x9660];
	[tilespmem:s23+$0x9260] =	vst v3;
	v3 =	vadd.f32 v39, v24  }
0x1d2: {  	v55 =	vadd.f32 v7, v6;
	[tilespmem:s23+$0x9230] =	vst v61;
	v52 =	vld [tilespmem:s23+$0xDA70]  }
0x1d3: {  	v43 =	vadd.f32 v48, v47;
	v47 =	vld [tilespmem:s23+$0x9A60];
	[tilespmem:s23+$0x9600] =	vst v3;
	v3 =	vadd.f32 v45, v44  }
0x1d4: {  	[tilespmem:s23+$0x8E70] =	vst v55;
	v63 =	vld [tilespmem:s23+$0xDA00]  }
0x1d5: {  	v59 =	vld [tilespmem:s23+$0x9670];
	[tilespmem:s23+$0x9620] =	vst v3;
	v3 =	vadd.f32 v51, v50  }
0x1d6: {  	[tilespmem:s23+$0x9630] =	vst v43;
	v4 =	vadd.f32 v54, v53;
	v39 =	vld [tilespmem:s23+$0xDA20]  }
0x1d7: {  	v60 =	vld [tilespmem:s23+$0xD670];
	[tilespmem:s23+$0x9640] =	vst v3;
	v3 =	vadd.f32 v57, v56  }
0x1d8: {  	v54 =	vadd.f32 v42, v41;
	[tilespmem:s23+$0x9650] =	vst v4;
	v45 =	vld [tilespmem:s23+$0x9A50]  }
0x1d9: {  	v53 =	vld [tilespmem:s23+$0xDA40];
	[tilespmem:s23+$0x9660] =	vst v3;
	v3 =	vadd.f32 v63, v62  }
0x1da: {  	[tilespmem:s23+$0x9A30] =	vst v54;
	v55 =	vadd.f32 v49, v47;
	v50 =	vld [tilespmem:s23+$0x9A70]  }
0x1db: {  	v44 =	vld [tilespmem:s23+$0x9A40];
	[tilespmem:s23+$0x9A00] =	vst v3;
	v3 =	vadd.f32 v39, v38  }
0x1dc: {  	v48 =	vadd.f32 v60, v59;
	[tilespmem:s23+$0x9A60] =	vst v55  }
0x1dd: {  	[tilespmem:s23+$0x9A20] =	vst v3;
	v3 =	vadd.f32 v46, v45  }
0x1de: {  	s25 =	sand.u32 $0x7, s19;
	[tilespmem:s23+$0x9670] =	vst v48;
	v51 =	vadd.f32 v36, v35  }
0x1df: {  	s24 =	sshll.u32 s25, $0x7;
	[tilespmem:s23+$0x9A50] =	vst v3;
	v3 =	vadd.f32 v52, v50  }
0x1e0: {  	s24 =	sadd.s32 s24, s21;
	[tilespmem:s23+$0x9A10] =	vst v51;
	v56 =	vadd.f32 v53, v44  }
0x1e1: {  	s25 =	sor.u32 $0x1C00, s24;
	[tilespmem:s23+$0x9A70] =	vst v3  }
0x1e2: {  	[tilespmem:s23+$0x9A40] =	vst v56;
	v3 =	vld [tilespmem:s25+$0x8200]  }
0x1e3: {  	v4 =	vld [tilespmem:s25+$0xC200];
	_ =	sdelay $0x4  }
0x1e4: {  	v3 =	vadd.f32 v4, v3;
	_ =	sdelay $0x1  }
0x1e5: {  	[tilespmem:s25+$0x8200] =	vst v3;
	s25 =	sor.u32 $0x1C10, s24  }
0x1e6: {  	v3 =	vld [tilespmem:s25+$0x8200]  }
0x1e7: {  	v57 =	vld [tilespmem:s25+$0xC200];
	_ =	sdelay $0x4  }
0x1e8: {  	v3 =	vadd.f32 v57, v3;
	_ =	sdelay $0x1  }
0x1e9: {  	[tilespmem:s25+$0x8200] =	vst v3;
	s25 =	sor.u32 $0x1C20, s24  }
0x1ea: {  	v3 =	vld [tilespmem:s25+$0x8200]  }
0x1eb: {  	v58 =	vld [tilespmem:s25+$0xC200];
	_ =	sdelay $0x4  }
0x1ec: {  	v3 =	vadd.f32 v58, v3;
	_ =	sdelay $0x1  }
0x1ed: {  	[tilespmem:s25+$0x8200] =	vst v3;
	s25 =	sor.u32 $0x1C30, s24  }
0x1ee: {  	v3 =	vld [tilespmem:s25+$0x8200]  }
0x1ef: {  	v59 =	vld [tilespmem:s25+$0xC200];
	_ =	sdelay $0x4  }
0x1f0: {  	v3 =	vadd.f32 v59, v3;
	_ =	sdelay $0x1  }
0x1f1: {  	[tilespmem:s25+$0x8200] =	vst v3;
	s25 =	sor.u32 $0x1C40, s24  }
0x1f2: {  	v3 =	vld [tilespmem:s25+$0x8200]  }
0x1f3: {  	v60 =	vld [tilespmem:s25+$0xC200];
	_ =	sdelay $0x4  }
0x1f4: {  	v3 =	vadd.f32 v60, v3;
	_ =	sdelay $0x1  }
0x1f5: {  	[tilespmem:s25+$0x8200] =	vst v3;
	s25 =	sor.u32 $0x1C50, s24  }
0x1f6: {  	v3 =	vld [tilespmem:s25+$0x8200]  }
0x1f7: {  	v61 =	vld [tilespmem:s25+$0xC200];
	_ =	sdelay $0x4  }
0x1f8: {  	v3 =	vadd.f32 v61, v3;
	_ =	sdelay $0x1  }
0x1f9: {  	[tilespmem:s25+$0x8200] =	vst v3;
	s25 =	sor.u32 $0x1C60, s24  }
0x1fa: {  	v3 =	vld [tilespmem:s25+$0x8200]  }
0x1fb: {  	v62 =	vld [tilespmem:s25+$0xC200];
	_ =	sdelay $0x4  }
0x1fc: {  	v3 =	vadd.f32 v62, v3;
	_ =	sdelay $0x1  }
0x1fd: {  	[tilespmem:s25+$0x8200] =	vst v3;
	s25 =	sor.u32 $0x1C70, s24  }
0x1fe: {  	v3 =	vld [tilespmem:s25+$0x8200]  }
0x1ff: {  	v63 =	vld [tilespmem:s25+$0xC200];
	_ =	sdelay $0x1  }
0x200: {  	p0 =	sne.s32 s22, $0x780  }
.Ltmp2:
0x201: {  	_ = 	snop;
	(pc) =	sbr.rel @p0 .LBB2_7-.Ltmp2, $4  }
0x202: {  	_ = 	snop  }
0x203: {  	v3 =	vadd.f32 v63, v3  }
0x204: {  	s19 =	sadd.s32 $0x1, s19  }
0x205: {  	s20 =	sadd.s32 $0x400, s20;
	s22 =	sadd.s32 $0x80, s22;
	s21 =	sadd.s32 $0x400, s21;
	[tilespmem:s25+$0x8200] =	vst v3  }
0x206: {  	s17 =	sadd.s32 $0x1, s17  }
0x207: {  	s18 =	sshll.u32 s18, $0xB;
	p0 =	sne.s32 s17, $0x8  }
.Ltmp3:
0x208: {  	s18 =	sadd.s32 s18, s12;
	(pc) =	sbr.rel @p0 .LBB2_2-.Ltmp3, $4  }
0x209: {  	[hbm4b:s18+s2] =	stream.linear.scatter [tilespmem:s13], [sflag:$0x5], $0x4000, $0x38;
	[tilespmem:$0x10200] =	vst v63  }
0x20a: {  	_ =	swait.ge [sflag:s14], $0x4000  }
0x20b: {  	[sflag:s14] =	ssyncset.done $0x0  }
0x20c: {  	[sflag:s14] =	ssyncadd.s32 $0xFFFFC000  }
0x20d: {  	s18 =	rddreg [dreg:$0x6]  }
0x20e: {  	s17 =	rddreg [dreg:$0x5];
	s18 =	sadd.s32 $0x1, s18  }
0x20f: {  	p0 =	sne.s32 s18, s17  }
.Ltmp4:
0x210: {  	_ = 	snop;
	(pc) =	sbr.rel @p0 .LBB2_1-.Ltmp4, $1  }
0x211: {  	_ =	sdelay $0x3  }
0x212: {  	_ =	sfence.sel $0x180000  }
0x213: {  	[bflag:$0x0] =	sbarrier.arrive $0xFFFF  }
0x214: {  	_ =	strace $0x9000004D  }
0x215: {  	s0 =	stileid.u32;
	[bflag:$0x2] =	sbarrier.arrive $0xFFFF  }
0x216: {  	p0 =	sne.s32 s0, $0x0;
	s0 =	rddreg [dreg:$0x2]  }
0x217: {  	s0 =	sadd.s32 @!p0 $0x100000, s0  }
0x218: {  	[sflag:s0] =	ssyncadd.tile.s32 @!p0 $0x1;
	_ =	shalt  }
.Lfunc_end2:
_tile_overlayer_lowered:
.L_overlay_start_2:
0x219: {  	(tag) =	ssettag $0x2  }
0x21a: {  	s0 =	rddreg [dreg:$0x0];
	s2 =	stileid.u32  }
0x21b: {  	s1 =	rddreg [dreg:$0x1];
	p0 =	sne.s32 s2, $0x0  }
0x21c: {  	s3 =	rddreg [dreg:$0x2];
	[bflag:$0x3] =	sbarrier.arrive $0xFFFF;
	s2 =	simm.s32 @!p0 $0x1C05  }
0x21d: {  	[timem:s3], [sflag:s2] =	dma.local @!p0 [hbm:s0], s1  }
0x21e: {  	s0 =	simm.s32 @!p0 $0x5  }
0x21f: {  	_ =	swait.ge @!p0 [sflag:s0], s1  }
0x220: {  	s1 =	ssub.s32 @!p0 $0x0, s1;
	[sflag:s0] =	ssyncset.done @!p0 $0x0  }
0x221: {  	[sflag:s0] =	ssyncadd.s32 @!p0 s1  }
0x222: {  	[bflag:$0x3] =	sbarrier.arrive $0xFFFF  }
0x223: {  	_ =	shalt  }

</sc_bundles>
